<compile_context>
chip_gen: v7x
topology: tpu7x:2x2x1
jax: 0.10.2.dev20260603
libtpu: 0.0.44.dev20260713+nightly
codegen_flags: <defaults>
</compile_context>

<pallas_src>
import functools

import jax
import jax.numpy as jnp
from jax import lax
from jax.experimental import pallas as pl
from jax.experimental.pallas import tpu as pltpu
from jax.experimental.pallas import tpu_sc as plsc

V = 8
S = 7
D = 64
B = 16384

NC = 2
NS = 16
L = 16
NW = NC * NS
BPW = B // NW
CHUNK = 128
NCH = BPW // CHUNK
GPC = CHUNK // L


def _body(in_hbm, t1, t2, t3, t4, t5, t6, out_ref,
          in_v, idx_v, gbuf, zbuf, sem, wsem):
    wid = lax.axis_index("s") * NC + lax.axis_index("c")
    base = wid * BPW
    tabs = [t1, t2, t3, t4, t5, t6]

    pltpu.sync_copy(in_hbm.at[pl.ds(0, 6), :, pl.ds(base, BPW)], in_v)

    iota = jax.lax.iota(jnp.int32, L)

    def zero_body(r, _):
        for c in range(D // L):
            zbuf[r, pl.ds(c * L, L)] = jnp.zeros((L,), jnp.float32)
        return _
    lax.fori_loop(0, CHUNK, zero_body, None)

    for j in range(NCH):
        def amax_body(gg, _):
            off = j * CHUNK + gg * L
            e = jnp.zeros((L,), jnp.int32)
            for s in range(S - 1):
                m = in_v[s, 0, pl.ds(off, L)]
                a = jnp.zeros((L,), jnp.int32)
                for v in range(1, V):
                    val = in_v[s, v, pl.ds(off, L)]
                    gt = val > m
                    m = jnp.where(gt, val, m)
                    a = jnp.where(gt, jnp.full((L,), v, jnp.int32), a)
                e = e + a * (V ** s)
                idx_v[s, j, pl.ds(gg * L, L)] = e
            return _
        lax.fori_loop(0, GPC, amax_body, None)

        copies = []
        for d in range(6):
            copies.append(pltpu.make_async_copy(
                tabs[d].at[idx_v.at[d, j]], gbuf.at[d], sem))
        for c in copies:
            c.start()
        for c in copies:
            c.wait()

        rbase = base + j * CHUNK
        writes = [pltpu.make_async_copy(
            zbuf, out_ref.at[pl.ds(rbase, CHUNK), pl.ds(0, D)], wsem)]
        for d in range(6):
            writes.append(pltpu.make_async_copy(
                gbuf.at[d],
                out_ref.at[pl.ds(rbase, CHUNK), pl.ds((d + 1) * D, D)],
                wsem))
        for w in writes:
            w.start()
        for w in writes:
            w.wait()


_kern = functools.partial(
    pl.kernel,
    out_type=jax.ShapeDtypeStruct((B, S * D), jnp.float32),
    mesh=plsc.VectorSubcoreMesh(core_axis_name="c", subcore_axis_name="s"),
    compiler_params=pltpu.CompilerParams(use_tc_tiling_on_sc=False,
                                         needs_layout_passes=False),
    scratch_types=[
        pltpu.VMEM((6, V, BPW), jnp.float32),
        pltpu.VMEM((6, NCH, CHUNK), jnp.int32),
        pltpu.VMEM((6, CHUNK, D), jnp.float32),
        pltpu.VMEM((CHUNK, D), jnp.float32),
        pltpu.SemaphoreType.DMA,
        pltpu.SemaphoreType.DMA,
    ],
)(_body)


@jax.jit
def _run(inputs2d, t1, t2, t3, t4, t5, t6):
    return _kern(inputs2d, t1, t2, t3, t4, t5, t6).reshape(B, S, D)


def kernel(inputs, table_1, table_2, table_3, table_4, table_5, table_6):
    return _run(inputs.transpose(1, 2, 0),
                table_1, table_2, table_3, table_4, table_5, table_6)

# --- scband reference (transcript-rebuilt; emitter-appended) ---
"""Pipeline reference for scband-embedding-layer-45311904973321 (READ-ONLY COPY).

The authoritative reference and input builder live on the scoring server;
editing this copy changes nothing except your own understanding.
"""

import jax, jax.numpy as jnp
import numpy as np

V = 8          # vocab_size
S = 7          # sequence_length
D = 64         # output_size
B = 16384      # batch


def setup_inputs(seed: int = 0) -> dict:
    key = jax.random.key(seed)
    keys = jax.random.split(key, S)  # 1 for inputs + 6 for tables
    inp = {"inputs": jax.random.normal(keys[0], (B, S, V), dtype=jnp.float32)}
    for dim in range(1, S):
        inp[f"table_{dim}"] = jax.random.normal(keys[dim], (V ** dim, D), dtype=jnp.float32) * 0.02
    return inp


def reference(inputs, table_1, table_2, table_3, table_4, table_5, table_6):
    # Faithful translation of EmbeddingLayer.forward
    vocab_size = inputs.shape[-1]
    sparse_inputs = jnp.argmax(inputs, axis=-1)  # [B, S] int indices
    tables = [table_1, table_2, table_3, table_4, table_5, table_6]
    location_logits = [jnp.zeros((sparse_inputs.shape[0], D), dtype=jnp.float32)]
    for dim, table in enumerate(tables, 1):
        powers = jnp.power(vocab_size, jnp.arange(dim)).astype(sparse_inputs.dtype)[None, :]  # [1, dim]
        embedding_indices = jnp.sum(sparse_inputs[:, :dim] * powers, axis=1)  # [B]
        location_logits.append(jnp.take(table, embedding_indices, axis=0))  # gather -> SparseCore
    location_logits = jnp.stack(location_logits, axis=1)  # [B, S, D]
    return location_logits

if __name__ == "__main__":
    import jax
    _d = setup_inputs()
    print(jax.jit(kernel)(*tuple(_d.values())))

</pallas_src>

<mosaic_0001>
#map = affine_map<(d0, d1) -> (0, 0, 0)>
#map1 = affine_map<(d0, d1) -> (0, 0)>
module attributes {stable_mosaic.version = 14 : i64} {
  func.func @_body(%arg0: i32, %arg1: i32, %arg2: memref<7x8x16384xf32, #tpu.memory_space<hbm>>, %arg3: memref<8x64xf32, #tpu.memory_space<hbm>>, %arg4: memref<64x64xf32, #tpu.memory_space<hbm>>, %arg5: memref<512x64xf32, #tpu.memory_space<hbm>>, %arg6: memref<4096x64xf32, #tpu.memory_space<hbm>>, %arg7: memref<32768x64xf32, #tpu.memory_space<hbm>>, %arg8: memref<262144x64xf32, #tpu.memory_space<hbm>>, %arg9: memref<16384x448xf32, #tpu.memory_space<hbm>>, %arg10: memref<6x8x512xf32, #tpu.memory_space<vmem>>, %arg11: memref<6x4x128xi32, #tpu.memory_space<vmem>>, %arg12: memref<6x128x64xf32, #tpu.memory_space<vmem>>, %arg13: memref<128x64xf32, #tpu.memory_space<vmem>>, %arg14: memref<!tpu.dma_semaphore, #tpu.memory_space<semaphore_mem>>, %arg15: memref<!tpu.dma_semaphore, #tpu.memory_space<semaphore_mem>>) attributes {dimension_semantics = [#tpu.dimension_semantics<core_parallel>, #tpu.dimension_semantics<subcore_parallel>], iteration_bounds = array<i64: 2, 16>, scalar_prefetch = 0 : i64, scratch_operands = 6 : i64, tpu.core_type = #tpu.core_type<sc_vector_subcore>, window_params = [{transform_indices = #map}, {transform_indices = #map1}, {transform_indices = #map1}, {transform_indices = #map1}, {transform_indices = #map1}, {transform_indices = #map1}, {transform_indices = #map1}, {transform_indices = #map1}]} {
    %mul3A = arith.constant 2 : i32
    %mul3A_0 = arith.muli %arg1, %mul3A : i32
    %add3A = arith.addi %mul3A_0, %arg0 : i32
    %mul3A_1 = arith.constant 512 : i32
    %mul3A_2 = arith.muli %add3A, %mul3A_1 : i32
    "tpu.region"() ({
      %run_scoped3A = tpu.sem_alloc : memref<!tpu.dma_semaphore, #tpu.memory_space<semaphore_mem>>
      %dma_start3A_1313 = arith.constant 0 : i32
      %dma_start3A_1314 = arith.constant 0 : i32
      %dma_start3A_1315 = tpu.memref_slice %arg2[%dma_start3A_1313, %dma_start3A_1314, %mul3A_2] : memref<7x8x16384xf32, #tpu.memory_space<hbm>> -> memref<6x8x512xf32, #tpu.memory_space<hbm>>
      %dma_start3A_1316 = arith.constant 0 : i32
      %dma_start3A_1317 = arith.constant 0 : i32
      %dma_start3A_1318 = tpu.memref_slice %arg2[%dma_start3A_1316, %dma_start3A_1317, %mul3A_2] : memref<7x8x16384xf32, #tpu.memory_space<hbm>> -> memref<6x8x512xf32, #tpu.memory_space<hbm>>
      tpu.enqueue_dma source(%dma_start3A_1318 : memref<6x8x512xf32, #tpu.memory_space<hbm>>) target(%arg10 : memref<6x8x512xf32, #tpu.memory_space<vmem>>) target_semaphore(%run_scoped3A : memref<!tpu.dma_semaphore, #tpu.memory_space<semaphore_mem>>)
      %dma_wait3A_1319 = arith.constant 0 : i32
      %dma_wait3A_1320 = arith.constant 0 : i32
      %dma_wait3A_1321 = tpu.memref_slice %arg2[%dma_wait3A_1319, %dma_wait3A_1320, %mul3A_2] : memref<7x8x16384xf32, #tpu.memory_space<hbm>> -> memref<6x8x512xf32, #tpu.memory_space<hbm>>
      %dma_wait3A_1322 = arith.constant 0 : i32
      %dma_wait3A_1323 = arith.constant 0 : i32
      %dma_wait3A_1324 = tpu.memref_slice %arg2[%dma_wait3A_1322, %dma_wait3A_1323, %mul3A_2] : memref<7x8x16384xf32, #tpu.memory_space<hbm>> -> memref<6x8x512xf32, #tpu.memory_space<hbm>>
      tpu.wait_dma2 semaphore(%run_scoped3A : memref<!tpu.dma_semaphore, #tpu.memory_space<semaphore_mem>>) src(%dma_wait3A_1324 : memref<6x8x512xf32, #tpu.memory_space<hbm>>) dst(%arg10 : memref<6x8x512xf32, #tpu.memory_space<vmem>>)
      tpu.yield
    }) : () -> ()
    %iota3A = tpu.iota {dimensions = array<i32: 0>} : vector<16xi32>
    %scan3A = arith.constant 0 : i32
    %scan3A_3 = arith.constant 128 : i32
    %scan3A_4 = arith.addi %scan3A, %scan3A_3 : i32
    %scan3A_5 = arith.constant 1 : i32
    scf.for %scan3A_1313 = %scan3A to %scan3A_4 step %scan3A_5  : i32 {
      %broadcast_in_dim3A = arith.constant 0.000000e+00 : f32
      %broadcast_in_dim3A_1314 = vector.broadcast %broadcast_in_dim3A : f32 to vector<16xf32>
      %swap3A = arith.index_cast %scan3A_1313 : i32 to index
      %swap3A_1315 = arith.constant 0 : index
      %swap3A_1316 = tpu.vector_load %arg13[%swap3A, %swap3A_1315] {strides = array<i32>} : memref<128x64xf32, #tpu.memory_space<vmem>>, vector<16xf32>,
      tpu.vector_store %arg13[%swap3A, %swap3A_1315], %broadcast_in_dim3A_1314 {strides = array<i32>} : memref<128x64xf32, #tpu.memory_space<vmem>>, vector<16xf32>,
      %broadcast_in_dim3A_1317 = arith.constant 0.000000e+00 : f32
      %broadcast_in_dim3A_1318 = vector.broadcast %broadcast_in_dim3A_1317 : f32 to vector<16xf32>
      %swap3A_1319 = arith.index_cast %scan3A_1313 : i32 to index
      %swap3A_1320 = arith.constant 16 : index
      %swap3A_1321 = tpu.vector_load %arg13[%swap3A_1319, %swap3A_1320] {strides = array<i32>} : memref<128x64xf32, #tpu.memory_space<vmem>>, vector<16xf32>,
      tpu.vector_store %arg13[%swap3A_1319, %swap3A_1320], %broadcast_in_dim3A_1318 {strides = array<i32>} : memref<128x64xf32, #tpu.memory_space<vmem>>, vector<16xf32>,
      %broadcast_in_dim3A_1322 = arith.constant 0.000000e+00 : f32
      %broadcast_in_dim3A_1323 = vector.broadcast %broadcast_in_dim3A_1322 : f32 to vector<16xf32>
      %swap3A_1324 = arith.index_cast %scan3A_1313 : i32 to index
      %swap3A_1325 = arith.constant 32 : index
      %swap3A_1326 = tpu.vector_load %arg13[%swap3A_1324, %swap3A_1325] {strides = array<i32>} : memref<128x64xf32, #tpu.memory_space<vmem>>, vector<16xf32>,
      tpu.vector_store %arg13[%swap3A_1324, %swap3A_1325], %broadcast_in_dim3A_1323 {strides = array<i32>} : memref<128x64xf32, #tpu.memory_space<vmem>>, vector<16xf32>,
      %broadcast_in_dim3A_1327 = arith.constant 0.000000e+00 : f32
      %broadcast_in_dim3A_1328 = vector.broadcast %broadcast_in_dim3A_1327 : f32 to vector<16xf32>
      %swap3A_1329 = arith.index_cast %scan3A_1313 : i32 to index
      %swap3A_1330 = arith.constant 48 : index
      %swap3A_1331 = tpu.vector_load %arg13[%swap3A_1329, %swap3A_1330] {strides = array<i32>} : memref<128x64xf32, #tpu.memory_space<vmem>>, vector<16xf32>,
      tpu.vector_store %arg13[%swap3A_1329, %swap3A_1330], %broadcast_in_dim3A_1328 {strides = array<i32>} : memref<128x64xf32, #tpu.memory_space<vmem>>, vector<16xf32>,
    }
    %scan3A_6 = arith.constant 128 : i32
    %scan3A_7 = arith.constant 0 : i32
    %scan3A_8 = arith.constant 8 : i32
    %scan3A_9 = arith.addi %scan3A_7, %scan3A_8 : i32
    %scan3A_10 = arith.constant 1 : i32
    scf.for %scan3A_1313 = %scan3A_7 to %scan3A_9 step %scan3A_10  : i32 {
      %mul3A_1314 = arith.constant 16 : i32
      %mul3A_1315 = arith.muli %scan3A_1313, %mul3A_1314 : i32
      %add3A_1316 = arith.constant 0 : i32
      %add3A_1317 = arith.addi %add3A_1316, %mul3A_1315 : i32
      %broadcast_in_dim3A = arith.constant 0 : i32
      %broadcast_in_dim3A_1318 = vector.broadcast %broadcast_in_dim3A : i32 to vector<16xi32>
      %get3A = arith.constant 0 : i32
      %get3A_1319 = arith.constant 0 : i32
      %get3A_1320 = arith.index_cast %get3A : i32 to index
      %get3A_1321 = arith.index_cast %get3A_1319 : i32 to index
      %get3A_1322 = arith.index_cast %add3A_1317 : i32 to index
      %get3A_1323 = tpu.vector_load %arg10[%get3A_1320, %get3A_1321, %get3A_1322] {strides = array<i32>} : memref<6x8x512xf32, #tpu.memory_space<vmem>>, vector<16xf32>,
      %broadcast_in_dim3A_1324 = arith.constant 0 : i32
      %broadcast_in_dim3A_1325 = vector.broadcast %broadcast_in_dim3A_1324 : i32 to vector<16xi32>
      %get3A_1326 = arith.constant 0 : i32
      %get3A_1327 = arith.constant 1 : i32
      %get3A_1328 = arith.index_cast %get3A_1326 : i32 to index
      %get3A_1329 = arith.index_cast %get3A_1327 : i32 to index
      %get3A_1330 = arith.index_cast %add3A_1317 : i32 to index
      %get3A_1331 = tpu.vector_load %arg10[%get3A_1328, %get3A_1329, %get3A_1330] {strides = array<i32>} : memref<6x8x512xf32, #tpu.memory_space<vmem>>, vector<16xf32>,
      %gt3A = arith.cmpf ogt, %get3A_1331, %get3A_1323 : vector<16xf32>
      %select_n3A = arith.select %gt3A, %get3A_1331, %get3A_1323 : vector<16xi1>, vector<16xf32>
      %broadcast_in_dim3A_1332 = arith.constant 1 : i32
      %broadcast_in_dim3A_1333 = vector.broadcast %broadcast_in_dim3A_1332 : i32 to vector<16xi32>
      %select_n3A_1334 = arith.select %gt3A, %broadcast_in_dim3A_1333, %broadcast_in_dim3A_1325 : vector<16xi1>, vector<16xi32>
      %get3A_1335 = arith.constant 0 : i32
      %get3A_1336 = arith.constant 2 : i32
      %get3A_1337 = arith.index_cast %get3A_1335 : i32 to index
      %get3A_1338 = arith.index_cast %get3A_1336 : i32 to index
      %get3A_1339 = arith.index_cast %add3A_1317 : i32 to index
      %get3A_1340 = tpu.vector_load %arg10[%get3A_1337, %get3A_1338, %get3A_1339] {strides = array<i32>} : memref<6x8x512xf32, #tpu.memory_space<vmem>>, vector<16xf32>,
      %gt3A_1341 = arith.cmpf ogt, %get3A_1340, %select_n3A : vector<16xf32>
      %select_n3A_1342 = arith.select %gt3A_1341, %get3A_1340, %select_n3A : vector<16xi1>, vector<16xf32>
      %broadcast_in_dim3A_1343 = arith.constant 2 : i32
      %broadcast_in_dim3A_1344 = vector.broadcast %broadcast_in_dim3A_1343 : i32 to vector<16xi32>
      %select_n3A_1345 = arith.select %gt3A_1341, %broadcast_in_dim3A_1344, %select_n3A_1334 : vector<16xi1>, vector<16xi32>
      %get3A_1346 = arith.constant 0 : i32
      %get3A_1347 = arith.constant 3 : i32
      %get3A_1348 = arith.index_cast %get3A_1346 : i32 to index
      %get3A_1349 = arith.index_cast %get3A_1347 : i32 to index
      %get3A_1350 = arith.index_cast %add3A_1317 : i32 to index
      %get3A_1351 = tpu.vector_load %arg10[%get3A_1348, %get3A_1349, %get3A_1350] {strides = array<i32>} : memref<6x8x512xf32, #tpu.memory_space<vmem>>, vector<16xf32>,
      %gt3A_1352 = arith.cmpf ogt, %get3A_1351, %select_n3A_1342 : vector<16xf32>
      %select_n3A_1353 = arith.select %gt3A_1352, %get3A_1351, %select_n3A_1342 : vector<16xi1>, vector<16xf32>
      %broadcast_in_dim3A_1354 = arith.constant 3 : i32
      %broadcast_in_dim3A_1355 = vector.broadcast %broadcast_in_dim3A_1354 : i32 to vector<16xi32>
      %select_n3A_1356 = arith.select %gt3A_1352, %broadcast_in_dim3A_1355, %select_n3A_1345 : vector<16xi1>, vector<16xi32>
      %get3A_1357 = arith.constant 0 : i32
      %get3A_1358 = arith.constant 4 : i32
      %get3A_1359 = arith.index_cast %get3A_1357 : i32 to index
      %get3A_1360 = arith.index_cast %get3A_1358 : i32 to index
      %get3A_1361 = arith.index_cast %add3A_1317 : i32 to index
      %get3A_1362 = tpu.vector_load %arg10[%get3A_1359, %get3A_1360, %get3A_1361] {strides = array<i32>} : memref<6x8x512xf32, #tpu.memory_space<vmem>>, vector<16xf32>,
      %gt3A_1363 = arith.cmpf ogt, %get3A_1362, %select_n3A_1353 : vector<16xf32>
      %select_n3A_1364 = arith.select %gt3A_1363, %get3A_1362, %select_n3A_1353 : vector<16xi1>, vector<16xf32>
      %broadcast_in_dim3A_1365 = arith.constant 4 : i32
      %broadcast_in_dim3A_1366 = vector.broadcast %broadcast_in_dim3A_1365 : i32 to vector<16xi32>
      %select_n3A_1367 = arith.select %gt3A_1363, %broadcast_in_dim3A_1366, %select_n3A_1356 : vector<16xi1>, vector<16xi32>
      %get3A_1368 = arith.constant 0 : i32
      %get3A_1369 = arith.constant 5 : i32
      %get3A_1370 = arith.index_cast %get3A_1368 : i32 to index
      %get3A_1371 = arith.index_cast %get3A_1369 : i32 to index
      %get3A_1372 = arith.index_cast %add3A_1317 : i32 to index
      %get3A_1373 = tpu.vector_load %arg10[%get3A_1370, %get3A_1371, %get3A_1372] {strides = array<i32>} : memref<6x8x512xf32, #tpu.memory_space<vmem>>, vector<16xf32>,
      %gt3A_1374 = arith.cmpf ogt, %get3A_1373, %select_n3A_1364 : vector<16xf32>
      %select_n3A_1375 = arith.select %gt3A_1374, %get3A_1373, %select_n3A_1364 : vector<16xi1>, vector<16xf32>
      %broadcast_in_dim3A_1376 = arith.constant 5 : i32
      %broadcast_in_dim3A_1377 = vector.broadcast %broadcast_in_dim3A_1376 : i32 to vector<16xi32>
      %select_n3A_1378 = arith.select %gt3A_1374, %broadcast_in_dim3A_1377, %select_n3A_1367 : vector<16xi1>, vector<16xi32>
      %get3A_1379 = arith.constant 0 : i32
      %get3A_1380 = arith.constant 6 : i32
      %get3A_1381 = arith.index_cast %get3A_1379 : i32 to index
      %get3A_1382 = arith.index_cast %get3A_1380 : i32 to index
      %get3A_1383 = arith.index_cast %add3A_1317 : i32 to index
      %get3A_1384 = tpu.vector_load %arg10[%get3A_1381, %get3A_1382, %get3A_1383] {strides = array<i32>} : memref<6x8x512xf32, #tpu.memory_space<vmem>>, vector<16xf32>,
      %gt3A_1385 = arith.cmpf ogt, %get3A_1384, %select_n3A_1375 : vector<16xf32>
      %select_n3A_1386 = arith.select %gt3A_1385, %get3A_1384, %select_n3A_1375 : vector<16xi1>, vector<16xf32>
      %broadcast_in_dim3A_1387 = arith.constant 6 : i32
      %broadcast_in_dim3A_1388 = vector.broadcast %broadcast_in_dim3A_1387 : i32 to vector<16xi32>
      %select_n3A_1389 = arith.select %gt3A_1385, %broadcast_in_dim3A_1388, %select_n3A_1378 : vector<16xi1>, vector<16xi32>
      %get3A_1390 = arith.constant 0 : i32
      %get3A_1391 = arith.constant 7 : i32
      %get3A_1392 = arith.index_cast %get3A_1390 : i32 to index
      %get3A_1393 = arith.index_cast %get3A_1391 : i32 to index
      %get3A_1394 = arith.index_cast %add3A_1317 : i32 to index
      %get3A_1395 = tpu.vector_load %arg10[%get3A_1392, %get3A_1393, %get3A_1394] {strides = array<i32>} : memref<6x8x512xf32, #tpu.memory_space<vmem>>, vector<16xf32>,
      %gt3A_1396 = arith.cmpf ogt, %get3A_1395, %select_n3A_1386 : vector<16xf32>
      %select_n3A_1397 = arith.select %gt3A_1396, %get3A_1395, %select_n3A_1386 : vector<16xi1>, vector<16xf32>
      %broadcast_in_dim3A_1398 = arith.constant 7 : i32
      %broadcast_in_dim3A_1399 = vector.broadcast %broadcast_in_dim3A_1398 : i32 to vector<16xi32>
      %select_n3A_1400 = arith.select %gt3A_1396, %broadcast_in_dim3A_1399, %select_n3A_1389 : vector<16xi1>, vector<16xi32>
      %mul3A_1401 = arith.constant 1 : i32
      %mul3A_1402 = vector.broadcast %mul3A_1401 : i32 to vector<16xi32>
      %mul3A_1403 = arith.muli %select_n3A_1400, %mul3A_1402 : vector<16xi32>
      %add3A_1404 = arith.addi %broadcast_in_dim3A_1318, %mul3A_1403 : vector<16xi32>
      %mul3A_1405 = arith.constant 16 : i32
      %mul3A_1406 = arith.muli %scan3A_1313, %mul3A_1405 : i32
      %swap3A = arith.constant 0 : i32
      %swap3A_1407 = arith.constant 0 : i32
      %swap3A_1408 = arith.index_cast %swap3A : i32 to index
      %swap3A_1409 = arith.index_cast %swap3A_1407 : i32 to index
      %swap3A_1410 = arith.index_cast %mul3A_1406 : i32 to index
      %swap3A_1411 = tpu.vector_load %arg11[%swap3A_1408, %swap3A_1409, %swap3A_1410] {strides = array<i32>} : memref<6x4x128xi32, #tpu.memory_space<vmem>>, vector<16xi32>,
      tpu.vector_store %arg11[%swap3A_1408, %swap3A_1409, %swap3A_1410], %add3A_1404 {strides = array<i32>} : memref<6x4x128xi32, #tpu.memory_space<vmem>>, vector<16xi32>,
      %get3A_1412 = arith.constant 1 : i32
      %get3A_1413 = arith.constant 0 : i32
      %get3A_1414 = arith.index_cast %get3A_1412 : i32 to index
      %get3A_1415 = arith.index_cast %get3A_1413 : i32 to index
      %get3A_1416 = arith.index_cast %add3A_1317 : i32 to index
      %get3A_1417 = tpu.vector_load %arg10[%get3A_1414, %get3A_1415, %get3A_1416] {strides = array<i32>} : memref<6x8x512xf32, #tpu.memory_space<vmem>>, vector<16xf32>,
      %broadcast_in_dim3A_1418 = arith.constant 0 : i32
      %broadcast_in_dim3A_1419 = vector.broadcast %broadcast_in_dim3A_1418 : i32 to vector<16xi32>
      %get3A_1420 = arith.constant 1 : i32
      %get3A_1421 = arith.constant 1 : i32
      %get3A_1422 = arith.index_cast %get3A_1420 : i32 to index
      %get3A_1423 = arith.index_cast %get3A_1421 : i32 to index
      %get3A_1424 = arith.index_cast %add3A_1317 : i32 to index
      %get3A_1425 = tpu.vector_load %arg10[%get3A_1422, %get3A_1423, %get3A_1424] {strides = array<i32>} : memref<6x8x512xf32, #tpu.memory_space<vmem>>, vector<16xf32>,
      %gt3A_1426 = arith.cmpf ogt, %get3A_1425, %get3A_1417 : vector<16xf32>
      %select_n3A_1427 = arith.select %gt3A_1426, %get3A_1425, %get3A_1417 : vector<16xi1>, vector<16xf32>
      %broadcast_in_dim3A_1428 = arith.constant 1 : i32
      %broadcast_in_dim3A_1429 = vector.broadcast %broadcast_in_dim3A_1428 : i32 to vector<16xi32>
      %select_n3A_1430 = arith.select %gt3A_1426, %broadcast_in_dim3A_1429, %broadcast_in_dim3A_1419 : vector<16xi1>, vector<16xi32>
      %get3A_1431 = arith.constant 1 : i32
      %get3A_1432 = arith.constant 2 : i32
      %get3A_1433 = arith.index_cast %get3A_1431 : i32 to index
      %get3A_1434 = arith.index_cast %get3A_1432 : i32 to index
      %get3A_1435 = arith.index_cast %add3A_1317 : i32 to index
      %get3A_1436 = tpu.vector_load %arg10[%get3A_1433, %get3A_1434, %get3A_1435] {strides = array<i32>} : memref<6x8x512xf32, #tpu.memory_space<vmem>>, vector<16xf32>,
      %gt3A_1437 = arith.cmpf ogt, %get3A_1436, %select_n3A_1427 : vector<16xf32>
      %select_n3A_1438 = arith.select %gt3A_1437, %get3A_1436, %select_n3A_1427 : vector<16xi1>, vector<16xf32>
      %broadcast_in_dim3A_1439 = arith.constant 2 : i32
      %broadcast_in_dim3A_1440 = vector.broadcast %broadcast_in_dim3A_1439 : i32 to vector<16xi32>
      %select_n3A_1441 = arith.select %gt3A_1437, %broadcast_in_dim3A_1440, %select_n3A_1430 : vector<16xi1>, vector<16xi32>
      %get3A_1442 = arith.constant 1 : i32
      %get3A_1443 = arith.constant 3 : i32
      %get3A_1444 = arith.index_cast %get3A_1442 : i32 to index
      %get3A_1445 = arith.index_cast %get3A_1443 : i32 to index
      %get3A_1446 = arith.index_cast %add3A_1317 : i32 to index
      %get3A_1447 = tpu.vector_load %arg10[%get3A_1444, %get3A_1445, %get3A_1446] {strides = array<i32>} : memref<6x8x512xf32, #tpu.memory_space<vmem>>, vector<16xf32>,
      %gt3A_1448 = arith.cmpf ogt, %get3A_1447, %select_n3A_1438 : vector<16xf32>
      %select_n3A_1449 = arith.select %gt3A_1448, %get3A_1447, %select_n3A_1438 : vector<16xi1>, vector<16xf32>
      %broadcast_in_dim3A_1450 = arith.constant 3 : i32
      %broadcast_in_dim3A_1451 = vector.broadcast %broadcast_in_dim3A_1450 : i32 to vector<16xi32>
      %select_n3A_1452 = arith.select %gt3A_1448, %broadcast_in_dim3A_1451, %select_n3A_1441 : vector<16xi1>, vector<16xi32>
      %get3A_1453 = arith.constant 1 : i32
      %get3A_1454 = arith.constant 4 : i32
      %get3A_1455 = arith.index_cast %get3A_1453 : i32 to index
      %get3A_1456 = arith.index_cast %get3A_1454 : i32 to index
      %get3A_1457 = arith.index_cast %add3A_1317 : i32 to index
      %get3A_1458 = tpu.vector_load %arg10[%get3A_1455, %get3A_1456, %get3A_1457] {strides = array<i32>} : memref<6x8x512xf32, #tpu.memory_space<vmem>>, vector<16xf32>,
      %gt3A_1459 = arith.cmpf ogt, %get3A_1458, %select_n3A_1449 : vector<16xf32>
      %select_n3A_1460 = arith.select %gt3A_1459, %get3A_1458, %select_n3A_1449 : vector<16xi1>, vector<16xf32>
      %broadcast_in_dim3A_1461 = arith.constant 4 : i32
      %broadcast_in_dim3A_1462 = vector.broadcast %broadcast_in_dim3A_1461 : i32 to vector<16xi32>
      %select_n3A_1463 = arith.select %gt3A_1459, %broadcast_in_dim3A_1462, %select_n3A_1452 : vector<16xi1>, vector<16xi32>
      %get3A_1464 = arith.constant 1 : i32
      %get3A_1465 = arith.constant 5 : i32
      %get3A_1466 = arith.index_cast %get3A_1464 : i32 to index
      %get3A_1467 = arith.index_cast %get3A_1465 : i32 to index
      %get3A_1468 = arith.index_cast %add3A_1317 : i32 to index
      %get3A_1469 = tpu.vector_load %arg10[%get3A_1466, %get3A_1467, %get3A_1468] {strides = array<i32>} : memref<6x8x512xf32, #tpu.memory_space<vmem>>, vector<16xf32>,
      %gt3A_1470 = arith.cmpf ogt, %get3A_1469, %select_n3A_1460 : vector<16xf32>
      %select_n3A_1471 = arith.select %gt3A_1470, %get3A_1469, %select_n3A_1460 : vector<16xi1>, vector<16xf32>
      %broadcast_in_dim3A_1472 = arith.constant 5 : i32
      %broadcast_in_dim3A_1473 = vector.broadcast %broadcast_in_dim3A_1472 : i32 to vector<16xi32>
      %select_n3A_1474 = arith.select %gt3A_1470, %broadcast_in_dim3A_1473, %select_n3A_1463 : vector<16xi1>, vector<16xi32>
      %get3A_1475 = arith.constant 1 : i32
      %get3A_1476 = arith.constant 6 : i32
      %get3A_1477 = arith.index_cast %get3A_1475 : i32 to index
      %get3A_1478 = arith.index_cast %get3A_1476 : i32 to index
      %get3A_1479 = arith.index_cast %add3A_1317 : i32 to index
      %get3A_1480 = tpu.vector_load %arg10[%get3A_1477, %get3A_1478, %get3A_1479] {strides = array<i32>} : memref<6x8x512xf32, #tpu.memory_space<vmem>>, vector<16xf32>,
      %gt3A_1481 = arith.cmpf ogt, %get3A_1480, %select_n3A_1471 : vector<16xf32>
      %select_n3A_1482 = arith.select %gt3A_1481, %get3A_1480, %select_n3A_1471 : vector<16xi1>, vector<16xf32>
      %broadcast_in_dim3A_1483 = arith.constant 6 : i32
      %broadcast_in_dim3A_1484 = vector.broadcast %broadcast_in_dim3A_1483 : i32 to vector<16xi32>
      %select_n3A_1485 = arith.select %gt3A_1481, %broadcast_in_dim3A_1484, %select_n3A_1474 : vector<16xi1>, vector<16xi32>
      %get3A_1486 = arith.constant 1 : i32
      %get3A_1487 = arith.constant 7 : i32
      %get3A_1488 = arith.index_cast %get3A_1486 : i32 to index
      %get3A_1489 = arith.index_cast %get3A_1487 : i32 to index
      %get3A_1490 = arith.index_cast %add3A_1317 : i32 to index
      %get3A_1491 = tpu.vector_load %arg10[%get3A_1488, %get3A_1489, %get3A_1490] {strides = array<i32>} : memref<6x8x512xf32, #tpu.memory_space<vmem>>, vector<16xf32>,
      %gt3A_1492 = arith.cmpf ogt, %get3A_1491, %select_n3A_1482 : vector<16xf32>
      %select_n3A_1493 = arith.select %gt3A_1492, %get3A_1491, %select_n3A_1482 : vector<16xi1>, vector<16xf32>
      %broadcast_in_dim3A_1494 = arith.constant 7 : i32
      %broadcast_in_dim3A_1495 = vector.broadcast %broadcast_in_dim3A_1494 : i32 to vector<16xi32>
      %select_n3A_1496 = arith.select %gt3A_1492, %broadcast_in_dim3A_1495, %select_n3A_1485 : vector<16xi1>, vector<16xi32>
      %mul3A_1497 = arith.constant 8 : i32
      %mul3A_1498 = vector.broadcast %mul3A_1497 : i32 to vector<16xi32>
      %mul3A_1499 = arith.muli %select_n3A_1496, %mul3A_1498 : vector<16xi32>
      %add3A_1500 = arith.addi %add3A_1404, %mul3A_1499 : vector<16xi32>
      %mul3A_1501 = arith.constant 16 : i32
      %mul3A_1502 = arith.muli %scan3A_1313, %mul3A_1501 : i32
      %swap3A_1503 = arith.constant 1 : i32
      %swap3A_1504 = arith.constant 0 : i32
      %swap3A_1505 = arith.index_cast %swap3A_1503 : i32 to index
      %swap3A_1506 = arith.index_cast %swap3A_1504 : i32 to index
      %swap3A_1507 = arith.index_cast %mul3A_1502 : i32 to index
      %swap3A_1508 = tpu.vector_load %arg11[%swap3A_1505, %swap3A_1506, %swap3A_1507] {strides = array<i32>} : memref<6x4x128xi32, #tpu.memory_space<vmem>>, vector<16xi32>,
      tpu.vector_store %arg11[%swap3A_1505, %swap3A_1506, %swap3A_1507], %add3A_1500 {strides = array<i32>} : memref<6x4x128xi32, #tpu.memory_space<vmem>>, vector<16xi32>,
      %get3A_1509 = arith.constant 2 : i32
      %get3A_1510 = arith.constant 0 : i32
      %get3A_1511 = arith.index_cast %get3A_1509 : i32 to index
      %get3A_1512 = arith.index_cast %get3A_1510 : i32 to index
      %get3A_1513 = arith.index_cast %add3A_1317 : i32 to index
      %get3A_1514 = tpu.vector_load %arg10[%get3A_1511, %get3A_1512, %get3A_1513] {strides = array<i32>} : memref<6x8x512xf32, #tpu.memory_space<vmem>>, vector<16xf32>,
      %broadcast_in_dim3A_1515 = arith.constant 0 : i32
      %broadcast_in_dim3A_1516 = vector.broadcast %broadcast_in_dim3A_1515 : i32 to vector<16xi32>
      %get3A_1517 = arith.constant 2 : i32
      %get3A_1518 = arith.constant 1 : i32
      %get3A_1519 = arith.index_cast %get3A_1517 : i32 to index
      %get3A_1520 = arith.index_cast %get3A_1518 : i32 to index
      %get3A_1521 = arith.index_cast %add3A_1317 : i32 to index
      %get3A_1522 = tpu.vector_load %arg10[%get3A_1519, %get3A_1520, %get3A_1521] {strides = array<i32>} : memref<6x8x512xf32, #tpu.memory_space<vmem>>, vector<16xf32>,
      %gt3A_1523 = arith.cmpf ogt, %get3A_1522, %get3A_1514 : vector<16xf32>
      %select_n3A_1524 = arith.select %gt3A_1523, %get3A_1522, %get3A_1514 : vector<16xi1>, vector<16xf32>
      %broadcast_in_dim3A_1525 = arith.constant 1 : i32
      %broadcast_in_dim3A_1526 = vector.broadcast %broadcast_in_dim3A_1525 : i32 to vector<16xi32>
      %select_n3A_1527 = arith.select %gt3A_1523, %broadcast_in_dim3A_1526, %broadcast_in_dim3A_1516 : vector<16xi1>, vector<16xi32>
      %get3A_1528 = arith.constant 2 : i32
      %get3A_1529 = arith.constant 2 : i32
      %get3A_1530 = arith.index_cast %get3A_1528 : i32 to index
      %get3A_1531 = arith.index_cast %get3A_1529 : i32 to index
      %get3A_1532 = arith.index_cast %add3A_1317 : i32 to index
      %get3A_1533 = tpu.vector_load %arg10[%get3A_1530, %get3A_1531, %get3A_1532] {strides = array<i32>} : memref<6x8x512xf32, #tpu.memory_space<vmem>>, vector<16xf32>,
      %gt3A_1534 = arith.cmpf ogt, %get3A_1533, %select_n3A_1524 : vector<16xf32>
      %select_n3A_1535 = arith.select %gt3A_1534, %get3A_1533, %select_n3A_1524 : vector<16xi1>, vector<16xf32>
      %broadcast_in_dim3A_1536 = arith.constant 2 : i32
      %broadcast_in_dim3A_1537 = vector.broadcast %broadcast_in_dim3A_1536 : i32 to vector<16xi32>
      %select_n3A_1538 = arith.select %gt3A_1534, %broadcast_in_dim3A_1537, %select_n3A_1527 : vector<16xi1>, vector<16xi32>
      %get3A_1539 = arith.constant 2 : i32
      %get3A_1540 = arith.constant 3 : i32
      %get3A_1541 = arith.index_cast %get3A_1539 : i32 to index
      %get3A_1542 = arith.index_cast %get3A_1540 : i32 to index
      %get3A_1543 = arith.index_cast %add3A_1317 : i32 to index
      %get3A_1544 = tpu.vector_load %arg10[%get3A_1541, %get3A_1542, %get3A_1543] {strides = array<i32>} : memref<6x8x512xf32, #tpu.memory_space<vmem>>, vector<16xf32>,
      %gt3A_1545 = arith.cmpf ogt, %get3A_1544, %select_n3A_1535 : vector<16xf32>
      %select_n3A_1546 = arith.select %gt3A_1545, %get3A_1544, %select_n3A_1535 : vector<16xi1>, vector<16xf32>
      %broadcast_in_dim3A_1547 = arith.constant 3 : i32
      %broadcast_in_dim3A_1548 = vector.broadcast %broadcast_in_dim3A_1547 : i32 to vector<16xi32>
      %select_n3A_1549 = arith.select %gt3A_1545, %broadcast_in_dim3A_1548, %select_n3A_1538 : vector<16xi1>, vector<16xi32>
      %get3A_1550 = arith.constant 2 : i32
      %get3A_1551 = arith.constant 4 : i32
      %get3A_1552 = arith.index_cast %get3A_1550 : i32 to index
      %get3A_1553 = arith.index_cast %get3A_1551 : i32 to index
      %get3A_1554 = arith.index_cast %add3A_1317 : i32 to index
      %get3A_1555 = tpu.vector_load %arg10[%get3A_1552, %get3A_1553, %get3A_1554] {strides = array<i32>} : memref<6x8x512xf32, #tpu.memory_space<vmem>>, vector<16xf32>,
      %gt3A_1556 = arith.cmpf ogt, %get3A_1555, %select_n3A_1546 : vector<16xf32>
      %select_n3A_1557 = arith.select %gt3A_1556, %get3A_1555, %select_n3A_1546 : vector<16xi1>, vector<16xf32>
      %broadcast_in_dim3A_1558 = arith.constant 4 : i32
      %broadcast_in_dim3A_1559 = vector.broadcast %broadcast_in_dim3A_1558 : i32 to vector<16xi32>
      %select_n3A_1560 = arith.select %gt3A_1556, %broadcast_in_dim3A_1559, %select_n3A_1549 : vector<16xi1>, vector<16xi32>
      %get3A_1561 = arith.constant 2 : i32
      %get3A_1562 = arith.constant 5 : i32
      %get3A_1563 = arith.index_cast %get3A_1561 : i32 to index
      %get3A_1564 = arith.index_cast %get3A_1562 : i32 to index
      %get3A_1565 = arith.index_cast %add3A_1317 : i32 to index
      %get3A_1566 = tpu.vector_load %arg10[%get3A_1563, %get3A_1564, %get3A_1565] {strides = array<i32>} : memref<6x8x512xf32, #tpu.memory_space<vmem>>, vector<16xf32>,
      %gt3A_1567 = arith.cmpf ogt, %get3A_1566, %select_n3A_1557 : vector<16xf32>
      %select_n3A_1568 = arith.select %gt3A_1567, %get3A_1566, %select_n3A_1557 : vector<16xi1>, vector<16xf32>
      %broadcast_in_dim3A_1569 = arith.constant 5 : i32
      %broadcast_in_dim3A_1570 = vector.broadcast %broadcast_in_dim3A_1569 : i32 to vector<16xi32>
      %select_n3A_1571 = arith.select %gt3A_1567, %broadcast_in_dim3A_1570, %select_n3A_1560 : vector<16xi1>, vector<16xi32>
      %get3A_1572 = arith.constant 2 : i32
      %get3A_1573 = arith.constant 6 : i32
      %get3A_1574 = arith.index_cast %get3A_1572 : i32 to index
      %get3A_1575 = arith.index_cast %get3A_1573 : i32 to index
      %get3A_1576 = arith.index_cast %add3A_1317 : i32 to index
      %get3A_1577 = tpu.vector_load %arg10[%get3A_1574, %get3A_1575, %get3A_1576] {strides = array<i32>} : memref<6x8x512xf32, #tpu.memory_space<vmem>>, vector<16xf32>,
      %gt3A_1578 = arith.cmpf ogt, %get3A_1577, %select_n3A_1568 : vector<16xf32>
      %select_n3A_1579 = arith.select %gt3A_1578, %get3A_1577, %select_n3A_1568 : vector<16xi1>, vector<16xf32>
      %broadcast_in_dim3A_1580 = arith.constant 6 : i32
      %broadcast_in_dim3A_1581 = vector.broadcast %broadcast_in_dim3A_1580 : i32 to vector<16xi32>
      %select_n3A_1582 = arith.select %gt3A_1578, %broadcast_in_dim3A_1581, %select_n3A_1571 : vector<16xi1>, vector<16xi32>
      %get3A_1583 = arith.constant 2 : i32
      %get3A_1584 = arith.constant 7 : i32
      %get3A_1585 = arith.index_cast %get3A_1583 : i32 to index
      %get3A_1586 = arith.index_cast %get3A_1584 : i32 to index
      %get3A_1587 = arith.index_cast %add3A_1317 : i32 to index
      %get3A_1588 = tpu.vector_load %arg10[%get3A_1585, %get3A_1586, %get3A_1587] {strides = array<i32>} : memref<6x8x512xf32, #tpu.memory_space<vmem>>, vector<16xf32>,
      %gt3A_1589 = arith.cmpf ogt, %get3A_1588, %select_n3A_1579 : vector<16xf32>
      %select_n3A_1590 = arith.select %gt3A_1589, %get3A_1588, %select_n3A_1579 : vector<16xi1>, vector<16xf32>
      %broadcast_in_dim3A_1591 = arith.constant 7 : i32
      %broadcast_in_dim3A_1592 = vector.broadcast %broadcast_in_dim3A_1591 : i32 to vector<16xi32>
      %select_n3A_1593 = arith.select %gt3A_1589, %broadcast_in_dim3A_1592, %select_n3A_1582 : vector<16xi1>, vector<16xi32>
      %mul3A_1594 = arith.constant 64 : i32
      %mul3A_1595 = vector.broadcast %mul3A_1594 : i32 to vector<16xi32>
      %mul3A_1596 = arith.muli %select_n3A_1593, %mul3A_1595 : vector<16xi32>
      %add3A_1597 = arith.addi %add3A_1500, %mul3A_1596 : vector<16xi32>
      %mul3A_1598 = arith.constant 16 : i32
      %mul3A_1599 = arith.muli %scan3A_1313, %mul3A_1598 : i32
      %swap3A_1600 = arith.constant 2 : i32
      %swap3A_1601 = arith.constant 0 : i32
      %swap3A_1602 = arith.index_cast %swap3A_1600 : i32 to index
      %swap3A_1603 = arith.index_cast %swap3A_1601 : i32 to index
      %swap3A_1604 = arith.index_cast %mul3A_1599 : i32 to index
      %swap3A_1605 = tpu.vector_load %arg11[%swap3A_1602, %swap3A_1603, %swap3A_1604] {strides = array<i32>} : memref<6x4x128xi32, #tpu.memory_space<vmem>>, vector<16xi32>,
      tpu.vector_store %arg11[%swap3A_1602, %swap3A_1603, %swap3A_1604], %add3A_1597 {strides = array<i32>} : memref<6x4x128xi32, #tpu.memory_space<vmem>>, vector<16xi32>,
      %get3A_1606 = arith.constant 3 : i32
      %get3A_1607 = arith.constant 0 : i32
      %get3A_1608 = arith.index_cast %get3A_1606 : i32 to index
      %get3A_1609 = arith.index_cast %get3A_1607 : i32 to index
      %get3A_1610 = arith.index_cast %add3A_1317 : i32 to index
      %get3A_1611 = tpu.vector_load %arg10[%get3A_1608, %get3A_1609, %get3A_1610] {strides = array<i32>} : memref<6x8x512xf32, #tpu.memory_space<vmem>>, vector<16xf32>,
      %broadcast_in_dim3A_1612 = arith.constant 0 : i32
      %broadcast_in_dim3A_1613 = vector.broadcast %broadcast_in_dim3A_1612 : i32 to vector<16xi32>
      %get3A_1614 = arith.constant 3 : i32
      %get3A_1615 = arith.constant 1 : i32
      %get3A_1616 = arith.index_cast %get3A_1614 : i32 to index
      %get3A_1617 = arith.index_cast %get3A_1615 : i32 to index
      %get3A_1618 = arith.index_cast %add3A_1317 : i32 to index
      %get3A_1619 = tpu.vector_load %arg10[%get3A_1616, %get3A_1617, %get3A_1618] {strides = array<i32>} : memref<6x8x512xf32, #tpu.memory_space<vmem>>, vector<16xf32>,
      %gt3A_1620 = arith.cmpf ogt, %get3A_1619, %get3A_1611 : vector<16xf32>
      %select_n3A_1621 = arith.select %gt3A_1620, %get3A_1619, %get3A_1611 : vector<16xi1>, vector<16xf32>
      %broadcast_in_dim3A_1622 = arith.constant 1 : i32
      %broadcast_in_dim3A_1623 = vector.broadcast %broadcast_in_dim3A_1622 : i32 to vector<16xi32>
      %select_n3A_1624 = arith.select %gt3A_1620, %broadcast_in_dim3A_1623, %broadcast_in_dim3A_1613 : vector<16xi1>, vector<16xi32>
      %get3A_1625 = arith.constant 3 : i32
      %get3A_1626 = arith.constant 2 : i32
      %get3A_1627 = arith.index_cast %get3A_1625 : i32 to index
      %get3A_1628 = arith.index_cast %get3A_1626 : i32 to index
      %get3A_1629 = arith.index_cast %add3A_1317 : i32 to index
      %get3A_1630 = tpu.vector_load %arg10[%get3A_1627, %get3A_1628, %get3A_1629] {strides = array<i32>} : memref<6x8x512xf32, #tpu.memory_space<vmem>>, vector<16xf32>,
      %gt3A_1631 = arith.cmpf ogt, %get3A_1630, %select_n3A_1621 : vector<16xf32>
      %select_n3A_1632 = arith.select %gt3A_1631, %get3A_1630, %select_n3A_1621 : vector<16xi1>, vector<16xf32>
      %broadcast_in_dim3A_1633 = arith.constant 2 : i32
      %broadcast_in_dim3A_1634 = vector.broadcast %broadcast_in_dim3A_1633 : i32 to vector<16xi32>
      %select_n3A_1635 = arith.select %gt3A_1631, %broadcast_in_dim3A_1634, %select_n3A_1624 : vector<16xi1>, vector<16xi32>
      %get3A_1636 = arith.constant 3 : i32
      %get3A_1637 = arith.constant 3 : i32
      %get3A_1638 = arith.index_cast %get3A_1636 : i32 to index
      %get3A_1639 = arith.index_cast %get3A_1637 : i32 to index
      %get3A_1640 = arith.index_cast %add3A_1317 : i32 to index
      %get3A_1641 = tpu.vector_load %arg10[%get3A_1638, %get3A_1639, %get3A_1640] {strides = array<i32>} : memref<6x8x512xf32, #tpu.memory_space<vmem>>, vector<16xf32>,
      %gt3A_1642 = arith.cmpf ogt, %get3A_1641, %select_n3A_1632 : vector<16xf32>
      %select_n3A_1643 = arith.select %gt3A_1642, %get3A_1641, %select_n3A_1632 : vector<16xi1>, vector<16xf32>
      %broadcast_in_dim3A_1644 = arith.constant 3 : i32
      %broadcast_in_dim3A_1645 = vector.broadcast %broadcast_in_dim3A_1644 : i32 to vector<16xi32>
      %select_n3A_1646 = arith.select %gt3A_1642, %broadcast_in_dim3A_1645, %select_n3A_1635 : vector<16xi1>, vector<16xi32>
      %get3A_1647 = arith.constant 3 : i32
      %get3A_1648 = arith.constant 4 : i32
      %get3A_1649 = arith.index_cast %get3A_1647 : i32 to index
      %get3A_1650 = arith.index_cast %get3A_1648 : i32 to index
      %get3A_1651 = arith.index_cast %add3A_1317 : i32 to index
      %get3A_1652 = tpu.vector_load %arg10[%get3A_1649, %get3A_1650, %get3A_1651] {strides = array<i32>} : memref<6x8x512xf32, #tpu.memory_space<vmem>>, vector<16xf32>,
      %gt3A_1653 = arith.cmpf ogt, %get3A_1652, %select_n3A_1643 : vector<16xf32>
      %select_n3A_1654 = arith.select %gt3A_1653, %get3A_1652, %select_n3A_1643 : vector<16xi1>, vector<16xf32>
      %broadcast_in_dim3A_1655 = arith.constant 4 : i32
      %broadcast_in_dim3A_1656 = vector.broadcast %broadcast_in_dim3A_1655 : i32 to vector<16xi32>
      %select_n3A_1657 = arith.select %gt3A_1653, %broadcast_in_dim3A_1656, %select_n3A_1646 : vector<16xi1>, vector<16xi32>
      %get3A_1658 = arith.constant 3 : i32
      %get3A_1659 = arith.constant 5 : i32
      %get3A_1660 = arith.index_cast %get3A_1658 : i32 to index
      %get3A_1661 = arith.index_cast %get3A_1659 : i32 to index
      %get3A_1662 = arith.index_cast %add3A_1317 : i32 to index
      %get3A_1663 = tpu.vector_load %arg10[%get3A_1660, %get3A_1661, %get3A_1662] {strides = array<i32>} : memref<6x8x512xf32, #tpu.memory_space<vmem>>, vector<16xf32>,
      %gt3A_1664 = arith.cmpf ogt, %get3A_1663, %select_n3A_1654 : vector<16xf32>
      %select_n3A_1665 = arith.select %gt3A_1664, %get3A_1663, %select_n3A_1654 : vector<16xi1>, vector<16xf32>
      %broadcast_in_dim3A_1666 = arith.constant 5 : i32
      %broadcast_in_dim3A_1667 = vector.broadcast %broadcast_in_dim3A_1666 : i32 to vector<16xi32>
      %select_n3A_1668 = arith.select %gt3A_1664, %broadcast_in_dim3A_1667, %select_n3A_1657 : vector<16xi1>, vector<16xi32>
      %get3A_1669 = arith.constant 3 : i32
      %get3A_1670 = arith.constant 6 : i32
      %get3A_1671 = arith.index_cast %get3A_1669 : i32 to index
      %get3A_1672 = arith.index_cast %get3A_1670 : i32 to index
      %get3A_1673 = arith.index_cast %add3A_1317 : i32 to index
      %get3A_1674 = tpu.vector_load %arg10[%get3A_1671, %get3A_1672, %get3A_1673] {strides = array<i32>} : memref<6x8x512xf32, #tpu.memory_space<vmem>>, vector<16xf32>,
      %gt3A_1675 = arith.cmpf ogt, %get3A_1674, %select_n3A_1665 : vector<16xf32>
      %select_n3A_1676 = arith.select %gt3A_1675, %get3A_1674, %select_n3A_1665 : vector<16xi1>, vector<16xf32>
      %broadcast_in_dim3A_1677 = arith.constant 6 : i32
      %broadcast_in_dim3A_1678 = vector.broadcast %broadcast_in_dim3A_1677 : i32 to vector<16xi32>
      %select_n3A_1679 = arith.select %gt3A_1675, %broadcast_in_dim3A_1678, %select_n3A_1668 : vector<16xi1>, vector<16xi32>
      %get3A_1680 = arith.constant 3 : i32
      %get3A_1681 = arith.constant 7 : i32
      %get3A_1682 = arith.index_cast %get3A_1680 : i32 to index
      %get3A_1683 = arith.index_cast %get3A_1681 : i32 to index
      %get3A_1684 = arith.index_cast %add3A_1317 : i32 to index
      %get3A_1685 = tpu.vector_load %arg10[%get3A_1682, %get3A_1683, %get3A_1684] {strides = array<i32>} : memref<6x8x512xf32, #tpu.memory_space<vmem>>, vector<16xf32>,
      %gt3A_1686 = arith.cmpf ogt, %get3A_1685, %select_n3A_1676 : vector<16xf32>
      %select_n3A_1687 = arith.select %gt3A_1686, %get3A_1685, %select_n3A_1676 : vector<16xi1>, vector<16xf32>
      %broadcast_in_dim3A_1688 = arith.constant 7 : i32
      %broadcast_in_dim3A_1689 = vector.broadcast %broadcast_in_dim3A_1688 : i32 to vector<16xi32>
      %select_n3A_1690 = arith.select %gt3A_1686, %broadcast_in_dim3A_1689, %select_n3A_1679 : vector<16xi1>, vector<16xi32>
      %mul3A_1691 = arith.constant 512 : i32
      %mul3A_1692 = vector.broadcast %mul3A_1691 : i32 to vector<16xi32>
      %mul3A_1693 = arith.muli %select_n3A_1690, %mul3A_1692 : vector<16xi32>
      %add3A_1694 = arith.addi %add3A_1597, %mul3A_1693 : vector<16xi32>
      %mul3A_1695 = arith.constant 16 : i32
      %mul3A_1696 = arith.muli %scan3A_1313, %mul3A_1695 : i32
      %swap3A_1697 = arith.constant 3 : i32
      %swap3A_1698 = arith.constant 0 : i32
      %swap3A_1699 = arith.index_cast %swap3A_1697 : i32 to index
      %swap3A_1700 = arith.index_cast %swap3A_1698 : i32 to index
      %swap3A_1701 = arith.index_cast %mul3A_1696 : i32 to index
      %swap3A_1702 = tpu.vector_load %arg11[%swap3A_1699, %swap3A_1700, %swap3A_1701] {strides = array<i32>} : memref<6x4x128xi32, #tpu.memory_space<vmem>>, vector<16xi32>,
      tpu.vector_store %arg11[%swap3A_1699, %swap3A_1700, %swap3A_1701], %add3A_1694 {strides = array<i32>} : memref<6x4x128xi32, #tpu.memory_space<vmem>>, vector<16xi32>,
      %get3A_1703 = arith.constant 4 : i32
      %get3A_1704 = arith.constant 0 : i32
      %get3A_1705 = arith.index_cast %get3A_1703 : i32 to index
      %get3A_1706 = arith.index_cast %get3A_1704 : i32 to index
      %get3A_1707 = arith.index_cast %add3A_1317 : i32 to index
      %get3A_1708 = tpu.vector_load %arg10[%get3A_1705, %get3A_1706, %get3A_1707] {strides = array<i32>} : memref<6x8x512xf32, #tpu.memory_space<vmem>>, vector<16xf32>,
      %broadcast_in_dim3A_1709 = arith.constant 0 : i32
      %broadcast_in_dim3A_1710 = vector.broadcast %broadcast_in_dim3A_1709 : i32 to vector<16xi32>
      %get3A_1711 = arith.constant 4 : i32
      %get3A_1712 = arith.constant 1 : i32
      %get3A_1713 = arith.index_cast %get3A_1711 : i32 to index
      %get3A_1714 = arith.index_cast %get3A_1712 : i32 to index
      %get3A_1715 = arith.index_cast %add3A_1317 : i32 to index
      %get3A_1716 = tpu.vector_load %arg10[%get3A_1713, %get3A_1714, %get3A_1715] {strides = array<i32>} : memref<6x8x512xf32, #tpu.memory_space<vmem>>, vector<16xf32>,
      %gt3A_1717 = arith.cmpf ogt, %get3A_1716, %get3A_1708 : vector<16xf32>
      %select_n3A_1718 = arith.select %gt3A_1717, %get3A_1716, %get3A_1708 : vector<16xi1>, vector<16xf32>
      %broadcast_in_dim3A_1719 = arith.constant 1 : i32
      %broadcast_in_dim3A_1720 = vector.broadcast %broadcast_in_dim3A_1719 : i32 to vector<16xi32>
      %select_n3A_1721 = arith.select %gt3A_1717, %broadcast_in_dim3A_1720, %broadcast_in_dim3A_1710 : vector<16xi1>, vector<16xi32>
      %get3A_1722 = arith.constant 4 : i32
      %get3A_1723 = arith.constant 2 : i32
      %get3A_1724 = arith.index_cast %get3A_1722 : i32 to index
      %get3A_1725 = arith.index_cast %get3A_1723 : i32 to index
      %get3A_1726 = arith.index_cast %add3A_1317 : i32 to index
      %get3A_1727 = tpu.vector_load %arg10[%get3A_1724, %get3A_1725, %get3A_1726] {strides = array<i32>} : memref<6x8x512xf32, #tpu.memory_space<vmem>>, vector<16xf32>,
      %gt3A_1728 = arith.cmpf ogt, %get3A_1727, %select_n3A_1718 : vector<16xf32>
      %select_n3A_1729 = arith.select %gt3A_1728, %get3A_1727, %select_n3A_1718 : vector<16xi1>, vector<16xf32>
      %broadcast_in_dim3A_1730 = arith.constant 2 : i32
      %broadcast_in_dim3A_1731 = vector.broadcast %broadcast_in_dim3A_1730 : i32 to vector<16xi32>
      %select_n3A_1732 = arith.select %gt3A_1728, %broadcast_in_dim3A_1731, %select_n3A_1721 : vector<16xi1>, vector<16xi32>
      %get3A_1733 = arith.constant 4 : i32
      %get3A_1734 = arith.constant 3 : i32
      %get3A_1735 = arith.index_cast %get3A_1733 : i32 to index
      %get3A_1736 = arith.index_cast %get3A_1734 : i32 to index
      %get3A_1737 = arith.index_cast %add3A_1317 : i32 to index
      %get3A_1738 = tpu.vector_load %arg10[%get3A_1735, %get3A_1736, %get3A_1737] {strides = array<i32>} : memref<6x8x512xf32, #tpu.memory_space<vmem>>, vector<16xf32>,
      %gt3A_1739 = arith.cmpf ogt, %get3A_1738, %select_n3A_1729 : vector<16xf32>
      %select_n3A_1740 = arith.select %gt3A_1739, %get3A_1738, %select_n3A_1729 : vector<16xi1>, vector<16xf32>
      %broadcast_in_dim3A_1741 = arith.constant 3 : i32
      %broadcast_in_dim3A_1742 = vector.broadcast %broadcast_in_dim3A_1741 : i32 to vector<16xi32>
      %select_n3A_1743 = arith.select %gt3A_1739, %broadcast_in_dim3A_1742, %select_n3A_1732 : vector<16xi1>, vector<16xi32>
      %get3A_1744 = arith.constant 4 : i32
      %get3A_1745 = arith.constant 4 : i32
      %get3A_1746 = arith.index_cast %get3A_1744 : i32 to index
      %get3A_1747 = arith.index_cast %get3A_1745 : i32 to index
      %get3A_1748 = arith.index_cast %add3A_1317 : i32 to index
      %get3A_1749 = tpu.vector_load %arg10[%get3A_1746, %get3A_1747, %get3A_1748] {strides = array<i32>} : memref<6x8x512xf32, #tpu.memory_space<vmem>>, vector<16xf32>,
      %gt3A_1750 = arith.cmpf ogt, %get3A_1749, %select_n3A_1740 : vector<16xf32>
      %select_n3A_1751 = arith.select %gt3A_1750, %get3A_1749, %select_n3A_1740 : vector<16xi1>, vector<16xf32>
      %broadcast_in_dim3A_1752 = arith.constant 4 : i32
      %broadcast_in_dim3A_1753 = vector.broadcast %broadcast_in_dim3A_1752 : i32 to vector<16xi32>
      %select_n3A_1754 = arith.select %gt3A_1750, %broadcast_in_dim3A_1753, %select_n3A_1743 : vector<16xi1>, vector<16xi32>
      %get3A_1755 = arith.constant 4 : i32
      %get3A_1756 = arith.constant 5 : i32
      %get3A_1757 = arith.index_cast %get3A_1755 : i32 to index
      %get3A_1758 = arith.index_cast %get3A_1756 : i32 to index
      %get3A_1759 = arith.index_cast %add3A_1317 : i32 to index
      %get3A_1760 = tpu.vector_load %arg10[%get3A_1757, %get3A_1758, %get3A_1759] {strides = array<i32>} : memref<6x8x512xf32, #tpu.memory_space<vmem>>, vector<16xf32>,
      %gt3A_1761 = arith.cmpf ogt, %get3A_1760, %select_n3A_1751 : vector<16xf32>
      %select_n3A_1762 = arith.select %gt3A_1761, %get3A_1760, %select_n3A_1751 : vector<16xi1>, vector<16xf32>
      %broadcast_in_dim3A_1763 = arith.constant 5 : i32
      %broadcast_in_dim3A_1764 = vector.broadcast %broadcast_in_dim3A_1763 : i32 to vector<16xi32>
      %select_n3A_1765 = arith.select %gt3A_1761, %broadcast_in_dim3A_1764, %select_n3A_1754 : vector<16xi1>, vector<16xi32>
      %get3A_1766 = arith.constant 4 : i32
      %get3A_1767 = arith.constant 6 : i32
      %get3A_1768 = arith.index_cast %get3A_1766 : i32 to index
      %get3A_1769 = arith.index_cast %get3A_1767 : i32 to index
      %get3A_1770 = arith.index_cast %add3A_1317 : i32 to index
      %get3A_1771 = tpu.vector_load %arg10[%get3A_1768, %get3A_1769, %get3A_1770] {strides = array<i32>} : memref<6x8x512xf32, #tpu.memory_space<vmem>>, vector<16xf32>,
      %gt3A_1772 = arith.cmpf ogt, %get3A_1771, %select_n3A_1762 : vector<16xf32>
      %select_n3A_1773 = arith.select %gt3A_1772, %get3A_1771, %select_n3A_1762 : vector<16xi1>, vector<16xf32>
      %broadcast_in_dim3A_1774 = arith.constant 6 : i32
      %broadcast_in_dim3A_1775 = vector.broadcast %broadcast_in_dim3A_1774 : i32 to vector<16xi32>
      %select_n3A_1776 = arith.select %gt3A_1772, %broadcast_in_dim3A_1775, %select_n3A_1765 : vector<16xi1>, vector<16xi32>
      %get3A_1777 = arith.constant 4 : i32
      %get3A_1778 = arith.constant 7 : i32
      %get3A_1779 = arith.index_cast %get3A_1777 : i32 to index
      %get3A_1780 = arith.index_cast %get3A_1778 : i32 to index
      %get3A_1781 = arith.index_cast %add3A_1317 : i32 to index
      %get3A_1782 = tpu.vector_load %arg10[%get3A_1779, %get3A_1780, %get3A_1781] {strides = array<i32>} : memref<6x8x512xf32, #tpu.memory_space<vmem>>, vector<16xf32>,
      %gt3A_1783 = arith.cmpf ogt, %get3A_1782, %select_n3A_1773 : vector<16xf32>
      %select_n3A_1784 = arith.select %gt3A_1783, %get3A_1782, %select_n3A_1773 : vector<16xi1>, vector<16xf32>
      %broadcast_in_dim3A_1785 = arith.constant 7 : i32
      %broadcast_in_dim3A_1786 = vector.broadcast %broadcast_in_dim3A_1785 : i32 to vector<16xi32>
      %select_n3A_1787 = arith.select %gt3A_1783, %broadcast_in_dim3A_1786, %select_n3A_1776 : vector<16xi1>, vector<16xi32>
      %mul3A_1788 = arith.constant 4096 : i32
      %mul3A_1789 = vector.broadcast %mul3A_1788 : i32 to vector<16xi32>
      %mul3A_1790 = arith.muli %select_n3A_1787, %mul3A_1789 : vector<16xi32>
      %add3A_1791 = arith.addi %add3A_1694, %mul3A_1790 : vector<16xi32>
      %mul3A_1792 = arith.constant 16 : i32
      %mul3A_1793 = arith.muli %scan3A_1313, %mul3A_1792 : i32
      %swap3A_1794 = arith.constant 4 : i32
      %swap3A_1795 = arith.constant 0 : i32
      %swap3A_1796 = arith.index_cast %swap3A_1794 : i32 to index
      %swap3A_1797 = arith.index_cast %swap3A_1795 : i32 to index
      %swap3A_1798 = arith.index_cast %mul3A_1793 : i32 to index
      %swap3A_1799 = tpu.vector_load %arg11[%swap3A_1796, %swap3A_1797, %swap3A_1798] {strides = array<i32>} : memref<6x4x128xi32, #tpu.memory_space<vmem>>, vector<16xi32>,
      tpu.vector_store %arg11[%swap3A_1796, %swap3A_1797, %swap3A_1798], %add3A_1791 {strides = array<i32>} : memref<6x4x128xi32, #tpu.memory_space<vmem>>, vector<16xi32>,
      %get3A_1800 = arith.constant 5 : i32
      %get3A_1801 = arith.constant 0 : i32
      %get3A_1802 = arith.index_cast %get3A_1800 : i32 to index
      %get3A_1803 = arith.index_cast %get3A_1801 : i32 to index
      %get3A_1804 = arith.index_cast %add3A_1317 : i32 to index
      %get3A_1805 = tpu.vector_load %arg10[%get3A_1802, %get3A_1803, %get3A_1804] {strides = array<i32>} : memref<6x8x512xf32, #tpu.memory_space<vmem>>, vector<16xf32>,
      %broadcast_in_dim3A_1806 = arith.constant 0 : i32
      %broadcast_in_dim3A_1807 = vector.broadcast %broadcast_in_dim3A_1806 : i32 to vector<16xi32>
      %get3A_1808 = arith.constant 5 : i32
      %get3A_1809 = arith.constant 1 : i32
      %get3A_1810 = arith.index_cast %get3A_1808 : i32 to index
      %get3A_1811 = arith.index_cast %get3A_1809 : i32 to index
      %get3A_1812 = arith.index_cast %add3A_1317 : i32 to index
      %get3A_1813 = tpu.vector_load %arg10[%get3A_1810, %get3A_1811, %get3A_1812] {strides = array<i32>} : memref<6x8x512xf32, #tpu.memory_space<vmem>>, vector<16xf32>,
      %gt3A_1814 = arith.cmpf ogt, %get3A_1813, %get3A_1805 : vector<16xf32>
      %select_n3A_1815 = arith.select %gt3A_1814, %get3A_1813, %get3A_1805 : vector<16xi1>, vector<16xf32>
      %broadcast_in_dim3A_1816 = arith.constant 1 : i32
      %broadcast_in_dim3A_1817 = vector.broadcast %broadcast_in_dim3A_1816 : i32 to vector<16xi32>
      %select_n3A_1818 = arith.select %gt3A_1814, %broadcast_in_dim3A_1817, %broadcast_in_dim3A_1807 : vector<16xi1>, vector<16xi32>
      %get3A_1819 = arith.constant 5 : i32
      %get3A_1820 = arith.constant 2 : i32
      %get3A_1821 = arith.index_cast %get3A_1819 : i32 to index
      %get3A_1822 = arith.index_cast %get3A_1820 : i32 to index
      %get3A_1823 = arith.index_cast %add3A_1317 : i32 to index
      %get3A_1824 = tpu.vector_load %arg10[%get3A_1821, %get3A_1822, %get3A_1823] {strides = array<i32>} : memref<6x8x512xf32, #tpu.memory_space<vmem>>, vector<16xf32>,
      %gt3A_1825 = arith.cmpf ogt, %get3A_1824, %select_n3A_1815 : vector<16xf32>
      %select_n3A_1826 = arith.select %gt3A_1825, %get3A_1824, %select_n3A_1815 : vector<16xi1>, vector<16xf32>
      %broadcast_in_dim3A_1827 = arith.constant 2 : i32
      %broadcast_in_dim3A_1828 = vector.broadcast %broadcast_in_dim3A_1827 : i32 to vector<16xi32>
      %select_n3A_1829 = arith.select %gt3A_1825, %broadcast_in_dim3A_1828, %select_n3A_1818 : vector<16xi1>, vector<16xi32>
      %get3A_1830 = arith.constant 5 : i32
      %get3A_1831 = arith.constant 3 : i32
      %get3A_1832 = arith.index_cast %get3A_1830 : i32 to index
      %get3A_1833 = arith.index_cast %get3A_1831 : i32 to index
      %get3A_1834 = arith.index_cast %add3A_1317 : i32 to index
      %get3A_1835 = tpu.vector_load %arg10[%get3A_1832, %get3A_1833, %get3A_1834] {strides = array<i32>} : memref<6x8x512xf32, #tpu.memory_space<vmem>>, vector<16xf32>,
      %gt3A_1836 = arith.cmpf ogt, %get3A_1835, %select_n3A_1826 : vector<16xf32>
      %select_n3A_1837 = arith.select %gt3A_1836, %get3A_1835, %select_n3A_1826 : vector<16xi1>, vector<16xf32>
      %broadcast_in_dim3A_1838 = arith.constant 3 : i32
      %broadcast_in_dim3A_1839 = vector.broadcast %broadcast_in_dim3A_1838 : i32 to vector<16xi32>
      %select_n3A_1840 = arith.select %gt3A_1836, %broadcast_in_dim3A_1839, %select_n3A_1829 : vector<16xi1>, vector<16xi32>
      %get3A_1841 = arith.constant 5 : i32
      %get3A_1842 = arith.constant 4 : i32
      %get3A_1843 = arith.index_cast %get3A_1841 : i32 to index
      %get3A_1844 = arith.index_cast %get3A_1842 : i32 to index
      %get3A_1845 = arith.index_cast %add3A_1317 : i32 to index
      %get3A_1846 = tpu.vector_load %arg10[%get3A_1843, %get3A_1844, %get3A_1845] {strides = array<i32>} : memref<6x8x512xf32, #tpu.memory_space<vmem>>, vector<16xf32>,
      %gt3A_1847 = arith.cmpf ogt, %get3A_1846, %select_n3A_1837 : vector<16xf32>
      %select_n3A_1848 = arith.select %gt3A_1847, %get3A_1846, %select_n3A_1837 : vector<16xi1>, vector<16xf32>
      %broadcast_in_dim3A_1849 = arith.constant 4 : i32
      %broadcast_in_dim3A_1850 = vector.broadcast %broadcast_in_dim3A_1849 : i32 to vector<16xi32>
      %select_n3A_1851 = arith.select %gt3A_1847, %broadcast_in_dim3A_1850, %select_n3A_1840 : vector<16xi1>, vector<16xi32>
      %get3A_1852 = arith.constant 5 : i32
      %get3A_1853 = arith.constant 5 : i32
      %get3A_1854 = arith.index_cast %get3A_1852 : i32 to index
      %get3A_1855 = arith.index_cast %get3A_1853 : i32 to index
      %get3A_1856 = arith.index_cast %add3A_1317 : i32 to index
      %get3A_1857 = tpu.vector_load %arg10[%get3A_1854, %get3A_1855, %get3A_1856] {strides = array<i32>} : memref<6x8x512xf32, #tpu.memory_space<vmem>>, vector<16xf32>,
      %gt3A_1858 = arith.cmpf ogt, %get3A_1857, %select_n3A_1848 : vector<16xf32>
      %select_n3A_1859 = arith.select %gt3A_1858, %get3A_1857, %select_n3A_1848 : vector<16xi1>, vector<16xf32>
      %broadcast_in_dim3A_1860 = arith.constant 5 : i32
      %broadcast_in_dim3A_1861 = vector.broadcast %broadcast_in_dim3A_1860 : i32 to vector<16xi32>
      %select_n3A_1862 = arith.select %gt3A_1858, %broadcast_in_dim3A_1861, %select_n3A_1851 : vector<16xi1>, vector<16xi32>
      %get3A_1863 = arith.constant 5 : i32
      %get3A_1864 = arith.constant 6 : i32
      %get3A_1865 = arith.index_cast %get3A_1863 : i32 to index
      %get3A_1866 = arith.index_cast %get3A_1864 : i32 to index
      %get3A_1867 = arith.index_cast %add3A_1317 : i32 to index
      %get3A_1868 = tpu.vector_load %arg10[%get3A_1865, %get3A_1866, %get3A_1867] {strides = array<i32>} : memref<6x8x512xf32, #tpu.memory_space<vmem>>, vector<16xf32>,
      %gt3A_1869 = arith.cmpf ogt, %get3A_1868, %select_n3A_1859 : vector<16xf32>
      %select_n3A_1870 = arith.select %gt3A_1869, %get3A_1868, %select_n3A_1859 : vector<16xi1>, vector<16xf32>
      %broadcast_in_dim3A_1871 = arith.constant 6 : i32
      %broadcast_in_dim3A_1872 = vector.broadcast %broadcast_in_dim3A_1871 : i32 to vector<16xi32>
      %select_n3A_1873 = arith.select %gt3A_1869, %broadcast_in_dim3A_1872, %select_n3A_1862 : vector<16xi1>, vector<16xi32>
      %get3A_1874 = arith.constant 5 : i32
      %get3A_1875 = arith.constant 7 : i32
      %get3A_1876 = arith.index_cast %get3A_1874 : i32 to index
      %get3A_1877 = arith.index_cast %get3A_1875 : i32 to index
      %get3A_1878 = arith.index_cast %add3A_1317 : i32 to index
      %get3A_1879 = tpu.vector_load %arg10[%get3A_1876, %get3A_1877, %get3A_1878] {strides = array<i32>} : memref<6x8x512xf32, #tpu.memory_space<vmem>>, vector<16xf32>,
      %gt3A_1880 = arith.cmpf ogt, %get3A_1879, %select_n3A_1870 : vector<16xf32>
      %select_n3A_1881 = arith.select %gt3A_1880, %get3A_1879, %select_n3A_1870 : vector<16xi1>, vector<16xf32>
      %broadcast_in_dim3A_1882 = arith.constant 7 : i32
      %broadcast_in_dim3A_1883 = vector.broadcast %broadcast_in_dim3A_1882 : i32 to vector<16xi32>
      %select_n3A_1884 = arith.select %gt3A_1880, %broadcast_in_dim3A_1883, %select_n3A_1873 : vector<16xi1>, vector<16xi32>
      %mul3A_1885 = arith.constant 32768 : i32
      %mul3A_1886 = vector.broadcast %mul3A_1885 : i32 to vector<16xi32>
      %mul3A_1887 = arith.muli %select_n3A_1884, %mul3A_1886 : vector<16xi32>
      %add3A_1888 = arith.addi %add3A_1791, %mul3A_1887 : vector<16xi32>
      %mul3A_1889 = arith.constant 16 : i32
      %mul3A_1890 = arith.muli %scan3A_1313, %mul3A_1889 : i32
      %swap3A_1891 = arith.constant 5 : i32
      %swap3A_1892 = arith.constant 0 : i32
      %swap3A_1893 = arith.index_cast %swap3A_1891 : i32 to index
      %swap3A_1894 = arith.index_cast %swap3A_1892 : i32 to index
      %swap3A_1895 = arith.index_cast %mul3A_1890 : i32 to index
      %swap3A_1896 = tpu.vector_load %arg11[%swap3A_1893, %swap3A_1894, %swap3A_1895] {strides = array<i32>} : memref<6x4x128xi32, #tpu.memory_space<vmem>>, vector<16xi32>,
      tpu.vector_store %arg11[%swap3A_1893, %swap3A_1894, %swap3A_1895], %add3A_1888 {strides = array<i32>} : memref<6x4x128xi32, #tpu.memory_space<vmem>>, vector<16xi32>,
    }
    %scan3A_11 = arith.constant 8 : i32
    %dma_start3A = arith.constant 0 : i32
    %dma_start3A_12 = arith.constant 0 : i32
    %dma_start3A_13 = arith.constant 0 : i32
    %dma_start3A_14 = arith.constant 0 : i32
    %dma_start3A_15 = arith.constant 0 : i32
    %dma_start3A_16 = tpu.memref_slice %arg12[%dma_start3A_13, %dma_start3A_14, %dma_start3A_15] : memref<6x128x64xf32, #tpu.memory_space<vmem>> -> memref<1x128x64xf32, #tpu.memory_space<vmem>>
    %dma_start3A_17 = tpu.memref_squeeze %dma_start3A_16 : memref<1x128x64xf32, #tpu.memory_space<vmem>> -> memref<128x64xf32, #tpu.memory_space<vmem>>
    %dma_start3A_18 = arith.constant 0 : i32
    %dma_start3A_19 = tpu.memref_slice %arg11[%dma_start3A, %dma_start3A_12, %dma_start3A_18] : memref<6x4x128xi32, #tpu.memory_space<vmem>> -> memref<1x1x128xi32, #tpu.memory_space<vmem>>
    %dma_start3A_20 = tpu.memref_squeeze %dma_start3A_19 : memref<1x1x128xi32, #tpu.memory_space<vmem>> -> memref<128xi32, #tpu.memory_space<vmem>>
    %dma_start3A_21 = arith.constant 0 : i32
    %dma_start3A_22 = arith.constant 0 : i32
    %dma_start3A_23 = tpu.memref_slice %arg3[%dma_start3A_21, %dma_start3A_22] : memref<8x64xf32, #tpu.memory_space<hbm>> -> memref<8x64xf32, #tpu.memory_space<hbm>>
    tpu.enqueue_indirect_dma source(%dma_start3A_23 : memref<8x64xf32, #tpu.memory_space<hbm>>) target(%dma_start3A_17 : memref<128x64xf32, #tpu.memory_space<vmem>>) offsets(%dma_start3A_20 : memref<128xi32, #tpu.memory_space<vmem>>) semaphore(%arg14 : memref<!tpu.dma_semaphore, #tpu.memory_space<semaphore_mem>>)
    %dma_start3A_24 = arith.constant 1 : i32
    %dma_start3A_25 = arith.constant 0 : i32
    %dma_start3A_26 = arith.constant 1 : i32
    %dma_start3A_27 = arith.constant 0 : i32
    %dma_start3A_28 = arith.constant 0 : i32
    %dma_start3A_29 = tpu.memref_slice %arg12[%dma_start3A_26, %dma_start3A_27, %dma_start3A_28] : memref<6x128x64xf32, #tpu.memory_space<vmem>> -> memref<1x128x64xf32, #tpu.memory_space<vmem>>
    %dma_start3A_30 = tpu.memref_squeeze %dma_start3A_29 : memref<1x128x64xf32, #tpu.memory_space<vmem>> -> memref<128x64xf32, #tpu.memory_space<vmem>>
    %dma_start3A_31 = arith.constant 0 : i32
    %dma_start3A_32 = tpu.memref_slice %arg11[%dma_start3A_24, %dma_start3A_25, %dma_start3A_31] : memref<6x4x128xi32, #tpu.memory_space<vmem>> -> memref<1x1x128xi32, #tpu.memory_space<vmem>>
    %dma_start3A_33 = tpu.memref_squeeze %dma_start3A_32 : memref<1x1x128xi32, #tpu.memory_space<vmem>> -> memref<128xi32, #tpu.memory_space<vmem>>
    %dma_start3A_34 = arith.constant 0 : i32
    %dma_start3A_35 = arith.constant 0 : i32
    %dma_start3A_36 = tpu.memref_slice %arg4[%dma_start3A_34, %dma_start3A_35] : memref<64x64xf32, #tpu.memory_space<hbm>> -> memref<64x64xf32, #tpu.memory_space<hbm>>
    tpu.enqueue_indirect_dma source(%dma_start3A_36 : memref<64x64xf32, #tpu.memory_space<hbm>>) target(%dma_start3A_30 : memref<128x64xf32, #tpu.memory_space<vmem>>) offsets(%dma_start3A_33 : memref<128xi32, #tpu.memory_space<vmem>>) semaphore(%arg14 : memref<!tpu.dma_semaphore, #tpu.memory_space<semaphore_mem>>)
    %dma_start3A_37 = arith.constant 2 : i32
    %dma_start3A_38 = arith.constant 0 : i32
    %dma_start3A_39 = arith.constant 2 : i32
    %dma_start3A_40 = arith.constant 0 : i32
    %dma_start3A_41 = arith.constant 0 : i32
    %dma_start3A_42 = tpu.memref_slice %arg12[%dma_start3A_39, %dma_start3A_40, %dma_start3A_41] : memref<6x128x64xf32, #tpu.memory_space<vmem>> -> memref<1x128x64xf32, #tpu.memory_space<vmem>>
    %dma_start3A_43 = tpu.memref_squeeze %dma_start3A_42 : memref<1x128x64xf32, #tpu.memory_space<vmem>> -> memref<128x64xf32, #tpu.memory_space<vmem>>
    %dma_start3A_44 = arith.constant 0 : i32
    %dma_start3A_45 = tpu.memref_slice %arg11[%dma_start3A_37, %dma_start3A_38, %dma_start3A_44] : memref<6x4x128xi32, #tpu.memory_space<vmem>> -> memref<1x1x128xi32, #tpu.memory_space<vmem>>
    %dma_start3A_46 = tpu.memref_squeeze %dma_start3A_45 : memref<1x1x128xi32, #tpu.memory_space<vmem>> -> memref<128xi32, #tpu.memory_space<vmem>>
    %dma_start3A_47 = arith.constant 0 : i32
    %dma_start3A_48 = arith.constant 0 : i32
    %dma_start3A_49 = tpu.memref_slice %arg5[%dma_start3A_47, %dma_start3A_48] : memref<512x64xf32, #tpu.memory_space<hbm>> -> memref<512x64xf32, #tpu.memory_space<hbm>>
    tpu.enqueue_indirect_dma source(%dma_start3A_49 : memref<512x64xf32, #tpu.memory_space<hbm>>) target(%dma_start3A_43 : memref<128x64xf32, #tpu.memory_space<vmem>>) offsets(%dma_start3A_46 : memref<128xi32, #tpu.memory_space<vmem>>) semaphore(%arg14 : memref<!tpu.dma_semaphore, #tpu.memory_space<semaphore_mem>>)
    %dma_start3A_50 = arith.constant 3 : i32
    %dma_start3A_51 = arith.constant 0 : i32
    %dma_start3A_52 = arith.constant 3 : i32
    %dma_start3A_53 = arith.constant 0 : i32
    %dma_start3A_54 = arith.constant 0 : i32
    %dma_start3A_55 = tpu.memref_slice %arg12[%dma_start3A_52, %dma_start3A_53, %dma_start3A_54] : memref<6x128x64xf32, #tpu.memory_space<vmem>> -> memref<1x128x64xf32, #tpu.memory_space<vmem>>
    %dma_start3A_56 = tpu.memref_squeeze %dma_start3A_55 : memref<1x128x64xf32, #tpu.memory_space<vmem>> -> memref<128x64xf32, #tpu.memory_space<vmem>>
    %dma_start3A_57 = arith.constant 0 : i32
    %dma_start3A_58 = tpu.memref_slice %arg11[%dma_start3A_50, %dma_start3A_51, %dma_start3A_57] : memref<6x4x128xi32, #tpu.memory_space<vmem>> -> memref<1x1x128xi32, #tpu.memory_space<vmem>>
    %dma_start3A_59 = tpu.memref_squeeze %dma_start3A_58 : memref<1x1x128xi32, #tpu.memory_space<vmem>> -> memref<128xi32, #tpu.memory_space<vmem>>
    %dma_start3A_60 = arith.constant 0 : i32
    %dma_start3A_61 = arith.constant 0 : i32
    %dma_start3A_62 = tpu.memref_slice %arg6[%dma_start3A_60, %dma_start3A_61] : memref<4096x64xf32, #tpu.memory_space<hbm>> -> memref<4096x64xf32, #tpu.memory_space<hbm>>
    tpu.enqueue_indirect_dma source(%dma_start3A_62 : memref<4096x64xf32, #tpu.memory_space<hbm>>) target(%dma_start3A_56 : memref<128x64xf32, #tpu.memory_space<vmem>>) offsets(%dma_start3A_59 : memref<128xi32, #tpu.memory_space<vmem>>) semaphore(%arg14 : memref<!tpu.dma_semaphore, #tpu.memory_space<semaphore_mem>>)
    %dma_start3A_63 = arith.constant 4 : i32
    %dma_start3A_64 = arith.constant 0 : i32
    %dma_start3A_65 = arith.constant 4 : i32
    %dma_start3A_66 = arith.constant 0 : i32
    %dma_start3A_67 = arith.constant 0 : i32
    %dma_start3A_68 = tpu.memref_slice %arg12[%dma_start3A_65, %dma_start3A_66, %dma_start3A_67] : memref<6x128x64xf32, #tpu.memory_space<vmem>> -> memref<1x128x64xf32, #tpu.memory_space<vmem>>
    %dma_start3A_69 = tpu.memref_squeeze %dma_start3A_68 : memref<1x128x64xf32, #tpu.memory_space<vmem>> -> memref<128x64xf32, #tpu.memory_space<vmem>>
    %dma_start3A_70 = arith.constant 0 : i32
    %dma_start3A_71 = tpu.memref_slice %arg11[%dma_start3A_63, %dma_start3A_64, %dma_start3A_70] : memref<6x4x128xi32, #tpu.memory_space<vmem>> -> memref<1x1x128xi32, #tpu.memory_space<vmem>>
    %dma_start3A_72 = tpu.memref_squeeze %dma_start3A_71 : memref<1x1x128xi32, #tpu.memory_space<vmem>> -> memref<128xi32, #tpu.memory_space<vmem>>
    %dma_start3A_73 = arith.constant 0 : i32
    %dma_start3A_74 = arith.constant 0 : i32
    %dma_start3A_75 = tpu.memref_slice %arg7[%dma_start3A_73, %dma_start3A_74] : memref<32768x64xf32, #tpu.memory_space<hbm>> -> memref<32768x64xf32, #tpu.memory_space<hbm>>
    tpu.enqueue_indirect_dma source(%dma_start3A_75 : memref<32768x64xf32, #tpu.memory_space<hbm>>) target(%dma_start3A_69 : memref<128x64xf32, #tpu.memory_space<vmem>>) offsets(%dma_start3A_72 : memref<128xi32, #tpu.memory_space<vmem>>) semaphore(%arg14 : memref<!tpu.dma_semaphore, #tpu.memory_space<semaphore_mem>>)
    %dma_start3A_76 = arith.constant 5 : i32
    %dma_start3A_77 = arith.constant 0 : i32
    %dma_start3A_78 = arith.constant 5 : i32
    %dma_start3A_79 = arith.constant 0 : i32
    %dma_start3A_80 = arith.constant 0 : i32
    %dma_start3A_81 = tpu.memref_slice %arg12[%dma_start3A_78, %dma_start3A_79, %dma_start3A_80] : memref<6x128x64xf32, #tpu.memory_space<vmem>> -> memref<1x128x64xf32, #tpu.memory_space<vmem>>
    %dma_start3A_82 = tpu.memref_squeeze %dma_start3A_81 : memref<1x128x64xf32, #tpu.memory_space<vmem>> -> memref<128x64xf32, #tpu.memory_space<vmem>>
    %dma_start3A_83 = arith.constant 0 : i32
    %dma_start3A_84 = tpu.memref_slice %arg11[%dma_start3A_76, %dma_start3A_77, %dma_start3A_83] : memref<6x4x128xi32, #tpu.memory_space<vmem>> -> memref<1x1x128xi32, #tpu.memory_space<vmem>>
    %dma_start3A_85 = tpu.memref_squeeze %dma_start3A_84 : memref<1x1x128xi32, #tpu.memory_space<vmem>> -> memref<128xi32, #tpu.memory_space<vmem>>
    %dma_start3A_86 = arith.constant 0 : i32
    %dma_start3A_87 = arith.constant 0 : i32
    %dma_start3A_88 = tpu.memref_slice %arg8[%dma_start3A_86, %dma_start3A_87] : memref<262144x64xf32, #tpu.memory_space<hbm>> -> memref<262144x64xf32, #tpu.memory_space<hbm>>
    tpu.enqueue_indirect_dma source(%dma_start3A_88 : memref<262144x64xf32, #tpu.memory_space<hbm>>) target(%dma_start3A_82 : memref<128x64xf32, #tpu.memory_space<vmem>>) offsets(%dma_start3A_85 : memref<128xi32, #tpu.memory_space<vmem>>) semaphore(%arg14 : memref<!tpu.dma_semaphore, #tpu.memory_space<semaphore_mem>>)
    %dma_wait3A = arith.constant 0 : i32
    %dma_wait3A_89 = arith.constant 0 : i32
    %dma_wait3A_90 = arith.constant 0 : i32
    %dma_wait3A_91 = arith.constant 0 : i32
    %dma_wait3A_92 = arith.constant 0 : i32
    %dma_wait3A_93 = tpu.memref_slice %arg12[%dma_wait3A_90, %dma_wait3A_91, %dma_wait3A_92] : memref<6x128x64xf32, #tpu.memory_space<vmem>> -> memref<1x128x64xf32, #tpu.memory_space<vmem>>
    %dma_wait3A_94 = tpu.memref_squeeze %dma_wait3A_93 : memref<1x128x64xf32, #tpu.memory_space<vmem>> -> memref<128x64xf32, #tpu.memory_space<vmem>>
    %dma_wait3A_95 = arith.constant 0 : i32
    %dma_wait3A_96 = tpu.memref_slice %arg11[%dma_wait3A, %dma_wait3A_89, %dma_wait3A_95] : memref<6x4x128xi32, #tpu.memory_space<vmem>> -> memref<1x1x128xi32, #tpu.memory_space<vmem>>
    %dma_wait3A_97 = tpu.memref_squeeze %dma_wait3A_96 : memref<1x1x128xi32, #tpu.memory_space<vmem>> -> memref<128xi32, #tpu.memory_space<vmem>>
    %dma_wait3A_98 = arith.constant 0 : i32
    %dma_wait3A_99 = arith.constant 0 : i32
    %dma_wait3A_100 = tpu.memref_slice %arg3[%dma_wait3A_98, %dma_wait3A_99] : memref<8x64xf32, #tpu.memory_space<hbm>> -> memref<8x64xf32, #tpu.memory_space<hbm>>
    tpu.wait_indirect_dma semaphore(%arg14 : memref<!tpu.dma_semaphore, #tpu.memory_space<semaphore_mem>>) src(%dma_wait3A_100 : memref<8x64xf32, #tpu.memory_space<hbm>>) dst(%dma_wait3A_94 : memref<128x64xf32, #tpu.memory_space<vmem>>)
    %dma_wait3A_101 = arith.constant 1 : i32
    %dma_wait3A_102 = arith.constant 0 : i32
    %dma_wait3A_103 = arith.constant 1 : i32
    %dma_wait3A_104 = arith.constant 0 : i32
    %dma_wait3A_105 = arith.constant 0 : i32
    %dma_wait3A_106 = tpu.memref_slice %arg12[%dma_wait3A_103, %dma_wait3A_104, %dma_wait3A_105] : memref<6x128x64xf32, #tpu.memory_space<vmem>> -> memref<1x128x64xf32, #tpu.memory_space<vmem>>
    %dma_wait3A_107 = tpu.memref_squeeze %dma_wait3A_106 : memref<1x128x64xf32, #tpu.memory_space<vmem>> -> memref<128x64xf32, #tpu.memory_space<vmem>>
    %dma_wait3A_108 = arith.constant 0 : i32
    %dma_wait3A_109 = tpu.memref_slice %arg11[%dma_wait3A_101, %dma_wait3A_102, %dma_wait3A_108] : memref<6x4x128xi32, #tpu.memory_space<vmem>> -> memref<1x1x128xi32, #tpu.memory_space<vmem>>
    %dma_wait3A_110 = tpu.memref_squeeze %dma_wait3A_109 : memref<1x1x128xi32, #tpu.memory_space<vmem>> -> memref<128xi32, #tpu.memory_space<vmem>>
    %dma_wait3A_111 = arith.constant 0 : i32
    %dma_wait3A_112 = arith.constant 0 : i32
    %dma_wait3A_113 = tpu.memref_slice %arg4[%dma_wait3A_111, %dma_wait3A_112] : memref<64x64xf32, #tpu.memory_space<hbm>> -> memref<64x64xf32, #tpu.memory_space<hbm>>
    tpu.wait_indirect_dma semaphore(%arg14 : memref<!tpu.dma_semaphore, #tpu.memory_space<semaphore_mem>>) src(%dma_wait3A_113 : memref<64x64xf32, #tpu.memory_space<hbm>>) dst(%dma_wait3A_107 : memref<128x64xf32, #tpu.memory_space<vmem>>)
    %dma_wait3A_114 = arith.constant 2 : i32
    %dma_wait3A_115 = arith.constant 0 : i32
    %dma_wait3A_116 = arith.constant 2 : i32
    %dma_wait3A_117 = arith.constant 0 : i32
    %dma_wait3A_118 = arith.constant 0 : i32
    %dma_wait3A_119 = tpu.memref_slice %arg12[%dma_wait3A_116, %dma_wait3A_117, %dma_wait3A_118] : memref<6x128x64xf32, #tpu.memory_space<vmem>> -> memref<1x128x64xf32, #tpu.memory_space<vmem>>
    %dma_wait3A_120 = tpu.memref_squeeze %dma_wait3A_119 : memref<1x128x64xf32, #tpu.memory_space<vmem>> -> memref<128x64xf32, #tpu.memory_space<vmem>>
    %dma_wait3A_121 = arith.constant 0 : i32
    %dma_wait3A_122 = tpu.memref_slice %arg11[%dma_wait3A_114, %dma_wait3A_115, %dma_wait3A_121] : memref<6x4x128xi32, #tpu.memory_space<vmem>> -> memref<1x1x128xi32, #tpu.memory_space<vmem>>
    %dma_wait3A_123 = tpu.memref_squeeze %dma_wait3A_122 : memref<1x1x128xi32, #tpu.memory_space<vmem>> -> memref<128xi32, #tpu.memory_space<vmem>>
    %dma_wait3A_124 = arith.constant 0 : i32
    %dma_wait3A_125 = arith.constant 0 : i32
    %dma_wait3A_126 = tpu.memref_slice %arg5[%dma_wait3A_124, %dma_wait3A_125] : memref<512x64xf32, #tpu.memory_space<hbm>> -> memref<512x64xf32, #tpu.memory_space<hbm>>
    tpu.wait_indirect_dma semaphore(%arg14 : memref<!tpu.dma_semaphore, #tpu.memory_space<semaphore_mem>>) src(%dma_wait3A_126 : memref<512x64xf32, #tpu.memory_space<hbm>>) dst(%dma_wait3A_120 : memref<128x64xf32, #tpu.memory_space<vmem>>)
    %dma_wait3A_127 = arith.constant 3 : i32
    %dma_wait3A_128 = arith.constant 0 : i32
    %dma_wait3A_129 = arith.constant 3 : i32
    %dma_wait3A_130 = arith.constant 0 : i32
    %dma_wait3A_131 = arith.constant 0 : i32
    %dma_wait3A_132 = tpu.memref_slice %arg12[%dma_wait3A_129, %dma_wait3A_130, %dma_wait3A_131] : memref<6x128x64xf32, #tpu.memory_space<vmem>> -> memref<1x128x64xf32, #tpu.memory_space<vmem>>
    %dma_wait3A_133 = tpu.memref_squeeze %dma_wait3A_132 : memref<1x128x64xf32, #tpu.memory_space<vmem>> -> memref<128x64xf32, #tpu.memory_space<vmem>>
    %dma_wait3A_134 = arith.constant 0 : i32
    %dma_wait3A_135 = tpu.memref_slice %arg11[%dma_wait3A_127, %dma_wait3A_128, %dma_wait3A_134] : memref<6x4x128xi32, #tpu.memory_space<vmem>> -> memref<1x1x128xi32, #tpu.memory_space<vmem>>
    %dma_wait3A_136 = tpu.memref_squeeze %dma_wait3A_135 : memref<1x1x128xi32, #tpu.memory_space<vmem>> -> memref<128xi32, #tpu.memory_space<vmem>>
    %dma_wait3A_137 = arith.constant 0 : i32
    %dma_wait3A_138 = arith.constant 0 : i32
    %dma_wait3A_139 = tpu.memref_slice %arg6[%dma_wait3A_137, %dma_wait3A_138] : memref<4096x64xf32, #tpu.memory_space<hbm>> -> memref<4096x64xf32, #tpu.memory_space<hbm>>
    tpu.wait_indirect_dma semaphore(%arg14 : memref<!tpu.dma_semaphore, #tpu.memory_space<semaphore_mem>>) src(%dma_wait3A_139 : memref<4096x64xf32, #tpu.memory_space<hbm>>) dst(%dma_wait3A_133 : memref<128x64xf32, #tpu.memory_space<vmem>>)
    %dma_wait3A_140 = arith.constant 4 : i32
    %dma_wait3A_141 = arith.constant 0 : i32
    %dma_wait3A_142 = arith.constant 4 : i32
    %dma_wait3A_143 = arith.constant 0 : i32
    %dma_wait3A_144 = arith.constant 0 : i32
    %dma_wait3A_145 = tpu.memref_slice %arg12[%dma_wait3A_142, %dma_wait3A_143, %dma_wait3A_144] : memref<6x128x64xf32, #tpu.memory_space<vmem>> -> memref<1x128x64xf32, #tpu.memory_space<vmem>>
    %dma_wait3A_146 = tpu.memref_squeeze %dma_wait3A_145 : memref<1x128x64xf32, #tpu.memory_space<vmem>> -> memref<128x64xf32, #tpu.memory_space<vmem>>
    %dma_wait3A_147 = arith.constant 0 : i32
    %dma_wait3A_148 = tpu.memref_slice %arg11[%dma_wait3A_140, %dma_wait3A_141, %dma_wait3A_147] : memref<6x4x128xi32, #tpu.memory_space<vmem>> -> memref<1x1x128xi32, #tpu.memory_space<vmem>>
    %dma_wait3A_149 = tpu.memref_squeeze %dma_wait3A_148 : memref<1x1x128xi32, #tpu.memory_space<vmem>> -> memref<128xi32, #tpu.memory_space<vmem>>
    %dma_wait3A_150 = arith.constant 0 : i32
    %dma_wait3A_151 = arith.constant 0 : i32
    %dma_wait3A_152 = tpu.memref_slice %arg7[%dma_wait3A_150, %dma_wait3A_151] : memref<32768x64xf32, #tpu.memory_space<hbm>> -> memref<32768x64xf32, #tpu.memory_space<hbm>>
    tpu.wait_indirect_dma semaphore(%arg14 : memref<!tpu.dma_semaphore, #tpu.memory_space<semaphore_mem>>) src(%dma_wait3A_152 : memref<32768x64xf32, #tpu.memory_space<hbm>>) dst(%dma_wait3A_146 : memref<128x64xf32, #tpu.memory_space<vmem>>)
    %dma_wait3A_153 = arith.constant 5 : i32
    %dma_wait3A_154 = arith.constant 0 : i32
    %dma_wait3A_155 = arith.constant 5 : i32
    %dma_wait3A_156 = arith.constant 0 : i32
    %dma_wait3A_157 = arith.constant 0 : i32
    %dma_wait3A_158 = tpu.memref_slice %arg12[%dma_wait3A_155, %dma_wait3A_156, %dma_wait3A_157] : memref<6x128x64xf32, #tpu.memory_space<vmem>> -> memref<1x128x64xf32, #tpu.memory_space<vmem>>
    %dma_wait3A_159 = tpu.memref_squeeze %dma_wait3A_158 : memref<1x128x64xf32, #tpu.memory_space<vmem>> -> memref<128x64xf32, #tpu.memory_space<vmem>>
    %dma_wait3A_160 = arith.constant 0 : i32
    %dma_wait3A_161 = tpu.memref_slice %arg11[%dma_wait3A_153, %dma_wait3A_154, %dma_wait3A_160] : memref<6x4x128xi32, #tpu.memory_space<vmem>> -> memref<1x1x128xi32, #tpu.memory_space<vmem>>
    %dma_wait3A_162 = tpu.memref_squeeze %dma_wait3A_161 : memref<1x1x128xi32, #tpu.memory_space<vmem>> -> memref<128xi32, #tpu.memory_space<vmem>>
    %dma_wait3A_163 = arith.constant 0 : i32
    %dma_wait3A_164 = arith.constant 0 : i32
    %dma_wait3A_165 = tpu.memref_slice %arg8[%dma_wait3A_163, %dma_wait3A_164] : memref<262144x64xf32, #tpu.memory_space<hbm>> -> memref<262144x64xf32, #tpu.memory_space<hbm>>
    tpu.wait_indirect_dma semaphore(%arg14 : memref<!tpu.dma_semaphore, #tpu.memory_space<semaphore_mem>>) src(%dma_wait3A_165 : memref<262144x64xf32, #tpu.memory_space<hbm>>) dst(%dma_wait3A_159 : memref<128x64xf32, #tpu.memory_space<vmem>>)
    %add3A_166 = arith.constant 0 : i32
    %add3A_167 = arith.addi %mul3A_2, %add3A_166 : i32
    %dma_start3A_168 = arith.constant 0 : i32
    %dma_start3A_169 = tpu.memref_slice %arg9[%add3A_167, %dma_start3A_168] : memref<16384x448xf32, #tpu.memory_space<hbm>> -> memref<128x64xf32, #tpu.memory_space<hbm>>
    %dma_start3A_170 = arith.constant 0 : i32
    %dma_start3A_171 = tpu.memref_slice %arg9[%add3A_167, %dma_start3A_170] : memref<16384x448xf32, #tpu.memory_space<hbm>> -> memref<128x64xf32, #tpu.memory_space<hbm>>
    tpu.enqueue_dma source(%arg13 : memref<128x64xf32, #tpu.memory_space<vmem>>) target(%dma_start3A_171 : memref<128x64xf32, #tpu.memory_space<hbm>>) target_semaphore(%arg15 : memref<!tpu.dma_semaphore, #tpu.memory_space<semaphore_mem>>)
    %dma_start3A_172 = arith.constant 0 : i32
    %dma_start3A_173 = arith.constant 0 : i32
    %dma_start3A_174 = arith.constant 0 : i32
    %dma_start3A_175 = tpu.memref_slice %arg12[%dma_start3A_172, %dma_start3A_173, %dma_start3A_174] : memref<6x128x64xf32, #tpu.memory_space<vmem>> -> memref<1x128x64xf32, #tpu.memory_space<vmem>>
    %dma_start3A_176 = tpu.memref_squeeze %dma_start3A_175 : memref<1x128x64xf32, #tpu.memory_space<vmem>> -> memref<128x64xf32, #tpu.memory_space<vmem>>
    %dma_start3A_177 = arith.constant 64 : i32
    %dma_start3A_178 = tpu.memref_slice %arg9[%add3A_167, %dma_start3A_177] : memref<16384x448xf32, #tpu.memory_space<hbm>> -> memref<128x64xf32, #tpu.memory_space<hbm>>
    %dma_start3A_179 = arith.constant 64 : i32
    %dma_start3A_180 = tpu.memref_slice %arg9[%add3A_167, %dma_start3A_179] : memref<16384x448xf32, #tpu.memory_space<hbm>> -> memref<128x64xf32, #tpu.memory_space<hbm>>
    %dma_start3A_181 = arith.constant 0 : i32
    %dma_start3A_182 = arith.constant 0 : i32
    %dma_start3A_183 = tpu.memref_slice %arg12[%dma_start3A_172, %dma_start3A_181, %dma_start3A_182] : memref<6x128x64xf32, #tpu.memory_space<vmem>> -> memref<1x128x64xf32, #tpu.memory_space<vmem>>
    %dma_start3A_184 = tpu.memref_squeeze %dma_start3A_183 : memref<1x128x64xf32, #tpu.memory_space<vmem>> -> memref<128x64xf32, #tpu.memory_space<vmem>>
    tpu.enqueue_dma source(%dma_start3A_184 : memref<128x64xf32, #tpu.memory_space<vmem>>) target(%dma_start3A_180 : memref<128x64xf32, #tpu.memory_space<hbm>>) target_semaphore(%arg15 : memref<!tpu.dma_semaphore, #tpu.memory_space<semaphore_mem>>)
    %dma_start3A_185 = arith.constant 1 : i32
    %dma_start3A_186 = arith.constant 0 : i32
    %dma_start3A_187 = arith.constant 0 : i32
    %dma_start3A_188 = tpu.memref_slice %arg12[%dma_start3A_185, %dma_start3A_186, %dma_start3A_187] : memref<6x128x64xf32, #tpu.memory_space<vmem>> -> memref<1x128x64xf32, #tpu.memory_space<vmem>>
    %dma_start3A_189 = tpu.memref_squeeze %dma_start3A_188 : memref<1x128x64xf32, #tpu.memory_space<vmem>> -> memref<128x64xf32, #tpu.memory_space<vmem>>
    %dma_start3A_190 = arith.constant 128 : i32
    %dma_start3A_191 = tpu.memref_slice %arg9[%add3A_167, %dma_start3A_190] : memref<16384x448xf32, #tpu.memory_space<hbm>> -> memref<128x64xf32, #tpu.memory_space<hbm>>
    %dma_start3A_192 = arith.constant 128 : i32
    %dma_start3A_193 = tpu.memref_slice %arg9[%add3A_167, %dma_start3A_192] : memref<16384x448xf32, #tpu.memory_space<hbm>> -> memref<128x64xf32, #tpu.memory_space<hbm>>
    %dma_start3A_194 = arith.constant 0 : i32
    %dma_start3A_195 = arith.constant 0 : i32
    %dma_start3A_196 = tpu.memref_slice %arg12[%dma_start3A_185, %dma_start3A_194, %dma_start3A_195] : memref<6x128x64xf32, #tpu.memory_space<vmem>> -> memref<1x128x64xf32, #tpu.memory_space<vmem>>
    %dma_start3A_197 = tpu.memref_squeeze %dma_start3A_196 : memref<1x128x64xf32, #tpu.memory_space<vmem>> -> memref<128x64xf32, #tpu.memory_space<vmem>>
    tpu.enqueue_dma source(%dma_start3A_197 : memref<128x64xf32, #tpu.memory_space<vmem>>) target(%dma_start3A_193 : memref<128x64xf32, #tpu.memory_space<hbm>>) target_semaphore(%arg15 : memref<!tpu.dma_semaphore, #tpu.memory_space<semaphore_mem>>)
    %dma_start3A_198 = arith.constant 2 : i32
    %dma_start3A_199 = arith.constant 0 : i32
    %dma_start3A_200 = arith.constant 0 : i32
    %dma_start3A_201 = tpu.memref_slice %arg12[%dma_start3A_198, %dma_start3A_199, %dma_start3A_200] : memref<6x128x64xf32, #tpu.memory_space<vmem>> -> memref<1x128x64xf32, #tpu.memory_space<vmem>>
    %dma_start3A_202 = tpu.memref_squeeze %dma_start3A_201 : memref<1x128x64xf32, #tpu.memory_space<vmem>> -> memref<128x64xf32, #tpu.memory_space<vmem>>
    %dma_start3A_203 = arith.constant 192 : i32
    %dma_start3A_204 = tpu.memref_slice %arg9[%add3A_167, %dma_start3A_203] : memref<16384x448xf32, #tpu.memory_space<hbm>> -> memref<128x64xf32, #tpu.memory_space<hbm>>
    %dma_start3A_205 = arith.constant 192 : i32
    %dma_start3A_206 = tpu.memref_slice %arg9[%add3A_167, %dma_start3A_205] : memref<16384x448xf32, #tpu.memory_space<hbm>> -> memref<128x64xf32, #tpu.memory_space<hbm>>
    %dma_start3A_207 = arith.constant 0 : i32
    %dma_start3A_208 = arith.constant 0 : i32
    %dma_start3A_209 = tpu.memref_slice %arg12[%dma_start3A_198, %dma_start3A_207, %dma_start3A_208] : memref<6x128x64xf32, #tpu.memory_space<vmem>> -> memref<1x128x64xf32, #tpu.memory_space<vmem>>
    %dma_start3A_210 = tpu.memref_squeeze %dma_start3A_209 : memref<1x128x64xf32, #tpu.memory_space<vmem>> -> memref<128x64xf32, #tpu.memory_space<vmem>>
    tpu.enqueue_dma source(%dma_start3A_210 : memref<128x64xf32, #tpu.memory_space<vmem>>) target(%dma_start3A_206 : memref<128x64xf32, #tpu.memory_space<hbm>>) target_semaphore(%arg15 : memref<!tpu.dma_semaphore, #tpu.memory_space<semaphore_mem>>)
    %dma_start3A_211 = arith.constant 3 : i32
    %dma_start3A_212 = arith.constant 0 : i32
    %dma_start3A_213 = arith.constant 0 : i32
    %dma_start3A_214 = tpu.memref_slice %arg12[%dma_start3A_211, %dma_start3A_212, %dma_start3A_213] : memref<6x128x64xf32, #tpu.memory_space<vmem>> -> memref<1x128x64xf32, #tpu.memory_space<vmem>>
    %dma_start3A_215 = tpu.memref_squeeze %dma_start3A_214 : memref<1x128x64xf32, #tpu.memory_space<vmem>> -> memref<128x64xf32, #tpu.memory_space<vmem>>
    %dma_start3A_216 = arith.constant 256 : i32
    %dma_start3A_217 = tpu.memref_slice %arg9[%add3A_167, %dma_start3A_216] : memref<16384x448xf32, #tpu.memory_space<hbm>> -> memref<128x64xf32, #tpu.memory_space<hbm>>
    %dma_start3A_218 = arith.constant 256 : i32
    %dma_start3A_219 = tpu.memref_slice %arg9[%add3A_167, %dma_start3A_218] : memref<16384x448xf32, #tpu.memory_space<hbm>> -> memref<128x64xf32, #tpu.memory_space<hbm>>
    %dma_start3A_220 = arith.constant 0 : i32
    %dma_start3A_221 = arith.constant 0 : i32
    %dma_start3A_222 = tpu.memref_slice %arg12[%dma_start3A_211, %dma_start3A_220, %dma_start3A_221] : memref<6x128x64xf32, #tpu.memory_space<vmem>> -> memref<1x128x64xf32, #tpu.memory_space<vmem>>
    %dma_start3A_223 = tpu.memref_squeeze %dma_start3A_222 : memref<1x128x64xf32, #tpu.memory_space<vmem>> -> memref<128x64xf32, #tpu.memory_space<vmem>>
    tpu.enqueue_dma source(%dma_start3A_223 : memref<128x64xf32, #tpu.memory_space<vmem>>) target(%dma_start3A_219 : memref<128x64xf32, #tpu.memory_space<hbm>>) target_semaphore(%arg15 : memref<!tpu.dma_semaphore, #tpu.memory_space<semaphore_mem>>)
    %dma_start3A_224 = arith.constant 4 : i32
    %dma_start3A_225 = arith.constant 0 : i32
    %dma_start3A_226 = arith.constant 0 : i32
    %dma_start3A_227 = tpu.memref_slice %arg12[%dma_start3A_224, %dma_start3A_225, %dma_start3A_226] : memref<6x128x64xf32, #tpu.memory_space<vmem>> -> memref<1x128x64xf32, #tpu.memory_space<vmem>>
    %dma_start3A_228 = tpu.memref_squeeze %dma_start3A_227 : memref<1x128x64xf32, #tpu.memory_space<vmem>> -> memref<128x64xf32, #tpu.memory_space<vmem>>
    %dma_start3A_229 = arith.constant 320 : i32
    %dma_start3A_230 = tpu.memref_slice %arg9[%add3A_167, %dma_start3A_229] : memref<16384x448xf32, #tpu.memory_space<hbm>> -> memref<128x64xf32, #tpu.memory_space<hbm>>
    %dma_start3A_231 = arith.constant 320 : i32
    %dma_start3A_232 = tpu.memref_slice %arg9[%add3A_167, %dma_start3A_231] : memref<16384x448xf32, #tpu.memory_space<hbm>> -> memref<128x64xf32, #tpu.memory_space<hbm>>
    %dma_start3A_233 = arith.constant 0 : i32
    %dma_start3A_234 = arith.constant 0 : i32
    %dma_start3A_235 = tpu.memref_slice %arg12[%dma_start3A_224, %dma_start3A_233, %dma_start3A_234] : memref<6x128x64xf32, #tpu.memory_space<vmem>> -> memref<1x128x64xf32, #tpu.memory_space<vmem>>
    %dma_start3A_236 = tpu.memref_squeeze %dma_start3A_235 : memref<1x128x64xf32, #tpu.memory_space<vmem>> -> memref<128x64xf32, #tpu.memory_space<vmem>>
    tpu.enqueue_dma source(%dma_start3A_236 : memref<128x64xf32, #tpu.memory_space<vmem>>) target(%dma_start3A_232 : memref<128x64xf32, #tpu.memory_space<hbm>>) target_semaphore(%arg15 : memref<!tpu.dma_semaphore, #tpu.memory_space<semaphore_mem>>)
    %dma_start3A_237 = arith.constant 5 : i32
    %dma_start3A_238 = arith.constant 0 : i32
    %dma_start3A_239 = arith.constant 0 : i32
    %dma_start3A_240 = tpu.memref_slice %arg12[%dma_start3A_237, %dma_start3A_238, %dma_start3A_239] : memref<6x128x64xf32, #tpu.memory_space<vmem>> -> memref<1x128x64xf32, #tpu.memory_space<vmem>>
    %dma_start3A_241 = tpu.memref_squeeze %dma_start3A_240 : memref<1x128x64xf32, #tpu.memory_space<vmem>> -> memref<128x64xf32, #tpu.memory_space<vmem>>
    %dma_start3A_242 = arith.constant 384 : i32
    %dma_start3A_243 = tpu.memref_slice %arg9[%add3A_167, %dma_start3A_242] : memref<16384x448xf32, #tpu.memory_space<hbm>> -> memref<128x64xf32, #tpu.memory_space<hbm>>
    %dma_start3A_244 = arith.constant 384 : i32
    %dma_start3A_245 = tpu.memref_slice %arg9[%add3A_167, %dma_start3A_244] : memref<16384x448xf32, #tpu.memory_space<hbm>> -> memref<128x64xf32, #tpu.memory_space<hbm>>
    %dma_start3A_246 = arith.constant 0 : i32
    %dma_start3A_247 = arith.constant 0 : i32
    %dma_start3A_248 = tpu.memref_slice %arg12[%dma_start3A_237, %dma_start3A_246, %dma_start3A_247] : memref<6x128x64xf32, #tpu.memory_space<vmem>> -> memref<1x128x64xf32, #tpu.memory_space<vmem>>
    %dma_start3A_249 = tpu.memref_squeeze %dma_start3A_248 : memref<1x128x64xf32, #tpu.memory_space<vmem>> -> memref<128x64xf32, #tpu.memory_space<vmem>>
    tpu.enqueue_dma source(%dma_start3A_249 : memref<128x64xf32, #tpu.memory_space<vmem>>) target(%dma_start3A_245 : memref<128x64xf32, #tpu.memory_space<hbm>>) target_semaphore(%arg15 : memref<!tpu.dma_semaphore, #tpu.memory_space<semaphore_mem>>)
    %dma_wait3A_250 = arith.constant 0 : i32
    %dma_wait3A_251 = tpu.memref_slice %arg9[%add3A_167, %dma_wait3A_250] : memref<16384x448xf32, #tpu.memory_space<hbm>> -> memref<128x64xf32, #tpu.memory_space<hbm>>
    %dma_wait3A_252 = arith.constant 0 : i32
    %dma_wait3A_253 = tpu.memref_slice %arg9[%add3A_167, %dma_wait3A_252] : memref<16384x448xf32, #tpu.memory_space<hbm>> -> memref<128x64xf32, #tpu.memory_space<hbm>>
    tpu.wait_dma2 semaphore(%arg15 : memref<!tpu.dma_semaphore, #tpu.memory_space<semaphore_mem>>) src(%arg13 : memref<128x64xf32, #tpu.memory_space<vmem>>) dst(%dma_wait3A_253 : memref<128x64xf32, #tpu.memory_space<hbm>>)
    %dma_wait3A_254 = arith.constant 0 : i32
    %dma_wait3A_255 = arith.constant 0 : i32
    %dma_wait3A_256 = arith.constant 0 : i32
    %dma_wait3A_257 = tpu.memref_slice %arg12[%dma_wait3A_254, %dma_wait3A_255, %dma_wait3A_256] : memref<6x128x64xf32, #tpu.memory_space<vmem>> -> memref<1x128x64xf32, #tpu.memory_space<vmem>>
    %dma_wait3A_258 = tpu.memref_squeeze %dma_wait3A_257 : memref<1x128x64xf32, #tpu.memory_space<vmem>> -> memref<128x64xf32, #tpu.memory_space<vmem>>
    %dma_wait3A_259 = arith.constant 64 : i32
    %dma_wait3A_260 = tpu.memref_slice %arg9[%add3A_167, %dma_wait3A_259] : memref<16384x448xf32, #tpu.memory_space<hbm>> -> memref<128x64xf32, #tpu.memory_space<hbm>>
    %dma_wait3A_261 = arith.constant 64 : i32
    %dma_wait3A_262 = tpu.memref_slice %arg9[%add3A_167, %dma_wait3A_261] : memref<16384x448xf32, #tpu.memory_space<hbm>> -> memref<128x64xf32, #tpu.memory_space<hbm>>
    %dma_wait3A_263 = arith.constant 0 : i32
    %dma_wait3A_264 = arith.constant 0 : i32
    %dma_wait3A_265 = tpu.memref_slice %arg12[%dma_wait3A_254, %dma_wait3A_263, %dma_wait3A_264] : memref<6x128x64xf32, #tpu.memory_space<vmem>> -> memref<1x128x64xf32, #tpu.memory_space<vmem>>
    %dma_wait3A_266 = tpu.memref_squeeze %dma_wait3A_265 : memref<1x128x64xf32, #tpu.memory_space<vmem>> -> memref<128x64xf32, #tpu.memory_space<vmem>>
    tpu.wait_dma2 semaphore(%arg15 : memref<!tpu.dma_semaphore, #tpu.memory_space<semaphore_mem>>) src(%dma_wait3A_266 : memref<128x64xf32, #tpu.memory_space<vmem>>) dst(%dma_wait3A_262 : memref<128x64xf32, #tpu.memory_space<hbm>>)
    %dma_wait3A_267 = arith.constant 1 : i32
    %dma_wait3A_268 = arith.constant 0 : i32
    %dma_wait3A_269 = arith.constant 0 : i32
    %dma_wait3A_270 = tpu.memref_slice %arg12[%dma_wait3A_267, %dma_wait3A_268, %dma_wait3A_269] : memref<6x128x64xf32, #tpu.memory_space<vmem>> -> memref<1x128x64xf32, #tpu.memory_space<vmem>>
    %dma_wait3A_271 = tpu.memref_squeeze %dma_wait3A_270 : memref<1x128x64xf32, #tpu.memory_space<vmem>> -> memref<128x64xf32, #tpu.memory_space<vmem>>
    %dma_wait3A_272 = arith.constant 128 : i32
    %dma_wait3A_273 = tpu.memref_slice %arg9[%add3A_167, %dma_wait3A_272] : memref<16384x448xf32, #tpu.memory_space<hbm>> -> memref<128x64xf32, #tpu.memory_space<hbm>>
    %dma_wait3A_274 = arith.constant 128 : i32
    %dma_wait3A_275 = tpu.memref_slice %arg9[%add3A_167, %dma_wait3A_274] : memref<16384x448xf32, #tpu.memory_space<hbm>> -> memref<128x64xf32, #tpu.memory_space<hbm>>
    %dma_wait3A_276 = arith.constant 0 : i32
    %dma_wait3A_277 = arith.constant 0 : i32
    %dma_wait3A_278 = tpu.memref_slice %arg12[%dma_wait3A_267, %dma_wait3A_276, %dma_wait3A_277] : memref<6x128x64xf32, #tpu.memory_space<vmem>> -> memref<1x128x64xf32, #tpu.memory_space<vmem>>
    %dma_wait3A_279 = tpu.memref_squeeze %dma_wait3A_278 : memref<1x128x64xf32, #tpu.memory_space<vmem>> -> memref<128x64xf32, #tpu.memory_space<vmem>>
    tpu.wait_dma2 semaphore(%arg15 : memref<!tpu.dma_semaphore, #tpu.memory_space<semaphore_mem>>) src(%dma_wait3A_279 : memref<128x64xf32, #tpu.memory_space<vmem>>) dst(%dma_wait3A_275 : memref<128x64xf32, #tpu.memory_space<hbm>>)
    %dma_wait3A_280 = arith.constant 2 : i32
    %dma_wait3A_281 = arith.constant 0 : i32
    %dma_wait3A_282 = arith.constant 0 : i32
    %dma_wait3A_283 = tpu.memref_slice %arg12[%dma_wait3A_280, %dma_wait3A_281, %dma_wait3A_282] : memref<6x128x64xf32, #tpu.memory_space<vmem>> -> memref<1x128x64xf32, #tpu.memory_space<vmem>>
    %dma_wait3A_284 = tpu.memref_squeeze %dma_wait3A_283 : memref<1x128x64xf32, #tpu.memory_space<vmem>> -> memref<128x64xf32, #tpu.memory_space<vmem>>
    %dma_wait3A_285 = arith.constant 192 : i32
    %dma_wait3A_286 = tpu.memref_slice %arg9[%add3A_167, %dma_wait3A_285] : memref<16384x448xf32, #tpu.memory_space<hbm>> -> memref<128x64xf32, #tpu.memory_space<hbm>>
    %dma_wait3A_287 = arith.constant 192 : i32
    %dma_wait3A_288 = tpu.memref_slice %arg9[%add3A_167, %dma_wait3A_287] : memref<16384x448xf32, #tpu.memory_space<hbm>> -> memref<128x64xf32, #tpu.memory_space<hbm>>
    %dma_wait3A_289 = arith.constant 0 : i32
    %dma_wait3A_290 = arith.constant 0 : i32
    %dma_wait3A_291 = tpu.memref_slice %arg12[%dma_wait3A_280, %dma_wait3A_289, %dma_wait3A_290] : memref<6x128x64xf32, #tpu.memory_space<vmem>> -> memref<1x128x64xf32, #tpu.memory_space<vmem>>
    %dma_wait3A_292 = tpu.memref_squeeze %dma_wait3A_291 : memref<1x128x64xf32, #tpu.memory_space<vmem>> -> memref<128x64xf32, #tpu.memory_space<vmem>>
    tpu.wait_dma2 semaphore(%arg15 : memref<!tpu.dma_semaphore, #tpu.memory_space<semaphore_mem>>) src(%dma_wait3A_292 : memref<128x64xf32, #tpu.memory_space<vmem>>) dst(%dma_wait3A_288 : memref<128x64xf32, #tpu.memory_space<hbm>>)
    %dma_wait3A_293 = arith.constant 3 : i32
    %dma_wait3A_294 = arith.constant 0 : i32
    %dma_wait3A_295 = arith.constant 0 : i32
    %dma_wait3A_296 = tpu.memref_slice %arg12[%dma_wait3A_293, %dma_wait3A_294, %dma_wait3A_295] : memref<6x128x64xf32, #tpu.memory_space<vmem>> -> memref<1x128x64xf32, #tpu.memory_space<vmem>>
    %dma_wait3A_297 = tpu.memref_squeeze %dma_wait3A_296 : memref<1x128x64xf32, #tpu.memory_space<vmem>> -> memref<128x64xf32, #tpu.memory_space<vmem>>
    %dma_wait3A_298 = arith.constant 256 : i32
    %dma_wait3A_299 = tpu.memref_slice %arg9[%add3A_167, %dma_wait3A_298] : memref<16384x448xf32, #tpu.memory_space<hbm>> -> memref<128x64xf32, #tpu.memory_space<hbm>>
    %dma_wait3A_300 = arith.constant 256 : i32
    %dma_wait3A_301 = tpu.memref_slice %arg9[%add3A_167, %dma_wait3A_300] : memref<16384x448xf32, #tpu.memory_space<hbm>> -> memref<128x64xf32, #tpu.memory_space<hbm>>
    %dma_wait3A_302 = arith.constant 0 : i32
    %dma_wait3A_303 = arith.constant 0 : i32
    %dma_wait3A_304 = tpu.memref_slice %arg12[%dma_wait3A_293, %dma_wait3A_302, %dma_wait3A_303] : memref<6x128x64xf32, #tpu.memory_space<vmem>> -> memref<1x128x64xf32, #tpu.memory_space<vmem>>
    %dma_wait3A_305 = tpu.memref_squeeze %dma_wait3A_304 : memref<1x128x64xf32, #tpu.memory_space<vmem>> -> memref<128x64xf32, #tpu.memory_space<vmem>>
    tpu.wait_dma2 semaphore(%arg15 : memref<!tpu.dma_semaphore, #tpu.memory_space<semaphore_mem>>) src(%dma_wait3A_305 : memref<128x64xf32, #tpu.memory_space<vmem>>) dst(%dma_wait3A_301 : memref<128x64xf32, #tpu.memory_space<hbm>>)
    %dma_wait3A_306 = arith.constant 4 : i32
    %dma_wait3A_307 = arith.constant 0 : i32
    %dma_wait3A_308 = arith.constant 0 : i32
    %dma_wait3A_309 = tpu.memref_slice %arg12[%dma_wait3A_306, %dma_wait3A_307, %dma_wait3A_308] : memref<6x128x64xf32, #tpu.memory_space<vmem>> -> memref<1x128x64xf32, #tpu.memory_space<vmem>>
    %dma_wait3A_310 = tpu.memref_squeeze %dma_wait3A_309 : memref<1x128x64xf32, #tpu.memory_space<vmem>> -> memref<128x64xf32, #tpu.memory_space<vmem>>
    %dma_wait3A_311 = arith.constant 320 : i32
    %dma_wait3A_312 = tpu.memref_slice %arg9[%add3A_167, %dma_wait3A_311] : memref<16384x448xf32, #tpu.memory_space<hbm>> -> memref<128x64xf32, #tpu.memory_space<hbm>>
    %dma_wait3A_313 = arith.constant 320 : i32
    %dma_wait3A_314 = tpu.memref_slice %arg9[%add3A_167, %dma_wait3A_313] : memref<16384x448xf32, #tpu.memory_space<hbm>> -> memref<128x64xf32, #tpu.memory_space<hbm>>
    %dma_wait3A_315 = arith.constant 0 : i32
    %dma_wait3A_316 = arith.constant 0 : i32
    %dma_wait3A_317 = tpu.memref_slice %arg12[%dma_wait3A_306, %dma_wait3A_315, %dma_wait3A_316] : memref<6x128x64xf32, #tpu.memory_space<vmem>> -> memref<1x128x64xf32, #tpu.memory_space<vmem>>
    %dma_wait3A_318 = tpu.memref_squeeze %dma_wait3A_317 : memref<1x128x64xf32, #tpu.memory_space<vmem>> -> memref<128x64xf32, #tpu.memory_space<vmem>>
    tpu.wait_dma2 semaphore(%arg15 : memref<!tpu.dma_semaphore, #tpu.memory_space<semaphore_mem>>) src(%dma_wait3A_318 : memref<128x64xf32, #tpu.memory_space<vmem>>) dst(%dma_wait3A_314 : memref<128x64xf32, #tpu.memory_space<hbm>>)
    %dma_wait3A_319 = arith.constant 5 : i32
    %dma_wait3A_320 = arith.constant 0 : i32
    %dma_wait3A_321 = arith.constant 0 : i32
    %dma_wait3A_322 = tpu.memref_slice %arg12[%dma_wait3A_319, %dma_wait3A_320, %dma_wait3A_321] : memref<6x128x64xf32, #tpu.memory_space<vmem>> -> memref<1x128x64xf32, #tpu.memory_space<vmem>>
    %dma_wait3A_323 = tpu.memref_squeeze %dma_wait3A_322 : memref<1x128x64xf32, #tpu.memory_space<vmem>> -> memref<128x64xf32, #tpu.memory_space<vmem>>
    %dma_wait3A_324 = arith.constant 384 : i32
    %dma_wait3A_325 = tpu.memref_slice %arg9[%add3A_167, %dma_wait3A_324] : memref<16384x448xf32, #tpu.memory_space<hbm>> -> memref<128x64xf32, #tpu.memory_space<hbm>>
    %dma_wait3A_326 = arith.constant 384 : i32
    %dma_wait3A_327 = tpu.memref_slice %arg9[%add3A_167, %dma_wait3A_326] : memref<16384x448xf32, #tpu.memory_space<hbm>> -> memref<128x64xf32, #tpu.memory_space<hbm>>
    %dma_wait3A_328 = arith.constant 0 : i32
    %dma_wait3A_329 = arith.constant 0 : i32
    %dma_wait3A_330 = tpu.memref_slice %arg12[%dma_wait3A_319, %dma_wait3A_328, %dma_wait3A_329] : memref<6x128x64xf32, #tpu.memory_space<vmem>> -> memref<1x128x64xf32, #tpu.memory_space<vmem>>
    %dma_wait3A_331 = tpu.memref_squeeze %dma_wait3A_330 : memref<1x128x64xf32, #tpu.memory_space<vmem>> -> memref<128x64xf32, #tpu.memory_space<vmem>>
    tpu.wait_dma2 semaphore(%arg15 : memref<!tpu.dma_semaphore, #tpu.memory_space<semaphore_mem>>) src(%dma_wait3A_331 : memref<128x64xf32, #tpu.memory_space<vmem>>) dst(%dma_wait3A_327 : memref<128x64xf32, #tpu.memory_space<hbm>>)
    %scan3A_332 = arith.constant 0 : i32
    %scan3A_333 = arith.constant 8 : i32
    %scan3A_334 = arith.addi %scan3A_332, %scan3A_333 : i32
    %scan3A_335 = arith.constant 1 : i32
    scf.for %scan3A_1313 = %scan3A_332 to %scan3A_334 step %scan3A_335  : i32 {
      %mul3A_1314 = arith.constant 16 : i32
      %mul3A_1315 = arith.muli %scan3A_1313, %mul3A_1314 : i32
      %add3A_1316 = arith.constant 128 : i32
      %add3A_1317 = arith.addi %add3A_1316, %mul3A_1315 : i32
      %broadcast_in_dim3A = arith.constant 0 : i32
      %broadcast_in_dim3A_1318 = vector.broadcast %broadcast_in_dim3A : i32 to vector<16xi32>
      %get3A = arith.constant 0 : i32
      %get3A_1319 = arith.constant 0 : i32
      %get3A_1320 = arith.index_cast %get3A : i32 to index
      %get3A_1321 = arith.index_cast %get3A_1319 : i32 to index
      %get3A_1322 = arith.index_cast %add3A_1317 : i32 to index
      %get3A_1323 = tpu.vector_load %arg10[%get3A_1320, %get3A_1321, %get3A_1322] {strides = array<i32>} : memref<6x8x512xf32, #tpu.memory_space<vmem>>, vector<16xf32>,
      %broadcast_in_dim3A_1324 = arith.constant 0 : i32
      %broadcast_in_dim3A_1325 = vector.broadcast %broadcast_in_dim3A_1324 : i32 to vector<16xi32>
      %get3A_1326 = arith.constant 0 : i32
      %get3A_1327 = arith.constant 1 : i32
      %get3A_1328 = arith.index_cast %get3A_1326 : i32 to index
      %get3A_1329 = arith.index_cast %get3A_1327 : i32 to index
      %get3A_1330 = arith.index_cast %add3A_1317 : i32 to index
      %get3A_1331 = tpu.vector_load %arg10[%get3A_1328, %get3A_1329, %get3A_1330] {strides = array<i32>} : memref<6x8x512xf32, #tpu.memory_space<vmem>>, vector<16xf32>,
      %gt3A = arith.cmpf ogt, %get3A_1331, %get3A_1323 : vector<16xf32>
      %select_n3A = arith.select %gt3A, %get3A_1331, %get3A_1323 : vector<16xi1>, vector<16xf32>
      %broadcast_in_dim3A_1332 = arith.constant 1 : i32
      %broadcast_in_dim3A_1333 = vector.broadcast %broadcast_in_dim3A_1332 : i32 to vector<16xi32>
      %select_n3A_1334 = arith.select %gt3A, %broadcast_in_dim3A_1333, %broadcast_in_dim3A_1325 : vector<16xi1>, vector<16xi32>
      %get3A_1335 = arith.constant 0 : i32
      %get3A_1336 = arith.constant 2 : i32
      %get3A_1337 = arith.index_cast %get3A_1335 : i32 to index
      %get3A_1338 = arith.index_cast %get3A_1336 : i32 to index
      %get3A_1339 = arith.index_cast %add3A_1317 : i32 to index
      %get3A_1340 = tpu.vector_load %arg10[%get3A_1337, %get3A_1338, %get3A_1339] {strides = array<i32>} : memref<6x8x512xf32, #tpu.memory_space<vmem>>, vector<16xf32>,
      %gt3A_1341 = arith.cmpf ogt, %get3A_1340, %select_n3A : vector<16xf32>
      %select_n3A_1342 = arith.select %gt3A_1341, %get3A_1340, %select_n3A : vector<16xi1>, vector<16xf32>
      %broadcast_in_dim3A_1343 = arith.constant 2 : i32
      %broadcast_in_dim3A_1344 = vector.broadcast %broadcast_in_dim3A_1343 : i32 to vector<16xi32>
      %select_n3A_1345 = arith.select %gt3A_1341, %broadcast_in_dim3A_1344, %select_n3A_1334 : vector<16xi1>, vector<16xi32>
      %get3A_1346 = arith.constant 0 : i32
      %get3A_1347 = arith.constant 3 : i32
      %get3A_1348 = arith.index_cast %get3A_1346 : i32 to index
      %get3A_1349 = arith.index_cast %get3A_1347 : i32 to index
      %get3A_1350 = arith.index_cast %add3A_1317 : i32 to index
      %get3A_1351 = tpu.vector_load %arg10[%get3A_1348, %get3A_1349, %get3A_1350] {strides = array<i32>} : memref<6x8x512xf32, #tpu.memory_space<vmem>>, vector<16xf32>,
      %gt3A_1352 = arith.cmpf ogt, %get3A_1351, %select_n3A_1342 : vector<16xf32>
      %select_n3A_1353 = arith.select %gt3A_1352, %get3A_1351, %select_n3A_1342 : vector<16xi1>, vector<16xf32>
      %broadcast_in_dim3A_1354 = arith.constant 3 : i32
      %broadcast_in_dim3A_1355 = vector.broadcast %broadcast_in_dim3A_1354 : i32 to vector<16xi32>
      %select_n3A_1356 = arith.select %gt3A_1352, %broadcast_in_dim3A_1355, %select_n3A_1345 : vector<16xi1>, vector<16xi32>
      %get3A_1357 = arith.constant 0 : i32
      %get3A_1358 = arith.constant 4 : i32
      %get3A_1359 = arith.index_cast %get3A_1357 : i32 to index
      %get3A_1360 = arith.index_cast %get3A_1358 : i32 to index
      %get3A_1361 = arith.index_cast %add3A_1317 : i32 to index
      %get3A_1362 = tpu.vector_load %arg10[%get3A_1359, %get3A_1360, %get3A_1361] {strides = array<i32>} : memref<6x8x512xf32, #tpu.memory_space<vmem>>, vector<16xf32>,
      %gt3A_1363 = arith.cmpf ogt, %get3A_1362, %select_n3A_1353 : vector<16xf32>
      %select_n3A_1364 = arith.select %gt3A_1363, %get3A_1362, %select_n3A_1353 : vector<16xi1>, vector<16xf32>
      %broadcast_in_dim3A_1365 = arith.constant 4 : i32
      %broadcast_in_dim3A_1366 = vector.broadcast %broadcast_in_dim3A_1365 : i32 to vector<16xi32>
      %select_n3A_1367 = arith.select %gt3A_1363, %broadcast_in_dim3A_1366, %select_n3A_1356 : vector<16xi1>, vector<16xi32>
      %get3A_1368 = arith.constant 0 : i32
      %get3A_1369 = arith.constant 5 : i32
      %get3A_1370 = arith.index_cast %get3A_1368 : i32 to index
      %get3A_1371 = arith.index_cast %get3A_1369 : i32 to index
      %get3A_1372 = arith.index_cast %add3A_1317 : i32 to index
      %get3A_1373 = tpu.vector_load %arg10[%get3A_1370, %get3A_1371, %get3A_1372] {strides = array<i32>} : memref<6x8x512xf32, #tpu.memory_space<vmem>>, vector<16xf32>,
      %gt3A_1374 = arith.cmpf ogt, %get3A_1373, %select_n3A_1364 : vector<16xf32>
      %select_n3A_1375 = arith.select %gt3A_1374, %get3A_1373, %select_n3A_1364 : vector<16xi1>, vector<16xf32>
      %broadcast_in_dim3A_1376 = arith.constant 5 : i32
      %broadcast_in_dim3A_1377 = vector.broadcast %broadcast_in_dim3A_1376 : i32 to vector<16xi32>
      %select_n3A_1378 = arith.select %gt3A_1374, %broadcast_in_dim3A_1377, %select_n3A_1367 : vector<16xi1>, vector<16xi32>
      %get3A_1379 = arith.constant 0 : i32
      %get3A_1380 = arith.constant 6 : i32
      %get3A_1381 = arith.index_cast %get3A_1379 : i32 to index
      %get3A_1382 = arith.index_cast %get3A_1380 : i32 to index
      %get3A_1383 = arith.index_cast %add3A_1317 : i32 to index
      %get3A_1384 = tpu.vector_load %arg10[%get3A_1381, %get3A_1382, %get3A_1383] {strides = array<i32>} : memref<6x8x512xf32, #tpu.memory_space<vmem>>, vector<16xf32>,
      %gt3A_1385 = arith.cmpf ogt, %get3A_1384, %select_n3A_1375 : vector<16xf32>
      %select_n3A_1386 = arith.select %gt3A_1385, %get3A_1384, %select_n3A_1375 : vector<16xi1>, vector<16xf32>
      %broadcast_in_dim3A_1387 = arith.constant 6 : i32
      %broadcast_in_dim3A_1388 = vector.broadcast %broadcast_in_dim3A_1387 : i32 to vector<16xi32>
      %select_n3A_1389 = arith.select %gt3A_1385, %broadcast_in_dim3A_1388, %select_n3A_1378 : vector<16xi1>, vector<16xi32>
      %get3A_1390 = arith.constant 0 : i32
      %get3A_1391 = arith.constant 7 : i32
      %get3A_1392 = arith.index_cast %get3A_1390 : i32 to index
      %get3A_1393 = arith.index_cast %get3A_1391 : i32 to index
      %get3A_1394 = arith.index_cast %add3A_1317 : i32 to index
      %get3A_1395 = tpu.vector_load %arg10[%get3A_1392, %get3A_1393, %get3A_1394] {strides = array<i32>} : memref<6x8x512xf32, #tpu.memory_space<vmem>>, vector<16xf32>,
      %gt3A_1396 = arith.cmpf ogt, %get3A_1395, %select_n3A_1386 : vector<16xf32>
      %select_n3A_1397 = arith.select %gt3A_1396, %get3A_1395, %select_n3A_1386 : vector<16xi1>, vector<16xf32>
      %broadcast_in_dim3A_1398 = arith.constant 7 : i32
      %broadcast_in_dim3A_1399 = vector.broadcast %broadcast_in_dim3A_1398 : i32 to vector<16xi32>
      %select_n3A_1400 = arith.select %gt3A_1396, %broadcast_in_dim3A_1399, %select_n3A_1389 : vector<16xi1>, vector<16xi32>
      %mul3A_1401 = arith.constant 1 : i32
      %mul3A_1402 = vector.broadcast %mul3A_1401 : i32 to vector<16xi32>
      %mul3A_1403 = arith.muli %select_n3A_1400, %mul3A_1402 : vector<16xi32>
      %add3A_1404 = arith.addi %broadcast_in_dim3A_1318, %mul3A_1403 : vector<16xi32>
      %mul3A_1405 = arith.constant 16 : i32
      %mul3A_1406 = arith.muli %scan3A_1313, %mul3A_1405 : i32
      %swap3A = arith.constant 0 : i32
      %swap3A_1407 = arith.constant 1 : i32
      %swap3A_1408 = arith.index_cast %swap3A : i32 to index
      %swap3A_1409 = arith.index_cast %swap3A_1407 : i32 to index
      %swap3A_1410 = arith.index_cast %mul3A_1406 : i32 to index
      %swap3A_1411 = tpu.vector_load %arg11[%swap3A_1408, %swap3A_1409, %swap3A_1410] {strides = array<i32>} : memref<6x4x128xi32, #tpu.memory_space<vmem>>, vector<16xi32>,
      tpu.vector_store %arg11[%swap3A_1408, %swap3A_1409, %swap3A_1410], %add3A_1404 {strides = array<i32>} : memref<6x4x128xi32, #tpu.memory_space<vmem>>, vector<16xi32>,
      %get3A_1412 = arith.constant 1 : i32
      %get3A_1413 = arith.constant 0 : i32
      %get3A_1414 = arith.index_cast %get3A_1412 : i32 to index
      %get3A_1415 = arith.index_cast %get3A_1413 : i32 to index
      %get3A_1416 = arith.index_cast %add3A_1317 : i32 to index
      %get3A_1417 = tpu.vector_load %arg10[%get3A_1414, %get3A_1415, %get3A_1416] {strides = array<i32>} : memref<6x8x512xf32, #tpu.memory_space<vmem>>, vector<16xf32>,
      %broadcast_in_dim3A_1418 = arith.constant 0 : i32
      %broadcast_in_dim3A_1419 = vector.broadcast %broadcast_in_dim3A_1418 : i32 to vector<16xi32>
      %get3A_1420 = arith.constant 1 : i32
      %get3A_1421 = arith.constant 1 : i32
      %get3A_1422 = arith.index_cast %get3A_1420 : i32 to index
      %get3A_1423 = arith.index_cast %get3A_1421 : i32 to index
      %get3A_1424 = arith.index_cast %add3A_1317 : i32 to index
      %get3A_1425 = tpu.vector_load %arg10[%get3A_1422, %get3A_1423, %get3A_1424] {strides = array<i32>} : memref<6x8x512xf32, #tpu.memory_space<vmem>>, vector<16xf32>,
      %gt3A_1426 = arith.cmpf ogt, %get3A_1425, %get3A_1417 : vector<16xf32>
      %select_n3A_1427 = arith.select %gt3A_1426, %get3A_1425, %get3A_1417 : vector<16xi1>, vector<16xf32>
      %broadcast_in_dim3A_1428 = arith.constant 1 : i32
      %broadcast_in_dim3A_1429 = vector.broadcast %broadcast_in_dim3A_1428 : i32 to vector<16xi32>
      %select_n3A_1430 = arith.select %gt3A_1426, %broadcast_in_dim3A_1429, %broadcast_in_dim3A_1419 : vector<16xi1>, vector<16xi32>
      %get3A_1431 = arith.constant 1 : i32
      %get3A_1432 = arith.constant 2 : i32
      %get3A_1433 = arith.index_cast %get3A_1431 : i32 to index
      %get3A_1434 = arith.index_cast %get3A_1432 : i32 to index
      %get3A_1435 = arith.index_cast %add3A_1317 : i32 to index
      %get3A_1436 = tpu.vector_load %arg10[%get3A_1433, %get3A_1434, %get3A_1435] {strides = array<i32>} : memref<6x8x512xf32, #tpu.memory_space<vmem>>, vector<16xf32>,
      %gt3A_1437 = arith.cmpf ogt, %get3A_1436, %select_n3A_1427 : vector<16xf32>
      %select_n3A_1438 = arith.select %gt3A_1437, %get3A_1436, %select_n3A_1427 : vector<16xi1>, vector<16xf32>
      %broadcast_in_dim3A_1439 = arith.constant 2 : i32
      %broadcast_in_dim3A_1440 = vector.broadcast %broadcast_in_dim3A_1439 : i32 to vector<16xi32>
      %select_n3A_1441 = arith.select %gt3A_1437, %broadcast_in_dim3A_1440, %select_n3A_1430 : vector<16xi1>, vector<16xi32>
      %get3A_1442 = arith.constant 1 : i32
      %get3A_1443 = arith.constant 3 : i32
      %get3A_1444 = arith.index_cast %get3A_1442 : i32 to index
      %get3A_1445 = arith.index_cast %get3A_1443 : i32 to index
      %get3A_1446 = arith.index_cast %add3A_1317 : i32 to index
      %get3A_1447 = tpu.vector_load %arg10[%get3A_1444, %get3A_1445, %get3A_1446] {strides = array<i32>} : memref<6x8x512xf32, #tpu.memory_space<vmem>>, vector<16xf32>,
      %gt3A_1448 = arith.cmpf ogt, %get3A_1447, %select_n3A_1438 : vector<16xf32>
      %select_n3A_1449 = arith.select %gt3A_1448, %get3A_1447, %select_n3A_1438 : vector<16xi1>, vector<16xf32>
      %broadcast_in_dim3A_1450 = arith.constant 3 : i32
      %broadcast_in_dim3A_1451 = vector.broadcast %broadcast_in_dim3A_1450 : i32 to vector<16xi32>
      %select_n3A_1452 = arith.select %gt3A_1448, %broadcast_in_dim3A_1451, %select_n3A_1441 : vector<16xi1>, vector<16xi32>
      %get3A_1453 = arith.constant 1 : i32
      %get3A_1454 = arith.constant 4 : i32
      %get3A_1455 = arith.index_cast %get3A_1453 : i32 to index
      %get3A_1456 = arith.index_cast %get3A_1454 : i32 to index
      %get3A_1457 = arith.index_cast %add3A_1317 : i32 to index
      %get3A_1458 = tpu.vector_load %arg10[%get3A_1455, %get3A_1456, %get3A_1457] {strides = array<i32>} : memref<6x8x512xf32, #tpu.memory_space<vmem>>, vector<16xf32>,
      %gt3A_1459 = arith.cmpf ogt, %get3A_1458, %select_n3A_1449 : vector<16xf32>
      %select_n3A_1460 = arith.select %gt3A_1459, %get3A_1458, %select_n3A_1449 : vector<16xi1>, vector<16xf32>
      %broadcast_in_dim3A_1461 = arith.constant 4 : i32
      %broadcast_in_dim3A_1462 = vector.broadcast %broadcast_in_dim3A_1461 : i32 to vector<16xi32>
      %select_n3A_1463 = arith.select %gt3A_1459, %broadcast_in_dim3A_1462, %select_n3A_1452 : vector<16xi1>, vector<16xi32>
      %get3A_1464 = arith.constant 1 : i32
      %get3A_1465 = arith.constant 5 : i32
      %get3A_1466 = arith.index_cast %get3A_1464 : i32 to index
      %get3A_1467 = arith.index_cast %get3A_1465 : i32 to index
      %get3A_1468 = arith.index_cast %add3A_1317 : i32 to index
      %get3A_1469 = tpu.vector_load %arg10[%get3A_1466, %get3A_1467, %get3A_1468] {strides = array<i32>} : memref<6x8x512xf32, #tpu.memory_space<vmem>>, vector<16xf32>,
      %gt3A_1470 = arith.cmpf ogt, %get3A_1469, %select_n3A_1460 : vector<16xf32>
      %select_n3A_1471 = arith.select %gt3A_1470, %get3A_1469, %select_n3A_1460 : vector<16xi1>, vector<16xf32>
      %broadcast_in_dim3A_1472 = arith.constant 5 : i32
      %broadcast_in_dim3A_1473 = vector.broadcast %broadcast_in_dim3A_1472 : i32 to vector<16xi32>
      %select_n3A_1474 = arith.select %gt3A_1470, %broadcast_in_dim3A_1473, %select_n3A_1463 : vector<16xi1>, vector<16xi32>
      %get3A_1475 = arith.constant 1 : i32
      %get3A_1476 = arith.constant 6 : i32
      %get3A_1477 = arith.index_cast %get3A_1475 : i32 to index
      %get3A_1478 = arith.index_cast %get3A_1476 : i32 to index
      %get3A_1479 = arith.index_cast %add3A_1317 : i32 to index
      %get3A_1480 = tpu.vector_load %arg10[%get3A_1477, %get3A_1478, %get3A_1479] {strides = array<i32>} : memref<6x8x512xf32, #tpu.memory_space<vmem>>, vector<16xf32>,
      %gt3A_1481 = arith.cmpf ogt, %get3A_1480, %select_n3A_1471 : vector<16xf32>
      %select_n3A_1482 = arith.select %gt3A_1481, %get3A_1480, %select_n3A_1471 : vector<16xi1>, vector<16xf32>
      %broadcast_in_dim3A_1483 = arith.constant 6 : i32
      %broadcast_in_dim3A_1484 = vector.broadcast %broadcast_in_dim3A_1483 : i32 to vector<16xi32>
      %select_n3A_1485 = arith.select %gt3A_1481, %broadcast_in_dim3A_1484, %select_n3A_1474 : vector<16xi1>, vector<16xi32>
      %get3A_1486 = arith.constant 1 : i32
      %get3A_1487 = arith.constant 7 : i32
      %get3A_1488 = arith.index_cast %get3A_1486 : i32 to index
      %get3A_1489 = arith.index_cast %get3A_1487 : i32 to index
      %get3A_1490 = arith.index_cast %add3A_1317 : i32 to index
      %get3A_1491 = tpu.vector_load %arg10[%get3A_1488, %get3A_1489, %get3A_1490] {strides = array<i32>} : memref<6x8x512xf32, #tpu.memory_space<vmem>>, vector<16xf32>,
      %gt3A_1492 = arith.cmpf ogt, %get3A_1491, %select_n3A_1482 : vector<16xf32>
      %select_n3A_1493 = arith.select %gt3A_1492, %get3A_1491, %select_n3A_1482 : vector<16xi1>, vector<16xf32>
      %broadcast_in_dim3A_1494 = arith.constant 7 : i32
      %broadcast_in_dim3A_1495 = vector.broadcast %broadcast_in_dim3A_1494 : i32 to vector<16xi32>
      %select_n3A_1496 = arith.select %gt3A_1492, %broadcast_in_dim3A_1495, %select_n3A_1485 : vector<16xi1>, vector<16xi32>
      %mul3A_1497 = arith.constant 8 : i32
      %mul3A_1498 = vector.broadcast %mul3A_1497 : i32 to vector<16xi32>
      %mul3A_1499 = arith.muli %select_n3A_1496, %mul3A_1498 : vector<16xi32>
      %add3A_1500 = arith.addi %add3A_1404, %mul3A_1499 : vector<16xi32>
      %mul3A_1501 = arith.constant 16 : i32
      %mul3A_1502 = arith.muli %scan3A_1313, %mul3A_1501 : i32
      %swap3A_1503 = arith.constant 1 : i32
      %swap3A_1504 = arith.constant 1 : i32
      %swap3A_1505 = arith.index_cast %swap3A_1503 : i32 to index
      %swap3A_1506 = arith.index_cast %swap3A_1504 : i32 to index
      %swap3A_1507 = arith.index_cast %mul3A_1502 : i32 to index
      %swap3A_1508 = tpu.vector_load %arg11[%swap3A_1505, %swap3A_1506, %swap3A_1507] {strides = array<i32>} : memref<6x4x128xi32, #tpu.memory_space<vmem>>, vector<16xi32>,
      tpu.vector_store %arg11[%swap3A_1505, %swap3A_1506, %swap3A_1507], %add3A_1500 {strides = array<i32>} : memref<6x4x128xi32, #tpu.memory_space<vmem>>, vector<16xi32>,
      %get3A_1509 = arith.constant 2 : i32
      %get3A_1510 = arith.constant 0 : i32
      %get3A_1511 = arith.index_cast %get3A_1509 : i32 to index
      %get3A_1512 = arith.index_cast %get3A_1510 : i32 to index
      %get3A_1513 = arith.index_cast %add3A_1317 : i32 to index
      %get3A_1514 = tpu.vector_load %arg10[%get3A_1511, %get3A_1512, %get3A_1513] {strides = array<i32>} : memref<6x8x512xf32, #tpu.memory_space<vmem>>, vector<16xf32>,
      %broadcast_in_dim3A_1515 = arith.constant 0 : i32
      %broadcast_in_dim3A_1516 = vector.broadcast %broadcast_in_dim3A_1515 : i32 to vector<16xi32>
      %get3A_1517 = arith.constant 2 : i32
      %get3A_1518 = arith.constant 1 : i32
      %get3A_1519 = arith.index_cast %get3A_1517 : i32 to index
      %get3A_1520 = arith.index_cast %get3A_1518 : i32 to index
      %get3A_1521 = arith.index_cast %add3A_1317 : i32 to index
      %get3A_1522 = tpu.vector_load %arg10[%get3A_1519, %get3A_1520, %get3A_1521] {strides = array<i32>} : memref<6x8x512xf32, #tpu.memory_space<vmem>>, vector<16xf32>,
      %gt3A_1523 = arith.cmpf ogt, %get3A_1522, %get3A_1514 : vector<16xf32>
      %select_n3A_1524 = arith.select %gt3A_1523, %get3A_1522, %get3A_1514 : vector<16xi1>, vector<16xf32>
      %broadcast_in_dim3A_1525 = arith.constant 1 : i32
      %broadcast_in_dim3A_1526 = vector.broadcast %broadcast_in_dim3A_1525 : i32 to vector<16xi32>
      %select_n3A_1527 = arith.select %gt3A_1523, %broadcast_in_dim3A_1526, %broadcast_in_dim3A_1516 : vector<16xi1>, vector<16xi32>
      %get3A_1528 = arith.constant 2 : i32
      %get3A_1529 = arith.constant 2 : i32
      %get3A_1530 = arith.index_cast %get3A_1528 : i32 to index
      %get3A_1531 = arith.index_cast %get3A_1529 : i32 to index
      %get3A_1532 = arith.index_cast %add3A_1317 : i32 to index
      %get3A_1533 = tpu.vector_load %arg10[%get3A_1530, %get3A_1531, %get3A_1532] {strides = array<i32>} : memref<6x8x512xf32, #tpu.memory_space<vmem>>, vector<16xf32>,
      %gt3A_1534 = arith.cmpf ogt, %get3A_1533, %select_n3A_1524 : vector<16xf32>
      %select_n3A_1535 = arith.select %gt3A_1534, %get3A_1533, %select_n3A_1524 : vector<16xi1>, vector<16xf32>
      %broadcast_in_dim3A_1536 = arith.constant 2 : i32
      %broadcast_in_dim3A_1537 = vector.broadcast %broadcast_in_dim3A_1536 : i32 to vector<16xi32>
      %select_n3A_1538 = arith.select %gt3A_1534, %broadcast_in_dim3A_1537, %select_n3A_1527 : vector<16xi1>, vector<16xi32>
      %get3A_1539 = arith.constant 2 : i32
      %get3A_1540 = arith.constant 3 : i32
      %get3A_1541 = arith.index_cast %get3A_1539 : i32 to index
      %get3A_1542 = arith.index_cast %get3A_1540 : i32 to index
      %get3A_1543 = arith.index_cast %add3A_1317 : i32 to index
      %get3A_1544 = tpu.vector_load %arg10[%get3A_1541, %get3A_1542, %get3A_1543] {strides = array<i32>} : memref<6x8x512xf32, #tpu.memory_space<vmem>>, vector<16xf32>,
      %gt3A_1545 = arith.cmpf ogt, %get3A_1544, %select_n3A_1535 : vector<16xf32>
      %select_n3A_1546 = arith.select %gt3A_1545, %get3A_1544, %select_n3A_1535 : vector<16xi1>, vector<16xf32>
      %broadcast_in_dim3A_1547 = arith.constant 3 : i32
      %broadcast_in_dim3A_1548 = vector.broadcast %broadcast_in_dim3A_1547 : i32 to vector<16xi32>
      %select_n3A_1549 = arith.select %gt3A_1545, %broadcast_in_dim3A_1548, %select_n3A_1538 : vector<16xi1>, vector<16xi32>
      %get3A_1550 = arith.constant 2 : i32
      %get3A_1551 = arith.constant 4 : i32
      %get3A_1552 = arith.index_cast %get3A_1550 : i32 to index
      %get3A_1553 = arith.index_cast %get3A_1551 : i32 to index
      %get3A_1554 = arith.index_cast %add3A_1317 : i32 to index
      %get3A_1555 = tpu.vector_load %arg10[%get3A_1552, %get3A_1553, %get3A_1554] {strides = array<i32>} : memref<6x8x512xf32, #tpu.memory_space<vmem>>, vector<16xf32>,
      %gt3A_1556 = arith.cmpf ogt, %get3A_1555, %select_n3A_1546 : vector<16xf32>
      %select_n3A_1557 = arith.select %gt3A_1556, %get3A_1555, %select_n3A_1546 : vector<16xi1>, vector<16xf32>
      %broadcast_in_dim3A_1558 = arith.constant 4 : i32
      %broadcast_in_dim3A_1559 = vector.broadcast %broadcast_in_dim3A_1558 : i32 to vector<16xi32>
      %select_n3A_1560 = arith.select %gt3A_1556, %broadcast_in_dim3A_1559, %select_n3A_1549 : vector<16xi1>, vector<16xi32>
      %get3A_1561 = arith.constant 2 : i32
      %get3A_1562 = arith.constant 5 : i32
      %get3A_1563 = arith.index_cast %get3A_1561 : i32 to index
      %get3A_1564 = arith.index_cast %get3A_1562 : i32 to index
      %get3A_1565 = arith.index_cast %add3A_1317 : i32 to index
      %get3A_1566 = tpu.vector_load %arg10[%get3A_1563, %get3A_1564, %get3A_1565] {strides = array<i32>} : memref<6x8x512xf32, #tpu.memory_space<vmem>>, vector<16xf32>,
      %gt3A_1567 = arith.cmpf ogt, %get3A_1566, %select_n3A_1557 : vector<16xf32>
      %select_n3A_1568 = arith.select %gt3A_1567, %get3A_1566, %select_n3A_1557 : vector<16xi1>, vector<16xf32>
      %broadcast_in_dim3A_1569 = arith.constant 5 : i32
      %broadcast_in_dim3A_1570 = vector.broadcast %broadcast_in_dim3A_1569 : i32 to vector<16xi32>
      %select_n3A_1571 = arith.select %gt3A_1567, %broadcast_in_dim3A_1570, %select_n3A_1560 : vector<16xi1>, vector<16xi32>
      %get3A_1572 = arith.constant 2 : i32
      %get3A_1573 = arith.constant 6 : i32
      %get3A_1574 = arith.index_cast %get3A_1572 : i32 to index
      %get3A_1575 = arith.index_cast %get3A_1573 : i32 to index
      %get3A_1576 = arith.index_cast %add3A_1317 : i32 to index
      %get3A_1577 = tpu.vector_load %arg10[%get3A_1574, %get3A_1575, %get3A_1576] {strides = array<i32>} : memref<6x8x512xf32, #tpu.memory_space<vmem>>, vector<16xf32>,
      %gt3A_1578 = arith.cmpf ogt, %get3A_1577, %select_n3A_1568 : vector<16xf32>
      %select_n3A_1579 = arith.select %gt3A_1578, %get3A_1577, %select_n3A_1568 : vector<16xi1>, vector<16xf32>
      %broadcast_in_dim3A_1580 = arith.constant 6 : i32
      %broadcast_in_dim3A_1581 = vector.broadcast %broadcast_in_dim3A_1580 : i32 to vector<16xi32>
      %select_n3A_1582 = arith.select %gt3A_1578, %broadcast_in_dim3A_1581, %select_n3A_1571 : vector<16xi1>, vector<16xi32>
      %get3A_1583 = arith.constant 2 : i32
      %get3A_1584 = arith.constant 7 : i32
      %get3A_1585 = arith.index_cast %get3A_1583 : i32 to index
      %get3A_1586 = arith.index_cast %get3A_1584 : i32 to index
      %get3A_1587 = arith.index_cast %add3A_1317 : i32 to index
      %get3A_1588 = tpu.vector_load %arg10[%get3A_1585, %get3A_1586, %get3A_1587] {strides = array<i32>} : memref<6x8x512xf32, #tpu.memory_space<vmem>>, vector<16xf32>,
      %gt3A_1589 = arith.cmpf ogt, %get3A_1588, %select_n3A_1579 : vector<16xf32>
      %select_n3A_1590 = arith.select %gt3A_1589, %get3A_1588, %select_n3A_1579 : vector<16xi1>, vector<16xf32>
      %broadcast_in_dim3A_1591 = arith.constant 7 : i32
      %broadcast_in_dim3A_1592 = vector.broadcast %broadcast_in_dim3A_1591 : i32 to vector<16xi32>
      %select_n3A_1593 = arith.select %gt3A_1589, %broadcast_in_dim3A_1592, %select_n3A_1582 : vector<16xi1>, vector<16xi32>
      %mul3A_1594 = arith.constant 64 : i32
      %mul3A_1595 = vector.broadcast %mul3A_1594 : i32 to vector<16xi32>
      %mul3A_1596 = arith.muli %select_n3A_1593, %mul3A_1595 : vector<16xi32>
      %add3A_1597 = arith.addi %add3A_1500, %mul3A_1596 : vector<16xi32>
      %mul3A_1598 = arith.constant 16 : i32
      %mul3A_1599 = arith.muli %scan3A_1313, %mul3A_1598 : i32
      %swap3A_1600 = arith.constant 2 : i32
      %swap3A_1601 = arith.constant 1 : i32
      %swap3A_1602 = arith.index_cast %swap3A_1600 : i32 to index
      %swap3A_1603 = arith.index_cast %swap3A_1601 : i32 to index
      %swap3A_1604 = arith.index_cast %mul3A_1599 : i32 to index
      %swap3A_1605 = tpu.vector_load %arg11[%swap3A_1602, %swap3A_1603, %swap3A_1604] {strides = array<i32>} : memref<6x4x128xi32, #tpu.memory_space<vmem>>, vector<16xi32>,
      tpu.vector_store %arg11[%swap3A_1602, %swap3A_1603, %swap3A_1604], %add3A_1597 {strides = array<i32>} : memref<6x4x128xi32, #tpu.memory_space<vmem>>, vector<16xi32>,
      %get3A_1606 = arith.constant 3 : i32
      %get3A_1607 = arith.constant 0 : i32
      %get3A_1608 = arith.index_cast %get3A_1606 : i32 to index
      %get3A_1609 = arith.index_cast %get3A_1607 : i32 to index
      %get3A_1610 = arith.index_cast %add3A_1317 : i32 to index
      %get3A_1611 = tpu.vector_load %arg10[%get3A_1608, %get3A_1609, %get3A_1610] {strides = array<i32>} : memref<6x8x512xf32, #tpu.memory_space<vmem>>, vector<16xf32>,
      %broadcast_in_dim3A_1612 = arith.constant 0 : i32
      %broadcast_in_dim3A_1613 = vector.broadcast %broadcast_in_dim3A_1612 : i32 to vector<16xi32>
      %get3A_1614 = arith.constant 3 : i32
      %get3A_1615 = arith.constant 1 : i32
      %get3A_1616 = arith.index_cast %get3A_1614 : i32 to index
      %get3A_1617 = arith.index_cast %get3A_1615 : i32 to index
      %get3A_1618 = arith.index_cast %add3A_1317 : i32 to index
      %get3A_1619 = tpu.vector_load %arg10[%get3A_1616, %get3A_1617, %get3A_1618] {strides = array<i32>} : memref<6x8x512xf32, #tpu.memory_space<vmem>>, vector<16xf32>,
      %gt3A_1620 = arith.cmpf ogt, %get3A_1619, %get3A_1611 : vector<16xf32>
      %select_n3A_1621 = arith.select %gt3A_1620, %get3A_1619, %get3A_1611 : vector<16xi1>, vector<16xf32>
      %broadcast_in_dim3A_1622 = arith.constant 1 : i32
      %broadcast_in_dim3A_1623 = vector.broadcast %broadcast_in_dim3A_1622 : i32 to vector<16xi32>
      %select_n3A_1624 = arith.select %gt3A_1620, %broadcast_in_dim3A_1623, %broadcast_in_dim3A_1613 : vector<16xi1>, vector<16xi32>
      %get3A_1625 = arith.constant 3 : i32
      %get3A_1626 = arith.constant 2 : i32
      %get3A_1627 = arith.index_cast %get3A_1625 : i32 to index
      %get3A_1628 = arith.index_cast %get3A_1626 : i32 to index
      %get3A_1629 = arith.index_cast %add3A_1317 : i32 to index
      %get3A_1630 = tpu.vector_load %arg10[%get3A_1627, %get3A_1628, %get3A_1629] {strides = array<i32>} : memref<6x8x512xf32, #tpu.memory_space<vmem>>, vector<16xf32>,
      %gt3A_1631 = arith.cmpf ogt, %get3A_1630, %select_n3A_1621 : vector<16xf32>
      %select_n3A_1632 = arith.select %gt3A_1631, %get3A_1630, %select_n3A_1621 : vector<16xi1>, vector<16xf32>
      %broadcast_in_dim3A_1633 = arith.constant 2 : i32
      %broadcast_in_dim3A_1634 = vector.broadcast %broadcast_in_dim3A_1633 : i32 to vector<16xi32>
      %select_n3A_1635 = arith.select %gt3A_1631, %broadcast_in_dim3A_1634, %select_n3A_1624 : vector<16xi1>, vector<16xi32>
      %get3A_1636 = arith.constant 3 : i32
      %get3A_1637 = arith.constant 3 : i32
      %get3A_1638 = arith.index_cast %get3A_1636 : i32 to index
      %get3A_1639 = arith.index_cast %get3A_1637 : i32 to index
      %get3A_1640 = arith.index_cast %add3A_1317 : i32 to index
      %get3A_1641 = tpu.vector_load %arg10[%get3A_1638, %get3A_1639, %get3A_1640] {strides = array<i32>} : memref<6x8x512xf32, #tpu.memory_space<vmem>>, vector<16xf32>,
      %gt3A_1642 = arith.cmpf ogt, %get3A_1641, %select_n3A_1632 : vector<16xf32>
      %select_n3A_1643 = arith.select %gt3A_1642, %get3A_1641, %select_n3A_1632 : vector<16xi1>, vector<16xf32>
      %broadcast_in_dim3A_1644 = arith.constant 3 : i32
      %broadcast_in_dim3A_1645 = vector.broadcast %broadcast_in_dim3A_1644 : i32 to vector<16xi32>
      %select_n3A_1646 = arith.select %gt3A_1642, %broadcast_in_dim3A_1645, %select_n3A_1635 : vector<16xi1>, vector<16xi32>
      %get3A_1647 = arith.constant 3 : i32
      %get3A_1648 = arith.constant 4 : i32
      %get3A_1649 = arith.index_cast %get3A_1647 : i32 to index
      %get3A_1650 = arith.index_cast %get3A_1648 : i32 to index
      %get3A_1651 = arith.index_cast %add3A_1317 : i32 to index
      %get3A_1652 = tpu.vector_load %arg10[%get3A_1649, %get3A_1650, %get3A_1651] {strides = array<i32>} : memref<6x8x512xf32, #tpu.memory_space<vmem>>, vector<16xf32>,
      %gt3A_1653 = arith.cmpf ogt, %get3A_1652, %select_n3A_1643 : vector<16xf32>
      %select_n3A_1654 = arith.select %gt3A_1653, %get3A_1652, %select_n3A_1643 : vector<16xi1>, vector<16xf32>
      %broadcast_in_dim3A_1655 = arith.constant 4 : i32
      %broadcast_in_dim3A_1656 = vector.broadcast %broadcast_in_dim3A_1655 : i32 to vector<16xi32>
      %select_n3A_1657 = arith.select %gt3A_1653, %broadcast_in_dim3A_1656, %select_n3A_1646 : vector<16xi1>, vector<16xi32>
      %get3A_1658 = arith.constant 3 : i32
      %get3A_1659 = arith.constant 5 : i32
      %get3A_1660 = arith.index_cast %get3A_1658 : i32 to index
      %get3A_1661 = arith.index_cast %get3A_1659 : i32 to index
      %get3A_1662 = arith.index_cast %add3A_1317 : i32 to index
      %get3A_1663 = tpu.vector_load %arg10[%get3A_1660, %get3A_1661, %get3A_1662] {strides = array<i32>} : memref<6x8x512xf32, #tpu.memory_space<vmem>>, vector<16xf32>,
      %gt3A_1664 = arith.cmpf ogt, %get3A_1663, %select_n3A_1654 : vector<16xf32>
      %select_n3A_1665 = arith.select %gt3A_1664, %get3A_1663, %select_n3A_1654 : vector<16xi1>, vector<16xf32>
      %broadcast_in_dim3A_1666 = arith.constant 5 : i32
      %broadcast_in_dim3A_1667 = vector.broadcast %broadcast_in_dim3A_1666 : i32 to vector<16xi32>
      %select_n3A_1668 = arith.select %gt3A_1664, %broadcast_in_dim3A_1667, %select_n3A_1657 : vector<16xi1>, vector<16xi32>
      %get3A_1669 = arith.constant 3 : i32
      %get3A_1670 = arith.constant 6 : i32
      %get3A_1671 = arith.index_cast %get3A_1669 : i32 to index
      %get3A_1672 = arith.index_cast %get3A_1670 : i32 to index
      %get3A_1673 = arith.index_cast %add3A_1317 : i32 to index
      %get3A_1674 = tpu.vector_load %arg10[%get3A_1671, %get3A_1672, %get3A_1673] {strides = array<i32>} : memref<6x8x512xf32, #tpu.memory_space<vmem>>, vector<16xf32>,
      %gt3A_1675 = arith.cmpf ogt, %get3A_1674, %select_n3A_1665 : vector<16xf32>
      %select_n3A_1676 = arith.select %gt3A_1675, %get3A_1674, %select_n3A_1665 : vector<16xi1>, vector<16xf32>
      %broadcast_in_dim3A_1677 = arith.constant 6 : i32
      %broadcast_in_dim3A_1678 = vector.broadcast %broadcast_in_dim3A_1677 : i32 to vector<16xi32>
      %select_n3A_1679 = arith.select %gt3A_1675, %broadcast_in_dim3A_1678, %select_n3A_1668 : vector<16xi1>, vector<16xi32>
      %get3A_1680 = arith.constant 3 : i32
      %get3A_1681 = arith.constant 7 : i32
      %get3A_1682 = arith.index_cast %get3A_1680 : i32 to index
      %get3A_1683 = arith.index_cast %get3A_1681 : i32 to index
      %get3A_1684 = arith.index_cast %add3A_1317 : i32 to index
      %get3A_1685 = tpu.vector_load %arg10[%get3A_1682, %get3A_1683, %get3A_1684] {strides = array<i32>} : memref<6x8x512xf32, #tpu.memory_space<vmem>>, vector<16xf32>,
      %gt3A_1686 = arith.cmpf ogt, %get3A_1685, %select_n3A_1676 : vector<16xf32>
      %select_n3A_1687 = arith.select %gt3A_1686, %get3A_1685, %select_n3A_1676 : vector<16xi1>, vector<16xf32>
      %broadcast_in_dim3A_1688 = arith.constant 7 : i32
      %broadcast_in_dim3A_1689 = vector.broadcast %broadcast_in_dim3A_1688 : i32 to vector<16xi32>
      %select_n3A_1690 = arith.select %gt3A_1686, %broadcast_in_dim3A_1689, %select_n3A_1679 : vector<16xi1>, vector<16xi32>
      %mul3A_1691 = arith.constant 512 : i32
      %mul3A_1692 = vector.broadcast %mul3A_1691 : i32 to vector<16xi32>
      %mul3A_1693 = arith.muli %select_n3A_1690, %mul3A_1692 : vector<16xi32>
      %add3A_1694 = arith.addi %add3A_1597, %mul3A_1693 : vector<16xi32>
      %mul3A_1695 = arith.constant 16 : i32
      %mul3A_1696 = arith.muli %scan3A_1313, %mul3A_1695 : i32
      %swap3A_1697 = arith.constant 3 : i32
      %swap3A_1698 = arith.constant 1 : i32
      %swap3A_1699 = arith.index_cast %swap3A_1697 : i32 to index
      %swap3A_1700 = arith.index_cast %swap3A_1698 : i32 to index
      %swap3A_1701 = arith.index_cast %mul3A_1696 : i32 to index
      %swap3A_1702 = tpu.vector_load %arg11[%swap3A_1699, %swap3A_1700, %swap3A_1701] {strides = array<i32>} : memref<6x4x128xi32, #tpu.memory_space<vmem>>, vector<16xi32>,
      tpu.vector_store %arg11[%swap3A_1699, %swap3A_1700, %swap3A_1701], %add3A_1694 {strides = array<i32>} : memref<6x4x128xi32, #tpu.memory_space<vmem>>, vector<16xi32>,
      %get3A_1703 = arith.constant 4 : i32
      %get3A_1704 = arith.constant 0 : i32
      %get3A_1705 = arith.index_cast %get3A_1703 : i32 to index
      %get3A_1706 = arith.index_cast %get3A_1704 : i32 to index
      %get3A_1707 = arith.index_cast %add3A_1317 : i32 to index
      %get3A_1708 = tpu.vector_load %arg10[%get3A_1705, %get3A_1706, %get3A_1707] {strides = array<i32>} : memref<6x8x512xf32, #tpu.memory_space<vmem>>, vector<16xf32>,
      %broadcast_in_dim3A_1709 = arith.constant 0 : i32
      %broadcast_in_dim3A_1710 = vector.broadcast %broadcast_in_dim3A_1709 : i32 to vector<16xi32>
      %get3A_1711 = arith.constant 4 : i32
      %get3A_1712 = arith.constant 1 : i32
      %get3A_1713 = arith.index_cast %get3A_1711 : i32 to index
      %get3A_1714 = arith.index_cast %get3A_1712 : i32 to index
      %get3A_1715 = arith.index_cast %add3A_1317 : i32 to index
      %get3A_1716 = tpu.vector_load %arg10[%get3A_1713, %get3A_1714, %get3A_1715] {strides = array<i32>} : memref<6x8x512xf32, #tpu.memory_space<vmem>>, vector<16xf32>,
      %gt3A_1717 = arith.cmpf ogt, %get3A_1716, %get3A_1708 : vector<16xf32>
      %select_n3A_1718 = arith.select %gt3A_1717, %get3A_1716, %get3A_1708 : vector<16xi1>, vector<16xf32>
      %broadcast_in_dim3A_1719 = arith.constant 1 : i32
      %broadcast_in_dim3A_1720 = vector.broadcast %broadcast_in_dim3A_1719 : i32 to vector<16xi32>
      %select_n3A_1721 = arith.select %gt3A_1717, %broadcast_in_dim3A_1720, %broadcast_in_dim3A_1710 : vector<16xi1>, vector<16xi32>
      %get3A_1722 = arith.constant 4 : i32
      %get3A_1723 = arith.constant 2 : i32
      %get3A_1724 = arith.index_cast %get3A_1722 : i32 to index
      %get3A_1725 = arith.index_cast %get3A_1723 : i32 to index
      %get3A_1726 = arith.index_cast %add3A_1317 : i32 to index
      %get3A_1727 = tpu.vector_load %arg10[%get3A_1724, %get3A_1725, %get3A_1726] {strides = array<i32>} : memref<6x8x512xf32, #tpu.memory_space<vmem>>, vector<16xf32>,
      %gt3A_1728 = arith.cmpf ogt, %get3A_1727, %select_n3A_1718 : vector<16xf32>
      %select_n3A_1729 = arith.select %gt3A_1728, %get3A_1727, %select_n3A_1718 : vector<16xi1>, vector<16xf32>
      %broadcast_in_dim3A_1730 = arith.constant 2 : i32
      %broadcast_in_dim3A_1731 = vector.broadcast %broadcast_in_dim3A_1730 : i32 to vector<16xi32>
      %select_n3A_1732 = arith.select %gt3A_1728, %broadcast_in_dim3A_1731, %select_n3A_1721 : vector<16xi1>, vector<16xi32>
      %get3A_1733 = arith.constant 4 : i32
      %get3A_1734 = arith.constant 3 : i32
      %get3A_1735 = arith.index_cast %get3A_1733 : i32 to index
      %get3A_1736 = arith.index_cast %get3A_1734 : i32 to index
      %get3A_1737 = arith.index_cast %add3A_1317 : i32 to index
      %get3A_1738 = tpu.vector_load %arg10[%get3A_1735, %get3A_1736, %get3A_1737] {strides = array<i32>} : memref<6x8x512xf32, #tpu.memory_space<vmem>>, vector<16xf32>,
      %gt3A_1739 = arith.cmpf ogt, %get3A_1738, %select_n3A_1729 : vector<16xf32>
      %select_n3A_1740 = arith.select %gt3A_1739, %get3A_1738, %select_n3A_1729 : vector<16xi1>, vector<16xf32>
      %broadcast_in_dim3A_1741 = arith.constant 3 : i32
      %broadcast_in_dim3A_1742 = vector.broadcast %broadcast_in_dim3A_1741 : i32 to vector<16xi32>
      %select_n3A_1743 = arith.select %gt3A_1739, %broadcast_in_dim3A_1742, %select_n3A_1732 : vector<16xi1>, vector<16xi32>
      %get3A_1744 = arith.constant 4 : i32
      %get3A_1745 = arith.constant 4 : i32
      %get3A_1746 = arith.index_cast %get3A_1744 : i32 to index
      %get3A_1747 = arith.index_cast %get3A_1745 : i32 to index
      %get3A_1748 = arith.index_cast %add3A_1317 : i32 to index
      %get3A_1749 = tpu.vector_load %arg10[%get3A_1746, %get3A_1747, %get3A_1748] {strides = array<i32>} : memref<6x8x512xf32, #tpu.memory_space<vmem>>, vector<16xf32>,
      %gt3A_1750 = arith.cmpf ogt, %get3A_1749, %select_n3A_1740 : vector<16xf32>
      %select_n3A_1751 = arith.select %gt3A_1750, %get3A_1749, %select_n3A_1740 : vector<16xi1>, vector<16xf32>
      %broadcast_in_dim3A_1752 = arith.constant 4 : i32
      %broadcast_in_dim3A_1753 = vector.broadcast %broadcast_in_dim3A_1752 : i32 to vector<16xi32>
      %select_n3A_1754 = arith.select %gt3A_1750, %broadcast_in_dim3A_1753, %select_n3A_1743 : vector<16xi1>, vector<16xi32>
      %get3A_1755 = arith.constant 4 : i32
      %get3A_1756 = arith.constant 5 : i32
      %get3A_1757 = arith.index_cast %get3A_1755 : i32 to index
      %get3A_1758 = arith.index_cast %get3A_1756 : i32 to index
      %get3A_1759 = arith.index_cast %add3A_1317 : i32 to index
      %get3A_1760 = tpu.vector_load %arg10[%get3A_1757, %get3A_1758, %get3A_1759] {strides = array<i32>} : memref<6x8x512xf32, #tpu.memory_space<vmem>>, vector<16xf32>,
      %gt3A_1761 = arith.cmpf ogt, %get3A_1760, %select_n3A_1751 : vector<16xf32>
      %select_n3A_1762 = arith.select %gt3A_1761, %get3A_1760, %select_n3A_1751 : vector<16xi1>, vector<16xf32>
      %broadcast_in_dim3A_1763 = arith.constant 5 : i32
      %broadcast_in_dim3A_1764 = vector.broadcast %broadcast_in_dim3A_1763 : i32 to vector<16xi32>
      %select_n3A_1765 = arith.select %gt3A_1761, %broadcast_in_dim3A_1764, %select_n3A_1754 : vector<16xi1>, vector<16xi32>
      %get3A_1766 = arith.constant 4 : i32
      %get3A_1767 = arith.constant 6 : i32
      %get3A_1768 = arith.index_cast %get3A_1766 : i32 to index
      %get3A_1769 = arith.index_cast %get3A_1767 : i32 to index
      %get3A_1770 = arith.index_cast %add3A_1317 : i32 to index
      %get3A_1771 = tpu.vector_load %arg10[%get3A_1768, %get3A_1769, %get3A_1770] {strides = array<i32>} : memref<6x8x512xf32, #tpu.memory_space<vmem>>, vector<16xf32>,
      %gt3A_1772 = arith.cmpf ogt, %get3A_1771, %select_n3A_1762 : vector<16xf32>
      %select_n3A_1773 = arith.select %gt3A_1772, %get3A_1771, %select_n3A_1762 : vector<16xi1>, vector<16xf32>
      %broadcast_in_dim3A_1774 = arith.constant 6 : i32
      %broadcast_in_dim3A_1775 = vector.broadcast %broadcast_in_dim3A_1774 : i32 to vector<16xi32>
      %select_n3A_1776 = arith.select %gt3A_1772, %broadcast_in_dim3A_1775, %select_n3A_1765 : vector<16xi1>, vector<16xi32>
      %get3A_1777 = arith.constant 4 : i32
      %get3A_1778 = arith.constant 7 : i32
      %get3A_1779 = arith.index_cast %get3A_1777 : i32 to index
      %get3A_1780 = arith.index_cast %get3A_1778 : i32 to index
      %get3A_1781 = arith.index_cast %add3A_1317 : i32 to index
      %get3A_1782 = tpu.vector_load %arg10[%get3A_1779, %get3A_1780, %get3A_1781] {strides = array<i32>} : memref<6x8x512xf32, #tpu.memory_space<vmem>>, vector<16xf32>,
      %gt3A_1783 = arith.cmpf ogt, %get3A_1782, %select_n3A_1773 : vector<16xf32>
      %select_n3A_1784 = arith.select %gt3A_1783, %get3A_1782, %select_n3A_1773 : vector<16xi1>, vector<16xf32>
      %broadcast_in_dim3A_1785 = arith.constant 7 : i32
      %broadcast_in_dim3A_1786 = vector.broadcast %broadcast_in_dim3A_1785 : i32 to vector<16xi32>
      %select_n3A_1787 = arith.select %gt3A_1783, %broadcast_in_dim3A_1786, %select_n3A_1776 : vector<16xi1>, vector<16xi32>
      %mul3A_1788 = arith.constant 4096 : i32
      %mul3A_1789 = vector.broadcast %mul3A_1788 : i32 to vector<16xi32>
      %mul3A_1790 = arith.muli %select_n3A_1787, %mul3A_1789 : vector<16xi32>
      %add3A_1791 = arith.addi %add3A_1694, %mul3A_1790 : vector<16xi32>
      %mul3A_1792 = arith.constant 16 : i32
      %mul3A_1793 = arith.muli %scan3A_1313, %mul3A_1792 : i32
      %swap3A_1794 = arith.constant 4 : i32
      %swap3A_1795 = arith.constant 1 : i32
      %swap3A_1796 = arith.index_cast %swap3A_1794 : i32 to index
      %swap3A_1797 = arith.index_cast %swap3A_1795 : i32 to index
      %swap3A_1798 = arith.index_cast %mul3A_1793 : i32 to index
      %swap3A_1799 = tpu.vector_load %arg11[%swap3A_1796, %swap3A_1797, %swap3A_1798] {strides = array<i32>} : memref<6x4x128xi32, #tpu.memory_space<vmem>>, vector<16xi32>,
      tpu.vector_store %arg11[%swap3A_1796, %swap3A_1797, %swap3A_1798], %add3A_1791 {strides = array<i32>} : memref<6x4x128xi32, #tpu.memory_space<vmem>>, vector<16xi32>,
      %get3A_1800 = arith.constant 5 : i32
      %get3A_1801 = arith.constant 0 : i32
      %get3A_1802 = arith.index_cast %get3A_1800 : i32 to index
      %get3A_1803 = arith.index_cast %get3A_1801 : i32 to index
      %get3A_1804 = arith.index_cast %add3A_1317 : i32 to index
      %get3A_1805 = tpu.vector_load %arg10[%get3A_1802, %get3A_1803, %get3A_1804] {strides = array<i32>} : memref<6x8x512xf32, #tpu.memory_space<vmem>>, vector<16xf32>,
      %broadcast_in_dim3A_1806 = arith.constant 0 : i32
      %broadcast_in_dim3A_1807 = vector.broadcast %broadcast_in_dim3A_1806 : i32 to vector<16xi32>
      %get3A_1808 = arith.constant 5 : i32
      %get3A_1809 = arith.constant 1 : i32
      %get3A_1810 = arith.index_cast %get3A_1808 : i32 to index
      %get3A_1811 = arith.index_cast %get3A_1809 : i32 to index
      %get3A_1812 = arith.index_cast %add3A_1317 : i32 to index
      %get3A_1813 = tpu.vector_load %arg10[%get3A_1810, %get3A_1811, %get3A_1812] {strides = array<i32>} : memref<6x8x512xf32, #tpu.memory_space<vmem>>, vector<16xf32>,
      %gt3A_1814 = arith.cmpf ogt, %get3A_1813, %get3A_1805 : vector<16xf32>
      %select_n3A_1815 = arith.select %gt3A_1814, %get3A_1813, %get3A_1805 : vector<16xi1>, vector<16xf32>
      %broadcast_in_dim3A_1816 = arith.constant 1 : i32
      %broadcast_in_dim3A_1817 = vector.broadcast %broadcast_in_dim3A_1816 : i32 to vector<16xi32>
      %select_n3A_1818 = arith.select %gt3A_1814, %broadcast_in_dim3A_1817, %broadcast_in_dim3A_1807 : vector<16xi1>, vector<16xi32>
      %get3A_1819 = arith.constant 5 : i32
      %get3A_1820 = arith.constant 2 : i32
      %get3A_1821 = arith.index_cast %get3A_1819 : i32 to index
      %get3A_1822 = arith.index_cast %get3A_1820 : i32 to index
      %get3A_1823 = arith.index_cast %add3A_1317 : i32 to index
      %get3A_1824 = tpu.vector_load %arg10[%get3A_1821, %get3A_1822, %get3A_1823] {strides = array<i32>} : memref<6x8x512xf32, #tpu.memory_space<vmem>>, vector<16xf32>,
      %gt3A_1825 = arith.cmpf ogt, %get3A_1824, %select_n3A_1815 : vector<16xf32>
      %select_n3A_1826 = arith.select %gt3A_1825, %get3A_1824, %select_n3A_1815 : vector<16xi1>, vector<16xf32>
      %broadcast_in_dim3A_1827 = arith.constant 2 : i32
      %broadcast_in_dim3A_1828 = vector.broadcast %broadcast_in_dim3A_1827 : i32 to vector<16xi32>
      %select_n3A_1829 = arith.select %gt3A_1825, %broadcast_in_dim3A_1828, %select_n3A_1818 : vector<16xi1>, vector<16xi32>
      %get3A_1830 = arith.constant 5 : i32
      %get3A_1831 = arith.constant 3 : i32
      %get3A_1832 = arith.index_cast %get3A_1830 : i32 to index
      %get3A_1833 = arith.index_cast %get3A_1831 : i32 to index
      %get3A_1834 = arith.index_cast %add3A_1317 : i32 to index
      %get3A_1835 = tpu.vector_load %arg10[%get3A_1832, %get3A_1833, %get3A_1834] {strides = array<i32>} : memref<6x8x512xf32, #tpu.memory_space<vmem>>, vector<16xf32>,
      %gt3A_1836 = arith.cmpf ogt, %get3A_1835, %select_n3A_1826 : vector<16xf32>
      %select_n3A_1837 = arith.select %gt3A_1836, %get3A_1835, %select_n3A_1826 : vector<16xi1>, vector<16xf32>
      %broadcast_in_dim3A_1838 = arith.constant 3 : i32
      %broadcast_in_dim3A_1839 = vector.broadcast %broadcast_in_dim3A_1838 : i32 to vector<16xi32>
      %select_n3A_1840 = arith.select %gt3A_1836, %broadcast_in_dim3A_1839, %select_n3A_1829 : vector<16xi1>, vector<16xi32>
      %get3A_1841 = arith.constant 5 : i32
      %get3A_1842 = arith.constant 4 : i32
      %get3A_1843 = arith.index_cast %get3A_1841 : i32 to index
      %get3A_1844 = arith.index_cast %get3A_1842 : i32 to index
      %get3A_1845 = arith.index_cast %add3A_1317 : i32 to index
      %get3A_1846 = tpu.vector_load %arg10[%get3A_1843, %get3A_1844, %get3A_1845] {strides = array<i32>} : memref<6x8x512xf32, #tpu.memory_space<vmem>>, vector<16xf32>,
      %gt3A_1847 = arith.cmpf ogt, %get3A_1846, %select_n3A_1837 : vector<16xf32>
      %select_n3A_1848 = arith.select %gt3A_1847, %get3A_1846, %select_n3A_1837 : vector<16xi1>, vector<16xf32>
      %broadcast_in_dim3A_1849 = arith.constant 4 : i32
      %broadcast_in_dim3A_1850 = vector.broadcast %broadcast_in_dim3A_1849 : i32 to vector<16xi32>
      %select_n3A_1851 = arith.select %gt3A_1847, %broadcast_in_dim3A_1850, %select_n3A_1840 : vector<16xi1>, vector<16xi32>
      %get3A_1852 = arith.constant 5 : i32
      %get3A_1853 = arith.constant 5 : i32
      %get3A_1854 = arith.index_cast %get3A_1852 : i32 to index
      %get3A_1855 = arith.index_cast %get3A_1853 : i32 to index
      %get3A_1856 = arith.index_cast %add3A_1317 : i32 to index
      %get3A_1857 = tpu.vector_load %arg10[%get3A_1854, %get3A_1855, %get3A_1856] {strides = array<i32>} : memref<6x8x512xf32, #tpu.memory_space<vmem>>, vector<16xf32>,
      %gt3A_1858 = arith.cmpf ogt, %get3A_1857, %select_n3A_1848 : vector<16xf32>
      %select_n3A_1859 = arith.select %gt3A_1858, %get3A_1857, %select_n3A_1848 : vector<16xi1>, vector<16xf32>
      %broadcast_in_dim3A_1860 = arith.constant 5 : i32
      %broadcast_in_dim3A_1861 = vector.broadcast %broadcast_in_dim3A_1860 : i32 to vector<16xi32>
      %select_n3A_1862 = arith.select %gt3A_1858, %broadcast_in_dim3A_1861, %select_n3A_1851 : vector<16xi1>, vector<16xi32>
      %get3A_1863 = arith.constant 5 : i32
      %get3A_1864 = arith.constant 6 : i32
      %get3A_1865 = arith.index_cast %get3A_1863 : i32 to index
      %get3A_1866 = arith.index_cast %get3A_1864 : i32 to index
      %get3A_1867 = arith.index_cast %add3A_1317 : i32 to index
      %get3A_1868 = tpu.vector_load %arg10[%get3A_1865, %get3A_1866, %get3A_1867] {strides = array<i32>} : memref<6x8x512xf32, #tpu.memory_space<vmem>>, vector<16xf32>,
      %gt3A_1869 = arith.cmpf ogt, %get3A_1868, %select_n3A_1859 : vector<16xf32>
      %select_n3A_1870 = arith.select %gt3A_1869, %get3A_1868, %select_n3A_1859 : vector<16xi1>, vector<16xf32>
      %broadcast_in_dim3A_1871 = arith.constant 6 : i32
      %broadcast_in_dim3A_1872 = vector.broadcast %broadcast_in_dim3A_1871 : i32 to vector<16xi32>
      %select_n3A_1873 = arith.select %gt3A_1869, %broadcast_in_dim3A_1872, %select_n3A_1862 : vector<16xi1>, vector<16xi32>
      %get3A_1874 = arith.constant 5 : i32
      %get3A_1875 = arith.constant 7 : i32
      %get3A_1876 = arith.index_cast %get3A_1874 : i32 to index
      %get3A_1877 = arith.index_cast %get3A_1875 : i32 to index
      %get3A_1878 = arith.index_cast %add3A_1317 : i32 to index
      %get3A_1879 = tpu.vector_load %arg10[%get3A_1876, %get3A_1877, %get3A_1878] {strides = array<i32>} : memref<6x8x512xf32, #tpu.memory_space<vmem>>, vector<16xf32>,
      %gt3A_1880 = arith.cmpf ogt, %get3A_1879, %select_n3A_1870 : vector<16xf32>
      %select_n3A_1881 = arith.select %gt3A_1880, %get3A_1879, %select_n3A_1870 : vector<16xi1>, vector<16xf32>
      %broadcast_in_dim3A_1882 = arith.constant 7 : i32
      %broadcast_in_dim3A_1883 = vector.broadcast %broadcast_in_dim3A_1882 : i32 to vector<16xi32>
      %select_n3A_1884 = arith.select %gt3A_1880, %broadcast_in_dim3A_1883, %select_n3A_1873 : vector<16xi1>, vector<16xi32>
      %mul3A_1885 = arith.constant 32768 : i32
      %mul3A_1886 = vector.broadcast %mul3A_1885 : i32 to vector<16xi32>
      %mul3A_1887 = arith.muli %select_n3A_1884, %mul3A_1886 : vector<16xi32>
      %add3A_1888 = arith.addi %add3A_1791, %mul3A_1887 : vector<16xi32>
      %mul3A_1889 = arith.constant 16 : i32
      %mul3A_1890 = arith.muli %scan3A_1313, %mul3A_1889 : i32
      %swap3A_1891 = arith.constant 5 : i32
      %swap3A_1892 = arith.constant 1 : i32
      %swap3A_1893 = arith.index_cast %swap3A_1891 : i32 to index
      %swap3A_1894 = arith.index_cast %swap3A_1892 : i32 to index
      %swap3A_1895 = arith.index_cast %mul3A_1890 : i32 to index
      %swap3A_1896 = tpu.vector_load %arg11[%swap3A_1893, %swap3A_1894, %swap3A_1895] {strides = array<i32>} : memref<6x4x128xi32, #tpu.memory_space<vmem>>, vector<16xi32>,
      tpu.vector_store %arg11[%swap3A_1893, %swap3A_1894, %swap3A_1895], %add3A_1888 {strides = array<i32>} : memref<6x4x128xi32, #tpu.memory_space<vmem>>, vector<16xi32>,
    }
    %scan3A_336 = arith.constant 8 : i32
    %dma_start3A_337 = arith.constant 0 : i32
    %dma_start3A_338 = arith.constant 1 : i32
    %dma_start3A_339 = arith.constant 0 : i32
    %dma_start3A_340 = arith.constant 0 : i32
    %dma_start3A_341 = arith.constant 0 : i32
    %dma_start3A_342 = tpu.memref_slice %arg12[%dma_start3A_339, %dma_start3A_340, %dma_start3A_341] : memref<6x128x64xf32, #tpu.memory_space<vmem>> -> memref<1x128x64xf32, #tpu.memory_space<vmem>>
    %dma_start3A_343 = tpu.memref_squeeze %dma_start3A_342 : memref<1x128x64xf32, #tpu.memory_space<vmem>> -> memref<128x64xf32, #tpu.memory_space<vmem>>
    %dma_start3A_344 = arith.constant 0 : i32
    %dma_start3A_345 = tpu.memref_slice %arg11[%dma_start3A_337, %dma_start3A_338, %dma_start3A_344] : memref<6x4x128xi32, #tpu.memory_space<vmem>> -> memref<1x1x128xi32, #tpu.memory_space<vmem>>
    %dma_start3A_346 = tpu.memref_squeeze %dma_start3A_345 : memref<1x1x128xi32, #tpu.memory_space<vmem>> -> memref<128xi32, #tpu.memory_space<vmem>>
    %dma_start3A_347 = arith.constant 0 : i32
    %dma_start3A_348 = arith.constant 0 : i32
    %dma_start3A_349 = tpu.memref_slice %arg3[%dma_start3A_347, %dma_start3A_348] : memref<8x64xf32, #tpu.memory_space<hbm>> -> memref<8x64xf32, #tpu.memory_space<hbm>>
    tpu.enqueue_indirect_dma source(%dma_start3A_349 : memref<8x64xf32, #tpu.memory_space<hbm>>) target(%dma_start3A_343 : memref<128x64xf32, #tpu.memory_space<vmem>>) offsets(%dma_start3A_346 : memref<128xi32, #tpu.memory_space<vmem>>) semaphore(%arg14 : memref<!tpu.dma_semaphore, #tpu.memory_space<semaphore_mem>>)
    %dma_start3A_350 = arith.constant 1 : i32
    %dma_start3A_351 = arith.constant 1 : i32
    %dma_start3A_352 = arith.constant 1 : i32
    %dma_start3A_353 = arith.constant 0 : i32
    %dma_start3A_354 = arith.constant 0 : i32
    %dma_start3A_355 = tpu.memref_slice %arg12[%dma_start3A_352, %dma_start3A_353, %dma_start3A_354] : memref<6x128x64xf32, #tpu.memory_space<vmem>> -> memref<1x128x64xf32, #tpu.memory_space<vmem>>
    %dma_start3A_356 = tpu.memref_squeeze %dma_start3A_355 : memref<1x128x64xf32, #tpu.memory_space<vmem>> -> memref<128x64xf32, #tpu.memory_space<vmem>>
    %dma_start3A_357 = arith.constant 0 : i32
    %dma_start3A_358 = tpu.memref_slice %arg11[%dma_start3A_350, %dma_start3A_351, %dma_start3A_357] : memref<6x4x128xi32, #tpu.memory_space<vmem>> -> memref<1x1x128xi32, #tpu.memory_space<vmem>>
    %dma_start3A_359 = tpu.memref_squeeze %dma_start3A_358 : memref<1x1x128xi32, #tpu.memory_space<vmem>> -> memref<128xi32, #tpu.memory_space<vmem>>
    %dma_start3A_360 = arith.constant 0 : i32
    %dma_start3A_361 = arith.constant 0 : i32
    %dma_start3A_362 = tpu.memref_slice %arg4[%dma_start3A_360, %dma_start3A_361] : memref<64x64xf32, #tpu.memory_space<hbm>> -> memref<64x64xf32, #tpu.memory_space<hbm>>
    tpu.enqueue_indirect_dma source(%dma_start3A_362 : memref<64x64xf32, #tpu.memory_space<hbm>>) target(%dma_start3A_356 : memref<128x64xf32, #tpu.memory_space<vmem>>) offsets(%dma_start3A_359 : memref<128xi32, #tpu.memory_space<vmem>>) semaphore(%arg14 : memref<!tpu.dma_semaphore, #tpu.memory_space<semaphore_mem>>)
    %dma_start3A_363 = arith.constant 2 : i32
    %dma_start3A_364 = arith.constant 1 : i32
    %dma_start3A_365 = arith.constant 2 : i32
    %dma_start3A_366 = arith.constant 0 : i32
    %dma_start3A_367 = arith.constant 0 : i32
    %dma_start3A_368 = tpu.memref_slice %arg12[%dma_start3A_365, %dma_start3A_366, %dma_start3A_367] : memref<6x128x64xf32, #tpu.memory_space<vmem>> -> memref<1x128x64xf32, #tpu.memory_space<vmem>>
    %dma_start3A_369 = tpu.memref_squeeze %dma_start3A_368 : memref<1x128x64xf32, #tpu.memory_space<vmem>> -> memref<128x64xf32, #tpu.memory_space<vmem>>
    %dma_start3A_370 = arith.constant 0 : i32
    %dma_start3A_371 = tpu.memref_slice %arg11[%dma_start3A_363, %dma_start3A_364, %dma_start3A_370] : memref<6x4x128xi32, #tpu.memory_space<vmem>> -> memref<1x1x128xi32, #tpu.memory_space<vmem>>
    %dma_start3A_372 = tpu.memref_squeeze %dma_start3A_371 : memref<1x1x128xi32, #tpu.memory_space<vmem>> -> memref<128xi32, #tpu.memory_space<vmem>>
    %dma_start3A_373 = arith.constant 0 : i32
    %dma_start3A_374 = arith.constant 0 : i32
    %dma_start3A_375 = tpu.memref_slice %arg5[%dma_start3A_373, %dma_start3A_374] : memref<512x64xf32, #tpu.memory_space<hbm>> -> memref<512x64xf32, #tpu.memory_space<hbm>>
    tpu.enqueue_indirect_dma source(%dma_start3A_375 : memref<512x64xf32, #tpu.memory_space<hbm>>) target(%dma_start3A_369 : memref<128x64xf32, #tpu.memory_space<vmem>>) offsets(%dma_start3A_372 : memref<128xi32, #tpu.memory_space<vmem>>) semaphore(%arg14 : memref<!tpu.dma_semaphore, #tpu.memory_space<semaphore_mem>>)
    %dma_start3A_376 = arith.constant 3 : i32
    %dma_start3A_377 = arith.constant 1 : i32
    %dma_start3A_378 = arith.constant 3 : i32
    %dma_start3A_379 = arith.constant 0 : i32
    %dma_start3A_380 = arith.constant 0 : i32
    %dma_start3A_381 = tpu.memref_slice %arg12[%dma_start3A_378, %dma_start3A_379, %dma_start3A_380] : memref<6x128x64xf32, #tpu.memory_space<vmem>> -> memref<1x128x64xf32, #tpu.memory_space<vmem>>
    %dma_start3A_382 = tpu.memref_squeeze %dma_start3A_381 : memref<1x128x64xf32, #tpu.memory_space<vmem>> -> memref<128x64xf32, #tpu.memory_space<vmem>>
    %dma_start3A_383 = arith.constant 0 : i32
    %dma_start3A_384 = tpu.memref_slice %arg11[%dma_start3A_376, %dma_start3A_377, %dma_start3A_383] : memref<6x4x128xi32, #tpu.memory_space<vmem>> -> memref<1x1x128xi32, #tpu.memory_space<vmem>>
    %dma_start3A_385 = tpu.memref_squeeze %dma_start3A_384 : memref<1x1x128xi32, #tpu.memory_space<vmem>> -> memref<128xi32, #tpu.memory_space<vmem>>
    %dma_start3A_386 = arith.constant 0 : i32
    %dma_start3A_387 = arith.constant 0 : i32
    %dma_start3A_388 = tpu.memref_slice %arg6[%dma_start3A_386, %dma_start3A_387] : memref<4096x64xf32, #tpu.memory_space<hbm>> -> memref<4096x64xf32, #tpu.memory_space<hbm>>
    tpu.enqueue_indirect_dma source(%dma_start3A_388 : memref<4096x64xf32, #tpu.memory_space<hbm>>) target(%dma_start3A_382 : memref<128x64xf32, #tpu.memory_space<vmem>>) offsets(%dma_start3A_385 : memref<128xi32, #tpu.memory_space<vmem>>) semaphore(%arg14 : memref<!tpu.dma_semaphore, #tpu.memory_space<semaphore_mem>>)
    %dma_start3A_389 = arith.constant 4 : i32
    %dma_start3A_390 = arith.constant 1 : i32
    %dma_start3A_391 = arith.constant 4 : i32
    %dma_start3A_392 = arith.constant 0 : i32
    %dma_start3A_393 = arith.constant 0 : i32
    %dma_start3A_394 = tpu.memref_slice %arg12[%dma_start3A_391, %dma_start3A_392, %dma_start3A_393] : memref<6x128x64xf32, #tpu.memory_space<vmem>> -> memref<1x128x64xf32, #tpu.memory_space<vmem>>
    %dma_start3A_395 = tpu.memref_squeeze %dma_start3A_394 : memref<1x128x64xf32, #tpu.memory_space<vmem>> -> memref<128x64xf32, #tpu.memory_space<vmem>>
    %dma_start3A_396 = arith.constant 0 : i32
    %dma_start3A_397 = tpu.memref_slice %arg11[%dma_start3A_389, %dma_start3A_390, %dma_start3A_396] : memref<6x4x128xi32, #tpu.memory_space<vmem>> -> memref<1x1x128xi32, #tpu.memory_space<vmem>>
    %dma_start3A_398 = tpu.memref_squeeze %dma_start3A_397 : memref<1x1x128xi32, #tpu.memory_space<vmem>> -> memref<128xi32, #tpu.memory_space<vmem>>
    %dma_start3A_399 = arith.constant 0 : i32
    %dma_start3A_400 = arith.constant 0 : i32
    %dma_start3A_401 = tpu.memref_slice %arg7[%dma_start3A_399, %dma_start3A_400] : memref<32768x64xf32, #tpu.memory_space<hbm>> -> memref<32768x64xf32, #tpu.memory_space<hbm>>
    tpu.enqueue_indirect_dma source(%dma_start3A_401 : memref<32768x64xf32, #tpu.memory_space<hbm>>) target(%dma_start3A_395 : memref<128x64xf32, #tpu.memory_space<vmem>>) offsets(%dma_start3A_398 : memref<128xi32, #tpu.memory_space<vmem>>) semaphore(%arg14 : memref<!tpu.dma_semaphore, #tpu.memory_space<semaphore_mem>>)
    %dma_start3A_402 = arith.constant 5 : i32
    %dma_start3A_403 = arith.constant 1 : i32
    %dma_start3A_404 = arith.constant 5 : i32
    %dma_start3A_405 = arith.constant 0 : i32
    %dma_start3A_406 = arith.constant 0 : i32
    %dma_start3A_407 = tpu.memref_slice %arg12[%dma_start3A_404, %dma_start3A_405, %dma_start3A_406] : memref<6x128x64xf32, #tpu.memory_space<vmem>> -> memref<1x128x64xf32, #tpu.memory_space<vmem>>
    %dma_start3A_408 = tpu.memref_squeeze %dma_start3A_407 : memref<1x128x64xf32, #tpu.memory_space<vmem>> -> memref<128x64xf32, #tpu.memory_space<vmem>>
    %dma_start3A_409 = arith.constant 0 : i32
    %dma_start3A_410 = tpu.memref_slice %arg11[%dma_start3A_402, %dma_start3A_403, %dma_start3A_409] : memref<6x4x128xi32, #tpu.memory_space<vmem>> -> memref<1x1x128xi32, #tpu.memory_space<vmem>>
    %dma_start3A_411 = tpu.memref_squeeze %dma_start3A_410 : memref<1x1x128xi32, #tpu.memory_space<vmem>> -> memref<128xi32, #tpu.memory_space<vmem>>
    %dma_start3A_412 = arith.constant 0 : i32
    %dma_start3A_413 = arith.constant 0 : i32
    %dma_start3A_414 = tpu.memref_slice %arg8[%dma_start3A_412, %dma_start3A_413] : memref<262144x64xf32, #tpu.memory_space<hbm>> -> memref<262144x64xf32, #tpu.memory_space<hbm>>
    tpu.enqueue_indirect_dma source(%dma_start3A_414 : memref<262144x64xf32, #tpu.memory_space<hbm>>) target(%dma_start3A_408 : memref<128x64xf32, #tpu.memory_space<vmem>>) offsets(%dma_start3A_411 : memref<128xi32, #tpu.memory_space<vmem>>) semaphore(%arg14 : memref<!tpu.dma_semaphore, #tpu.memory_space<semaphore_mem>>)
    %dma_wait3A_415 = arith.constant 0 : i32
    %dma_wait3A_416 = arith.constant 1 : i32
    %dma_wait3A_417 = arith.constant 0 : i32
    %dma_wait3A_418 = arith.constant 0 : i32
    %dma_wait3A_419 = arith.constant 0 : i32
    %dma_wait3A_420 = tpu.memref_slice %arg12[%dma_wait3A_417, %dma_wait3A_418, %dma_wait3A_419] : memref<6x128x64xf32, #tpu.memory_space<vmem>> -> memref<1x128x64xf32, #tpu.memory_space<vmem>>
    %dma_wait3A_421 = tpu.memref_squeeze %dma_wait3A_420 : memref<1x128x64xf32, #tpu.memory_space<vmem>> -> memref<128x64xf32, #tpu.memory_space<vmem>>
    %dma_wait3A_422 = arith.constant 0 : i32
    %dma_wait3A_423 = tpu.memref_slice %arg11[%dma_wait3A_415, %dma_wait3A_416, %dma_wait3A_422] : memref<6x4x128xi32, #tpu.memory_space<vmem>> -> memref<1x1x128xi32, #tpu.memory_space<vmem>>
    %dma_wait3A_424 = tpu.memref_squeeze %dma_wait3A_423 : memref<1x1x128xi32, #tpu.memory_space<vmem>> -> memref<128xi32, #tpu.memory_space<vmem>>
    %dma_wait3A_425 = arith.constant 0 : i32
    %dma_wait3A_426 = arith.constant 0 : i32
    %dma_wait3A_427 = tpu.memref_slice %arg3[%dma_wait3A_425, %dma_wait3A_426] : memref<8x64xf32, #tpu.memory_space<hbm>> -> memref<8x64xf32, #tpu.memory_space<hbm>>
    tpu.wait_indirect_dma semaphore(%arg14 : memref<!tpu.dma_semaphore, #tpu.memory_space<semaphore_mem>>) src(%dma_wait3A_427 : memref<8x64xf32, #tpu.memory_space<hbm>>) dst(%dma_wait3A_421 : memref<128x64xf32, #tpu.memory_space<vmem>>)
    %dma_wait3A_428 = arith.constant 1 : i32
    %dma_wait3A_429 = arith.constant 1 : i32
    %dma_wait3A_430 = arith.constant 1 : i32
    %dma_wait3A_431 = arith.constant 0 : i32
    %dma_wait3A_432 = arith.constant 0 : i32
    %dma_wait3A_433 = tpu.memref_slice %arg12[%dma_wait3A_430, %dma_wait3A_431, %dma_wait3A_432] : memref<6x128x64xf32, #tpu.memory_space<vmem>> -> memref<1x128x64xf32, #tpu.memory_space<vmem>>
    %dma_wait3A_434 = tpu.memref_squeeze %dma_wait3A_433 : memref<1x128x64xf32, #tpu.memory_space<vmem>> -> memref<128x64xf32, #tpu.memory_space<vmem>>
    %dma_wait3A_435 = arith.constant 0 : i32
    %dma_wait3A_436 = tpu.memref_slice %arg11[%dma_wait3A_428, %dma_wait3A_429, %dma_wait3A_435] : memref<6x4x128xi32, #tpu.memory_space<vmem>> -> memref<1x1x128xi32, #tpu.memory_space<vmem>>
    %dma_wait3A_437 = tpu.memref_squeeze %dma_wait3A_436 : memref<1x1x128xi32, #tpu.memory_space<vmem>> -> memref<128xi32, #tpu.memory_space<vmem>>
    %dma_wait3A_438 = arith.constant 0 : i32
    %dma_wait3A_439 = arith.constant 0 : i32
    %dma_wait3A_440 = tpu.memref_slice %arg4[%dma_wait3A_438, %dma_wait3A_439] : memref<64x64xf32, #tpu.memory_space<hbm>> -> memref<64x64xf32, #tpu.memory_space<hbm>>
    tpu.wait_indirect_dma semaphore(%arg14 : memref<!tpu.dma_semaphore, #tpu.memory_space<semaphore_mem>>) src(%dma_wait3A_440 : memref<64x64xf32, #tpu.memory_space<hbm>>) dst(%dma_wait3A_434 : memref<128x64xf32, #tpu.memory_space<vmem>>)
    %dma_wait3A_441 = arith.constant 2 : i32
    %dma_wait3A_442 = arith.constant 1 : i32
    %dma_wait3A_443 = arith.constant 2 : i32
    %dma_wait3A_444 = arith.constant 0 : i32
    %dma_wait3A_445 = arith.constant 0 : i32
    %dma_wait3A_446 = tpu.memref_slice %arg12[%dma_wait3A_443, %dma_wait3A_444, %dma_wait3A_445] : memref<6x128x64xf32, #tpu.memory_space<vmem>> -> memref<1x128x64xf32, #tpu.memory_space<vmem>>
    %dma_wait3A_447 = tpu.memref_squeeze %dma_wait3A_446 : memref<1x128x64xf32, #tpu.memory_space<vmem>> -> memref<128x64xf32, #tpu.memory_space<vmem>>
    %dma_wait3A_448 = arith.constant 0 : i32
    %dma_wait3A_449 = tpu.memref_slice %arg11[%dma_wait3A_441, %dma_wait3A_442, %dma_wait3A_448] : memref<6x4x128xi32, #tpu.memory_space<vmem>> -> memref<1x1x128xi32, #tpu.memory_space<vmem>>
    %dma_wait3A_450 = tpu.memref_squeeze %dma_wait3A_449 : memref<1x1x128xi32, #tpu.memory_space<vmem>> -> memref<128xi32, #tpu.memory_space<vmem>>
    %dma_wait3A_451 = arith.constant 0 : i32
    %dma_wait3A_452 = arith.constant 0 : i32
    %dma_wait3A_453 = tpu.memref_slice %arg5[%dma_wait3A_451, %dma_wait3A_452] : memref<512x64xf32, #tpu.memory_space<hbm>> -> memref<512x64xf32, #tpu.memory_space<hbm>>
    tpu.wait_indirect_dma semaphore(%arg14 : memref<!tpu.dma_semaphore, #tpu.memory_space<semaphore_mem>>) src(%dma_wait3A_453 : memref<512x64xf32, #tpu.memory_space<hbm>>) dst(%dma_wait3A_447 : memref<128x64xf32, #tpu.memory_space<vmem>>)
    %dma_wait3A_454 = arith.constant 3 : i32
    %dma_wait3A_455 = arith.constant 1 : i32
    %dma_wait3A_456 = arith.constant 3 : i32
    %dma_wait3A_457 = arith.constant 0 : i32
    %dma_wait3A_458 = arith.constant 0 : i32
    %dma_wait3A_459 = tpu.memref_slice %arg12[%dma_wait3A_456, %dma_wait3A_457, %dma_wait3A_458] : memref<6x128x64xf32, #tpu.memory_space<vmem>> -> memref<1x128x64xf32, #tpu.memory_space<vmem>>
    %dma_wait3A_460 = tpu.memref_squeeze %dma_wait3A_459 : memref<1x128x64xf32, #tpu.memory_space<vmem>> -> memref<128x64xf32, #tpu.memory_space<vmem>>
    %dma_wait3A_461 = arith.constant 0 : i32
    %dma_wait3A_462 = tpu.memref_slice %arg11[%dma_wait3A_454, %dma_wait3A_455, %dma_wait3A_461] : memref<6x4x128xi32, #tpu.memory_space<vmem>> -> memref<1x1x128xi32, #tpu.memory_space<vmem>>
    %dma_wait3A_463 = tpu.memref_squeeze %dma_wait3A_462 : memref<1x1x128xi32, #tpu.memory_space<vmem>> -> memref<128xi32, #tpu.memory_space<vmem>>
    %dma_wait3A_464 = arith.constant 0 : i32
    %dma_wait3A_465 = arith.constant 0 : i32
    %dma_wait3A_466 = tpu.memref_slice %arg6[%dma_wait3A_464, %dma_wait3A_465] : memref<4096x64xf32, #tpu.memory_space<hbm>> -> memref<4096x64xf32, #tpu.memory_space<hbm>>
    tpu.wait_indirect_dma semaphore(%arg14 : memref<!tpu.dma_semaphore, #tpu.memory_space<semaphore_mem>>) src(%dma_wait3A_466 : memref<4096x64xf32, #tpu.memory_space<hbm>>) dst(%dma_wait3A_460 : memref<128x64xf32, #tpu.memory_space<vmem>>)
    %dma_wait3A_467 = arith.constant 4 : i32
    %dma_wait3A_468 = arith.constant 1 : i32
    %dma_wait3A_469 = arith.constant 4 : i32
    %dma_wait3A_470 = arith.constant 0 : i32
    %dma_wait3A_471 = arith.constant 0 : i32
    %dma_wait3A_472 = tpu.memref_slice %arg12[%dma_wait3A_469, %dma_wait3A_470, %dma_wait3A_471] : memref<6x128x64xf32, #tpu.memory_space<vmem>> -> memref<1x128x64xf32, #tpu.memory_space<vmem>>
    %dma_wait3A_473 = tpu.memref_squeeze %dma_wait3A_472 : memref<1x128x64xf32, #tpu.memory_space<vmem>> -> memref<128x64xf32, #tpu.memory_space<vmem>>
    %dma_wait3A_474 = arith.constant 0 : i32
    %dma_wait3A_475 = tpu.memref_slice %arg11[%dma_wait3A_467, %dma_wait3A_468, %dma_wait3A_474] : memref<6x4x128xi32, #tpu.memory_space<vmem>> -> memref<1x1x128xi32, #tpu.memory_space<vmem>>
    %dma_wait3A_476 = tpu.memref_squeeze %dma_wait3A_475 : memref<1x1x128xi32, #tpu.memory_space<vmem>> -> memref<128xi32, #tpu.memory_space<vmem>>
    %dma_wait3A_477 = arith.constant 0 : i32
    %dma_wait3A_478 = arith.constant 0 : i32
    %dma_wait3A_479 = tpu.memref_slice %arg7[%dma_wait3A_477, %dma_wait3A_478] : memref<32768x64xf32, #tpu.memory_space<hbm>> -> memref<32768x64xf32, #tpu.memory_space<hbm>>
    tpu.wait_indirect_dma semaphore(%arg14 : memref<!tpu.dma_semaphore, #tpu.memory_space<semaphore_mem>>) src(%dma_wait3A_479 : memref<32768x64xf32, #tpu.memory_space<hbm>>) dst(%dma_wait3A_473 : memref<128x64xf32, #tpu.memory_space<vmem>>)
    %dma_wait3A_480 = arith.constant 5 : i32
    %dma_wait3A_481 = arith.constant 1 : i32
    %dma_wait3A_482 = arith.constant 5 : i32
    %dma_wait3A_483 = arith.constant 0 : i32
    %dma_wait3A_484 = arith.constant 0 : i32
    %dma_wait3A_485 = tpu.memref_slice %arg12[%dma_wait3A_482, %dma_wait3A_483, %dma_wait3A_484] : memref<6x128x64xf32, #tpu.memory_space<vmem>> -> memref<1x128x64xf32, #tpu.memory_space<vmem>>
    %dma_wait3A_486 = tpu.memref_squeeze %dma_wait3A_485 : memref<1x128x64xf32, #tpu.memory_space<vmem>> -> memref<128x64xf32, #tpu.memory_space<vmem>>
    %dma_wait3A_487 = arith.constant 0 : i32
    %dma_wait3A_488 = tpu.memref_slice %arg11[%dma_wait3A_480, %dma_wait3A_481, %dma_wait3A_487] : memref<6x4x128xi32, #tpu.memory_space<vmem>> -> memref<1x1x128xi32, #tpu.memory_space<vmem>>
    %dma_wait3A_489 = tpu.memref_squeeze %dma_wait3A_488 : memref<1x1x128xi32, #tpu.memory_space<vmem>> -> memref<128xi32, #tpu.memory_space<vmem>>
    %dma_wait3A_490 = arith.constant 0 : i32
    %dma_wait3A_491 = arith.constant 0 : i32
    %dma_wait3A_492 = tpu.memref_slice %arg8[%dma_wait3A_490, %dma_wait3A_491] : memref<262144x64xf32, #tpu.memory_space<hbm>> -> memref<262144x64xf32, #tpu.memory_space<hbm>>
    tpu.wait_indirect_dma semaphore(%arg14 : memref<!tpu.dma_semaphore, #tpu.memory_space<semaphore_mem>>) src(%dma_wait3A_492 : memref<262144x64xf32, #tpu.memory_space<hbm>>) dst(%dma_wait3A_486 : memref<128x64xf32, #tpu.memory_space<vmem>>)
    %add3A_493 = arith.constant 128 : i32
    %add3A_494 = arith.addi %mul3A_2, %add3A_493 : i32
    %dma_start3A_495 = arith.constant 0 : i32
    %dma_start3A_496 = tpu.memref_slice %arg9[%add3A_494, %dma_start3A_495] : memref<16384x448xf32, #tpu.memory_space<hbm>> -> memref<128x64xf32, #tpu.memory_space<hbm>>
    %dma_start3A_497 = arith.constant 0 : i32
    %dma_start3A_498 = tpu.memref_slice %arg9[%add3A_494, %dma_start3A_497] : memref<16384x448xf32, #tpu.memory_space<hbm>> -> memref<128x64xf32, #tpu.memory_space<hbm>>
    tpu.enqueue_dma source(%arg13 : memref<128x64xf32, #tpu.memory_space<vmem>>) target(%dma_start3A_498 : memref<128x64xf32, #tpu.memory_space<hbm>>) target_semaphore(%arg15 : memref<!tpu.dma_semaphore, #tpu.memory_space<semaphore_mem>>)
    %dma_start3A_499 = arith.constant 0 : i32
    %dma_start3A_500 = arith.constant 0 : i32
    %dma_start3A_501 = arith.constant 0 : i32
    %dma_start3A_502 = tpu.memref_slice %arg12[%dma_start3A_499, %dma_start3A_500, %dma_start3A_501] : memref<6x128x64xf32, #tpu.memory_space<vmem>> -> memref<1x128x64xf32, #tpu.memory_space<vmem>>
    %dma_start3A_503 = tpu.memref_squeeze %dma_start3A_502 : memref<1x128x64xf32, #tpu.memory_space<vmem>> -> memref<128x64xf32, #tpu.memory_space<vmem>>
    %dma_start3A_504 = arith.constant 64 : i32
    %dma_start3A_505 = tpu.memref_slice %arg9[%add3A_494, %dma_start3A_504] : memref<16384x448xf32, #tpu.memory_space<hbm>> -> memref<128x64xf32, #tpu.memory_space<hbm>>
    %dma_start3A_506 = arith.constant 64 : i32
    %dma_start3A_507 = tpu.memref_slice %arg9[%add3A_494, %dma_start3A_506] : memref<16384x448xf32, #tpu.memory_space<hbm>> -> memref<128x64xf32, #tpu.memory_space<hbm>>
    %dma_start3A_508 = arith.constant 0 : i32
    %dma_start3A_509 = arith.constant 0 : i32
    %dma_start3A_510 = tpu.memref_slice %arg12[%dma_start3A_499, %dma_start3A_508, %dma_start3A_509] : memref<6x128x64xf32, #tpu.memory_space<vmem>> -> memref<1x128x64xf32, #tpu.memory_space<vmem>>
    %dma_start3A_511 = tpu.memref_squeeze %dma_start3A_510 : memref<1x128x64xf32, #tpu.memory_space<vmem>> -> memref<128x64xf32, #tpu.memory_space<vmem>>
    tpu.enqueue_dma source(%dma_start3A_511 : memref<128x64xf32, #tpu.memory_space<vmem>>) target(%dma_start3A_507 : memref<128x64xf32, #tpu.memory_space<hbm>>) target_semaphore(%arg15 : memref<!tpu.dma_semaphore, #tpu.memory_space<semaphore_mem>>)
    %dma_start3A_512 = arith.constant 1 : i32
    %dma_start3A_513 = arith.constant 0 : i32
    %dma_start3A_514 = arith.constant 0 : i32
    %dma_start3A_515 = tpu.memref_slice %arg12[%dma_start3A_512, %dma_start3A_513, %dma_start3A_514] : memref<6x128x64xf32, #tpu.memory_space<vmem>> -> memref<1x128x64xf32, #tpu.memory_space<vmem>>
    %dma_start3A_516 = tpu.memref_squeeze %dma_start3A_515 : memref<1x128x64xf32, #tpu.memory_space<vmem>> -> memref<128x64xf32, #tpu.memory_space<vmem>>
    %dma_start3A_517 = arith.constant 128 : i32
    %dma_start3A_518 = tpu.memref_slice %arg9[%add3A_494, %dma_start3A_517] : memref<16384x448xf32, #tpu.memory_space<hbm>> -> memref<128x64xf32, #tpu.memory_space<hbm>>
    %dma_start3A_519 = arith.constant 128 : i32
    %dma_start3A_520 = tpu.memref_slice %arg9[%add3A_494, %dma_start3A_519] : memref<16384x448xf32, #tpu.memory_space<hbm>> -> memref<128x64xf32, #tpu.memory_space<hbm>>
    %dma_start3A_521 = arith.constant 0 : i32
    %dma_start3A_522 = arith.constant 0 : i32
    %dma_start3A_523 = tpu.memref_slice %arg12[%dma_start3A_512, %dma_start3A_521, %dma_start3A_522] : memref<6x128x64xf32, #tpu.memory_space<vmem>> -> memref<1x128x64xf32, #tpu.memory_space<vmem>>
    %dma_start3A_524 = tpu.memref_squeeze %dma_start3A_523 : memref<1x128x64xf32, #tpu.memory_space<vmem>> -> memref<128x64xf32, #tpu.memory_space<vmem>>
    tpu.enqueue_dma source(%dma_start3A_524 : memref<128x64xf32, #tpu.memory_space<vmem>>) target(%dma_start3A_520 : memref<128x64xf32, #tpu.memory_space<hbm>>) target_semaphore(%arg15 : memref<!tpu.dma_semaphore, #tpu.memory_space<semaphore_mem>>)
    %dma_start3A_525 = arith.constant 2 : i32
    %dma_start3A_526 = arith.constant 0 : i32
    %dma_start3A_527 = arith.constant 0 : i32
    %dma_start3A_528 = tpu.memref_slice %arg12[%dma_start3A_525, %dma_start3A_526, %dma_start3A_527] : memref<6x128x64xf32, #tpu.memory_space<vmem>> -> memref<1x128x64xf32, #tpu.memory_space<vmem>>
    %dma_start3A_529 = tpu.memref_squeeze %dma_start3A_528 : memref<1x128x64xf32, #tpu.memory_space<vmem>> -> memref<128x64xf32, #tpu.memory_space<vmem>>
    %dma_start3A_530 = arith.constant 192 : i32
    %dma_start3A_531 = tpu.memref_slice %arg9[%add3A_494, %dma_start3A_530] : memref<16384x448xf32, #tpu.memory_space<hbm>> -> memref<128x64xf32, #tpu.memory_space<hbm>>
    %dma_start3A_532 = arith.constant 192 : i32
    %dma_start3A_533 = tpu.memref_slice %arg9[%add3A_494, %dma_start3A_532] : memref<16384x448xf32, #tpu.memory_space<hbm>> -> memref<128x64xf32, #tpu.memory_space<hbm>>
    %dma_start3A_534 = arith.constant 0 : i32
    %dma_start3A_535 = arith.constant 0 : i32
    %dma_start3A_536 = tpu.memref_slice %arg12[%dma_start3A_525, %dma_start3A_534, %dma_start3A_535] : memref<6x128x64xf32, #tpu.memory_space<vmem>> -> memref<1x128x64xf32, #tpu.memory_space<vmem>>
    %dma_start3A_537 = tpu.memref_squeeze %dma_start3A_536 : memref<1x128x64xf32, #tpu.memory_space<vmem>> -> memref<128x64xf32, #tpu.memory_space<vmem>>
    tpu.enqueue_dma source(%dma_start3A_537 : memref<128x64xf32, #tpu.memory_space<vmem>>) target(%dma_start3A_533 : memref<128x64xf32, #tpu.memory_space<hbm>>) target_semaphore(%arg15 : memref<!tpu.dma_semaphore, #tpu.memory_space<semaphore_mem>>)
    %dma_start3A_538 = arith.constant 3 : i32
    %dma_start3A_539 = arith.constant 0 : i32
    %dma_start3A_540 = arith.constant 0 : i32
    %dma_start3A_541 = tpu.memref_slice %arg12[%dma_start3A_538, %dma_start3A_539, %dma_start3A_540] : memref<6x128x64xf32, #tpu.memory_space<vmem>> -> memref<1x128x64xf32, #tpu.memory_space<vmem>>
    %dma_start3A_542 = tpu.memref_squeeze %dma_start3A_541 : memref<1x128x64xf32, #tpu.memory_space<vmem>> -> memref<128x64xf32, #tpu.memory_space<vmem>>
    %dma_start3A_543 = arith.constant 256 : i32
    %dma_start3A_544 = tpu.memref_slice %arg9[%add3A_494, %dma_start3A_543] : memref<16384x448xf32, #tpu.memory_space<hbm>> -> memref<128x64xf32, #tpu.memory_space<hbm>>
    %dma_start3A_545 = arith.constant 256 : i32
    %dma_start3A_546 = tpu.memref_slice %arg9[%add3A_494, %dma_start3A_545] : memref<16384x448xf32, #tpu.memory_space<hbm>> -> memref<128x64xf32, #tpu.memory_space<hbm>>
    %dma_start3A_547 = arith.constant 0 : i32
    %dma_start3A_548 = arith.constant 0 : i32
    %dma_start3A_549 = tpu.memref_slice %arg12[%dma_start3A_538, %dma_start3A_547, %dma_start3A_548] : memref<6x128x64xf32, #tpu.memory_space<vmem>> -> memref<1x128x64xf32, #tpu.memory_space<vmem>>
    %dma_start3A_550 = tpu.memref_squeeze %dma_start3A_549 : memref<1x128x64xf32, #tpu.memory_space<vmem>> -> memref<128x64xf32, #tpu.memory_space<vmem>>
    tpu.enqueue_dma source(%dma_start3A_550 : memref<128x64xf32, #tpu.memory_space<vmem>>) target(%dma_start3A_546 : memref<128x64xf32, #tpu.memory_space<hbm>>) target_semaphore(%arg15 : memref<!tpu.dma_semaphore, #tpu.memory_space<semaphore_mem>>)
    %dma_start3A_551 = arith.constant 4 : i32
    %dma_start3A_552 = arith.constant 0 : i32
    %dma_start3A_553 = arith.constant 0 : i32
    %dma_start3A_554 = tpu.memref_slice %arg12[%dma_start3A_551, %dma_start3A_552, %dma_start3A_553] : memref<6x128x64xf32, #tpu.memory_space<vmem>> -> memref<1x128x64xf32, #tpu.memory_space<vmem>>
    %dma_start3A_555 = tpu.memref_squeeze %dma_start3A_554 : memref<1x128x64xf32, #tpu.memory_space<vmem>> -> memref<128x64xf32, #tpu.memory_space<vmem>>
    %dma_start3A_556 = arith.constant 320 : i32
    %dma_start3A_557 = tpu.memref_slice %arg9[%add3A_494, %dma_start3A_556] : memref<16384x448xf32, #tpu.memory_space<hbm>> -> memref<128x64xf32, #tpu.memory_space<hbm>>
    %dma_start3A_558 = arith.constant 320 : i32
    %dma_start3A_559 = tpu.memref_slice %arg9[%add3A_494, %dma_start3A_558] : memref<16384x448xf32, #tpu.memory_space<hbm>> -> memref<128x64xf32, #tpu.memory_space<hbm>>
    %dma_start3A_560 = arith.constant 0 : i32
    %dma_start3A_561 = arith.constant 0 : i32
    %dma_start3A_562 = tpu.memref_slice %arg12[%dma_start3A_551, %dma_start3A_560, %dma_start3A_561] : memref<6x128x64xf32, #tpu.memory_space<vmem>> -> memref<1x128x64xf32, #tpu.memory_space<vmem>>
    %dma_start3A_563 = tpu.memref_squeeze %dma_start3A_562 : memref<1x128x64xf32, #tpu.memory_space<vmem>> -> memref<128x64xf32, #tpu.memory_space<vmem>>
    tpu.enqueue_dma source(%dma_start3A_563 : memref<128x64xf32, #tpu.memory_space<vmem>>) target(%dma_start3A_559 : memref<128x64xf32, #tpu.memory_space<hbm>>) target_semaphore(%arg15 : memref<!tpu.dma_semaphore, #tpu.memory_space<semaphore_mem>>)
    %dma_start3A_564 = arith.constant 5 : i32
    %dma_start3A_565 = arith.constant 0 : i32
    %dma_start3A_566 = arith.constant 0 : i32
    %dma_start3A_567 = tpu.memref_slice %arg12[%dma_start3A_564, %dma_start3A_565, %dma_start3A_566] : memref<6x128x64xf32, #tpu.memory_space<vmem>> -> memref<1x128x64xf32, #tpu.memory_space<vmem>>
    %dma_start3A_568 = tpu.memref_squeeze %dma_start3A_567 : memref<1x128x64xf32, #tpu.memory_space<vmem>> -> memref<128x64xf32, #tpu.memory_space<vmem>>
    %dma_start3A_569 = arith.constant 384 : i32
    %dma_start3A_570 = tpu.memref_slice %arg9[%add3A_494, %dma_start3A_569] : memref<16384x448xf32, #tpu.memory_space<hbm>> -> memref<128x64xf32, #tpu.memory_space<hbm>>
    %dma_start3A_571 = arith.constant 384 : i32
    %dma_start3A_572 = tpu.memref_slice %arg9[%add3A_494, %dma_start3A_571] : memref<16384x448xf32, #tpu.memory_space<hbm>> -> memref<128x64xf32, #tpu.memory_space<hbm>>
    %dma_start3A_573 = arith.constant 0 : i32
    %dma_start3A_574 = arith.constant 0 : i32
    %dma_start3A_575 = tpu.memref_slice %arg12[%dma_start3A_564, %dma_start3A_573, %dma_start3A_574] : memref<6x128x64xf32, #tpu.memory_space<vmem>> -> memref<1x128x64xf32, #tpu.memory_space<vmem>>
    %dma_start3A_576 = tpu.memref_squeeze %dma_start3A_575 : memref<1x128x64xf32, #tpu.memory_space<vmem>> -> memref<128x64xf32, #tpu.memory_space<vmem>>
    tpu.enqueue_dma source(%dma_start3A_576 : memref<128x64xf32, #tpu.memory_space<vmem>>) target(%dma_start3A_572 : memref<128x64xf32, #tpu.memory_space<hbm>>) target_semaphore(%arg15 : memref<!tpu.dma_semaphore, #tpu.memory_space<semaphore_mem>>)
    %dma_wait3A_577 = arith.constant 0 : i32
    %dma_wait3A_578 = tpu.memref_slice %arg9[%add3A_494, %dma_wait3A_577] : memref<16384x448xf32, #tpu.memory_space<hbm>> -> memref<128x64xf32, #tpu.memory_space<hbm>>
    %dma_wait3A_579 = arith.constant 0 : i32
    %dma_wait3A_580 = tpu.memref_slice %arg9[%add3A_494, %dma_wait3A_579] : memref<16384x448xf32, #tpu.memory_space<hbm>> -> memref<128x64xf32, #tpu.memory_space<hbm>>
    tpu.wait_dma2 semaphore(%arg15 : memref<!tpu.dma_semaphore, #tpu.memory_space<semaphore_mem>>) src(%arg13 : memref<128x64xf32, #tpu.memory_space<vmem>>) dst(%dma_wait3A_580 : memref<128x64xf32, #tpu.memory_space<hbm>>)
    %dma_wait3A_581 = arith.constant 0 : i32
    %dma_wait3A_582 = arith.constant 0 : i32
    %dma_wait3A_583 = arith.constant 0 : i32
    %dma_wait3A_584 = tpu.memref_slice %arg12[%dma_wait3A_581, %dma_wait3A_582, %dma_wait3A_583] : memref<6x128x64xf32, #tpu.memory_space<vmem>> -> memref<1x128x64xf32, #tpu.memory_space<vmem>>
    %dma_wait3A_585 = tpu.memref_squeeze %dma_wait3A_584 : memref<1x128x64xf32, #tpu.memory_space<vmem>> -> memref<128x64xf32, #tpu.memory_space<vmem>>
    %dma_wait3A_586 = arith.constant 64 : i32
    %dma_wait3A_587 = tpu.memref_slice %arg9[%add3A_494, %dma_wait3A_586] : memref<16384x448xf32, #tpu.memory_space<hbm>> -> memref<128x64xf32, #tpu.memory_space<hbm>>
    %dma_wait3A_588 = arith.constant 64 : i32
    %dma_wait3A_589 = tpu.memref_slice %arg9[%add3A_494, %dma_wait3A_588] : memref<16384x448xf32, #tpu.memory_space<hbm>> -> memref<128x64xf32, #tpu.memory_space<hbm>>
    %dma_wait3A_590 = arith.constant 0 : i32
    %dma_wait3A_591 = arith.constant 0 : i32
    %dma_wait3A_592 = tpu.memref_slice %arg12[%dma_wait3A_581, %dma_wait3A_590, %dma_wait3A_591] : memref<6x128x64xf32, #tpu.memory_space<vmem>> -> memref<1x128x64xf32, #tpu.memory_space<vmem>>
    %dma_wait3A_593 = tpu.memref_squeeze %dma_wait3A_592 : memref<1x128x64xf32, #tpu.memory_space<vmem>> -> memref<128x64xf32, #tpu.memory_space<vmem>>
    tpu.wait_dma2 semaphore(%arg15 : memref<!tpu.dma_semaphore, #tpu.memory_space<semaphore_mem>>) src(%dma_wait3A_593 : memref<128x64xf32, #tpu.memory_space<vmem>>) dst(%dma_wait3A_589 : memref<128x64xf32, #tpu.memory_space<hbm>>)
    %dma_wait3A_594 = arith.constant 1 : i32
    %dma_wait3A_595 = arith.constant 0 : i32
    %dma_wait3A_596 = arith.constant 0 : i32
    %dma_wait3A_597 = tpu.memref_slice %arg12[%dma_wait3A_594, %dma_wait3A_595, %dma_wait3A_596] : memref<6x128x64xf32, #tpu.memory_space<vmem>> -> memref<1x128x64xf32, #tpu.memory_space<vmem>>
    %dma_wait3A_598 = tpu.memref_squeeze %dma_wait3A_597 : memref<1x128x64xf32, #tpu.memory_space<vmem>> -> memref<128x64xf32, #tpu.memory_space<vmem>>
    %dma_wait3A_599 = arith.constant 128 : i32
    %dma_wait3A_600 = tpu.memref_slice %arg9[%add3A_494, %dma_wait3A_599] : memref<16384x448xf32, #tpu.memory_space<hbm>> -> memref<128x64xf32, #tpu.memory_space<hbm>>
    %dma_wait3A_601 = arith.constant 128 : i32
    %dma_wait3A_602 = tpu.memref_slice %arg9[%add3A_494, %dma_wait3A_601] : memref<16384x448xf32, #tpu.memory_space<hbm>> -> memref<128x64xf32, #tpu.memory_space<hbm>>
    %dma_wait3A_603 = arith.constant 0 : i32
    %dma_wait3A_604 = arith.constant 0 : i32
    %dma_wait3A_605 = tpu.memref_slice %arg12[%dma_wait3A_594, %dma_wait3A_603, %dma_wait3A_604] : memref<6x128x64xf32, #tpu.memory_space<vmem>> -> memref<1x128x64xf32, #tpu.memory_space<vmem>>
    %dma_wait3A_606 = tpu.memref_squeeze %dma_wait3A_605 : memref<1x128x64xf32, #tpu.memory_space<vmem>> -> memref<128x64xf32, #tpu.memory_space<vmem>>
    tpu.wait_dma2 semaphore(%arg15 : memref<!tpu.dma_semaphore, #tpu.memory_space<semaphore_mem>>) src(%dma_wait3A_606 : memref<128x64xf32, #tpu.memory_space<vmem>>) dst(%dma_wait3A_602 : memref<128x64xf32, #tpu.memory_space<hbm>>)
    %dma_wait3A_607 = arith.constant 2 : i32
    %dma_wait3A_608 = arith.constant 0 : i32
    %dma_wait3A_609 = arith.constant 0 : i32
    %dma_wait3A_610 = tpu.memref_slice %arg12[%dma_wait3A_607, %dma_wait3A_608, %dma_wait3A_609] : memref<6x128x64xf32, #tpu.memory_space<vmem>> -> memref<1x128x64xf32, #tpu.memory_space<vmem>>
    %dma_wait3A_611 = tpu.memref_squeeze %dma_wait3A_610 : memref<1x128x64xf32, #tpu.memory_space<vmem>> -> memref<128x64xf32, #tpu.memory_space<vmem>>
    %dma_wait3A_612 = arith.constant 192 : i32
    %dma_wait3A_613 = tpu.memref_slice %arg9[%add3A_494, %dma_wait3A_612] : memref<16384x448xf32, #tpu.memory_space<hbm>> -> memref<128x64xf32, #tpu.memory_space<hbm>>
    %dma_wait3A_614 = arith.constant 192 : i32
    %dma_wait3A_615 = tpu.memref_slice %arg9[%add3A_494, %dma_wait3A_614] : memref<16384x448xf32, #tpu.memory_space<hbm>> -> memref<128x64xf32, #tpu.memory_space<hbm>>
    %dma_wait3A_616 = arith.constant 0 : i32
    %dma_wait3A_617 = arith.constant 0 : i32
    %dma_wait3A_618 = tpu.memref_slice %arg12[%dma_wait3A_607, %dma_wait3A_616, %dma_wait3A_617] : memref<6x128x64xf32, #tpu.memory_space<vmem>> -> memref<1x128x64xf32, #tpu.memory_space<vmem>>
    %dma_wait3A_619 = tpu.memref_squeeze %dma_wait3A_618 : memref<1x128x64xf32, #tpu.memory_space<vmem>> -> memref<128x64xf32, #tpu.memory_space<vmem>>
    tpu.wait_dma2 semaphore(%arg15 : memref<!tpu.dma_semaphore, #tpu.memory_space<semaphore_mem>>) src(%dma_wait3A_619 : memref<128x64xf32, #tpu.memory_space<vmem>>) dst(%dma_wait3A_615 : memref<128x64xf32, #tpu.memory_space<hbm>>)
    %dma_wait3A_620 = arith.constant 3 : i32
    %dma_wait3A_621 = arith.constant 0 : i32
    %dma_wait3A_622 = arith.constant 0 : i32
    %dma_wait3A_623 = tpu.memref_slice %arg12[%dma_wait3A_620, %dma_wait3A_621, %dma_wait3A_622] : memref<6x128x64xf32, #tpu.memory_space<vmem>> -> memref<1x128x64xf32, #tpu.memory_space<vmem>>
    %dma_wait3A_624 = tpu.memref_squeeze %dma_wait3A_623 : memref<1x128x64xf32, #tpu.memory_space<vmem>> -> memref<128x64xf32, #tpu.memory_space<vmem>>
    %dma_wait3A_625 = arith.constant 256 : i32
    %dma_wait3A_626 = tpu.memref_slice %arg9[%add3A_494, %dma_wait3A_625] : memref<16384x448xf32, #tpu.memory_space<hbm>> -> memref<128x64xf32, #tpu.memory_space<hbm>>
    %dma_wait3A_627 = arith.constant 256 : i32
    %dma_wait3A_628 = tpu.memref_slice %arg9[%add3A_494, %dma_wait3A_627] : memref<16384x448xf32, #tpu.memory_space<hbm>> -> memref<128x64xf32, #tpu.memory_space<hbm>>
    %dma_wait3A_629 = arith.constant 0 : i32
    %dma_wait3A_630 = arith.constant 0 : i32
    %dma_wait3A_631 = tpu.memref_slice %arg12[%dma_wait3A_620, %dma_wait3A_629, %dma_wait3A_630] : memref<6x128x64xf32, #tpu.memory_space<vmem>> -> memref<1x128x64xf32, #tpu.memory_space<vmem>>
    %dma_wait3A_632 = tpu.memref_squeeze %dma_wait3A_631 : memref<1x128x64xf32, #tpu.memory_space<vmem>> -> memref<128x64xf32, #tpu.memory_space<vmem>>
    tpu.wait_dma2 semaphore(%arg15 : memref<!tpu.dma_semaphore, #tpu.memory_space<semaphore_mem>>) src(%dma_wait3A_632 : memref<128x64xf32, #tpu.memory_space<vmem>>) dst(%dma_wait3A_628 : memref<128x64xf32, #tpu.memory_space<hbm>>)
    %dma_wait3A_633 = arith.constant 4 : i32
    %dma_wait3A_634 = arith.constant 0 : i32
    %dma_wait3A_635 = arith.constant 0 : i32
    %dma_wait3A_636 = tpu.memref_slice %arg12[%dma_wait3A_633, %dma_wait3A_634, %dma_wait3A_635] : memref<6x128x64xf32, #tpu.memory_space<vmem>> -> memref<1x128x64xf32, #tpu.memory_space<vmem>>
    %dma_wait3A_637 = tpu.memref_squeeze %dma_wait3A_636 : memref<1x128x64xf32, #tpu.memory_space<vmem>> -> memref<128x64xf32, #tpu.memory_space<vmem>>
    %dma_wait3A_638 = arith.constant 320 : i32
    %dma_wait3A_639 = tpu.memref_slice %arg9[%add3A_494, %dma_wait3A_638] : memref<16384x448xf32, #tpu.memory_space<hbm>> -> memref<128x64xf32, #tpu.memory_space<hbm>>
    %dma_wait3A_640 = arith.constant 320 : i32
    %dma_wait3A_641 = tpu.memref_slice %arg9[%add3A_494, %dma_wait3A_640] : memref<16384x448xf32, #tpu.memory_space<hbm>> -> memref<128x64xf32, #tpu.memory_space<hbm>>
    %dma_wait3A_642 = arith.constant 0 : i32
    %dma_wait3A_643 = arith.constant 0 : i32
    %dma_wait3A_644 = tpu.memref_slice %arg12[%dma_wait3A_633, %dma_wait3A_642, %dma_wait3A_643] : memref<6x128x64xf32, #tpu.memory_space<vmem>> -> memref<1x128x64xf32, #tpu.memory_space<vmem>>
    %dma_wait3A_645 = tpu.memref_squeeze %dma_wait3A_644 : memref<1x128x64xf32, #tpu.memory_space<vmem>> -> memref<128x64xf32, #tpu.memory_space<vmem>>
    tpu.wait_dma2 semaphore(%arg15 : memref<!tpu.dma_semaphore, #tpu.memory_space<semaphore_mem>>) src(%dma_wait3A_645 : memref<128x64xf32, #tpu.memory_space<vmem>>) dst(%dma_wait3A_641 : memref<128x64xf32, #tpu.memory_space<hbm>>)
    %dma_wait3A_646 = arith.constant 5 : i32
    %dma_wait3A_647 = arith.constant 0 : i32
    %dma_wait3A_648 = arith.constant 0 : i32
    %dma_wait3A_649 = tpu.memref_slice %arg12[%dma_wait3A_646, %dma_wait3A_647, %dma_wait3A_648] : memref<6x128x64xf32, #tpu.memory_space<vmem>> -> memref<1x128x64xf32, #tpu.memory_space<vmem>>
    %dma_wait3A_650 = tpu.memref_squeeze %dma_wait3A_649 : memref<1x128x64xf32, #tpu.memory_space<vmem>> -> memref<128x64xf32, #tpu.memory_space<vmem>>
    %dma_wait3A_651 = arith.constant 384 : i32
    %dma_wait3A_652 = tpu.memref_slice %arg9[%add3A_494, %dma_wait3A_651] : memref<16384x448xf32, #tpu.memory_space<hbm>> -> memref<128x64xf32, #tpu.memory_space<hbm>>
    %dma_wait3A_653 = arith.constant 384 : i32
    %dma_wait3A_654 = tpu.memref_slice %arg9[%add3A_494, %dma_wait3A_653] : memref<16384x448xf32, #tpu.memory_space<hbm>> -> memref<128x64xf32, #tpu.memory_space<hbm>>
    %dma_wait3A_655 = arith.constant 0 : i32
    %dma_wait3A_656 = arith.constant 0 : i32
    %dma_wait3A_657 = tpu.memref_slice %arg12[%dma_wait3A_646, %dma_wait3A_655, %dma_wait3A_656] : memref<6x128x64xf32, #tpu.memory_space<vmem>> -> memref<1x128x64xf32, #tpu.memory_space<vmem>>
    %dma_wait3A_658 = tpu.memref_squeeze %dma_wait3A_657 : memref<1x128x64xf32, #tpu.memory_space<vmem>> -> memref<128x64xf32, #tpu.memory_space<vmem>>
    tpu.wait_dma2 semaphore(%arg15 : memref<!tpu.dma_semaphore, #tpu.memory_space<semaphore_mem>>) src(%dma_wait3A_658 : memref<128x64xf32, #tpu.memory_space<vmem>>) dst(%dma_wait3A_654 : memref<128x64xf32, #tpu.memory_space<hbm>>)
    %scan3A_659 = arith.constant 0 : i32
    %scan3A_660 = arith.constant 8 : i32
    %scan3A_661 = arith.addi %scan3A_659, %scan3A_660 : i32
    %scan3A_662 = arith.constant 1 : i32
    scf.for %scan3A_1313 = %scan3A_659 to %scan3A_661 step %scan3A_662  : i32 {
      %mul3A_1314 = arith.constant 16 : i32
      %mul3A_1315 = arith.muli %scan3A_1313, %mul3A_1314 : i32
      %add3A_1316 = arith.constant 256 : i32
      %add3A_1317 = arith.addi %add3A_1316, %mul3A_1315 : i32
      %broadcast_in_dim3A = arith.constant 0 : i32
      %broadcast_in_dim3A_1318 = vector.broadcast %broadcast_in_dim3A : i32 to vector<16xi32>
      %get3A = arith.constant 0 : i32
      %get3A_1319 = arith.constant 0 : i32
      %get3A_1320 = arith.index_cast %get3A : i32 to index
      %get3A_1321 = arith.index_cast %get3A_1319 : i32 to index
      %get3A_1322 = arith.index_cast %add3A_1317 : i32 to index
      %get3A_1323 = tpu.vector_load %arg10[%get3A_1320, %get3A_1321, %get3A_1322] {strides = array<i32>} : memref<6x8x512xf32, #tpu.memory_space<vmem>>, vector<16xf32>,
      %broadcast_in_dim3A_1324 = arith.constant 0 : i32
      %broadcast_in_dim3A_1325 = vector.broadcast %broadcast_in_dim3A_1324 : i32 to vector<16xi32>
      %get3A_1326 = arith.constant 0 : i32
      %get3A_1327 = arith.constant 1 : i32
      %get3A_1328 = arith.index_cast %get3A_1326 : i32 to index
      %get3A_1329 = arith.index_cast %get3A_1327 : i32 to index
      %get3A_1330 = arith.index_cast %add3A_1317 : i32 to index
      %get3A_1331 = tpu.vector_load %arg10[%get3A_1328, %get3A_1329, %get3A_1330] {strides = array<i32>} : memref<6x8x512xf32, #tpu.memory_space<vmem>>, vector<16xf32>,
      %gt3A = arith.cmpf ogt, %get3A_1331, %get3A_1323 : vector<16xf32>
      %select_n3A = arith.select %gt3A, %get3A_1331, %get3A_1323 : vector<16xi1>, vector<16xf32>
      %broadcast_in_dim3A_1332 = arith.constant 1 : i32
      %broadcast_in_dim3A_1333 = vector.broadcast %broadcast_in_dim3A_1332 : i32 to vector<16xi32>
      %select_n3A_1334 = arith.select %gt3A, %broadcast_in_dim3A_1333, %broadcast_in_dim3A_1325 : vector<16xi1>, vector<16xi32>
      %get3A_1335 = arith.constant 0 : i32
      %get3A_1336 = arith.constant 2 : i32
      %get3A_1337 = arith.index_cast %get3A_1335 : i32 to index
      %get3A_1338 = arith.index_cast %get3A_1336 : i32 to index
      %get3A_1339 = arith.index_cast %add3A_1317 : i32 to index
      %get3A_1340 = tpu.vector_load %arg10[%get3A_1337, %get3A_1338, %get3A_1339] {strides = array<i32>} : memref<6x8x512xf32, #tpu.memory_space<vmem>>, vector<16xf32>,
      %gt3A_1341 = arith.cmpf ogt, %get3A_1340, %select_n3A : vector<16xf32>
      %select_n3A_1342 = arith.select %gt3A_1341, %get3A_1340, %select_n3A : vector<16xi1>, vector<16xf32>
      %broadcast_in_dim3A_1343 = arith.constant 2 : i32
      %broadcast_in_dim3A_1344 = vector.broadcast %broadcast_in_dim3A_1343 : i32 to vector<16xi32>
      %select_n3A_1345 = arith.select %gt3A_1341, %broadcast_in_dim3A_1344, %select_n3A_1334 : vector<16xi1>, vector<16xi32>
      %get3A_1346 = arith.constant 0 : i32
      %get3A_1347 = arith.constant 3 : i32
      %get3A_1348 = arith.index_cast %get3A_1346 : i32 to index
      %get3A_1349 = arith.index_cast %get3A_1347 : i32 to index
      %get3A_1350 = arith.index_cast %add3A_1317 : i32 to index
      %get3A_1351 = tpu.vector_load %arg10[%get3A_1348, %get3A_1349, %get3A_1350] {strides = array<i32>} : memref<6x8x512xf32, #tpu.memory_space<vmem>>, vector<16xf32>,
      %gt3A_1352 = arith.cmpf ogt, %get3A_1351, %select_n3A_1342 : vector<16xf32>
      %select_n3A_1353 = arith.select %gt3A_1352, %get3A_1351, %select_n3A_1342 : vector<16xi1>, vector<16xf32>
      %broadcast_in_dim3A_1354 = arith.constant 3 : i32
      %broadcast_in_dim3A_1355 = vector.broadcast %broadcast_in_dim3A_1354 : i32 to vector<16xi32>
      %select_n3A_1356 = arith.select %gt3A_1352, %broadcast_in_dim3A_1355, %select_n3A_1345 : vector<16xi1>, vector<16xi32>
      %get3A_1357 = arith.constant 0 : i32
      %get3A_1358 = arith.constant 4 : i32
      %get3A_1359 = arith.index_cast %get3A_1357 : i32 to index
      %get3A_1360 = arith.index_cast %get3A_1358 : i32 to index
      %get3A_1361 = arith.index_cast %add3A_1317 : i32 to index
      %get3A_1362 = tpu.vector_load %arg10[%get3A_1359, %get3A_1360, %get3A_1361] {strides = array<i32>} : memref<6x8x512xf32, #tpu.memory_space<vmem>>, vector<16xf32>,
      %gt3A_1363 = arith.cmpf ogt, %get3A_1362, %select_n3A_1353 : vector<16xf32>
      %select_n3A_1364 = arith.select %gt3A_1363, %get3A_1362, %select_n3A_1353 : vector<16xi1>, vector<16xf32>
      %broadcast_in_dim3A_1365 = arith.constant 4 : i32
      %broadcast_in_dim3A_1366 = vector.broadcast %broadcast_in_dim3A_1365 : i32 to vector<16xi32>
      %select_n3A_1367 = arith.select %gt3A_1363, %broadcast_in_dim3A_1366, %select_n3A_1356 : vector<16xi1>, vector<16xi32>
      %get3A_1368 = arith.constant 0 : i32
      %get3A_1369 = arith.constant 5 : i32
      %get3A_1370 = arith.index_cast %get3A_1368 : i32 to index
      %get3A_1371 = arith.index_cast %get3A_1369 : i32 to index
      %get3A_1372 = arith.index_cast %add3A_1317 : i32 to index
      %get3A_1373 = tpu.vector_load %arg10[%get3A_1370, %get3A_1371, %get3A_1372] {strides = array<i32>} : memref<6x8x512xf32, #tpu.memory_space<vmem>>, vector<16xf32>,
      %gt3A_1374 = arith.cmpf ogt, %get3A_1373, %select_n3A_1364 : vector<16xf32>
      %select_n3A_1375 = arith.select %gt3A_1374, %get3A_1373, %select_n3A_1364 : vector<16xi1>, vector<16xf32>
      %broadcast_in_dim3A_1376 = arith.constant 5 : i32
      %broadcast_in_dim3A_1377 = vector.broadcast %broadcast_in_dim3A_1376 : i32 to vector<16xi32>
      %select_n3A_1378 = arith.select %gt3A_1374, %broadcast_in_dim3A_1377, %select_n3A_1367 : vector<16xi1>, vector<16xi32>
      %get3A_1379 = arith.constant 0 : i32
      %get3A_1380 = arith.constant 6 : i32
      %get3A_1381 = arith.index_cast %get3A_1379 : i32 to index
      %get3A_1382 = arith.index_cast %get3A_1380 : i32 to index
      %get3A_1383 = arith.index_cast %add3A_1317 : i32 to index
      %get3A_1384 = tpu.vector_load %arg10[%get3A_1381, %get3A_1382, %get3A_1383] {strides = array<i32>} : memref<6x8x512xf32, #tpu.memory_space<vmem>>, vector<16xf32>,
      %gt3A_1385 = arith.cmpf ogt, %get3A_1384, %select_n3A_1375 : vector<16xf32>
      %select_n3A_1386 = arith.select %gt3A_1385, %get3A_1384, %select_n3A_1375 : vector<16xi1>, vector<16xf32>
      %broadcast_in_dim3A_1387 = arith.constant 6 : i32
      %broadcast_in_dim3A_1388 = vector.broadcast %broadcast_in_dim3A_1387 : i32 to vector<16xi32>
      %select_n3A_1389 = arith.select %gt3A_1385, %broadcast_in_dim3A_1388, %select_n3A_1378 : vector<16xi1>, vector<16xi32>
      %get3A_1390 = arith.constant 0 : i32
      %get3A_1391 = arith.constant 7 : i32
      %get3A_1392 = arith.index_cast %get3A_1390 : i32 to index
      %get3A_1393 = arith.index_cast %get3A_1391 : i32 to index
      %get3A_1394 = arith.index_cast %add3A_1317 : i32 to index
      %get3A_1395 = tpu.vector_load %arg10[%get3A_1392, %get3A_1393, %get3A_1394] {strides = array<i32>} : memref<6x8x512xf32, #tpu.memory_space<vmem>>, vector<16xf32>,
      %gt3A_1396 = arith.cmpf ogt, %get3A_1395, %select_n3A_1386 : vector<16xf32>
      %select_n3A_1397 = arith.select %gt3A_1396, %get3A_1395, %select_n3A_1386 : vector<16xi1>, vector<16xf32>
      %broadcast_in_dim3A_1398 = arith.constant 7 : i32
      %broadcast_in_dim3A_1399 = vector.broadcast %broadcast_in_dim3A_1398 : i32 to vector<16xi32>
      %select_n3A_1400 = arith.select %gt3A_1396, %broadcast_in_dim3A_1399, %select_n3A_1389 : vector<16xi1>, vector<16xi32>
      %mul3A_1401 = arith.constant 1 : i32
      %mul3A_1402 = vector.broadcast %mul3A_1401 : i32 to vector<16xi32>
      %mul3A_1403 = arith.muli %select_n3A_1400, %mul3A_1402 : vector<16xi32>
      %add3A_1404 = arith.addi %broadcast_in_dim3A_1318, %mul3A_1403 : vector<16xi32>
      %mul3A_1405 = arith.constant 16 : i32
      %mul3A_1406 = arith.muli %scan3A_1313, %mul3A_1405 : i32
      %swap3A = arith.constant 0 : i32
      %swap3A_1407 = arith.constant 2 : i32
      %swap3A_1408 = arith.index_cast %swap3A : i32 to index
      %swap3A_1409 = arith.index_cast %swap3A_1407 : i32 to index
      %swap3A_1410 = arith.index_cast %mul3A_1406 : i32 to index
      %swap3A_1411 = tpu.vector_load %arg11[%swap3A_1408, %swap3A_1409, %swap3A_1410] {strides = array<i32>} : memref<6x4x128xi32, #tpu.memory_space<vmem>>, vector<16xi32>,
      tpu.vector_store %arg11[%swap3A_1408, %swap3A_1409, %swap3A_1410], %add3A_1404 {strides = array<i32>} : memref<6x4x128xi32, #tpu.memory_space<vmem>>, vector<16xi32>,
      %get3A_1412 = arith.constant 1 : i32
      %get3A_1413 = arith.constant 0 : i32
      %get3A_1414 = arith.index_cast %get3A_1412 : i32 to index
      %get3A_1415 = arith.index_cast %get3A_1413 : i32 to index
      %get3A_1416 = arith.index_cast %add3A_1317 : i32 to index
      %get3A_1417 = tpu.vector_load %arg10[%get3A_1414, %get3A_1415, %get3A_1416] {strides = array<i32>} : memref<6x8x512xf32, #tpu.memory_space<vmem>>, vector<16xf32>,
      %broadcast_in_dim3A_1418 = arith.constant 0 : i32
      %broadcast_in_dim3A_1419 = vector.broadcast %broadcast_in_dim3A_1418 : i32 to vector<16xi32>
      %get3A_1420 = arith.constant 1 : i32
      %get3A_1421 = arith.constant 1 : i32
      %get3A_1422 = arith.index_cast %get3A_1420 : i32 to index
      %get3A_1423 = arith.index_cast %get3A_1421 : i32 to index
      %get3A_1424 = arith.index_cast %add3A_1317 : i32 to index
      %get3A_1425 = tpu.vector_load %arg10[%get3A_1422, %get3A_1423, %get3A_1424] {strides = array<i32>} : memref<6x8x512xf32, #tpu.memory_space<vmem>>, vector<16xf32>,
      %gt3A_1426 = arith.cmpf ogt, %get3A_1425, %get3A_1417 : vector<16xf32>
      %select_n3A_1427 = arith.select %gt3A_1426, %get3A_1425, %get3A_1417 : vector<16xi1>, vector<16xf32>
      %broadcast_in_dim3A_1428 = arith.constant 1 : i32
      %broadcast_in_dim3A_1429 = vector.broadcast %broadcast_in_dim3A_1428 : i32 to vector<16xi32>
      %select_n3A_1430 = arith.select %gt3A_1426, %broadcast_in_dim3A_1429, %broadcast_in_dim3A_1419 : vector<16xi1>, vector<16xi32>
      %get3A_1431 = arith.constant 1 : i32
      %get3A_1432 = arith.constant 2 : i32
      %get3A_1433 = arith.index_cast %get3A_1431 : i32 to index
      %get3A_1434 = arith.index_cast %get3A_1432 : i32 to index
      %get3A_1435 = arith.index_cast %add3A_1317 : i32 to index
      %get3A_1436 = tpu.vector_load %arg10[%get3A_1433, %get3A_1434, %get3A_1435] {strides = array<i32>} : memref<6x8x512xf32, #tpu.memory_space<vmem>>, vector<16xf32>,
      %gt3A_1437 = arith.cmpf ogt, %get3A_1436, %select_n3A_1427 : vector<16xf32>
      %select_n3A_1438 = arith.select %gt3A_1437, %get3A_1436, %select_n3A_1427 : vector<16xi1>, vector<16xf32>
      %broadcast_in_dim3A_1439 = arith.constant 2 : i32
      %broadcast_in_dim3A_1440 = vector.broadcast %broadcast_in_dim3A_1439 : i32 to vector<16xi32>
      %select_n3A_1441 = arith.select %gt3A_1437, %broadcast_in_dim3A_1440, %select_n3A_1430 : vector<16xi1>, vector<16xi32>
      %get3A_1442 = arith.constant 1 : i32
      %get3A_1443 = arith.constant 3 : i32
      %get3A_1444 = arith.index_cast %get3A_1442 : i32 to index
      %get3A_1445 = arith.index_cast %get3A_1443 : i32 to index
      %get3A_1446 = arith.index_cast %add3A_1317 : i32 to index
      %get3A_1447 = tpu.vector_load %arg10[%get3A_1444, %get3A_1445, %get3A_1446] {strides = array<i32>} : memref<6x8x512xf32, #tpu.memory_space<vmem>>, vector<16xf32>,
      %gt3A_1448 = arith.cmpf ogt, %get3A_1447, %select_n3A_1438 : vector<16xf32>
      %select_n3A_1449 = arith.select %gt3A_1448, %get3A_1447, %select_n3A_1438 : vector<16xi1>, vector<16xf32>
      %broadcast_in_dim3A_1450 = arith.constant 3 : i32
      %broadcast_in_dim3A_1451 = vector.broadcast %broadcast_in_dim3A_1450 : i32 to vector<16xi32>
      %select_n3A_1452 = arith.select %gt3A_1448, %broadcast_in_dim3A_1451, %select_n3A_1441 : vector<16xi1>, vector<16xi32>
      %get3A_1453 = arith.constant 1 : i32
      %get3A_1454 = arith.constant 4 : i32
      %get3A_1455 = arith.index_cast %get3A_1453 : i32 to index
      %get3A_1456 = arith.index_cast %get3A_1454 : i32 to index
      %get3A_1457 = arith.index_cast %add3A_1317 : i32 to index
      %get3A_1458 = tpu.vector_load %arg10[%get3A_1455, %get3A_1456, %get3A_1457] {strides = array<i32>} : memref<6x8x512xf32, #tpu.memory_space<vmem>>, vector<16xf32>,
      %gt3A_1459 = arith.cmpf ogt, %get3A_1458, %select_n3A_1449 : vector<16xf32>
      %select_n3A_1460 = arith.select %gt3A_1459, %get3A_1458, %select_n3A_1449 : vector<16xi1>, vector<16xf32>
      %broadcast_in_dim3A_1461 = arith.constant 4 : i32
      %broadcast_in_dim3A_1462 = vector.broadcast %broadcast_in_dim3A_1461 : i32 to vector<16xi32>
      %select_n3A_1463 = arith.select %gt3A_1459, %broadcast_in_dim3A_1462, %select_n3A_1452 : vector<16xi1>, vector<16xi32>
      %get3A_1464 = arith.constant 1 : i32
      %get3A_1465 = arith.constant 5 : i32
      %get3A_1466 = arith.index_cast %get3A_1464 : i32 to index
      %get3A_1467 = arith.index_cast %get3A_1465 : i32 to index
      %get3A_1468 = arith.index_cast %add3A_1317 : i32 to index
      %get3A_1469 = tpu.vector_load %arg10[%get3A_1466, %get3A_1467, %get3A_1468] {strides = array<i32>} : memref<6x8x512xf32, #tpu.memory_space<vmem>>, vector<16xf32>,
      %gt3A_1470 = arith.cmpf ogt, %get3A_1469, %select_n3A_1460 : vector<16xf32>
      %select_n3A_1471 = arith.select %gt3A_1470, %get3A_1469, %select_n3A_1460 : vector<16xi1>, vector<16xf32>
      %broadcast_in_dim3A_1472 = arith.constant 5 : i32
      %broadcast_in_dim3A_1473 = vector.broadcast %broadcast_in_dim3A_1472 : i32 to vector<16xi32>
      %select_n3A_1474 = arith.select %gt3A_1470, %broadcast_in_dim3A_1473, %select_n3A_1463 : vector<16xi1>, vector<16xi32>
      %get3A_1475 = arith.constant 1 : i32
      %get3A_1476 = arith.constant 6 : i32
      %get3A_1477 = arith.index_cast %get3A_1475 : i32 to index
      %get3A_1478 = arith.index_cast %get3A_1476 : i32 to index
      %get3A_1479 = arith.index_cast %add3A_1317 : i32 to index
      %get3A_1480 = tpu.vector_load %arg10[%get3A_1477, %get3A_1478, %get3A_1479] {strides = array<i32>} : memref<6x8x512xf32, #tpu.memory_space<vmem>>, vector<16xf32>,
      %gt3A_1481 = arith.cmpf ogt, %get3A_1480, %select_n3A_1471 : vector<16xf32>
      %select_n3A_1482 = arith.select %gt3A_1481, %get3A_1480, %select_n3A_1471 : vector<16xi1>, vector<16xf32>
      %broadcast_in_dim3A_1483 = arith.constant 6 : i32
      %broadcast_in_dim3A_1484 = vector.broadcast %broadcast_in_dim3A_1483 : i32 to vector<16xi32>
      %select_n3A_1485 = arith.select %gt3A_1481, %broadcast_in_dim3A_1484, %select_n3A_1474 : vector<16xi1>, vector<16xi32>
      %get3A_1486 = arith.constant 1 : i32
      %get3A_1487 = arith.constant 7 : i32
      %get3A_1488 = arith.index_cast %get3A_1486 : i32 to index
      %get3A_1489 = arith.index_cast %get3A_1487 : i32 to index
      %get3A_1490 = arith.index_cast %add3A_1317 : i32 to index
      %get3A_1491 = tpu.vector_load %arg10[%get3A_1488, %get3A_1489, %get3A_1490] {strides = array<i32>} : memref<6x8x512xf32, #tpu.memory_space<vmem>>, vector<16xf32>,
      %gt3A_1492 = arith.cmpf ogt, %get3A_1491, %select_n3A_1482 : vector<16xf32>
      %select_n3A_1493 = arith.select %gt3A_1492, %get3A_1491, %select_n3A_1482 : vector<16xi1>, vector<16xf32>
      %broadcast_in_dim3A_1494 = arith.constant 7 : i32
      %broadcast_in_dim3A_1495 = vector.broadcast %broadcast_in_dim3A_1494 : i32 to vector<16xi32>
      %select_n3A_1496 = arith.select %gt3A_1492, %broadcast_in_dim3A_1495, %select_n3A_1485 : vector<16xi1>, vector<16xi32>
      %mul3A_1497 = arith.constant 8 : i32
      %mul3A_1498 = vector.broadcast %mul3A_1497 : i32 to vector<16xi32>
      %mul3A_1499 = arith.muli %select_n3A_1496, %mul3A_1498 : vector<16xi32>
      %add3A_1500 = arith.addi %add3A_1404, %mul3A_1499 : vector<16xi32>
      %mul3A_1501 = arith.constant 16 : i32
      %mul3A_1502 = arith.muli %scan3A_1313, %mul3A_1501 : i32
      %swap3A_1503 = arith.constant 1 : i32
      %swap3A_1504 = arith.constant 2 : i32
      %swap3A_1505 = arith.index_cast %swap3A_1503 : i32 to index
      %swap3A_1506 = arith.index_cast %swap3A_1504 : i32 to index
      %swap3A_1507 = arith.index_cast %mul3A_1502 : i32 to index
      %swap3A_1508 = tpu.vector_load %arg11[%swap3A_1505, %swap3A_1506, %swap3A_1507] {strides = array<i32>} : memref<6x4x128xi32, #tpu.memory_space<vmem>>, vector<16xi32>,
      tpu.vector_store %arg11[%swap3A_1505, %swap3A_1506, %swap3A_1507], %add3A_1500 {strides = array<i32>} : memref<6x4x128xi32, #tpu.memory_space<vmem>>, vector<16xi32>,
      %get3A_1509 = arith.constant 2 : i32
      %get3A_1510 = arith.constant 0 : i32
      %get3A_1511 = arith.index_cast %get3A_1509 : i32 to index
      %get3A_1512 = arith.index_cast %get3A_1510 : i32 to index
      %get3A_1513 = arith.index_cast %add3A_1317 : i32 to index
      %get3A_1514 = tpu.vector_load %arg10[%get3A_1511, %get3A_1512, %get3A_1513] {strides = array<i32>} : memref<6x8x512xf32, #tpu.memory_space<vmem>>, vector<16xf32>,
      %broadcast_in_dim3A_1515 = arith.constant 0 : i32
      %broadcast_in_dim3A_1516 = vector.broadcast %broadcast_in_dim3A_1515 : i32 to vector<16xi32>
      %get3A_1517 = arith.constant 2 : i32
      %get3A_1518 = arith.constant 1 : i32
      %get3A_1519 = arith.index_cast %get3A_1517 : i32 to index
      %get3A_1520 = arith.index_cast %get3A_1518 : i32 to index
      %get3A_1521 = arith.index_cast %add3A_1317 : i32 to index
      %get3A_1522 = tpu.vector_load %arg10[%get3A_1519, %get3A_1520, %get3A_1521] {strides = array<i32>} : memref<6x8x512xf32, #tpu.memory_space<vmem>>, vector<16xf32>,
      %gt3A_1523 = arith.cmpf ogt, %get3A_1522, %get3A_1514 : vector<16xf32>
      %select_n3A_1524 = arith.select %gt3A_1523, %get3A_1522, %get3A_1514 : vector<16xi1>, vector<16xf32>
      %broadcast_in_dim3A_1525 = arith.constant 1 : i32
      %broadcast_in_dim3A_1526 = vector.broadcast %broadcast_in_dim3A_1525 : i32 to vector<16xi32>
      %select_n3A_1527 = arith.select %gt3A_1523, %broadcast_in_dim3A_1526, %broadcast_in_dim3A_1516 : vector<16xi1>, vector<16xi32>
      %get3A_1528 = arith.constant 2 : i32
      %get3A_1529 = arith.constant 2 : i32
      %get3A_1530 = arith.index_cast %get3A_1528 : i32 to index
      %get3A_1531 = arith.index_cast %get3A_1529 : i32 to index
      %get3A_1532 = arith.index_cast %add3A_1317 : i32 to index
      %get3A_1533 = tpu.vector_load %arg10[%get3A_1530, %get3A_1531, %get3A_1532] {strides = array<i32>} : memref<6x8x512xf32, #tpu.memory_space<vmem>>, vector<16xf32>,
      %gt3A_1534 = arith.cmpf ogt, %get3A_1533, %select_n3A_1524 : vector<16xf32>
      %select_n3A_1535 = arith.select %gt3A_1534, %get3A_1533, %select_n3A_1524 : vector<16xi1>, vector<16xf32>
      %broadcast_in_dim3A_1536 = arith.constant 2 : i32
      %broadcast_in_dim3A_1537 = vector.broadcast %broadcast_in_dim3A_1536 : i32 to vector<16xi32>
      %select_n3A_1538 = arith.select %gt3A_1534, %broadcast_in_dim3A_1537, %select_n3A_1527 : vector<16xi1>, vector<16xi32>
      %get3A_1539 = arith.constant 2 : i32
      %get3A_1540 = arith.constant 3 : i32
      %get3A_1541 = arith.index_cast %get3A_1539 : i32 to index
      %get3A_1542 = arith.index_cast %get3A_1540 : i32 to index
      %get3A_1543 = arith.index_cast %add3A_1317 : i32 to index
      %get3A_1544 = tpu.vector_load %arg10[%get3A_1541, %get3A_1542, %get3A_1543] {strides = array<i32>} : memref<6x8x512xf32, #tpu.memory_space<vmem>>, vector<16xf32>,
      %gt3A_1545 = arith.cmpf ogt, %get3A_1544, %select_n3A_1535 : vector<16xf32>
      %select_n3A_1546 = arith.select %gt3A_1545, %get3A_1544, %select_n3A_1535 : vector<16xi1>, vector<16xf32>
      %broadcast_in_dim3A_1547 = arith.constant 3 : i32
      %broadcast_in_dim3A_1548 = vector.broadcast %broadcast_in_dim3A_1547 : i32 to vector<16xi32>
      %select_n3A_1549 = arith.select %gt3A_1545, %broadcast_in_dim3A_1548, %select_n3A_1538 : vector<16xi1>, vector<16xi32>
      %get3A_1550 = arith.constant 2 : i32
      %get3A_1551 = arith.constant 4 : i32
      %get3A_1552 = arith.index_cast %get3A_1550 : i32 to index
      %get3A_1553 = arith.index_cast %get3A_1551 : i32 to index
      %get3A_1554 = arith.index_cast %add3A_1317 : i32 to index
      %get3A_1555 = tpu.vector_load %arg10[%get3A_1552, %get3A_1553, %get3A_1554] {strides = array<i32>} : memref<6x8x512xf32, #tpu.memory_space<vmem>>, vector<16xf32>,
      %gt3A_1556 = arith.cmpf ogt, %get3A_1555, %select_n3A_1546 : vector<16xf32>
      %select_n3A_1557 = arith.select %gt3A_1556, %get3A_1555, %select_n3A_1546 : vector<16xi1>, vector<16xf32>
      %broadcast_in_dim3A_1558 = arith.constant 4 : i32
      %broadcast_in_dim3A_1559 = vector.broadcast %broadcast_in_dim3A_1558 : i32 to vector<16xi32>
      %select_n3A_1560 = arith.select %gt3A_1556, %broadcast_in_dim3A_1559, %select_n3A_1549 : vector<16xi1>, vector<16xi32>
      %get3A_1561 = arith.constant 2 : i32
      %get3A_1562 = arith.constant 5 : i32
      %get3A_1563 = arith.index_cast %get3A_1561 : i32 to index
      %get3A_1564 = arith.index_cast %get3A_1562 : i32 to index
      %get3A_1565 = arith.index_cast %add3A_1317 : i32 to index
      %get3A_1566 = tpu.vector_load %arg10[%get3A_1563, %get3A_1564, %get3A_1565] {strides = array<i32>} : memref<6x8x512xf32, #tpu.memory_space<vmem>>, vector<16xf32>,
      %gt3A_1567 = arith.cmpf ogt, %get3A_1566, %select_n3A_1557 : vector<16xf32>
      %select_n3A_1568 = arith.select %gt3A_1567, %get3A_1566, %select_n3A_1557 : vector<16xi1>, vector<16xf32>
      %broadcast_in_dim3A_1569 = arith.constant 5 : i32
      %broadcast_in_dim3A_1570 = vector.broadcast %broadcast_in_dim3A_1569 : i32 to vector<16xi32>
      %select_n3A_1571 = arith.select %gt3A_1567, %broadcast_in_dim3A_1570, %select_n3A_1560 : vector<16xi1>, vector<16xi32>
      %get3A_1572 = arith.constant 2 : i32
      %get3A_1573 = arith.constant 6 : i32
      %get3A_1574 = arith.index_cast %get3A_1572 : i32 to index
      %get3A_1575 = arith.index_cast %get3A_1573 : i32 to index
      %get3A_1576 = arith.index_cast %add3A_1317 : i32 to index
      %get3A_1577 = tpu.vector_load %arg10[%get3A_1574, %get3A_1575, %get3A_1576] {strides = array<i32>} : memref<6x8x512xf32, #tpu.memory_space<vmem>>, vector<16xf32>,
      %gt3A_1578 = arith.cmpf ogt, %get3A_1577, %select_n3A_1568 : vector<16xf32>
      %select_n3A_1579 = arith.select %gt3A_1578, %get3A_1577, %select_n3A_1568 : vector<16xi1>, vector<16xf32>
      %broadcast_in_dim3A_1580 = arith.constant 6 : i32
      %broadcast_in_dim3A_1581 = vector.broadcast %broadcast_in_dim3A_1580 : i32 to vector<16xi32>
      %select_n3A_1582 = arith.select %gt3A_1578, %broadcast_in_dim3A_1581, %select_n3A_1571 : vector<16xi1>, vector<16xi32>
      %get3A_1583 = arith.constant 2 : i32
      %get3A_1584 = arith.constant 7 : i32
      %get3A_1585 = arith.index_cast %get3A_1583 : i32 to index
      %get3A_1586 = arith.index_cast %get3A_1584 : i32 to index
      %get3A_1587 = arith.index_cast %add3A_1317 : i32 to index
      %get3A_1588 = tpu.vector_load %arg10[%get3A_1585, %get3A_1586, %get3A_1587] {strides = array<i32>} : memref<6x8x512xf32, #tpu.memory_space<vmem>>, vector<16xf32>,
      %gt3A_1589 = arith.cmpf ogt, %get3A_1588, %select_n3A_1579 : vector<16xf32>
      %select_n3A_1590 = arith.select %gt3A_1589, %get3A_1588, %select_n3A_1579 : vector<16xi1>, vector<16xf32>
      %broadcast_in_dim3A_1591 = arith.constant 7 : i32
      %broadcast_in_dim3A_1592 = vector.broadcast %broadcast_in_dim3A_1591 : i32 to vector<16xi32>
      %select_n3A_1593 = arith.select %gt3A_1589, %broadcast_in_dim3A_1592, %select_n3A_1582 : vector<16xi1>, vector<16xi32>
      %mul3A_1594 = arith.constant 64 : i32
      %mul3A_1595 = vector.broadcast %mul3A_1594 : i32 to vector<16xi32>
      %mul3A_1596 = arith.muli %select_n3A_1593, %mul3A_1595 : vector<16xi32>
      %add3A_1597 = arith.addi %add3A_1500, %mul3A_1596 : vector<16xi32>
      %mul3A_1598 = arith.constant 16 : i32
      %mul3A_1599 = arith.muli %scan3A_1313, %mul3A_1598 : i32
      %swap3A_1600 = arith.constant 2 : i32
      %swap3A_1601 = arith.constant 2 : i32
      %swap3A_1602 = arith.index_cast %swap3A_1600 : i32 to index
      %swap3A_1603 = arith.index_cast %swap3A_1601 : i32 to index
      %swap3A_1604 = arith.index_cast %mul3A_1599 : i32 to index
      %swap3A_1605 = tpu.vector_load %arg11[%swap3A_1602, %swap3A_1603, %swap3A_1604] {strides = array<i32>} : memref<6x4x128xi32, #tpu.memory_space<vmem>>, vector<16xi32>,
      tpu.vector_store %arg11[%swap3A_1602, %swap3A_1603, %swap3A_1604], %add3A_1597 {strides = array<i32>} : memref<6x4x128xi32, #tpu.memory_space<vmem>>, vector<16xi32>,
      %get3A_1606 = arith.constant 3 : i32
      %get3A_1607 = arith.constant 0 : i32
      %get3A_1608 = arith.index_cast %get3A_1606 : i32 to index
      %get3A_1609 = arith.index_cast %get3A_1607 : i32 to index
      %get3A_1610 = arith.index_cast %add3A_1317 : i32 to index
      %get3A_1611 = tpu.vector_load %arg10[%get3A_1608, %get3A_1609, %get3A_1610] {strides = array<i32>} : memref<6x8x512xf32, #tpu.memory_space<vmem>>, vector<16xf32>,
      %broadcast_in_dim3A_1612 = arith.constant 0 : i32
      %broadcast_in_dim3A_1613 = vector.broadcast %broadcast_in_dim3A_1612 : i32 to vector<16xi32>
      %get3A_1614 = arith.constant 3 : i32
      %get3A_1615 = arith.constant 1 : i32
      %get3A_1616 = arith.index_cast %get3A_1614 : i32 to index
      %get3A_1617 = arith.index_cast %get3A_1615 : i32 to index
      %get3A_1618 = arith.index_cast %add3A_1317 : i32 to index
      %get3A_1619 = tpu.vector_load %arg10[%get3A_1616, %get3A_1617, %get3A_1618] {strides = array<i32>} : memref<6x8x512xf32, #tpu.memory_space<vmem>>, vector<16xf32>,
      %gt3A_1620 = arith.cmpf ogt, %get3A_1619, %get3A_1611 : vector<16xf32>
      %select_n3A_1621 = arith.select %gt3A_1620, %get3A_1619, %get3A_1611 : vector<16xi1>, vector<16xf32>
      %broadcast_in_dim3A_1622 = arith.constant 1 : i32
      %broadcast_in_dim3A_1623 = vector.broadcast %broadcast_in_dim3A_1622 : i32 to vector<16xi32>
      %select_n3A_1624 = arith.select %gt3A_1620, %broadcast_in_dim3A_1623, %broadcast_in_dim3A_1613 : vector<16xi1>, vector<16xi32>
      %get3A_1625 = arith.constant 3 : i32
      %get3A_1626 = arith.constant 2 : i32
      %get3A_1627 = arith.index_cast %get3A_1625 : i32 to index
      %get3A_1628 = arith.index_cast %get3A_1626 : i32 to index
      %get3A_1629 = arith.index_cast %add3A_1317 : i32 to index
      %get3A_1630 = tpu.vector_load %arg10[%get3A_1627, %get3A_1628, %get3A_1629] {strides = array<i32>} : memref<6x8x512xf32, #tpu.memory_space<vmem>>, vector<16xf32>,
      %gt3A_1631 = arith.cmpf ogt, %get3A_1630, %select_n3A_1621 : vector<16xf32>
      %select_n3A_1632 = arith.select %gt3A_1631, %get3A_1630, %select_n3A_1621 : vector<16xi1>, vector<16xf32>
      %broadcast_in_dim3A_1633 = arith.constant 2 : i32
      %broadcast_in_dim3A_1634 = vector.broadcast %broadcast_in_dim3A_1633 : i32 to vector<16xi32>
      %select_n3A_1635 = arith.select %gt3A_1631, %broadcast_in_dim3A_1634, %select_n3A_1624 : vector<16xi1>, vector<16xi32>
      %get3A_1636 = arith.constant 3 : i32
      %get3A_1637 = arith.constant 3 : i32
      %get3A_1638 = arith.index_cast %get3A_1636 : i32 to index
      %get3A_1639 = arith.index_cast %get3A_1637 : i32 to index
      %get3A_1640 = arith.index_cast %add3A_1317 : i32 to index
      %get3A_1641 = tpu.vector_load %arg10[%get3A_1638, %get3A_1639, %get3A_1640] {strides = array<i32>} : memref<6x8x512xf32, #tpu.memory_space<vmem>>, vector<16xf32>,
      %gt3A_1642 = arith.cmpf ogt, %get3A_1641, %select_n3A_1632 : vector<16xf32>
      %select_n3A_1643 = arith.select %gt3A_1642, %get3A_1641, %select_n3A_1632 : vector<16xi1>, vector<16xf32>
      %broadcast_in_dim3A_1644 = arith.constant 3 : i32
      %broadcast_in_dim3A_1645 = vector.broadcast %broadcast_in_dim3A_1644 : i32 to vector<16xi32>
      %select_n3A_1646 = arith.select %gt3A_1642, %broadcast_in_dim3A_1645, %select_n3A_1635 : vector<16xi1>, vector<16xi32>
      %get3A_1647 = arith.constant 3 : i32
      %get3A_1648 = arith.constant 4 : i32
      %get3A_1649 = arith.index_cast %get3A_1647 : i32 to index
      %get3A_1650 = arith.index_cast %get3A_1648 : i32 to index
      %get3A_1651 = arith.index_cast %add3A_1317 : i32 to index
      %get3A_1652 = tpu.vector_load %arg10[%get3A_1649, %get3A_1650, %get3A_1651] {strides = array<i32>} : memref<6x8x512xf32, #tpu.memory_space<vmem>>, vector<16xf32>,
      %gt3A_1653 = arith.cmpf ogt, %get3A_1652, %select_n3A_1643 : vector<16xf32>
      %select_n3A_1654 = arith.select %gt3A_1653, %get3A_1652, %select_n3A_1643 : vector<16xi1>, vector<16xf32>
      %broadcast_in_dim3A_1655 = arith.constant 4 : i32
      %broadcast_in_dim3A_1656 = vector.broadcast %broadcast_in_dim3A_1655 : i32 to vector<16xi32>
      %select_n3A_1657 = arith.select %gt3A_1653, %broadcast_in_dim3A_1656, %select_n3A_1646 : vector<16xi1>, vector<16xi32>
      %get3A_1658 = arith.constant 3 : i32
      %get3A_1659 = arith.constant 5 : i32
      %get3A_1660 = arith.index_cast %get3A_1658 : i32 to index
      %get3A_1661 = arith.index_cast %get3A_1659 : i32 to index
      %get3A_1662 = arith.index_cast %add3A_1317 : i32 to index
      %get3A_1663 = tpu.vector_load %arg10[%get3A_1660, %get3A_1661, %get3A_1662] {strides = array<i32>} : memref<6x8x512xf32, #tpu.memory_space<vmem>>, vector<16xf32>,
      %gt3A_1664 = arith.cmpf ogt, %get3A_1663, %select_n3A_1654 : vector<16xf32>
      %select_n3A_1665 = arith.select %gt3A_1664, %get3A_1663, %select_n3A_1654 : vector<16xi1>, vector<16xf32>
      %broadcast_in_dim3A_1666 = arith.constant 5 : i32
      %broadcast_in_dim3A_1667 = vector.broadcast %broadcast_in_dim3A_1666 : i32 to vector<16xi32>
      %select_n3A_1668 = arith.select %gt3A_1664, %broadcast_in_dim3A_1667, %select_n3A_1657 : vector<16xi1>, vector<16xi32>
      %get3A_1669 = arith.constant 3 : i32
      %get3A_1670 = arith.constant 6 : i32
      %get3A_1671 = arith.index_cast %get3A_1669 : i32 to index
      %get3A_1672 = arith.index_cast %get3A_1670 : i32 to index
      %get3A_1673 = arith.index_cast %add3A_1317 : i32 to index
      %get3A_1674 = tpu.vector_load %arg10[%get3A_1671, %get3A_1672, %get3A_1673] {strides = array<i32>} : memref<6x8x512xf32, #tpu.memory_space<vmem>>, vector<16xf32>,
      %gt3A_1675 = arith.cmpf ogt, %get3A_1674, %select_n3A_1665 : vector<16xf32>
      %select_n3A_1676 = arith.select %gt3A_1675, %get3A_1674, %select_n3A_1665 : vector<16xi1>, vector<16xf32>
      %broadcast_in_dim3A_1677 = arith.constant 6 : i32
      %broadcast_in_dim3A_1678 = vector.broadcast %broadcast_in_dim3A_1677 : i32 to vector<16xi32>
      %select_n3A_1679 = arith.select %gt3A_1675, %broadcast_in_dim3A_1678, %select_n3A_1668 : vector<16xi1>, vector<16xi32>
      %get3A_1680 = arith.constant 3 : i32
      %get3A_1681 = arith.constant 7 : i32
      %get3A_1682 = arith.index_cast %get3A_1680 : i32 to index
      %get3A_1683 = arith.index_cast %get3A_1681 : i32 to index
      %get3A_1684 = arith.index_cast %add3A_1317 : i32 to index
      %get3A_1685 = tpu.vector_load %arg10[%get3A_1682, %get3A_1683, %get3A_1684] {strides = array<i32>} : memref<6x8x512xf32, #tpu.memory_space<vmem>>, vector<16xf32>,
      %gt3A_1686 = arith.cmpf ogt, %get3A_1685, %select_n3A_1676 : vector<16xf32>
      %select_n3A_1687 = arith.select %gt3A_1686, %get3A_1685, %select_n3A_1676 : vector<16xi1>, vector<16xf32>
      %broadcast_in_dim3A_1688 = arith.constant 7 : i32
      %broadcast_in_dim3A_1689 = vector.broadcast %broadcast_in_dim3A_1688 : i32 to vector<16xi32>
      %select_n3A_1690 = arith.select %gt3A_1686, %broadcast_in_dim3A_1689, %select_n3A_1679 : vector<16xi1>, vector<16xi32>
      %mul3A_1691 = arith.constant 512 : i32
      %mul3A_1692 = vector.broadcast %mul3A_1691 : i32 to vector<16xi32>
      %mul3A_1693 = arith.muli %select_n3A_1690, %mul3A_1692 : vector<16xi32>
      %add3A_1694 = arith.addi %add3A_1597, %mul3A_1693 : vector<16xi32>
      %mul3A_1695 = arith.constant 16 : i32
      %mul3A_1696 = arith.muli %scan3A_1313, %mul3A_1695 : i32
      %swap3A_1697 = arith.constant 3 : i32
      %swap3A_1698 = arith.constant 2 : i32
      %swap3A_1699 = arith.index_cast %swap3A_1697 : i32 to index
      %swap3A_1700 = arith.index_cast %swap3A_1698 : i32 to index
      %swap3A_1701 = arith.index_cast %mul3A_1696 : i32 to index
      %swap3A_1702 = tpu.vector_load %arg11[%swap3A_1699, %swap3A_1700, %swap3A_1701] {strides = array<i32>} : memref<6x4x128xi32, #tpu.memory_space<vmem>>, vector<16xi32>,
      tpu.vector_store %arg11[%swap3A_1699, %swap3A_1700, %swap3A_1701], %add3A_1694 {strides = array<i32>} : memref<6x4x128xi32, #tpu.memory_space<vmem>>, vector<16xi32>,
      %get3A_1703 = arith.constant 4 : i32
      %get3A_1704 = arith.constant 0 : i32
      %get3A_1705 = arith.index_cast %get3A_1703 : i32 to index
      %get3A_1706 = arith.index_cast %get3A_1704 : i32 to index
      %get3A_1707 = arith.index_cast %add3A_1317 : i32 to index
      %get3A_1708 = tpu.vector_load %arg10[%get3A_1705, %get3A_1706, %get3A_1707] {strides = array<i32>} : memref<6x8x512xf32, #tpu.memory_space<vmem>>, vector<16xf32>,
      %broadcast_in_dim3A_1709 = arith.constant 0 : i32
      %broadcast_in_dim3A_1710 = vector.broadcast %broadcast_in_dim3A_1709 : i32 to vector<16xi32>
      %get3A_1711 = arith.constant 4 : i32
      %get3A_1712 = arith.constant 1 : i32
      %get3A_1713 = arith.index_cast %get3A_1711 : i32 to index
      %get3A_1714 = arith.index_cast %get3A_1712 : i32 to index
      %get3A_1715 = arith.index_cast %add3A_1317 : i32 to index
      %get3A_1716 = tpu.vector_load %arg10[%get3A_1713, %get3A_1714, %get3A_1715] {strides = array<i32>} : memref<6x8x512xf32, #tpu.memory_space<vmem>>, vector<16xf32>,
      %gt3A_1717 = arith.cmpf ogt, %get3A_1716, %get3A_1708 : vector<16xf32>
      %select_n3A_1718 = arith.select %gt3A_1717, %get3A_1716, %get3A_1708 : vector<16xi1>, vector<16xf32>
      %broadcast_in_dim3A_1719 = arith.constant 1 : i32
      %broadcast_in_dim3A_1720 = vector.broadcast %broadcast_in_dim3A_1719 : i32 to vector<16xi32>
      %select_n3A_1721 = arith.select %gt3A_1717, %broadcast_in_dim3A_1720, %broadcast_in_dim3A_1710 : vector<16xi1>, vector<16xi32>
      %get3A_1722 = arith.constant 4 : i32
      %get3A_1723 = arith.constant 2 : i32
      %get3A_1724 = arith.index_cast %get3A_1722 : i32 to index
      %get3A_1725 = arith.index_cast %get3A_1723 : i32 to index
      %get3A_1726 = arith.index_cast %add3A_1317 : i32 to index
      %get3A_1727 = tpu.vector_load %arg10[%get3A_1724, %get3A_1725, %get3A_1726] {strides = array<i32>} : memref<6x8x512xf32, #tpu.memory_space<vmem>>, vector<16xf32>,
      %gt3A_1728 = arith.cmpf ogt, %get3A_1727, %select_n3A_1718 : vector<16xf32>
      %select_n3A_1729 = arith.select %gt3A_1728, %get3A_1727, %select_n3A_1718 : vector<16xi1>, vector<16xf32>
      %broadcast_in_dim3A_1730 = arith.constant 2 : i32
      %broadcast_in_dim3A_1731 = vector.broadcast %broadcast_in_dim3A_1730 : i32 to vector<16xi32>
      %select_n3A_1732 = arith.select %gt3A_1728, %broadcast_in_dim3A_1731, %select_n3A_1721 : vector<16xi1>, vector<16xi32>
      %get3A_1733 = arith.constant 4 : i32
      %get3A_1734 = arith.constant 3 : i32
      %get3A_1735 = arith.index_cast %get3A_1733 : i32 to index
      %get3A_1736 = arith.index_cast %get3A_1734 : i32 to index
      %get3A_1737 = arith.index_cast %add3A_1317 : i32 to index
      %get3A_1738 = tpu.vector_load %arg10[%get3A_1735, %get3A_1736, %get3A_1737] {strides = array<i32>} : memref<6x8x512xf32, #tpu.memory_space<vmem>>, vector<16xf32>,
      %gt3A_1739 = arith.cmpf ogt, %get3A_1738, %select_n3A_1729 : vector<16xf32>
      %select_n3A_1740 = arith.select %gt3A_1739, %get3A_1738, %select_n3A_1729 : vector<16xi1>, vector<16xf32>
      %broadcast_in_dim3A_1741 = arith.constant 3 : i32
      %broadcast_in_dim3A_1742 = vector.broadcast %broadcast_in_dim3A_1741 : i32 to vector<16xi32>
      %select_n3A_1743 = arith.select %gt3A_1739, %broadcast_in_dim3A_1742, %select_n3A_1732 : vector<16xi1>, vector<16xi32>
      %get3A_1744 = arith.constant 4 : i32
      %get3A_1745 = arith.constant 4 : i32
      %get3A_1746 = arith.index_cast %get3A_1744 : i32 to index
      %get3A_1747 = arith.index_cast %get3A_1745 : i32 to index
      %get3A_1748 = arith.index_cast %add3A_1317 : i32 to index
      %get3A_1749 = tpu.vector_load %arg10[%get3A_1746, %get3A_1747, %get3A_1748] {strides = array<i32>} : memref<6x8x512xf32, #tpu.memory_space<vmem>>, vector<16xf32>,
      %gt3A_1750 = arith.cmpf ogt, %get3A_1749, %select_n3A_1740 : vector<16xf32>
      %select_n3A_1751 = arith.select %gt3A_1750, %get3A_1749, %select_n3A_1740 : vector<16xi1>, vector<16xf32>
      %broadcast_in_dim3A_1752 = arith.constant 4 : i32
      %broadcast_in_dim3A_1753 = vector.broadcast %broadcast_in_dim3A_1752 : i32 to vector<16xi32>
      %select_n3A_1754 = arith.select %gt3A_1750, %broadcast_in_dim3A_1753, %select_n3A_1743 : vector<16xi1>, vector<16xi32>
      %get3A_1755 = arith.constant 4 : i32
      %get3A_1756 = arith.constant 5 : i32
      %get3A_1757 = arith.index_cast %get3A_1755 : i32 to index
      %get3A_1758 = arith.index_cast %get3A_1756 : i32 to index
      %get3A_1759 = arith.index_cast %add3A_1317 : i32 to index
      %get3A_1760 = tpu.vector_load %arg10[%get3A_1757, %get3A_1758, %get3A_1759] {strides = array<i32>} : memref<6x8x512xf32, #tpu.memory_space<vmem>>, vector<16xf32>,
      %gt3A_1761 = arith.cmpf ogt, %get3A_1760, %select_n3A_1751 : vector<16xf32>
      %select_n3A_1762 = arith.select %gt3A_1761, %get3A_1760, %select_n3A_1751 : vector<16xi1>, vector<16xf32>
      %broadcast_in_dim3A_1763 = arith.constant 5 : i32
      %broadcast_in_dim3A_1764 = vector.broadcast %broadcast_in_dim3A_1763 : i32 to vector<16xi32>
      %select_n3A_1765 = arith.select %gt3A_1761, %broadcast_in_dim3A_1764, %select_n3A_1754 : vector<16xi1>, vector<16xi32>
      %get3A_1766 = arith.constant 4 : i32
      %get3A_1767 = arith.constant 6 : i32
      %get3A_1768 = arith.index_cast %get3A_1766 : i32 to index
      %get3A_1769 = arith.index_cast %get3A_1767 : i32 to index
      %get3A_1770 = arith.index_cast %add3A_1317 : i32 to index
      %get3A_1771 = tpu.vector_load %arg10[%get3A_1768, %get3A_1769, %get3A_1770] {strides = array<i32>} : memref<6x8x512xf32, #tpu.memory_space<vmem>>, vector<16xf32>,
      %gt3A_1772 = arith.cmpf ogt, %get3A_1771, %select_n3A_1762 : vector<16xf32>
      %select_n3A_1773 = arith.select %gt3A_1772, %get3A_1771, %select_n3A_1762 : vector<16xi1>, vector<16xf32>
      %broadcast_in_dim3A_1774 = arith.constant 6 : i32
      %broadcast_in_dim3A_1775 = vector.broadcast %broadcast_in_dim3A_1774 : i32 to vector<16xi32>
      %select_n3A_1776 = arith.select %gt3A_1772, %broadcast_in_dim3A_1775, %select_n3A_1765 : vector<16xi1>, vector<16xi32>
      %get3A_1777 = arith.constant 4 : i32
      %get3A_1778 = arith.constant 7 : i32
      %get3A_1779 = arith.index_cast %get3A_1777 : i32 to index
      %get3A_1780 = arith.index_cast %get3A_1778 : i32 to index
      %get3A_1781 = arith.index_cast %add3A_1317 : i32 to index
      %get3A_1782 = tpu.vector_load %arg10[%get3A_1779, %get3A_1780, %get3A_1781] {strides = array<i32>} : memref<6x8x512xf32, #tpu.memory_space<vmem>>, vector<16xf32>,
      %gt3A_1783 = arith.cmpf ogt, %get3A_1782, %select_n3A_1773 : vector<16xf32>
      %select_n3A_1784 = arith.select %gt3A_1783, %get3A_1782, %select_n3A_1773 : vector<16xi1>, vector<16xf32>
      %broadcast_in_dim3A_1785 = arith.constant 7 : i32
      %broadcast_in_dim3A_1786 = vector.broadcast %broadcast_in_dim3A_1785 : i32 to vector<16xi32>
      %select_n3A_1787 = arith.select %gt3A_1783, %broadcast_in_dim3A_1786, %select_n3A_1776 : vector<16xi1>, vector<16xi32>
      %mul3A_1788 = arith.constant 4096 : i32
      %mul3A_1789 = vector.broadcast %mul3A_1788 : i32 to vector<16xi32>
      %mul3A_1790 = arith.muli %select_n3A_1787, %mul3A_1789 : vector<16xi32>
      %add3A_1791 = arith.addi %add3A_1694, %mul3A_1790 : vector<16xi32>
      %mul3A_1792 = arith.constant 16 : i32
      %mul3A_1793 = arith.muli %scan3A_1313, %mul3A_1792 : i32
      %swap3A_1794 = arith.constant 4 : i32
      %swap3A_1795 = arith.constant 2 : i32
      %swap3A_1796 = arith.index_cast %swap3A_1794 : i32 to index
      %swap3A_1797 = arith.index_cast %swap3A_1795 : i32 to index
      %swap3A_1798 = arith.index_cast %mul3A_1793 : i32 to index
      %swap3A_1799 = tpu.vector_load %arg11[%swap3A_1796, %swap3A_1797, %swap3A_1798] {strides = array<i32>} : memref<6x4x128xi32, #tpu.memory_space<vmem>>, vector<16xi32>,
      tpu.vector_store %arg11[%swap3A_1796, %swap3A_1797, %swap3A_1798], %add3A_1791 {strides = array<i32>} : memref<6x4x128xi32, #tpu.memory_space<vmem>>, vector<16xi32>,
      %get3A_1800 = arith.constant 5 : i32
      %get3A_1801 = arith.constant 0 : i32
      %get3A_1802 = arith.index_cast %get3A_1800 : i32 to index
      %get3A_1803 = arith.index_cast %get3A_1801 : i32 to index
      %get3A_1804 = arith.index_cast %add3A_1317 : i32 to index
      %get3A_1805 = tpu.vector_load %arg10[%get3A_1802, %get3A_1803, %get3A_1804] {strides = array<i32>} : memref<6x8x512xf32, #tpu.memory_space<vmem>>, vector<16xf32>,
      %broadcast_in_dim3A_1806 = arith.constant 0 : i32
      %broadcast_in_dim3A_1807 = vector.broadcast %broadcast_in_dim3A_1806 : i32 to vector<16xi32>
      %get3A_1808 = arith.constant 5 : i32
      %get3A_1809 = arith.constant 1 : i32
      %get3A_1810 = arith.index_cast %get3A_1808 : i32 to index
      %get3A_1811 = arith.index_cast %get3A_1809 : i32 to index
      %get3A_1812 = arith.index_cast %add3A_1317 : i32 to index
      %get3A_1813 = tpu.vector_load %arg10[%get3A_1810, %get3A_1811, %get3A_1812] {strides = array<i32>} : memref<6x8x512xf32, #tpu.memory_space<vmem>>, vector<16xf32>,
      %gt3A_1814 = arith.cmpf ogt, %get3A_1813, %get3A_1805 : vector<16xf32>
      %select_n3A_1815 = arith.select %gt3A_1814, %get3A_1813, %get3A_1805 : vector<16xi1>, vector<16xf32>
      %broadcast_in_dim3A_1816 = arith.constant 1 : i32
      %broadcast_in_dim3A_1817 = vector.broadcast %broadcast_in_dim3A_1816 : i32 to vector<16xi32>
      %select_n3A_1818 = arith.select %gt3A_1814, %broadcast_in_dim3A_1817, %broadcast_in_dim3A_1807 : vector<16xi1>, vector<16xi32>
      %get3A_1819 = arith.constant 5 : i32
      %get3A_1820 = arith.constant 2 : i32
      %get3A_1821 = arith.index_cast %get3A_1819 : i32 to index
      %get3A_1822 = arith.index_cast %get3A_1820 : i32 to index
      %get3A_1823 = arith.index_cast %add3A_1317 : i32 to index
      %get3A_1824 = tpu.vector_load %arg10[%get3A_1821, %get3A_1822, %get3A_1823] {strides = array<i32>} : memref<6x8x512xf32, #tpu.memory_space<vmem>>, vector<16xf32>,
      %gt3A_1825 = arith.cmpf ogt, %get3A_1824, %select_n3A_1815 : vector<16xf32>
      %select_n3A_1826 = arith.select %gt3A_1825, %get3A_1824, %select_n3A_1815 : vector<16xi1>, vector<16xf32>
      %broadcast_in_dim3A_1827 = arith.constant 2 : i32
      %broadcast_in_dim3A_1828 = vector.broadcast %broadcast_in_dim3A_1827 : i32 to vector<16xi32>
      %select_n3A_1829 = arith.select %gt3A_1825, %broadcast_in_dim3A_1828, %select_n3A_1818 : vector<16xi1>, vector<16xi32>
      %get3A_1830 = arith.constant 5 : i32
      %get3A_1831 = arith.constant 3 : i32
      %get3A_1832 = arith.index_cast %get3A_1830 : i32 to index
      %get3A_1833 = arith.index_cast %get3A_1831 : i32 to index
      %get3A_1834 = arith.index_cast %add3A_1317 : i32 to index
      %get3A_1835 = tpu.vector_load %arg10[%get3A_1832, %get3A_1833, %get3A_1834] {strides = array<i32>} : memref<6x8x512xf32, #tpu.memory_space<vmem>>, vector<16xf32>,
      %gt3A_1836 = arith.cmpf ogt, %get3A_1835, %select_n3A_1826 : vector<16xf32>
      %select_n3A_1837 = arith.select %gt3A_1836, %get3A_1835, %select_n3A_1826 : vector<16xi1>, vector<16xf32>
      %broadcast_in_dim3A_1838 = arith.constant 3 : i32
      %broadcast_in_dim3A_1839 = vector.broadcast %broadcast_in_dim3A_1838 : i32 to vector<16xi32>
      %select_n3A_1840 = arith.select %gt3A_1836, %broadcast_in_dim3A_1839, %select_n3A_1829 : vector<16xi1>, vector<16xi32>
      %get3A_1841 = arith.constant 5 : i32
      %get3A_1842 = arith.constant 4 : i32
      %get3A_1843 = arith.index_cast %get3A_1841 : i32 to index
      %get3A_1844 = arith.index_cast %get3A_1842 : i32 to index
      %get3A_1845 = arith.index_cast %add3A_1317 : i32 to index
      %get3A_1846 = tpu.vector_load %arg10[%get3A_1843, %get3A_1844, %get3A_1845] {strides = array<i32>} : memref<6x8x512xf32, #tpu.memory_space<vmem>>, vector<16xf32>,
      %gt3A_1847 = arith.cmpf ogt, %get3A_1846, %select_n3A_1837 : vector<16xf32>
      %select_n3A_1848 = arith.select %gt3A_1847, %get3A_1846, %select_n3A_1837 : vector<16xi1>, vector<16xf32>
      %broadcast_in_dim3A_1849 = arith.constant 4 : i32
      %broadcast_in_dim3A_1850 = vector.broadcast %broadcast_in_dim3A_1849 : i32 to vector<16xi32>
      %select_n3A_1851 = arith.select %gt3A_1847, %broadcast_in_dim3A_1850, %select_n3A_1840 : vector<16xi1>, vector<16xi32>
      %get3A_1852 = arith.constant 5 : i32
      %get3A_1853 = arith.constant 5 : i32
      %get3A_1854 = arith.index_cast %get3A_1852 : i32 to index
      %get3A_1855 = arith.index_cast %get3A_1853 : i32 to index
      %get3A_1856 = arith.index_cast %add3A_1317 : i32 to index
      %get3A_1857 = tpu.vector_load %arg10[%get3A_1854, %get3A_1855, %get3A_1856] {strides = array<i32>} : memref<6x8x512xf32, #tpu.memory_space<vmem>>, vector<16xf32>,
      %gt3A_1858 = arith.cmpf ogt, %get3A_1857, %select_n3A_1848 : vector<16xf32>
      %select_n3A_1859 = arith.select %gt3A_1858, %get3A_1857, %select_n3A_1848 : vector<16xi1>, vector<16xf32>
      %broadcast_in_dim3A_1860 = arith.constant 5 : i32
      %broadcast_in_dim3A_1861 = vector.broadcast %broadcast_in_dim3A_1860 : i32 to vector<16xi32>
      %select_n3A_1862 = arith.select %gt3A_1858, %broadcast_in_dim3A_1861, %select_n3A_1851 : vector<16xi1>, vector<16xi32>
      %get3A_1863 = arith.constant 5 : i32
      %get3A_1864 = arith.constant 6 : i32
      %get3A_1865 = arith.index_cast %get3A_1863 : i32 to index
      %get3A_1866 = arith.index_cast %get3A_1864 : i32 to index
      %get3A_1867 = arith.index_cast %add3A_1317 : i32 to index
      %get3A_1868 = tpu.vector_load %arg10[%get3A_1865, %get3A_1866, %get3A_1867] {strides = array<i32>} : memref<6x8x512xf32, #tpu.memory_space<vmem>>, vector<16xf32>,
      %gt3A_1869 = arith.cmpf ogt, %get3A_1868, %select_n3A_1859 : vector<16xf32>
      %select_n3A_1870 = arith.select %gt3A_1869, %get3A_1868, %select_n3A_1859 : vector<16xi1>, vector<16xf32>
      %broadcast_in_dim3A_1871 = arith.constant 6 : i32
      %broadcast_in_dim3A_1872 = vector.broadcast %broadcast_in_dim3A_1871 : i32 to vector<16xi32>
      %select_n3A_1873 = arith.select %gt3A_1869, %broadcast_in_dim3A_1872, %select_n3A_1862 : vector<16xi1>, vector<16xi32>
      %get3A_1874 = arith.constant 5 : i32
      %get3A_1875 = arith.constant 7 : i32
      %get3A_1876 = arith.index_cast %get3A_1874 : i32 to index
      %get3A_1877 = arith.index_cast %get3A_1875 : i32 to index
      %get3A_1878 = arith.index_cast %add3A_1317 : i32 to index
      %get3A_1879 = tpu.vector_load %arg10[%get3A_1876, %get3A_1877, %get3A_1878] {strides = array<i32>} : memref<6x8x512xf32, #tpu.memory_space<vmem>>, vector<16xf32>,
      %gt3A_1880 = arith.cmpf ogt, %get3A_1879, %select_n3A_1870 : vector<16xf32>
      %select_n3A_1881 = arith.select %gt3A_1880, %get3A_1879, %select_n3A_1870 : vector<16xi1>, vector<16xf32>
      %broadcast_in_dim3A_1882 = arith.constant 7 : i32
      %broadcast_in_dim3A_1883 = vector.broadcast %broadcast_in_dim3A_1882 : i32 to vector<16xi32>
      %select_n3A_1884 = arith.select %gt3A_1880, %broadcast_in_dim3A_1883, %select_n3A_1873 : vector<16xi1>, vector<16xi32>
      %mul3A_1885 = arith.constant 32768 : i32
      %mul3A_1886 = vector.broadcast %mul3A_1885 : i32 to vector<16xi32>
      %mul3A_1887 = arith.muli %select_n3A_1884, %mul3A_1886 : vector<16xi32>
      %add3A_1888 = arith.addi %add3A_1791, %mul3A_1887 : vector<16xi32>
      %mul3A_1889 = arith.constant 16 : i32
      %mul3A_1890 = arith.muli %scan3A_1313, %mul3A_1889 : i32
      %swap3A_1891 = arith.constant 5 : i32
      %swap3A_1892 = arith.constant 2 : i32
      %swap3A_1893 = arith.index_cast %swap3A_1891 : i32 to index
      %swap3A_1894 = arith.index_cast %swap3A_1892 : i32 to index
      %swap3A_1895 = arith.index_cast %mul3A_1890 : i32 to index
      %swap3A_1896 = tpu.vector_load %arg11[%swap3A_1893, %swap3A_1894, %swap3A_1895] {strides = array<i32>} : memref<6x4x128xi32, #tpu.memory_space<vmem>>, vector<16xi32>,
      tpu.vector_store %arg11[%swap3A_1893, %swap3A_1894, %swap3A_1895], %add3A_1888 {strides = array<i32>} : memref<6x4x128xi32, #tpu.memory_space<vmem>>, vector<16xi32>,
    }
    %scan3A_663 = arith.constant 8 : i32
    %dma_start3A_664 = arith.constant 0 : i32
    %dma_start3A_665 = arith.constant 2 : i32
    %dma_start3A_666 = arith.constant 0 : i32
    %dma_start3A_667 = arith.constant 0 : i32
    %dma_start3A_668 = arith.constant 0 : i32
    %dma_start3A_669 = tpu.memref_slice %arg12[%dma_start3A_666, %dma_start3A_667, %dma_start3A_668] : memref<6x128x64xf32, #tpu.memory_space<vmem>> -> memref<1x128x64xf32, #tpu.memory_space<vmem>>
    %dma_start3A_670 = tpu.memref_squeeze %dma_start3A_669 : memref<1x128x64xf32, #tpu.memory_space<vmem>> -> memref<128x64xf32, #tpu.memory_space<vmem>>
    %dma_start3A_671 = arith.constant 0 : i32
    %dma_start3A_672 = tpu.memref_slice %arg11[%dma_start3A_664, %dma_start3A_665, %dma_start3A_671] : memref<6x4x128xi32, #tpu.memory_space<vmem>> -> memref<1x1x128xi32, #tpu.memory_space<vmem>>
    %dma_start3A_673 = tpu.memref_squeeze %dma_start3A_672 : memref<1x1x128xi32, #tpu.memory_space<vmem>> -> memref<128xi32, #tpu.memory_space<vmem>>
    %dma_start3A_674 = arith.constant 0 : i32
    %dma_start3A_675 = arith.constant 0 : i32
    %dma_start3A_676 = tpu.memref_slice %arg3[%dma_start3A_674, %dma_start3A_675] : memref<8x64xf32, #tpu.memory_space<hbm>> -> memref<8x64xf32, #tpu.memory_space<hbm>>
    tpu.enqueue_indirect_dma source(%dma_start3A_676 : memref<8x64xf32, #tpu.memory_space<hbm>>) target(%dma_start3A_670 : memref<128x64xf32, #tpu.memory_space<vmem>>) offsets(%dma_start3A_673 : memref<128xi32, #tpu.memory_space<vmem>>) semaphore(%arg14 : memref<!tpu.dma_semaphore, #tpu.memory_space<semaphore_mem>>)
    %dma_start3A_677 = arith.constant 1 : i32
    %dma_start3A_678 = arith.constant 2 : i32
    %dma_start3A_679 = arith.constant 1 : i32
    %dma_start3A_680 = arith.constant 0 : i32
    %dma_start3A_681 = arith.constant 0 : i32
    %dma_start3A_682 = tpu.memref_slice %arg12[%dma_start3A_679, %dma_start3A_680, %dma_start3A_681] : memref<6x128x64xf32, #tpu.memory_space<vmem>> -> memref<1x128x64xf32, #tpu.memory_space<vmem>>
    %dma_start3A_683 = tpu.memref_squeeze %dma_start3A_682 : memref<1x128x64xf32, #tpu.memory_space<vmem>> -> memref<128x64xf32, #tpu.memory_space<vmem>>
    %dma_start3A_684 = arith.constant 0 : i32
    %dma_start3A_685 = tpu.memref_slice %arg11[%dma_start3A_677, %dma_start3A_678, %dma_start3A_684] : memref<6x4x128xi32, #tpu.memory_space<vmem>> -> memref<1x1x128xi32, #tpu.memory_space<vmem>>
    %dma_start3A_686 = tpu.memref_squeeze %dma_start3A_685 : memref<1x1x128xi32, #tpu.memory_space<vmem>> -> memref<128xi32, #tpu.memory_space<vmem>>
    %dma_start3A_687 = arith.constant 0 : i32
    %dma_start3A_688 = arith.constant 0 : i32
    %dma_start3A_689 = tpu.memref_slice %arg4[%dma_start3A_687, %dma_start3A_688] : memref<64x64xf32, #tpu.memory_space<hbm>> -> memref<64x64xf32, #tpu.memory_space<hbm>>
    tpu.enqueue_indirect_dma source(%dma_start3A_689 : memref<64x64xf32, #tpu.memory_space<hbm>>) target(%dma_start3A_683 : memref<128x64xf32, #tpu.memory_space<vmem>>) offsets(%dma_start3A_686 : memref<128xi32, #tpu.memory_space<vmem>>) semaphore(%arg14 : memref<!tpu.dma_semaphore, #tpu.memory_space<semaphore_mem>>)
    %dma_start3A_690 = arith.constant 2 : i32
    %dma_start3A_691 = arith.constant 2 : i32
    %dma_start3A_692 = arith.constant 2 : i32
    %dma_start3A_693 = arith.constant 0 : i32
    %dma_start3A_694 = arith.constant 0 : i32
    %dma_start3A_695 = tpu.memref_slice %arg12[%dma_start3A_692, %dma_start3A_693, %dma_start3A_694] : memref<6x128x64xf32, #tpu.memory_space<vmem>> -> memref<1x128x64xf32, #tpu.memory_space<vmem>>
    %dma_start3A_696 = tpu.memref_squeeze %dma_start3A_695 : memref<1x128x64xf32, #tpu.memory_space<vmem>> -> memref<128x64xf32, #tpu.memory_space<vmem>>
    %dma_start3A_697 = arith.constant 0 : i32
    %dma_start3A_698 = tpu.memref_slice %arg11[%dma_start3A_690, %dma_start3A_691, %dma_start3A_697] : memref<6x4x128xi32, #tpu.memory_space<vmem>> -> memref<1x1x128xi32, #tpu.memory_space<vmem>>
    %dma_start3A_699 = tpu.memref_squeeze %dma_start3A_698 : memref<1x1x128xi32, #tpu.memory_space<vmem>> -> memref<128xi32, #tpu.memory_space<vmem>>
    %dma_start3A_700 = arith.constant 0 : i32
    %dma_start3A_701 = arith.constant 0 : i32
    %dma_start3A_702 = tpu.memref_slice %arg5[%dma_start3A_700, %dma_start3A_701] : memref<512x64xf32, #tpu.memory_space<hbm>> -> memref<512x64xf32, #tpu.memory_space<hbm>>
    tpu.enqueue_indirect_dma source(%dma_start3A_702 : memref<512x64xf32, #tpu.memory_space<hbm>>) target(%dma_start3A_696 : memref<128x64xf32, #tpu.memory_space<vmem>>) offsets(%dma_start3A_699 : memref<128xi32, #tpu.memory_space<vmem>>) semaphore(%arg14 : memref<!tpu.dma_semaphore, #tpu.memory_space<semaphore_mem>>)
    %dma_start3A_703 = arith.constant 3 : i32
    %dma_start3A_704 = arith.constant 2 : i32
    %dma_start3A_705 = arith.constant 3 : i32
    %dma_start3A_706 = arith.constant 0 : i32
    %dma_start3A_707 = arith.constant 0 : i32
    %dma_start3A_708 = tpu.memref_slice %arg12[%dma_start3A_705, %dma_start3A_706, %dma_start3A_707] : memref<6x128x64xf32, #tpu.memory_space<vmem>> -> memref<1x128x64xf32, #tpu.memory_space<vmem>>
    %dma_start3A_709 = tpu.memref_squeeze %dma_start3A_708 : memref<1x128x64xf32, #tpu.memory_space<vmem>> -> memref<128x64xf32, #tpu.memory_space<vmem>>
    %dma_start3A_710 = arith.constant 0 : i32
    %dma_start3A_711 = tpu.memref_slice %arg11[%dma_start3A_703, %dma_start3A_704, %dma_start3A_710] : memref<6x4x128xi32, #tpu.memory_space<vmem>> -> memref<1x1x128xi32, #tpu.memory_space<vmem>>
    %dma_start3A_712 = tpu.memref_squeeze %dma_start3A_711 : memref<1x1x128xi32, #tpu.memory_space<vmem>> -> memref<128xi32, #tpu.memory_space<vmem>>
    %dma_start3A_713 = arith.constant 0 : i32
    %dma_start3A_714 = arith.constant 0 : i32
    %dma_start3A_715 = tpu.memref_slice %arg6[%dma_start3A_713, %dma_start3A_714] : memref<4096x64xf32, #tpu.memory_space<hbm>> -> memref<4096x64xf32, #tpu.memory_space<hbm>>
    tpu.enqueue_indirect_dma source(%dma_start3A_715 : memref<4096x64xf32, #tpu.memory_space<hbm>>) target(%dma_start3A_709 : memref<128x64xf32, #tpu.memory_space<vmem>>) offsets(%dma_start3A_712 : memref<128xi32, #tpu.memory_space<vmem>>) semaphore(%arg14 : memref<!tpu.dma_semaphore, #tpu.memory_space<semaphore_mem>>)
    %dma_start3A_716 = arith.constant 4 : i32
    %dma_start3A_717 = arith.constant 2 : i32
    %dma_start3A_718 = arith.constant 4 : i32
    %dma_start3A_719 = arith.constant 0 : i32
    %dma_start3A_720 = arith.constant 0 : i32
    %dma_start3A_721 = tpu.memref_slice %arg12[%dma_start3A_718, %dma_start3A_719, %dma_start3A_720] : memref<6x128x64xf32, #tpu.memory_space<vmem>> -> memref<1x128x64xf32, #tpu.memory_space<vmem>>
    %dma_start3A_722 = tpu.memref_squeeze %dma_start3A_721 : memref<1x128x64xf32, #tpu.memory_space<vmem>> -> memref<128x64xf32, #tpu.memory_space<vmem>>
    %dma_start3A_723 = arith.constant 0 : i32
    %dma_start3A_724 = tpu.memref_slice %arg11[%dma_start3A_716, %dma_start3A_717, %dma_start3A_723] : memref<6x4x128xi32, #tpu.memory_space<vmem>> -> memref<1x1x128xi32, #tpu.memory_space<vmem>>
    %dma_start3A_725 = tpu.memref_squeeze %dma_start3A_724 : memref<1x1x128xi32, #tpu.memory_space<vmem>> -> memref<128xi32, #tpu.memory_space<vmem>>
    %dma_start3A_726 = arith.constant 0 : i32
    %dma_start3A_727 = arith.constant 0 : i32
    %dma_start3A_728 = tpu.memref_slice %arg7[%dma_start3A_726, %dma_start3A_727] : memref<32768x64xf32, #tpu.memory_space<hbm>> -> memref<32768x64xf32, #tpu.memory_space<hbm>>
    tpu.enqueue_indirect_dma source(%dma_start3A_728 : memref<32768x64xf32, #tpu.memory_space<hbm>>) target(%dma_start3A_722 : memref<128x64xf32, #tpu.memory_space<vmem>>) offsets(%dma_start3A_725 : memref<128xi32, #tpu.memory_space<vmem>>) semaphore(%arg14 : memref<!tpu.dma_semaphore, #tpu.memory_space<semaphore_mem>>)
    %dma_start3A_729 = arith.constant 5 : i32
    %dma_start3A_730 = arith.constant 2 : i32
    %dma_start3A_731 = arith.constant 5 : i32
    %dma_start3A_732 = arith.constant 0 : i32
    %dma_start3A_733 = arith.constant 0 : i32
    %dma_start3A_734 = tpu.memref_slice %arg12[%dma_start3A_731, %dma_start3A_732, %dma_start3A_733] : memref<6x128x64xf32, #tpu.memory_space<vmem>> -> memref<1x128x64xf32, #tpu.memory_space<vmem>>
    %dma_start3A_735 = tpu.memref_squeeze %dma_start3A_734 : memref<1x128x64xf32, #tpu.memory_space<vmem>> -> memref<128x64xf32, #tpu.memory_space<vmem>>
    %dma_start3A_736 = arith.constant 0 : i32
    %dma_start3A_737 = tpu.memref_slice %arg11[%dma_start3A_729, %dma_start3A_730, %dma_start3A_736] : memref<6x4x128xi32, #tpu.memory_space<vmem>> -> memref<1x1x128xi32, #tpu.memory_space<vmem>>
    %dma_start3A_738 = tpu.memref_squeeze %dma_start3A_737 : memref<1x1x128xi32, #tpu.memory_space<vmem>> -> memref<128xi32, #tpu.memory_space<vmem>>
    %dma_start3A_739 = arith.constant 0 : i32
    %dma_start3A_740 = arith.constant 0 : i32
    %dma_start3A_741 = tpu.memref_slice %arg8[%dma_start3A_739, %dma_start3A_740] : memref<262144x64xf32, #tpu.memory_space<hbm>> -> memref<262144x64xf32, #tpu.memory_space<hbm>>
    tpu.enqueue_indirect_dma source(%dma_start3A_741 : memref<262144x64xf32, #tpu.memory_space<hbm>>) target(%dma_start3A_735 : memref<128x64xf32, #tpu.memory_space<vmem>>) offsets(%dma_start3A_738 : memref<128xi32, #tpu.memory_space<vmem>>) semaphore(%arg14 : memref<!tpu.dma_semaphore, #tpu.memory_space<semaphore_mem>>)
    %dma_wait3A_742 = arith.constant 0 : i32
    %dma_wait3A_743 = arith.constant 2 : i32
    %dma_wait3A_744 = arith.constant 0 : i32
    %dma_wait3A_745 = arith.constant 0 : i32
    %dma_wait3A_746 = arith.constant 0 : i32
    %dma_wait3A_747 = tpu.memref_slice %arg12[%dma_wait3A_744, %dma_wait3A_745, %dma_wait3A_746] : memref<6x128x64xf32, #tpu.memory_space<vmem>> -> memref<1x128x64xf32, #tpu.memory_space<vmem>>
    %dma_wait3A_748 = tpu.memref_squeeze %dma_wait3A_747 : memref<1x128x64xf32, #tpu.memory_space<vmem>> -> memref<128x64xf32, #tpu.memory_space<vmem>>
    %dma_wait3A_749 = arith.constant 0 : i32
    %dma_wait3A_750 = tpu.memref_slice %arg11[%dma_wait3A_742, %dma_wait3A_743, %dma_wait3A_749] : memref<6x4x128xi32, #tpu.memory_space<vmem>> -> memref<1x1x128xi32, #tpu.memory_space<vmem>>
    %dma_wait3A_751 = tpu.memref_squeeze %dma_wait3A_750 : memref<1x1x128xi32, #tpu.memory_space<vmem>> -> memref<128xi32, #tpu.memory_space<vmem>>
    %dma_wait3A_752 = arith.constant 0 : i32
    %dma_wait3A_753 = arith.constant 0 : i32
    %dma_wait3A_754 = tpu.memref_slice %arg3[%dma_wait3A_752, %dma_wait3A_753] : memref<8x64xf32, #tpu.memory_space<hbm>> -> memref<8x64xf32, #tpu.memory_space<hbm>>
    tpu.wait_indirect_dma semaphore(%arg14 : memref<!tpu.dma_semaphore, #tpu.memory_space<semaphore_mem>>) src(%dma_wait3A_754 : memref<8x64xf32, #tpu.memory_space<hbm>>) dst(%dma_wait3A_748 : memref<128x64xf32, #tpu.memory_space<vmem>>)
    %dma_wait3A_755 = arith.constant 1 : i32
    %dma_wait3A_756 = arith.constant 2 : i32
    %dma_wait3A_757 = arith.constant 1 : i32
    %dma_wait3A_758 = arith.constant 0 : i32
    %dma_wait3A_759 = arith.constant 0 : i32
    %dma_wait3A_760 = tpu.memref_slice %arg12[%dma_wait3A_757, %dma_wait3A_758, %dma_wait3A_759] : memref<6x128x64xf32, #tpu.memory_space<vmem>> -> memref<1x128x64xf32, #tpu.memory_space<vmem>>
    %dma_wait3A_761 = tpu.memref_squeeze %dma_wait3A_760 : memref<1x128x64xf32, #tpu.memory_space<vmem>> -> memref<128x64xf32, #tpu.memory_space<vmem>>
    %dma_wait3A_762 = arith.constant 0 : i32
    %dma_wait3A_763 = tpu.memref_slice %arg11[%dma_wait3A_755, %dma_wait3A_756, %dma_wait3A_762] : memref<6x4x128xi32, #tpu.memory_space<vmem>> -> memref<1x1x128xi32, #tpu.memory_space<vmem>>
    %dma_wait3A_764 = tpu.memref_squeeze %dma_wait3A_763 : memref<1x1x128xi32, #tpu.memory_space<vmem>> -> memref<128xi32, #tpu.memory_space<vmem>>
    %dma_wait3A_765 = arith.constant 0 : i32
    %dma_wait3A_766 = arith.constant 0 : i32
    %dma_wait3A_767 = tpu.memref_slice %arg4[%dma_wait3A_765, %dma_wait3A_766] : memref<64x64xf32, #tpu.memory_space<hbm>> -> memref<64x64xf32, #tpu.memory_space<hbm>>
    tpu.wait_indirect_dma semaphore(%arg14 : memref<!tpu.dma_semaphore, #tpu.memory_space<semaphore_mem>>) src(%dma_wait3A_767 : memref<64x64xf32, #tpu.memory_space<hbm>>) dst(%dma_wait3A_761 : memref<128x64xf32, #tpu.memory_space<vmem>>)
    %dma_wait3A_768 = arith.constant 2 : i32
    %dma_wait3A_769 = arith.constant 2 : i32
    %dma_wait3A_770 = arith.constant 2 : i32
    %dma_wait3A_771 = arith.constant 0 : i32
    %dma_wait3A_772 = arith.constant 0 : i32
    %dma_wait3A_773 = tpu.memref_slice %arg12[%dma_wait3A_770, %dma_wait3A_771, %dma_wait3A_772] : memref<6x128x64xf32, #tpu.memory_space<vmem>> -> memref<1x128x64xf32, #tpu.memory_space<vmem>>
    %dma_wait3A_774 = tpu.memref_squeeze %dma_wait3A_773 : memref<1x128x64xf32, #tpu.memory_space<vmem>> -> memref<128x64xf32, #tpu.memory_space<vmem>>
    %dma_wait3A_775 = arith.constant 0 : i32
    %dma_wait3A_776 = tpu.memref_slice %arg11[%dma_wait3A_768, %dma_wait3A_769, %dma_wait3A_775] : memref<6x4x128xi32, #tpu.memory_space<vmem>> -> memref<1x1x128xi32, #tpu.memory_space<vmem>>
    %dma_wait3A_777 = tpu.memref_squeeze %dma_wait3A_776 : memref<1x1x128xi32, #tpu.memory_space<vmem>> -> memref<128xi32, #tpu.memory_space<vmem>>
    %dma_wait3A_778 = arith.constant 0 : i32
    %dma_wait3A_779 = arith.constant 0 : i32
    %dma_wait3A_780 = tpu.memref_slice %arg5[%dma_wait3A_778, %dma_wait3A_779] : memref<512x64xf32, #tpu.memory_space<hbm>> -> memref<512x64xf32, #tpu.memory_space<hbm>>
    tpu.wait_indirect_dma semaphore(%arg14 : memref<!tpu.dma_semaphore, #tpu.memory_space<semaphore_mem>>) src(%dma_wait3A_780 : memref<512x64xf32, #tpu.memory_space<hbm>>) dst(%dma_wait3A_774 : memref<128x64xf32, #tpu.memory_space<vmem>>)
    %dma_wait3A_781 = arith.constant 3 : i32
    %dma_wait3A_782 = arith.constant 2 : i32
    %dma_wait3A_783 = arith.constant 3 : i32
    %dma_wait3A_784 = arith.constant 0 : i32
    %dma_wait3A_785 = arith.constant 0 : i32
    %dma_wait3A_786 = tpu.memref_slice %arg12[%dma_wait3A_783, %dma_wait3A_784, %dma_wait3A_785] : memref<6x128x64xf32, #tpu.memory_space<vmem>> -> memref<1x128x64xf32, #tpu.memory_space<vmem>>
    %dma_wait3A_787 = tpu.memref_squeeze %dma_wait3A_786 : memref<1x128x64xf32, #tpu.memory_space<vmem>> -> memref<128x64xf32, #tpu.memory_space<vmem>>
    %dma_wait3A_788 = arith.constant 0 : i32
    %dma_wait3A_789 = tpu.memref_slice %arg11[%dma_wait3A_781, %dma_wait3A_782, %dma_wait3A_788] : memref<6x4x128xi32, #tpu.memory_space<vmem>> -> memref<1x1x128xi32, #tpu.memory_space<vmem>>
    %dma_wait3A_790 = tpu.memref_squeeze %dma_wait3A_789 : memref<1x1x128xi32, #tpu.memory_space<vmem>> -> memref<128xi32, #tpu.memory_space<vmem>>
    %dma_wait3A_791 = arith.constant 0 : i32
    %dma_wait3A_792 = arith.constant 0 : i32
    %dma_wait3A_793 = tpu.memref_slice %arg6[%dma_wait3A_791, %dma_wait3A_792] : memref<4096x64xf32, #tpu.memory_space<hbm>> -> memref<4096x64xf32, #tpu.memory_space<hbm>>
    tpu.wait_indirect_dma semaphore(%arg14 : memref<!tpu.dma_semaphore, #tpu.memory_space<semaphore_mem>>) src(%dma_wait3A_793 : memref<4096x64xf32, #tpu.memory_space<hbm>>) dst(%dma_wait3A_787 : memref<128x64xf32, #tpu.memory_space<vmem>>)
    %dma_wait3A_794 = arith.constant 4 : i32
    %dma_wait3A_795 = arith.constant 2 : i32
    %dma_wait3A_796 = arith.constant 4 : i32
    %dma_wait3A_797 = arith.constant 0 : i32
    %dma_wait3A_798 = arith.constant 0 : i32
    %dma_wait3A_799 = tpu.memref_slice %arg12[%dma_wait3A_796, %dma_wait3A_797, %dma_wait3A_798] : memref<6x128x64xf32, #tpu.memory_space<vmem>> -> memref<1x128x64xf32, #tpu.memory_space<vmem>>
    %dma_wait3A_800 = tpu.memref_squeeze %dma_wait3A_799 : memref<1x128x64xf32, #tpu.memory_space<vmem>> -> memref<128x64xf32, #tpu.memory_space<vmem>>
    %dma_wait3A_801 = arith.constant 0 : i32
    %dma_wait3A_802 = tpu.memref_slice %arg11[%dma_wait3A_794, %dma_wait3A_795, %dma_wait3A_801] : memref<6x4x128xi32, #tpu.memory_space<vmem>> -> memref<1x1x128xi32, #tpu.memory_space<vmem>>
    %dma_wait3A_803 = tpu.memref_squeeze %dma_wait3A_802 : memref<1x1x128xi32, #tpu.memory_space<vmem>> -> memref<128xi32, #tpu.memory_space<vmem>>
    %dma_wait3A_804 = arith.constant 0 : i32
    %dma_wait3A_805 = arith.constant 0 : i32
    %dma_wait3A_806 = tpu.memref_slice %arg7[%dma_wait3A_804, %dma_wait3A_805] : memref<32768x64xf32, #tpu.memory_space<hbm>> -> memref<32768x64xf32, #tpu.memory_space<hbm>>
    tpu.wait_indirect_dma semaphore(%arg14 : memref<!tpu.dma_semaphore, #tpu.memory_space<semaphore_mem>>) src(%dma_wait3A_806 : memref<32768x64xf32, #tpu.memory_space<hbm>>) dst(%dma_wait3A_800 : memref<128x64xf32, #tpu.memory_space<vmem>>)
    %dma_wait3A_807 = arith.constant 5 : i32
    %dma_wait3A_808 = arith.constant 2 : i32
    %dma_wait3A_809 = arith.constant 5 : i32
    %dma_wait3A_810 = arith.constant 0 : i32
    %dma_wait3A_811 = arith.constant 0 : i32
    %dma_wait3A_812 = tpu.memref_slice %arg12[%dma_wait3A_809, %dma_wait3A_810, %dma_wait3A_811] : memref<6x128x64xf32, #tpu.memory_space<vmem>> -> memref<1x128x64xf32, #tpu.memory_space<vmem>>
    %dma_wait3A_813 = tpu.memref_squeeze %dma_wait3A_812 : memref<1x128x64xf32, #tpu.memory_space<vmem>> -> memref<128x64xf32, #tpu.memory_space<vmem>>
    %dma_wait3A_814 = arith.constant 0 : i32
    %dma_wait3A_815 = tpu.memref_slice %arg11[%dma_wait3A_807, %dma_wait3A_808, %dma_wait3A_814] : memref<6x4x128xi32, #tpu.memory_space<vmem>> -> memref<1x1x128xi32, #tpu.memory_space<vmem>>
    %dma_wait3A_816 = tpu.memref_squeeze %dma_wait3A_815 : memref<1x1x128xi32, #tpu.memory_space<vmem>> -> memref<128xi32, #tpu.memory_space<vmem>>
    %dma_wait3A_817 = arith.constant 0 : i32
    %dma_wait3A_818 = arith.constant 0 : i32
    %dma_wait3A_819 = tpu.memref_slice %arg8[%dma_wait3A_817, %dma_wait3A_818] : memref<262144x64xf32, #tpu.memory_space<hbm>> -> memref<262144x64xf32, #tpu.memory_space<hbm>>
    tpu.wait_indirect_dma semaphore(%arg14 : memref<!tpu.dma_semaphore, #tpu.memory_space<semaphore_mem>>) src(%dma_wait3A_819 : memref<262144x64xf32, #tpu.memory_space<hbm>>) dst(%dma_wait3A_813 : memref<128x64xf32, #tpu.memory_space<vmem>>)
    %add3A_820 = arith.constant 256 : i32
    %add3A_821 = arith.addi %mul3A_2, %add3A_820 : i32
    %dma_start3A_822 = arith.constant 0 : i32
    %dma_start3A_823 = tpu.memref_slice %arg9[%add3A_821, %dma_start3A_822] : memref<16384x448xf32, #tpu.memory_space<hbm>> -> memref<128x64xf32, #tpu.memory_space<hbm>>
    %dma_start3A_824 = arith.constant 0 : i32
    %dma_start3A_825 = tpu.memref_slice %arg9[%add3A_821, %dma_start3A_824] : memref<16384x448xf32, #tpu.memory_space<hbm>> -> memref<128x64xf32, #tpu.memory_space<hbm>>
    tpu.enqueue_dma source(%arg13 : memref<128x64xf32, #tpu.memory_space<vmem>>) target(%dma_start3A_825 : memref<128x64xf32, #tpu.memory_space<hbm>>) target_semaphore(%arg15 : memref<!tpu.dma_semaphore, #tpu.memory_space<semaphore_mem>>)
    %dma_start3A_826 = arith.constant 0 : i32
    %dma_start3A_827 = arith.constant 0 : i32
    %dma_start3A_828 = arith.constant 0 : i32
    %dma_start3A_829 = tpu.memref_slice %arg12[%dma_start3A_826, %dma_start3A_827, %dma_start3A_828] : memref<6x128x64xf32, #tpu.memory_space<vmem>> -> memref<1x128x64xf32, #tpu.memory_space<vmem>>
    %dma_start3A_830 = tpu.memref_squeeze %dma_start3A_829 : memref<1x128x64xf32, #tpu.memory_space<vmem>> -> memref<128x64xf32, #tpu.memory_space<vmem>>
    %dma_start3A_831 = arith.constant 64 : i32
    %dma_start3A_832 = tpu.memref_slice %arg9[%add3A_821, %dma_start3A_831] : memref<16384x448xf32, #tpu.memory_space<hbm>> -> memref<128x64xf32, #tpu.memory_space<hbm>>
    %dma_start3A_833 = arith.constant 64 : i32
    %dma_start3A_834 = tpu.memref_slice %arg9[%add3A_821, %dma_start3A_833] : memref<16384x448xf32, #tpu.memory_space<hbm>> -> memref<128x64xf32, #tpu.memory_space<hbm>>
    %dma_start3A_835 = arith.constant 0 : i32
    %dma_start3A_836 = arith.constant 0 : i32
    %dma_start3A_837 = tpu.memref_slice %arg12[%dma_start3A_826, %dma_start3A_835, %dma_start3A_836] : memref<6x128x64xf32, #tpu.memory_space<vmem>> -> memref<1x128x64xf32, #tpu.memory_space<vmem>>
    %dma_start3A_838 = tpu.memref_squeeze %dma_start3A_837 : memref<1x128x64xf32, #tpu.memory_space<vmem>> -> memref<128x64xf32, #tpu.memory_space<vmem>>
    tpu.enqueue_dma source(%dma_start3A_838 : memref<128x64xf32, #tpu.memory_space<vmem>>) target(%dma_start3A_834 : memref<128x64xf32, #tpu.memory_space<hbm>>) target_semaphore(%arg15 : memref<!tpu.dma_semaphore, #tpu.memory_space<semaphore_mem>>)
    %dma_start3A_839 = arith.constant 1 : i32
    %dma_start3A_840 = arith.constant 0 : i32
    %dma_start3A_841 = arith.constant 0 : i32
    %dma_start3A_842 = tpu.memref_slice %arg12[%dma_start3A_839, %dma_start3A_840, %dma_start3A_841] : memref<6x128x64xf32, #tpu.memory_space<vmem>> -> memref<1x128x64xf32, #tpu.memory_space<vmem>>
    %dma_start3A_843 = tpu.memref_squeeze %dma_start3A_842 : memref<1x128x64xf32, #tpu.memory_space<vmem>> -> memref<128x64xf32, #tpu.memory_space<vmem>>
    %dma_start3A_844 = arith.constant 128 : i32
    %dma_start3A_845 = tpu.memref_slice %arg9[%add3A_821, %dma_start3A_844] : memref<16384x448xf32, #tpu.memory_space<hbm>> -> memref<128x64xf32, #tpu.memory_space<hbm>>
    %dma_start3A_846 = arith.constant 128 : i32
    %dma_start3A_847 = tpu.memref_slice %arg9[%add3A_821, %dma_start3A_846] : memref<16384x448xf32, #tpu.memory_space<hbm>> -> memref<128x64xf32, #tpu.memory_space<hbm>>
    %dma_start3A_848 = arith.constant 0 : i32
    %dma_start3A_849 = arith.constant 0 : i32
    %dma_start3A_850 = tpu.memref_slice %arg12[%dma_start3A_839, %dma_start3A_848, %dma_start3A_849] : memref<6x128x64xf32, #tpu.memory_space<vmem>> -> memref<1x128x64xf32, #tpu.memory_space<vmem>>
    %dma_start3A_851 = tpu.memref_squeeze %dma_start3A_850 : memref<1x128x64xf32, #tpu.memory_space<vmem>> -> memref<128x64xf32, #tpu.memory_space<vmem>>
    tpu.enqueue_dma source(%dma_start3A_851 : memref<128x64xf32, #tpu.memory_space<vmem>>) target(%dma_start3A_847 : memref<128x64xf32, #tpu.memory_space<hbm>>) target_semaphore(%arg15 : memref<!tpu.dma_semaphore, #tpu.memory_space<semaphore_mem>>)
    %dma_start3A_852 = arith.constant 2 : i32
    %dma_start3A_853 = arith.constant 0 : i32
    %dma_start3A_854 = arith.constant 0 : i32
    %dma_start3A_855 = tpu.memref_slice %arg12[%dma_start3A_852, %dma_start3A_853, %dma_start3A_854] : memref<6x128x64xf32, #tpu.memory_space<vmem>> -> memref<1x128x64xf32, #tpu.memory_space<vmem>>
    %dma_start3A_856 = tpu.memref_squeeze %dma_start3A_855 : memref<1x128x64xf32, #tpu.memory_space<vmem>> -> memref<128x64xf32, #tpu.memory_space<vmem>>
    %dma_start3A_857 = arith.constant 192 : i32
    %dma_start3A_858 = tpu.memref_slice %arg9[%add3A_821, %dma_start3A_857] : memref<16384x448xf32, #tpu.memory_space<hbm>> -> memref<128x64xf32, #tpu.memory_space<hbm>>
    %dma_start3A_859 = arith.constant 192 : i32
    %dma_start3A_860 = tpu.memref_slice %arg9[%add3A_821, %dma_start3A_859] : memref<16384x448xf32, #tpu.memory_space<hbm>> -> memref<128x64xf32, #tpu.memory_space<hbm>>
    %dma_start3A_861 = arith.constant 0 : i32
    %dma_start3A_862 = arith.constant 0 : i32
    %dma_start3A_863 = tpu.memref_slice %arg12[%dma_start3A_852, %dma_start3A_861, %dma_start3A_862] : memref<6x128x64xf32, #tpu.memory_space<vmem>> -> memref<1x128x64xf32, #tpu.memory_space<vmem>>
    %dma_start3A_864 = tpu.memref_squeeze %dma_start3A_863 : memref<1x128x64xf32, #tpu.memory_space<vmem>> -> memref<128x64xf32, #tpu.memory_space<vmem>>
    tpu.enqueue_dma source(%dma_start3A_864 : memref<128x64xf32, #tpu.memory_space<vmem>>) target(%dma_start3A_860 : memref<128x64xf32, #tpu.memory_space<hbm>>) target_semaphore(%arg15 : memref<!tpu.dma_semaphore, #tpu.memory_space<semaphore_mem>>)
    %dma_start3A_865 = arith.constant 3 : i32
    %dma_start3A_866 = arith.constant 0 : i32
    %dma_start3A_867 = arith.constant 0 : i32
    %dma_start3A_868 = tpu.memref_slice %arg12[%dma_start3A_865, %dma_start3A_866, %dma_start3A_867] : memref<6x128x64xf32, #tpu.memory_space<vmem>> -> memref<1x128x64xf32, #tpu.memory_space<vmem>>
    %dma_start3A_869 = tpu.memref_squeeze %dma_start3A_868 : memref<1x128x64xf32, #tpu.memory_space<vmem>> -> memref<128x64xf32, #tpu.memory_space<vmem>>
    %dma_start3A_870 = arith.constant 256 : i32
    %dma_start3A_871 = tpu.memref_slice %arg9[%add3A_821, %dma_start3A_870] : memref<16384x448xf32, #tpu.memory_space<hbm>> -> memref<128x64xf32, #tpu.memory_space<hbm>>
    %dma_start3A_872 = arith.constant 256 : i32
    %dma_start3A_873 = tpu.memref_slice %arg9[%add3A_821, %dma_start3A_872] : memref<16384x448xf32, #tpu.memory_space<hbm>> -> memref<128x64xf32, #tpu.memory_space<hbm>>
    %dma_start3A_874 = arith.constant 0 : i32
    %dma_start3A_875 = arith.constant 0 : i32
    %dma_start3A_876 = tpu.memref_slice %arg12[%dma_start3A_865, %dma_start3A_874, %dma_start3A_875] : memref<6x128x64xf32, #tpu.memory_space<vmem>> -> memref<1x128x64xf32, #tpu.memory_space<vmem>>
    %dma_start3A_877 = tpu.memref_squeeze %dma_start3A_876 : memref<1x128x64xf32, #tpu.memory_space<vmem>> -> memref<128x64xf32, #tpu.memory_space<vmem>>
    tpu.enqueue_dma source(%dma_start3A_877 : memref<128x64xf32, #tpu.memory_space<vmem>>) target(%dma_start3A_873 : memref<128x64xf32, #tpu.memory_space<hbm>>) target_semaphore(%arg15 : memref<!tpu.dma_semaphore, #tpu.memory_space<semaphore_mem>>)
    %dma_start3A_878 = arith.constant 4 : i32
    %dma_start3A_879 = arith.constant 0 : i32
    %dma_start3A_880 = arith.constant 0 : i32
    %dma_start3A_881 = tpu.memref_slice %arg12[%dma_start3A_878, %dma_start3A_879, %dma_start3A_880] : memref<6x128x64xf32, #tpu.memory_space<vmem>> -> memref<1x128x64xf32, #tpu.memory_space<vmem>>
    %dma_start3A_882 = tpu.memref_squeeze %dma_start3A_881 : memref<1x128x64xf32, #tpu.memory_space<vmem>> -> memref<128x64xf32, #tpu.memory_space<vmem>>
    %dma_start3A_883 = arith.constant 320 : i32
    %dma_start3A_884 = tpu.memref_slice %arg9[%add3A_821, %dma_start3A_883] : memref<16384x448xf32, #tpu.memory_space<hbm>> -> memref<128x64xf32, #tpu.memory_space<hbm>>
    %dma_start3A_885 = arith.constant 320 : i32
    %dma_start3A_886 = tpu.memref_slice %arg9[%add3A_821, %dma_start3A_885] : memref<16384x448xf32, #tpu.memory_space<hbm>> -> memref<128x64xf32, #tpu.memory_space<hbm>>
    %dma_start3A_887 = arith.constant 0 : i32
    %dma_start3A_888 = arith.constant 0 : i32
    %dma_start3A_889 = tpu.memref_slice %arg12[%dma_start3A_878, %dma_start3A_887, %dma_start3A_888] : memref<6x128x64xf32, #tpu.memory_space<vmem>> -> memref<1x128x64xf32, #tpu.memory_space<vmem>>
    %dma_start3A_890 = tpu.memref_squeeze %dma_start3A_889 : memref<1x128x64xf32, #tpu.memory_space<vmem>> -> memref<128x64xf32, #tpu.memory_space<vmem>>
    tpu.enqueue_dma source(%dma_start3A_890 : memref<128x64xf32, #tpu.memory_space<vmem>>) target(%dma_start3A_886 : memref<128x64xf32, #tpu.memory_space<hbm>>) target_semaphore(%arg15 : memref<!tpu.dma_semaphore, #tpu.memory_space<semaphore_mem>>)
    %dma_start3A_891 = arith.constant 5 : i32
    %dma_start3A_892 = arith.constant 0 : i32
    %dma_start3A_893 = arith.constant 0 : i32
    %dma_start3A_894 = tpu.memref_slice %arg12[%dma_start3A_891, %dma_start3A_892, %dma_start3A_893] : memref<6x128x64xf32, #tpu.memory_space<vmem>> -> memref<1x128x64xf32, #tpu.memory_space<vmem>>
    %dma_start3A_895 = tpu.memref_squeeze %dma_start3A_894 : memref<1x128x64xf32, #tpu.memory_space<vmem>> -> memref<128x64xf32, #tpu.memory_space<vmem>>
    %dma_start3A_896 = arith.constant 384 : i32
    %dma_start3A_897 = tpu.memref_slice %arg9[%add3A_821, %dma_start3A_896] : memref<16384x448xf32, #tpu.memory_space<hbm>> -> memref<128x64xf32, #tpu.memory_space<hbm>>
    %dma_start3A_898 = arith.constant 384 : i32
    %dma_start3A_899 = tpu.memref_slice %arg9[%add3A_821, %dma_start3A_898] : memref<16384x448xf32, #tpu.memory_space<hbm>> -> memref<128x64xf32, #tpu.memory_space<hbm>>
    %dma_start3A_900 = arith.constant 0 : i32
    %dma_start3A_901 = arith.constant 0 : i32
    %dma_start3A_902 = tpu.memref_slice %arg12[%dma_start3A_891, %dma_start3A_900, %dma_start3A_901] : memref<6x128x64xf32, #tpu.memory_space<vmem>> -> memref<1x128x64xf32, #tpu.memory_space<vmem>>
    %dma_start3A_903 = tpu.memref_squeeze %dma_start3A_902 : memref<1x128x64xf32, #tpu.memory_space<vmem>> -> memref<128x64xf32, #tpu.memory_space<vmem>>
    tpu.enqueue_dma source(%dma_start3A_903 : memref<128x64xf32, #tpu.memory_space<vmem>>) target(%dma_start3A_899 : memref<128x64xf32, #tpu.memory_space<hbm>>) target_semaphore(%arg15 : memref<!tpu.dma_semaphore, #tpu.memory_space<semaphore_mem>>)
    %dma_wait3A_904 = arith.constant 0 : i32
    %dma_wait3A_905 = tpu.memref_slice %arg9[%add3A_821, %dma_wait3A_904] : memref<16384x448xf32, #tpu.memory_space<hbm>> -> memref<128x64xf32, #tpu.memory_space<hbm>>
    %dma_wait3A_906 = arith.constant 0 : i32
    %dma_wait3A_907 = tpu.memref_slice %arg9[%add3A_821, %dma_wait3A_906] : memref<16384x448xf32, #tpu.memory_space<hbm>> -> memref<128x64xf32, #tpu.memory_space<hbm>>
    tpu.wait_dma2 semaphore(%arg15 : memref<!tpu.dma_semaphore, #tpu.memory_space<semaphore_mem>>) src(%arg13 : memref<128x64xf32, #tpu.memory_space<vmem>>) dst(%dma_wait3A_907 : memref<128x64xf32, #tpu.memory_space<hbm>>)
    %dma_wait3A_908 = arith.constant 0 : i32
    %dma_wait3A_909 = arith.constant 0 : i32
    %dma_wait3A_910 = arith.constant 0 : i32
    %dma_wait3A_911 = tpu.memref_slice %arg12[%dma_wait3A_908, %dma_wait3A_909, %dma_wait3A_910] : memref<6x128x64xf32, #tpu.memory_space<vmem>> -> memref<1x128x64xf32, #tpu.memory_space<vmem>>
    %dma_wait3A_912 = tpu.memref_squeeze %dma_wait3A_911 : memref<1x128x64xf32, #tpu.memory_space<vmem>> -> memref<128x64xf32, #tpu.memory_space<vmem>>
    %dma_wait3A_913 = arith.constant 64 : i32
    %dma_wait3A_914 = tpu.memref_slice %arg9[%add3A_821, %dma_wait3A_913] : memref<16384x448xf32, #tpu.memory_space<hbm>> -> memref<128x64xf32, #tpu.memory_space<hbm>>
    %dma_wait3A_915 = arith.constant 64 : i32
    %dma_wait3A_916 = tpu.memref_slice %arg9[%add3A_821, %dma_wait3A_915] : memref<16384x448xf32, #tpu.memory_space<hbm>> -> memref<128x64xf32, #tpu.memory_space<hbm>>
    %dma_wait3A_917 = arith.constant 0 : i32
    %dma_wait3A_918 = arith.constant 0 : i32
    %dma_wait3A_919 = tpu.memref_slice %arg12[%dma_wait3A_908, %dma_wait3A_917, %dma_wait3A_918] : memref<6x128x64xf32, #tpu.memory_space<vmem>> -> memref<1x128x64xf32, #tpu.memory_space<vmem>>
    %dma_wait3A_920 = tpu.memref_squeeze %dma_wait3A_919 : memref<1x128x64xf32, #tpu.memory_space<vmem>> -> memref<128x64xf32, #tpu.memory_space<vmem>>
    tpu.wait_dma2 semaphore(%arg15 : memref<!tpu.dma_semaphore, #tpu.memory_space<semaphore_mem>>) src(%dma_wait3A_920 : memref<128x64xf32, #tpu.memory_space<vmem>>) dst(%dma_wait3A_916 : memref<128x64xf32, #tpu.memory_space<hbm>>)
    %dma_wait3A_921 = arith.constant 1 : i32
    %dma_wait3A_922 = arith.constant 0 : i32
    %dma_wait3A_923 = arith.constant 0 : i32
    %dma_wait3A_924 = tpu.memref_slice %arg12[%dma_wait3A_921, %dma_wait3A_922, %dma_wait3A_923] : memref<6x128x64xf32, #tpu.memory_space<vmem>> -> memref<1x128x64xf32, #tpu.memory_space<vmem>>
    %dma_wait3A_925 = tpu.memref_squeeze %dma_wait3A_924 : memref<1x128x64xf32, #tpu.memory_space<vmem>> -> memref<128x64xf32, #tpu.memory_space<vmem>>
    %dma_wait3A_926 = arith.constant 128 : i32
    %dma_wait3A_927 = tpu.memref_slice %arg9[%add3A_821, %dma_wait3A_926] : memref<16384x448xf32, #tpu.memory_space<hbm>> -> memref<128x64xf32, #tpu.memory_space<hbm>>
    %dma_wait3A_928 = arith.constant 128 : i32
    %dma_wait3A_929 = tpu.memref_slice %arg9[%add3A_821, %dma_wait3A_928] : memref<16384x448xf32, #tpu.memory_space<hbm>> -> memref<128x64xf32, #tpu.memory_space<hbm>>
    %dma_wait3A_930 = arith.constant 0 : i32
    %dma_wait3A_931 = arith.constant 0 : i32
    %dma_wait3A_932 = tpu.memref_slice %arg12[%dma_wait3A_921, %dma_wait3A_930, %dma_wait3A_931] : memref<6x128x64xf32, #tpu.memory_space<vmem>> -> memref<1x128x64xf32, #tpu.memory_space<vmem>>
    %dma_wait3A_933 = tpu.memref_squeeze %dma_wait3A_932 : memref<1x128x64xf32, #tpu.memory_space<vmem>> -> memref<128x64xf32, #tpu.memory_space<vmem>>
    tpu.wait_dma2 semaphore(%arg15 : memref<!tpu.dma_semaphore, #tpu.memory_space<semaphore_mem>>) src(%dma_wait3A_933 : memref<128x64xf32, #tpu.memory_space<vmem>>) dst(%dma_wait3A_929 : memref<128x64xf32, #tpu.memory_space<hbm>>)
    %dma_wait3A_934 = arith.constant 2 : i32
    %dma_wait3A_935 = arith.constant 0 : i32
    %dma_wait3A_936 = arith.constant 0 : i32
    %dma_wait3A_937 = tpu.memref_slice %arg12[%dma_wait3A_934, %dma_wait3A_935, %dma_wait3A_936] : memref<6x128x64xf32, #tpu.memory_space<vmem>> -> memref<1x128x64xf32, #tpu.memory_space<vmem>>
    %dma_wait3A_938 = tpu.memref_squeeze %dma_wait3A_937 : memref<1x128x64xf32, #tpu.memory_space<vmem>> -> memref<128x64xf32, #tpu.memory_space<vmem>>
    %dma_wait3A_939 = arith.constant 192 : i32
    %dma_wait3A_940 = tpu.memref_slice %arg9[%add3A_821, %dma_wait3A_939] : memref<16384x448xf32, #tpu.memory_space<hbm>> -> memref<128x64xf32, #tpu.memory_space<hbm>>
    %dma_wait3A_941 = arith.constant 192 : i32
    %dma_wait3A_942 = tpu.memref_slice %arg9[%add3A_821, %dma_wait3A_941] : memref<16384x448xf32, #tpu.memory_space<hbm>> -> memref<128x64xf32, #tpu.memory_space<hbm>>
    %dma_wait3A_943 = arith.constant 0 : i32
    %dma_wait3A_944 = arith.constant 0 : i32
    %dma_wait3A_945 = tpu.memref_slice %arg12[%dma_wait3A_934, %dma_wait3A_943, %dma_wait3A_944] : memref<6x128x64xf32, #tpu.memory_space<vmem>> -> memref<1x128x64xf32, #tpu.memory_space<vmem>>
    %dma_wait3A_946 = tpu.memref_squeeze %dma_wait3A_945 : memref<1x128x64xf32, #tpu.memory_space<vmem>> -> memref<128x64xf32, #tpu.memory_space<vmem>>
    tpu.wait_dma2 semaphore(%arg15 : memref<!tpu.dma_semaphore, #tpu.memory_space<semaphore_mem>>) src(%dma_wait3A_946 : memref<128x64xf32, #tpu.memory_space<vmem>>) dst(%dma_wait3A_942 : memref<128x64xf32, #tpu.memory_space<hbm>>)
    %dma_wait3A_947 = arith.constant 3 : i32
    %dma_wait3A_948 = arith.constant 0 : i32
    %dma_wait3A_949 = arith.constant 0 : i32
    %dma_wait3A_950 = tpu.memref_slice %arg12[%dma_wait3A_947, %dma_wait3A_948, %dma_wait3A_949] : memref<6x128x64xf32, #tpu.memory_space<vmem>> -> memref<1x128x64xf32, #tpu.memory_space<vmem>>
    %dma_wait3A_951 = tpu.memref_squeeze %dma_wait3A_950 : memref<1x128x64xf32, #tpu.memory_space<vmem>> -> memref<128x64xf32, #tpu.memory_space<vmem>>
    %dma_wait3A_952 = arith.constant 256 : i32
    %dma_wait3A_953 = tpu.memref_slice %arg9[%add3A_821, %dma_wait3A_952] : memref<16384x448xf32, #tpu.memory_space<hbm>> -> memref<128x64xf32, #tpu.memory_space<hbm>>
    %dma_wait3A_954 = arith.constant 256 : i32
    %dma_wait3A_955 = tpu.memref_slice %arg9[%add3A_821, %dma_wait3A_954] : memref<16384x448xf32, #tpu.memory_space<hbm>> -> memref<128x64xf32, #tpu.memory_space<hbm>>
    %dma_wait3A_956 = arith.constant 0 : i32
    %dma_wait3A_957 = arith.constant 0 : i32
    %dma_wait3A_958 = tpu.memref_slice %arg12[%dma_wait3A_947, %dma_wait3A_956, %dma_wait3A_957] : memref<6x128x64xf32, #tpu.memory_space<vmem>> -> memref<1x128x64xf32, #tpu.memory_space<vmem>>
    %dma_wait3A_959 = tpu.memref_squeeze %dma_wait3A_958 : memref<1x128x64xf32, #tpu.memory_space<vmem>> -> memref<128x64xf32, #tpu.memory_space<vmem>>
    tpu.wait_dma2 semaphore(%arg15 : memref<!tpu.dma_semaphore, #tpu.memory_space<semaphore_mem>>) src(%dma_wait3A_959 : memref<128x64xf32, #tpu.memory_space<vmem>>) dst(%dma_wait3A_955 : memref<128x64xf32, #tpu.memory_space<hbm>>)
    %dma_wait3A_960 = arith.constant 4 : i32
    %dma_wait3A_961 = arith.constant 0 : i32
    %dma_wait3A_962 = arith.constant 0 : i32
    %dma_wait3A_963 = tpu.memref_slice %arg12[%dma_wait3A_960, %dma_wait3A_961, %dma_wait3A_962] : memref<6x128x64xf32, #tpu.memory_space<vmem>> -> memref<1x128x64xf32, #tpu.memory_space<vmem>>
    %dma_wait3A_964 = tpu.memref_squeeze %dma_wait3A_963 : memref<1x128x64xf32, #tpu.memory_space<vmem>> -> memref<128x64xf32, #tpu.memory_space<vmem>>
    %dma_wait3A_965 = arith.constant 320 : i32
    %dma_wait3A_966 = tpu.memref_slice %arg9[%add3A_821, %dma_wait3A_965] : memref<16384x448xf32, #tpu.memory_space<hbm>> -> memref<128x64xf32, #tpu.memory_space<hbm>>
    %dma_wait3A_967 = arith.constant 320 : i32
    %dma_wait3A_968 = tpu.memref_slice %arg9[%add3A_821, %dma_wait3A_967] : memref<16384x448xf32, #tpu.memory_space<hbm>> -> memref<128x64xf32, #tpu.memory_space<hbm>>
    %dma_wait3A_969 = arith.constant 0 : i32
    %dma_wait3A_970 = arith.constant 0 : i32
    %dma_wait3A_971 = tpu.memref_slice %arg12[%dma_wait3A_960, %dma_wait3A_969, %dma_wait3A_970] : memref<6x128x64xf32, #tpu.memory_space<vmem>> -> memref<1x128x64xf32, #tpu.memory_space<vmem>>
    %dma_wait3A_972 = tpu.memref_squeeze %dma_wait3A_971 : memref<1x128x64xf32, #tpu.memory_space<vmem>> -> memref<128x64xf32, #tpu.memory_space<vmem>>
    tpu.wait_dma2 semaphore(%arg15 : memref<!tpu.dma_semaphore, #tpu.memory_space<semaphore_mem>>) src(%dma_wait3A_972 : memref<128x64xf32, #tpu.memory_space<vmem>>) dst(%dma_wait3A_968 : memref<128x64xf32, #tpu.memory_space<hbm>>)
    %dma_wait3A_973 = arith.constant 5 : i32
    %dma_wait3A_974 = arith.constant 0 : i32
    %dma_wait3A_975 = arith.constant 0 : i32
    %dma_wait3A_976 = tpu.memref_slice %arg12[%dma_wait3A_973, %dma_wait3A_974, %dma_wait3A_975] : memref<6x128x64xf32, #tpu.memory_space<vmem>> -> memref<1x128x64xf32, #tpu.memory_space<vmem>>
    %dma_wait3A_977 = tpu.memref_squeeze %dma_wait3A_976 : memref<1x128x64xf32, #tpu.memory_space<vmem>> -> memref<128x64xf32, #tpu.memory_space<vmem>>
    %dma_wait3A_978 = arith.constant 384 : i32
    %dma_wait3A_979 = tpu.memref_slice %arg9[%add3A_821, %dma_wait3A_978] : memref<16384x448xf32, #tpu.memory_space<hbm>> -> memref<128x64xf32, #tpu.memory_space<hbm>>
    %dma_wait3A_980 = arith.constant 384 : i32
    %dma_wait3A_981 = tpu.memref_slice %arg9[%add3A_821, %dma_wait3A_980] : memref<16384x448xf32, #tpu.memory_space<hbm>> -> memref<128x64xf32, #tpu.memory_space<hbm>>
    %dma_wait3A_982 = arith.constant 0 : i32
    %dma_wait3A_983 = arith.constant 0 : i32
    %dma_wait3A_984 = tpu.memref_slice %arg12[%dma_wait3A_973, %dma_wait3A_982, %dma_wait3A_983] : memref<6x128x64xf32, #tpu.memory_space<vmem>> -> memref<1x128x64xf32, #tpu.memory_space<vmem>>
    %dma_wait3A_985 = tpu.memref_squeeze %dma_wait3A_984 : memref<1x128x64xf32, #tpu.memory_space<vmem>> -> memref<128x64xf32, #tpu.memory_space<vmem>>
    tpu.wait_dma2 semaphore(%arg15 : memref<!tpu.dma_semaphore, #tpu.memory_space<semaphore_mem>>) src(%dma_wait3A_985 : memref<128x64xf32, #tpu.memory_space<vmem>>) dst(%dma_wait3A_981 : memref<128x64xf32, #tpu.memory_space<hbm>>)
    %scan3A_986 = arith.constant 0 : i32
    %scan3A_987 = arith.constant 8 : i32
    %scan3A_988 = arith.addi %scan3A_986, %scan3A_987 : i32
    %scan3A_989 = arith.constant 1 : i32
    scf.for %scan3A_1313 = %scan3A_986 to %scan3A_988 step %scan3A_989  : i32 {
      %mul3A_1314 = arith.constant 16 : i32
      %mul3A_1315 = arith.muli %scan3A_1313, %mul3A_1314 : i32
      %add3A_1316 = arith.constant 384 : i32
      %add3A_1317 = arith.addi %add3A_1316, %mul3A_1315 : i32
      %broadcast_in_dim3A = arith.constant 0 : i32
      %broadcast_in_dim3A_1318 = vector.broadcast %broadcast_in_dim3A : i32 to vector<16xi32>
      %get3A = arith.constant 0 : i32
      %get3A_1319 = arith.constant 0 : i32
      %get3A_1320 = arith.index_cast %get3A : i32 to index
      %get3A_1321 = arith.index_cast %get3A_1319 : i32 to index
      %get3A_1322 = arith.index_cast %add3A_1317 : i32 to index
      %get3A_1323 = tpu.vector_load %arg10[%get3A_1320, %get3A_1321, %get3A_1322] {strides = array<i32>} : memref<6x8x512xf32, #tpu.memory_space<vmem>>, vector<16xf32>,
      %broadcast_in_dim3A_1324 = arith.constant 0 : i32
      %broadcast_in_dim3A_1325 = vector.broadcast %broadcast_in_dim3A_1324 : i32 to vector<16xi32>
      %get3A_1326 = arith.constant 0 : i32
      %get3A_1327 = arith.constant 1 : i32
      %get3A_1328 = arith.index_cast %get3A_1326 : i32 to index
      %get3A_1329 = arith.index_cast %get3A_1327 : i32 to index
      %get3A_1330 = arith.index_cast %add3A_1317 : i32 to index
      %get3A_1331 = tpu.vector_load %arg10[%get3A_1328, %get3A_1329, %get3A_1330] {strides = array<i32>} : memref<6x8x512xf32, #tpu.memory_space<vmem>>, vector<16xf32>,
      %gt3A = arith.cmpf ogt, %get3A_1331, %get3A_1323 : vector<16xf32>
      %select_n3A = arith.select %gt3A, %get3A_1331, %get3A_1323 : vector<16xi1>, vector<16xf32>
      %broadcast_in_dim3A_1332 = arith.constant 1 : i32
      %broadcast_in_dim3A_1333 = vector.broadcast %broadcast_in_dim3A_1332 : i32 to vector<16xi32>
      %select_n3A_1334 = arith.select %gt3A, %broadcast_in_dim3A_1333, %broadcast_in_dim3A_1325 : vector<16xi1>, vector<16xi32>
      %get3A_1335 = arith.constant 0 : i32
      %get3A_1336 = arith.constant 2 : i32
      %get3A_1337 = arith.index_cast %get3A_1335 : i32 to index
      %get3A_1338 = arith.index_cast %get3A_1336 : i32 to index
      %get3A_1339 = arith.index_cast %add3A_1317 : i32 to index
      %get3A_1340 = tpu.vector_load %arg10[%get3A_1337, %get3A_1338, %get3A_1339] {strides = array<i32>} : memref<6x8x512xf32, #tpu.memory_space<vmem>>, vector<16xf32>,
      %gt3A_1341 = arith.cmpf ogt, %get3A_1340, %select_n3A : vector<16xf32>
      %select_n3A_1342 = arith.select %gt3A_1341, %get3A_1340, %select_n3A : vector<16xi1>, vector<16xf32>
      %broadcast_in_dim3A_1343 = arith.constant 2 : i32
      %broadcast_in_dim3A_1344 = vector.broadcast %broadcast_in_dim3A_1343 : i32 to vector<16xi32>
      %select_n3A_1345 = arith.select %gt3A_1341, %broadcast_in_dim3A_1344, %select_n3A_1334 : vector<16xi1>, vector<16xi32>
      %get3A_1346 = arith.constant 0 : i32
      %get3A_1347 = arith.constant 3 : i32
      %get3A_1348 = arith.index_cast %get3A_1346 : i32 to index
      %get3A_1349 = arith.index_cast %get3A_1347 : i32 to index
      %get3A_1350 = arith.index_cast %add3A_1317 : i32 to index
      %get3A_1351 = tpu.vector_load %arg10[%get3A_1348, %get3A_1349, %get3A_1350] {strides = array<i32>} : memref<6x8x512xf32, #tpu.memory_space<vmem>>, vector<16xf32>,
      %gt3A_1352 = arith.cmpf ogt, %get3A_1351, %select_n3A_1342 : vector<16xf32>
      %select_n3A_1353 = arith.select %gt3A_1352, %get3A_1351, %select_n3A_1342 : vector<16xi1>, vector<16xf32>
      %broadcast_in_dim3A_1354 = arith.constant 3 : i32
      %broadcast_in_dim3A_1355 = vector.broadcast %broadcast_in_dim3A_1354 : i32 to vector<16xi32>
      %select_n3A_1356 = arith.select %gt3A_1352, %broadcast_in_dim3A_1355, %select_n3A_1345 : vector<16xi1>, vector<16xi32>
      %get3A_1357 = arith.constant 0 : i32
      %get3A_1358 = arith.constant 4 : i32
      %get3A_1359 = arith.index_cast %get3A_1357 : i32 to index
      %get3A_1360 = arith.index_cast %get3A_1358 : i32 to index
      %get3A_1361 = arith.index_cast %add3A_1317 : i32 to index
      %get3A_1362 = tpu.vector_load %arg10[%get3A_1359, %get3A_1360, %get3A_1361] {strides = array<i32>} : memref<6x8x512xf32, #tpu.memory_space<vmem>>, vector<16xf32>,
      %gt3A_1363 = arith.cmpf ogt, %get3A_1362, %select_n3A_1353 : vector<16xf32>
      %select_n3A_1364 = arith.select %gt3A_1363, %get3A_1362, %select_n3A_1353 : vector<16xi1>, vector<16xf32>
      %broadcast_in_dim3A_1365 = arith.constant 4 : i32
      %broadcast_in_dim3A_1366 = vector.broadcast %broadcast_in_dim3A_1365 : i32 to vector<16xi32>
      %select_n3A_1367 = arith.select %gt3A_1363, %broadcast_in_dim3A_1366, %select_n3A_1356 : vector<16xi1>, vector<16xi32>
      %get3A_1368 = arith.constant 0 : i32
      %get3A_1369 = arith.constant 5 : i32
      %get3A_1370 = arith.index_cast %get3A_1368 : i32 to index
      %get3A_1371 = arith.index_cast %get3A_1369 : i32 to index
      %get3A_1372 = arith.index_cast %add3A_1317 : i32 to index
      %get3A_1373 = tpu.vector_load %arg10[%get3A_1370, %get3A_1371, %get3A_1372] {strides = array<i32>} : memref<6x8x512xf32, #tpu.memory_space<vmem>>, vector<16xf32>,
      %gt3A_1374 = arith.cmpf ogt, %get3A_1373, %select_n3A_1364 : vector<16xf32>
      %select_n3A_1375 = arith.select %gt3A_1374, %get3A_1373, %select_n3A_1364 : vector<16xi1>, vector<16xf32>
      %broadcast_in_dim3A_1376 = arith.constant 5 : i32
      %broadcast_in_dim3A_1377 = vector.broadcast %broadcast_in_dim3A_1376 : i32 to vector<16xi32>
      %select_n3A_1378 = arith.select %gt3A_1374, %broadcast_in_dim3A_1377, %select_n3A_1367 : vector<16xi1>, vector<16xi32>
      %get3A_1379 = arith.constant 0 : i32
      %get3A_1380 = arith.constant 6 : i32
      %get3A_1381 = arith.index_cast %get3A_1379 : i32 to index
      %get3A_1382 = arith.index_cast %get3A_1380 : i32 to index
      %get3A_1383 = arith.index_cast %add3A_1317 : i32 to index
      %get3A_1384 = tpu.vector_load %arg10[%get3A_1381, %get3A_1382, %get3A_1383] {strides = array<i32>} : memref<6x8x512xf32, #tpu.memory_space<vmem>>, vector<16xf32>,
      %gt3A_1385 = arith.cmpf ogt, %get3A_1384, %select_n3A_1375 : vector<16xf32>
      %select_n3A_1386 = arith.select %gt3A_1385, %get3A_1384, %select_n3A_1375 : vector<16xi1>, vector<16xf32>
      %broadcast_in_dim3A_1387 = arith.constant 6 : i32
      %broadcast_in_dim3A_1388 = vector.broadcast %broadcast_in_dim3A_1387 : i32 to vector<16xi32>
      %select_n3A_1389 = arith.select %gt3A_1385, %broadcast_in_dim3A_1388, %select_n3A_1378 : vector<16xi1>, vector<16xi32>
      %get3A_1390 = arith.constant 0 : i32
      %get3A_1391 = arith.constant 7 : i32
      %get3A_1392 = arith.index_cast %get3A_1390 : i32 to index
      %get3A_1393 = arith.index_cast %get3A_1391 : i32 to index
      %get3A_1394 = arith.index_cast %add3A_1317 : i32 to index
      %get3A_1395 = tpu.vector_load %arg10[%get3A_1392, %get3A_1393, %get3A_1394] {strides = array<i32>} : memref<6x8x512xf32, #tpu.memory_space<vmem>>, vector<16xf32>,
      %gt3A_1396 = arith.cmpf ogt, %get3A_1395, %select_n3A_1386 : vector<16xf32>
      %select_n3A_1397 = arith.select %gt3A_1396, %get3A_1395, %select_n3A_1386 : vector<16xi1>, vector<16xf32>
      %broadcast_in_dim3A_1398 = arith.constant 7 : i32
      %broadcast_in_dim3A_1399 = vector.broadcast %broadcast_in_dim3A_1398 : i32 to vector<16xi32>
      %select_n3A_1400 = arith.select %gt3A_1396, %broadcast_in_dim3A_1399, %select_n3A_1389 : vector<16xi1>, vector<16xi32>
      %mul3A_1401 = arith.constant 1 : i32
      %mul3A_1402 = vector.broadcast %mul3A_1401 : i32 to vector<16xi32>
      %mul3A_1403 = arith.muli %select_n3A_1400, %mul3A_1402 : vector<16xi32>
      %add3A_1404 = arith.addi %broadcast_in_dim3A_1318, %mul3A_1403 : vector<16xi32>
      %mul3A_1405 = arith.constant 16 : i32
      %mul3A_1406 = arith.muli %scan3A_1313, %mul3A_1405 : i32
      %swap3A = arith.constant 0 : i32
      %swap3A_1407 = arith.constant 3 : i32
      %swap3A_1408 = arith.index_cast %swap3A : i32 to index
      %swap3A_1409 = arith.index_cast %swap3A_1407 : i32 to index
      %swap3A_1410 = arith.index_cast %mul3A_1406 : i32 to index
      %swap3A_1411 = tpu.vector_load %arg11[%swap3A_1408, %swap3A_1409, %swap3A_1410] {strides = array<i32>} : memref<6x4x128xi32, #tpu.memory_space<vmem>>, vector<16xi32>,
      tpu.vector_store %arg11[%swap3A_1408, %swap3A_1409, %swap3A_1410], %add3A_1404 {strides = array<i32>} : memref<6x4x128xi32, #tpu.memory_space<vmem>>, vector<16xi32>,
      %get3A_1412 = arith.constant 1 : i32
      %get3A_1413 = arith.constant 0 : i32
      %get3A_1414 = arith.index_cast %get3A_1412 : i32 to index
      %get3A_1415 = arith.index_cast %get3A_1413 : i32 to index
      %get3A_1416 = arith.index_cast %add3A_1317 : i32 to index
      %get3A_1417 = tpu.vector_load %arg10[%get3A_1414, %get3A_1415, %get3A_1416] {strides = array<i32>} : memref<6x8x512xf32, #tpu.memory_space<vmem>>, vector<16xf32>,
      %broadcast_in_dim3A_1418 = arith.constant 0 : i32
      %broadcast_in_dim3A_1419 = vector.broadcast %broadcast_in_dim3A_1418 : i32 to vector<16xi32>
      %get3A_1420 = arith.constant 1 : i32
      %get3A_1421 = arith.constant 1 : i32
      %get3A_1422 = arith.index_cast %get3A_1420 : i32 to index
      %get3A_1423 = arith.index_cast %get3A_1421 : i32 to index
      %get3A_1424 = arith.index_cast %add3A_1317 : i32 to index
      %get3A_1425 = tpu.vector_load %arg10[%get3A_1422, %get3A_1423, %get3A_1424] {strides = array<i32>} : memref<6x8x512xf32, #tpu.memory_space<vmem>>, vector<16xf32>,
      %gt3A_1426 = arith.cmpf ogt, %get3A_1425, %get3A_1417 : vector<16xf32>
      %select_n3A_1427 = arith.select %gt3A_1426, %get3A_1425, %get3A_1417 : vector<16xi1>, vector<16xf32>
      %broadcast_in_dim3A_1428 = arith.constant 1 : i32
      %broadcast_in_dim3A_1429 = vector.broadcast %broadcast_in_dim3A_1428 : i32 to vector<16xi32>
      %select_n3A_1430 = arith.select %gt3A_1426, %broadcast_in_dim3A_1429, %broadcast_in_dim3A_1419 : vector<16xi1>, vector<16xi32>
      %get3A_1431 = arith.constant 1 : i32
      %get3A_1432 = arith.constant 2 : i32
      %get3A_1433 = arith.index_cast %get3A_1431 : i32 to index
      %get3A_1434 = arith.index_cast %get3A_1432 : i32 to index
      %get3A_1435 = arith.index_cast %add3A_1317 : i32 to index
      %get3A_1436 = tpu.vector_load %arg10[%get3A_1433, %get3A_1434, %get3A_1435] {strides = array<i32>} : memref<6x8x512xf32, #tpu.memory_space<vmem>>, vector<16xf32>,
      %gt3A_1437 = arith.cmpf ogt, %get3A_1436, %select_n3A_1427 : vector<16xf32>
      %select_n3A_1438 = arith.select %gt3A_1437, %get3A_1436, %select_n3A_1427 : vector<16xi1>, vector<16xf32>
      %broadcast_in_dim3A_1439 = arith.constant 2 : i32
      %broadcast_in_dim3A_1440 = vector.broadcast %broadcast_in_dim3A_1439 : i32 to vector<16xi32>
      %select_n3A_1441 = arith.select %gt3A_1437, %broadcast_in_dim3A_1440, %select_n3A_1430 : vector<16xi1>, vector<16xi32>
      %get3A_1442 = arith.constant 1 : i32
      %get3A_1443 = arith.constant 3 : i32
      %get3A_1444 = arith.index_cast %get3A_1442 : i32 to index
      %get3A_1445 = arith.index_cast %get3A_1443 : i32 to index
      %get3A_1446 = arith.index_cast %add3A_1317 : i32 to index
      %get3A_1447 = tpu.vector_load %arg10[%get3A_1444, %get3A_1445, %get3A_1446] {strides = array<i32>} : memref<6x8x512xf32, #tpu.memory_space<vmem>>, vector<16xf32>,
      %gt3A_1448 = arith.cmpf ogt, %get3A_1447, %select_n3A_1438 : vector<16xf32>
      %select_n3A_1449 = arith.select %gt3A_1448, %get3A_1447, %select_n3A_1438 : vector<16xi1>, vector<16xf32>
      %broadcast_in_dim3A_1450 = arith.constant 3 : i32
      %broadcast_in_dim3A_1451 = vector.broadcast %broadcast_in_dim3A_1450 : i32 to vector<16xi32>
      %select_n3A_1452 = arith.select %gt3A_1448, %broadcast_in_dim3A_1451, %select_n3A_1441 : vector<16xi1>, vector<16xi32>
      %get3A_1453 = arith.constant 1 : i32
      %get3A_1454 = arith.constant 4 : i32
      %get3A_1455 = arith.index_cast %get3A_1453 : i32 to index
      %get3A_1456 = arith.index_cast %get3A_1454 : i32 to index
      %get3A_1457 = arith.index_cast %add3A_1317 : i32 to index
      %get3A_1458 = tpu.vector_load %arg10[%get3A_1455, %get3A_1456, %get3A_1457] {strides = array<i32>} : memref<6x8x512xf32, #tpu.memory_space<vmem>>, vector<16xf32>,
      %gt3A_1459 = arith.cmpf ogt, %get3A_1458, %select_n3A_1449 : vector<16xf32>
      %select_n3A_1460 = arith.select %gt3A_1459, %get3A_1458, %select_n3A_1449 : vector<16xi1>, vector<16xf32>
      %broadcast_in_dim3A_1461 = arith.constant 4 : i32
      %broadcast_in_dim3A_1462 = vector.broadcast %broadcast_in_dim3A_1461 : i32 to vector<16xi32>
      %select_n3A_1463 = arith.select %gt3A_1459, %broadcast_in_dim3A_1462, %select_n3A_1452 : vector<16xi1>, vector<16xi32>
      %get3A_1464 = arith.constant 1 : i32
      %get3A_1465 = arith.constant 5 : i32
      %get3A_1466 = arith.index_cast %get3A_1464 : i32 to index
      %get3A_1467 = arith.index_cast %get3A_1465 : i32 to index
      %get3A_1468 = arith.index_cast %add3A_1317 : i32 to index
      %get3A_1469 = tpu.vector_load %arg10[%get3A_1466, %get3A_1467, %get3A_1468] {strides = array<i32>} : memref<6x8x512xf32, #tpu.memory_space<vmem>>, vector<16xf32>,
      %gt3A_1470 = arith.cmpf ogt, %get3A_1469, %select_n3A_1460 : vector<16xf32>
      %select_n3A_1471 = arith.select %gt3A_1470, %get3A_1469, %select_n3A_1460 : vector<16xi1>, vector<16xf32>
      %broadcast_in_dim3A_1472 = arith.constant 5 : i32
      %broadcast_in_dim3A_1473 = vector.broadcast %broadcast_in_dim3A_1472 : i32 to vector<16xi32>
      %select_n3A_1474 = arith.select %gt3A_1470, %broadcast_in_dim3A_1473, %select_n3A_1463 : vector<16xi1>, vector<16xi32>
      %get3A_1475 = arith.constant 1 : i32
      %get3A_1476 = arith.constant 6 : i32
      %get3A_1477 = arith.index_cast %get3A_1475 : i32 to index
      %get3A_1478 = arith.index_cast %get3A_1476 : i32 to index
      %get3A_1479 = arith.index_cast %add3A_1317 : i32 to index
      %get3A_1480 = tpu.vector_load %arg10[%get3A_1477, %get3A_1478, %get3A_1479] {strides = array<i32>} : memref<6x8x512xf32, #tpu.memory_space<vmem>>, vector<16xf32>,
      %gt3A_1481 = arith.cmpf ogt, %get3A_1480, %select_n3A_1471 : vector<16xf32>
      %select_n3A_1482 = arith.select %gt3A_1481, %get3A_1480, %select_n3A_1471 : vector<16xi1>, vector<16xf32>
      %broadcast_in_dim3A_1483 = arith.constant 6 : i32
      %broadcast_in_dim3A_1484 = vector.broadcast %broadcast_in_dim3A_1483 : i32 to vector<16xi32>
      %select_n3A_1485 = arith.select %gt3A_1481, %broadcast_in_dim3A_1484, %select_n3A_1474 : vector<16xi1>, vector<16xi32>
      %get3A_1486 = arith.constant 1 : i32
      %get3A_1487 = arith.constant 7 : i32
      %get3A_1488 = arith.index_cast %get3A_1486 : i32 to index
      %get3A_1489 = arith.index_cast %get3A_1487 : i32 to index
      %get3A_1490 = arith.index_cast %add3A_1317 : i32 to index
      %get3A_1491 = tpu.vector_load %arg10[%get3A_1488, %get3A_1489, %get3A_1490] {strides = array<i32>} : memref<6x8x512xf32, #tpu.memory_space<vmem>>, vector<16xf32>,
      %gt3A_1492 = arith.cmpf ogt, %get3A_1491, %select_n3A_1482 : vector<16xf32>
      %select_n3A_1493 = arith.select %gt3A_1492, %get3A_1491, %select_n3A_1482 : vector<16xi1>, vector<16xf32>
      %broadcast_in_dim3A_1494 = arith.constant 7 : i32
      %broadcast_in_dim3A_1495 = vector.broadcast %broadcast_in_dim3A_1494 : i32 to vector<16xi32>
      %select_n3A_1496 = arith.select %gt3A_1492, %broadcast_in_dim3A_1495, %select_n3A_1485 : vector<16xi1>, vector<16xi32>
      %mul3A_1497 = arith.constant 8 : i32
      %mul3A_1498 = vector.broadcast %mul3A_1497 : i32 to vector<16xi32>
      %mul3A_1499 = arith.muli %select_n3A_1496, %mul3A_1498 : vector<16xi32>
      %add3A_1500 = arith.addi %add3A_1404, %mul3A_1499 : vector<16xi32>
      %mul3A_1501 = arith.constant 16 : i32
      %mul3A_1502 = arith.muli %scan3A_1313, %mul3A_1501 : i32
      %swap3A_1503 = arith.constant 1 : i32
      %swap3A_1504 = arith.constant 3 : i32
      %swap3A_1505 = arith.index_cast %swap3A_1503 : i32 to index
      %swap3A_1506 = arith.index_cast %swap3A_1504 : i32 to index
      %swap3A_1507 = arith.index_cast %mul3A_1502 : i32 to index
      %swap3A_1508 = tpu.vector_load %arg11[%swap3A_1505, %swap3A_1506, %swap3A_1507] {strides = array<i32>} : memref<6x4x128xi32, #tpu.memory_space<vmem>>, vector<16xi32>,
      tpu.vector_store %arg11[%swap3A_1505, %swap3A_1506, %swap3A_1507], %add3A_1500 {strides = array<i32>} : memref<6x4x128xi32, #tpu.memory_space<vmem>>, vector<16xi32>,
      %get3A_1509 = arith.constant 2 : i32
      %get3A_1510 = arith.constant 0 : i32
      %get3A_1511 = arith.index_cast %get3A_1509 : i32 to index
      %get3A_1512 = arith.index_cast %get3A_1510 : i32 to index
      %get3A_1513 = arith.index_cast %add3A_1317 : i32 to index
      %get3A_1514 = tpu.vector_load %arg10[%get3A_1511, %get3A_1512, %get3A_1513] {strides = array<i32>} : memref<6x8x512xf32, #tpu.memory_space<vmem>>, vector<16xf32>,
      %broadcast_in_dim3A_1515 = arith.constant 0 : i32
      %broadcast_in_dim3A_1516 = vector.broadcast %broadcast_in_dim3A_1515 : i32 to vector<16xi32>
      %get3A_1517 = arith.constant 2 : i32
      %get3A_1518 = arith.constant 1 : i32
      %get3A_1519 = arith.index_cast %get3A_1517 : i32 to index
      %get3A_1520 = arith.index_cast %get3A_1518 : i32 to index
      %get3A_1521 = arith.index_cast %add3A_1317 : i32 to index
      %get3A_1522 = tpu.vector_load %arg10[%get3A_1519, %get3A_1520, %get3A_1521] {strides = array<i32>} : memref<6x8x512xf32, #tpu.memory_space<vmem>>, vector<16xf32>,
      %gt3A_1523 = arith.cmpf ogt, %get3A_1522, %get3A_1514 : vector<16xf32>
      %select_n3A_1524 = arith.select %gt3A_1523, %get3A_1522, %get3A_1514 : vector<16xi1>, vector<16xf32>
      %broadcast_in_dim3A_1525 = arith.constant 1 : i32
      %broadcast_in_dim3A_1526 = vector.broadcast %broadcast_in_dim3A_1525 : i32 to vector<16xi32>
      %select_n3A_1527 = arith.select %gt3A_1523, %broadcast_in_dim3A_1526, %broadcast_in_dim3A_1516 : vector<16xi1>, vector<16xi32>
      %get3A_1528 = arith.constant 2 : i32
      %get3A_1529 = arith.constant 2 : i32
      %get3A_1530 = arith.index_cast %get3A_1528 : i32 to index
      %get3A_1531 = arith.index_cast %get3A_1529 : i32 to index
      %get3A_1532 = arith.index_cast %add3A_1317 : i32 to index
      %get3A_1533 = tpu.vector_load %arg10[%get3A_1530, %get3A_1531, %get3A_1532] {strides = array<i32>} : memref<6x8x512xf32, #tpu.memory_space<vmem>>, vector<16xf32>,
      %gt3A_1534 = arith.cmpf ogt, %get3A_1533, %select_n3A_1524 : vector<16xf32>
      %select_n3A_1535 = arith.select %gt3A_1534, %get3A_1533, %select_n3A_1524 : vector<16xi1>, vector<16xf32>
      %broadcast_in_dim3A_1536 = arith.constant 2 : i32
      %broadcast_in_dim3A_1537 = vector.broadcast %broadcast_in_dim3A_1536 : i32 to vector<16xi32>
      %select_n3A_1538 = arith.select %gt3A_1534, %broadcast_in_dim3A_1537, %select_n3A_1527 : vector<16xi1>, vector<16xi32>
      %get3A_1539 = arith.constant 2 : i32
      %get3A_1540 = arith.constant 3 : i32
      %get3A_1541 = arith.index_cast %get3A_1539 : i32 to index
      %get3A_1542 = arith.index_cast %get3A_1540 : i32 to index
      %get3A_1543 = arith.index_cast %add3A_1317 : i32 to index
      %get3A_1544 = tpu.vector_load %arg10[%get3A_1541, %get3A_1542, %get3A_1543] {strides = array<i32>} : memref<6x8x512xf32, #tpu.memory_space<vmem>>, vector<16xf32>,
      %gt3A_1545 = arith.cmpf ogt, %get3A_1544, %select_n3A_1535 : vector<16xf32>
      %select_n3A_1546 = arith.select %gt3A_1545, %get3A_1544, %select_n3A_1535 : vector<16xi1>, vector<16xf32>
      %broadcast_in_dim3A_1547 = arith.constant 3 : i32
      %broadcast_in_dim3A_1548 = vector.broadcast %broadcast_in_dim3A_1547 : i32 to vector<16xi32>
      %select_n3A_1549 = arith.select %gt3A_1545, %broadcast_in_dim3A_1548, %select_n3A_1538 : vector<16xi1>, vector<16xi32>
      %get3A_1550 = arith.constant 2 : i32
      %get3A_1551 = arith.constant 4 : i32
      %get3A_1552 = arith.index_cast %get3A_1550 : i32 to index
      %get3A_1553 = arith.index_cast %get3A_1551 : i32 to index
      %get3A_1554 = arith.index_cast %add3A_1317 : i32 to index
      %get3A_1555 = tpu.vector_load %arg10[%get3A_1552, %get3A_1553, %get3A_1554] {strides = array<i32>} : memref<6x8x512xf32, #tpu.memory_space<vmem>>, vector<16xf32>,
      %gt3A_1556 = arith.cmpf ogt, %get3A_1555, %select_n3A_1546 : vector<16xf32>
      %select_n3A_1557 = arith.select %gt3A_1556, %get3A_1555, %select_n3A_1546 : vector<16xi1>, vector<16xf32>
      %broadcast_in_dim3A_1558 = arith.constant 4 : i32
      %broadcast_in_dim3A_1559 = vector.broadcast %broadcast_in_dim3A_1558 : i32 to vector<16xi32>
      %select_n3A_1560 = arith.select %gt3A_1556, %broadcast_in_dim3A_1559, %select_n3A_1549 : vector<16xi1>, vector<16xi32>
      %get3A_1561 = arith.constant 2 : i32
      %get3A_1562 = arith.constant 5 : i32
      %get3A_1563 = arith.index_cast %get3A_1561 : i32 to index
      %get3A_1564 = arith.index_cast %get3A_1562 : i32 to index
      %get3A_1565 = arith.index_cast %add3A_1317 : i32 to index
      %get3A_1566 = tpu.vector_load %arg10[%get3A_1563, %get3A_1564, %get3A_1565] {strides = array<i32>} : memref<6x8x512xf32, #tpu.memory_space<vmem>>, vector<16xf32>,
      %gt3A_1567 = arith.cmpf ogt, %get3A_1566, %select_n3A_1557 : vector<16xf32>
      %select_n3A_1568 = arith.select %gt3A_1567, %get3A_1566, %select_n3A_1557 : vector<16xi1>, vector<16xf32>
      %broadcast_in_dim3A_1569 = arith.constant 5 : i32
      %broadcast_in_dim3A_1570 = vector.broadcast %broadcast_in_dim3A_1569 : i32 to vector<16xi32>
      %select_n3A_1571 = arith.select %gt3A_1567, %broadcast_in_dim3A_1570, %select_n3A_1560 : vector<16xi1>, vector<16xi32>
      %get3A_1572 = arith.constant 2 : i32
      %get3A_1573 = arith.constant 6 : i32
      %get3A_1574 = arith.index_cast %get3A_1572 : i32 to index
      %get3A_1575 = arith.index_cast %get3A_1573 : i32 to index
      %get3A_1576 = arith.index_cast %add3A_1317 : i32 to index
      %get3A_1577 = tpu.vector_load %arg10[%get3A_1574, %get3A_1575, %get3A_1576] {strides = array<i32>} : memref<6x8x512xf32, #tpu.memory_space<vmem>>, vector<16xf32>,
      %gt3A_1578 = arith.cmpf ogt, %get3A_1577, %select_n3A_1568 : vector<16xf32>
      %select_n3A_1579 = arith.select %gt3A_1578, %get3A_1577, %select_n3A_1568 : vector<16xi1>, vector<16xf32>
      %broadcast_in_dim3A_1580 = arith.constant 6 : i32
      %broadcast_in_dim3A_1581 = vector.broadcast %broadcast_in_dim3A_1580 : i32 to vector<16xi32>
      %select_n3A_1582 = arith.select %gt3A_1578, %broadcast_in_dim3A_1581, %select_n3A_1571 : vector<16xi1>, vector<16xi32>
      %get3A_1583 = arith.constant 2 : i32
      %get3A_1584 = arith.constant 7 : i32
      %get3A_1585 = arith.index_cast %get3A_1583 : i32 to index
      %get3A_1586 = arith.index_cast %get3A_1584 : i32 to index
      %get3A_1587 = arith.index_cast %add3A_1317 : i32 to index
      %get3A_1588 = tpu.vector_load %arg10[%get3A_1585, %get3A_1586, %get3A_1587] {strides = array<i32>} : memref<6x8x512xf32, #tpu.memory_space<vmem>>, vector<16xf32>,
      %gt3A_1589 = arith.cmpf ogt, %get3A_1588, %select_n3A_1579 : vector<16xf32>
      %select_n3A_1590 = arith.select %gt3A_1589, %get3A_1588, %select_n3A_1579 : vector<16xi1>, vector<16xf32>
      %broadcast_in_dim3A_1591 = arith.constant 7 : i32
      %broadcast_in_dim3A_1592 = vector.broadcast %broadcast_in_dim3A_1591 : i32 to vector<16xi32>
      %select_n3A_1593 = arith.select %gt3A_1589, %broadcast_in_dim3A_1592, %select_n3A_1582 : vector<16xi1>, vector<16xi32>
      %mul3A_1594 = arith.constant 64 : i32
      %mul3A_1595 = vector.broadcast %mul3A_1594 : i32 to vector<16xi32>
      %mul3A_1596 = arith.muli %select_n3A_1593, %mul3A_1595 : vector<16xi32>
      %add3A_1597 = arith.addi %add3A_1500, %mul3A_1596 : vector<16xi32>
      %mul3A_1598 = arith.constant 16 : i32
      %mul3A_1599 = arith.muli %scan3A_1313, %mul3A_1598 : i32
      %swap3A_1600 = arith.constant 2 : i32
      %swap3A_1601 = arith.constant 3 : i32
      %swap3A_1602 = arith.index_cast %swap3A_1600 : i32 to index
      %swap3A_1603 = arith.index_cast %swap3A_1601 : i32 to index
      %swap3A_1604 = arith.index_cast %mul3A_1599 : i32 to index
      %swap3A_1605 = tpu.vector_load %arg11[%swap3A_1602, %swap3A_1603, %swap3A_1604] {strides = array<i32>} : memref<6x4x128xi32, #tpu.memory_space<vmem>>, vector<16xi32>,
      tpu.vector_store %arg11[%swap3A_1602, %swap3A_1603, %swap3A_1604], %add3A_1597 {strides = array<i32>} : memref<6x4x128xi32, #tpu.memory_space<vmem>>, vector<16xi32>,
      %get3A_1606 = arith.constant 3 : i32
      %get3A_1607 = arith.constant 0 : i32
      %get3A_1608 = arith.index_cast %get3A_1606 : i32 to index
      %get3A_1609 = arith.index_cast %get3A_1607 : i32 to index
      %get3A_1610 = arith.index_cast %add3A_1317 : i32 to index
      %get3A_1611 = tpu.vector_load %arg10[%get3A_1608, %get3A_1609, %get3A_1610] {strides = array<i32>} : memref<6x8x512xf32, #tpu.memory_space<vmem>>, vector<16xf32>,
      %broadcast_in_dim3A_1612 = arith.constant 0 : i32
      %broadcast_in_dim3A_1613 = vector.broadcast %broadcast_in_dim3A_1612 : i32 to vector<16xi32>
      %get3A_1614 = arith.constant 3 : i32
      %get3A_1615 = arith.constant 1 : i32
      %get3A_1616 = arith.index_cast %get3A_1614 : i32 to index
      %get3A_1617 = arith.index_cast %get3A_1615 : i32 to index
      %get3A_1618 = arith.index_cast %add3A_1317 : i32 to index
      %get3A_1619 = tpu.vector_load %arg10[%get3A_1616, %get3A_1617, %get3A_1618] {strides = array<i32>} : memref<6x8x512xf32, #tpu.memory_space<vmem>>, vector<16xf32>,
      %gt3A_1620 = arith.cmpf ogt, %get3A_1619, %get3A_1611 : vector<16xf32>
      %select_n3A_1621 = arith.select %gt3A_1620, %get3A_1619, %get3A_1611 : vector<16xi1>, vector<16xf32>
      %broadcast_in_dim3A_1622 = arith.constant 1 : i32
      %broadcast_in_dim3A_1623 = vector.broadcast %broadcast_in_dim3A_1622 : i32 to vector<16xi32>
      %select_n3A_1624 = arith.select %gt3A_1620, %broadcast_in_dim3A_1623, %broadcast_in_dim3A_1613 : vector<16xi1>, vector<16xi32>
      %get3A_1625 = arith.constant 3 : i32
      %get3A_1626 = arith.constant 2 : i32
      %get3A_1627 = arith.index_cast %get3A_1625 : i32 to index
      %get3A_1628 = arith.index_cast %get3A_1626 : i32 to index
      %get3A_1629 = arith.index_cast %add3A_1317 : i32 to index
      %get3A_1630 = tpu.vector_load %arg10[%get3A_1627, %get3A_1628, %get3A_1629] {strides = array<i32>} : memref<6x8x512xf32, #tpu.memory_space<vmem>>, vector<16xf32>,
      %gt3A_1631 = arith.cmpf ogt, %get3A_1630, %select_n3A_1621 : vector<16xf32>
      %select_n3A_1632 = arith.select %gt3A_1631, %get3A_1630, %select_n3A_1621 : vector<16xi1>, vector<16xf32>
      %broadcast_in_dim3A_1633 = arith.constant 2 : i32
      %broadcast_in_dim3A_1634 = vector.broadcast %broadcast_in_dim3A_1633 : i32 to vector<16xi32>
      %select_n3A_1635 = arith.select %gt3A_1631, %broadcast_in_dim3A_1634, %select_n3A_1624 : vector<16xi1>, vector<16xi32>
      %get3A_1636 = arith.constant 3 : i32
      %get3A_1637 = arith.constant 3 : i32
      %get3A_1638 = arith.index_cast %get3A_1636 : i32 to index
      %get3A_1639 = arith.index_cast %get3A_1637 : i32 to index
      %get3A_1640 = arith.index_cast %add3A_1317 : i32 to index
      %get3A_1641 = tpu.vector_load %arg10[%get3A_1638, %get3A_1639, %get3A_1640] {strides = array<i32>} : memref<6x8x512xf32, #tpu.memory_space<vmem>>, vector<16xf32>,
      %gt3A_1642 = arith.cmpf ogt, %get3A_1641, %select_n3A_1632 : vector<16xf32>
      %select_n3A_1643 = arith.select %gt3A_1642, %get3A_1641, %select_n3A_1632 : vector<16xi1>, vector<16xf32>
      %broadcast_in_dim3A_1644 = arith.constant 3 : i32
      %broadcast_in_dim3A_1645 = vector.broadcast %broadcast_in_dim3A_1644 : i32 to vector<16xi32>
      %select_n3A_1646 = arith.select %gt3A_1642, %broadcast_in_dim3A_1645, %select_n3A_1635 : vector<16xi1>, vector<16xi32>
      %get3A_1647 = arith.constant 3 : i32
      %get3A_1648 = arith.constant 4 : i32
      %get3A_1649 = arith.index_cast %get3A_1647 : i32 to index
      %get3A_1650 = arith.index_cast %get3A_1648 : i32 to index
      %get3A_1651 = arith.index_cast %add3A_1317 : i32 to index
      %get3A_1652 = tpu.vector_load %arg10[%get3A_1649, %get3A_1650, %get3A_1651] {strides = array<i32>} : memref<6x8x512xf32, #tpu.memory_space<vmem>>, vector<16xf32>,
      %gt3A_1653 = arith.cmpf ogt, %get3A_1652, %select_n3A_1643 : vector<16xf32>
      %select_n3A_1654 = arith.select %gt3A_1653, %get3A_1652, %select_n3A_1643 : vector<16xi1>, vector<16xf32>
      %broadcast_in_dim3A_1655 = arith.constant 4 : i32
      %broadcast_in_dim3A_1656 = vector.broadcast %broadcast_in_dim3A_1655 : i32 to vector<16xi32>
      %select_n3A_1657 = arith.select %gt3A_1653, %broadcast_in_dim3A_1656, %select_n3A_1646 : vector<16xi1>, vector<16xi32>
      %get3A_1658 = arith.constant 3 : i32
      %get3A_1659 = arith.constant 5 : i32
      %get3A_1660 = arith.index_cast %get3A_1658 : i32 to index
      %get3A_1661 = arith.index_cast %get3A_1659 : i32 to index
      %get3A_1662 = arith.index_cast %add3A_1317 : i32 to index
      %get3A_1663 = tpu.vector_load %arg10[%get3A_1660, %get3A_1661, %get3A_1662] {strides = array<i32>} : memref<6x8x512xf32, #tpu.memory_space<vmem>>, vector<16xf32>,
      %gt3A_1664 = arith.cmpf ogt, %get3A_1663, %select_n3A_1654 : vector<16xf32>
      %select_n3A_1665 = arith.select %gt3A_1664, %get3A_1663, %select_n3A_1654 : vector<16xi1>, vector<16xf32>
      %broadcast_in_dim3A_1666 = arith.constant 5 : i32
      %broadcast_in_dim3A_1667 = vector.broadcast %broadcast_in_dim3A_1666 : i32 to vector<16xi32>
      %select_n3A_1668 = arith.select %gt3A_1664, %broadcast_in_dim3A_1667, %select_n3A_1657 : vector<16xi1>, vector<16xi32>
      %get3A_1669 = arith.constant 3 : i32
      %get3A_1670 = arith.constant 6 : i32
      %get3A_1671 = arith.index_cast %get3A_1669 : i32 to index
      %get3A_1672 = arith.index_cast %get3A_1670 : i32 to index
      %get3A_1673 = arith.index_cast %add3A_1317 : i32 to index
      %get3A_1674 = tpu.vector_load %arg10[%get3A_1671, %get3A_1672, %get3A_1673] {strides = array<i32>} : memref<6x8x512xf32, #tpu.memory_space<vmem>>, vector<16xf32>,
      %gt3A_1675 = arith.cmpf ogt, %get3A_1674, %select_n3A_1665 : vector<16xf32>
      %select_n3A_1676 = arith.select %gt3A_1675, %get3A_1674, %select_n3A_1665 : vector<16xi1>, vector<16xf32>
      %broadcast_in_dim3A_1677 = arith.constant 6 : i32
      %broadcast_in_dim3A_1678 = vector.broadcast %broadcast_in_dim3A_1677 : i32 to vector<16xi32>
      %select_n3A_1679 = arith.select %gt3A_1675, %broadcast_in_dim3A_1678, %select_n3A_1668 : vector<16xi1>, vector<16xi32>
      %get3A_1680 = arith.constant 3 : i32
      %get3A_1681 = arith.constant 7 : i32
      %get3A_1682 = arith.index_cast %get3A_1680 : i32 to index
      %get3A_1683 = arith.index_cast %get3A_1681 : i32 to index
      %get3A_1684 = arith.index_cast %add3A_1317 : i32 to index
      %get3A_1685 = tpu.vector_load %arg10[%get3A_1682, %get3A_1683, %get3A_1684] {strides = array<i32>} : memref<6x8x512xf32, #tpu.memory_space<vmem>>, vector<16xf32>,
      %gt3A_1686 = arith.cmpf ogt, %get3A_1685, %select_n3A_1676 : vector<16xf32>
      %select_n3A_1687 = arith.select %gt3A_1686, %get3A_1685, %select_n3A_1676 : vector<16xi1>, vector<16xf32>
      %broadcast_in_dim3A_1688 = arith.constant 7 : i32
      %broadcast_in_dim3A_1689 = vector.broadcast %broadcast_in_dim3A_1688 : i32 to vector<16xi32>
      %select_n3A_1690 = arith.select %gt3A_1686, %broadcast_in_dim3A_1689, %select_n3A_1679 : vector<16xi1>, vector<16xi32>
      %mul3A_1691 = arith.constant 512 : i32
      %mul3A_1692 = vector.broadcast %mul3A_1691 : i32 to vector<16xi32>
      %mul3A_1693 = arith.muli %select_n3A_1690, %mul3A_1692 : vector<16xi32>
      %add3A_1694 = arith.addi %add3A_1597, %mul3A_1693 : vector<16xi32>
      %mul3A_1695 = arith.constant 16 : i32
      %mul3A_1696 = arith.muli %scan3A_1313, %mul3A_1695 : i32
      %swap3A_1697 = arith.constant 3 : i32
      %swap3A_1698 = arith.constant 3 : i32
      %swap3A_1699 = arith.index_cast %swap3A_1697 : i32 to index
      %swap3A_1700 = arith.index_cast %swap3A_1698 : i32 to index
      %swap3A_1701 = arith.index_cast %mul3A_1696 : i32 to index
      %swap3A_1702 = tpu.vector_load %arg11[%swap3A_1699, %swap3A_1700, %swap3A_1701] {strides = array<i32>} : memref<6x4x128xi32, #tpu.memory_space<vmem>>, vector<16xi32>,
      tpu.vector_store %arg11[%swap3A_1699, %swap3A_1700, %swap3A_1701], %add3A_1694 {strides = array<i32>} : memref<6x4x128xi32, #tpu.memory_space<vmem>>, vector<16xi32>,
      %get3A_1703 = arith.constant 4 : i32
      %get3A_1704 = arith.constant 0 : i32
      %get3A_1705 = arith.index_cast %get3A_1703 : i32 to index
      %get3A_1706 = arith.index_cast %get3A_1704 : i32 to index
      %get3A_1707 = arith.index_cast %add3A_1317 : i32 to index
      %get3A_1708 = tpu.vector_load %arg10[%get3A_1705, %get3A_1706, %get3A_1707] {strides = array<i32>} : memref<6x8x512xf32, #tpu.memory_space<vmem>>, vector<16xf32>,
      %broadcast_in_dim3A_1709 = arith.constant 0 : i32
      %broadcast_in_dim3A_1710 = vector.broadcast %broadcast_in_dim3A_1709 : i32 to vector<16xi32>
      %get3A_1711 = arith.constant 4 : i32
      %get3A_1712 = arith.constant 1 : i32
      %get3A_1713 = arith.index_cast %get3A_1711 : i32 to index
      %get3A_1714 = arith.index_cast %get3A_1712 : i32 to index
      %get3A_1715 = arith.index_cast %add3A_1317 : i32 to index
      %get3A_1716 = tpu.vector_load %arg10[%get3A_1713, %get3A_1714, %get3A_1715] {strides = array<i32>} : memref<6x8x512xf32, #tpu.memory_space<vmem>>, vector<16xf32>,
      %gt3A_1717 = arith.cmpf ogt, %get3A_1716, %get3A_1708 : vector<16xf32>
      %select_n3A_1718 = arith.select %gt3A_1717, %get3A_1716, %get3A_1708 : vector<16xi1>, vector<16xf32>
      %broadcast_in_dim3A_1719 = arith.constant 1 : i32
      %broadcast_in_dim3A_1720 = vector.broadcast %broadcast_in_dim3A_1719 : i32 to vector<16xi32>
      %select_n3A_1721 = arith.select %gt3A_1717, %broadcast_in_dim3A_1720, %broadcast_in_dim3A_1710 : vector<16xi1>, vector<16xi32>
      %get3A_1722 = arith.constant 4 : i32
      %get3A_1723 = arith.constant 2 : i32
      %get3A_1724 = arith.index_cast %get3A_1722 : i32 to index
      %get3A_1725 = arith.index_cast %get3A_1723 : i32 to index
      %get3A_1726 = arith.index_cast %add3A_1317 : i32 to index
      %get3A_1727 = tpu.vector_load %arg10[%get3A_1724, %get3A_1725, %get3A_1726] {strides = array<i32>} : memref<6x8x512xf32, #tpu.memory_space<vmem>>, vector<16xf32>,
      %gt3A_1728 = arith.cmpf ogt, %get3A_1727, %select_n3A_1718 : vector<16xf32>
      %select_n3A_1729 = arith.select %gt3A_1728, %get3A_1727, %select_n3A_1718 : vector<16xi1>, vector<16xf32>
      %broadcast_in_dim3A_1730 = arith.constant 2 : i32
      %broadcast_in_dim3A_1731 = vector.broadcast %broadcast_in_dim3A_1730 : i32 to vector<16xi32>
      %select_n3A_1732 = arith.select %gt3A_1728, %broadcast_in_dim3A_1731, %select_n3A_1721 : vector<16xi1>, vector<16xi32>
      %get3A_1733 = arith.constant 4 : i32
      %get3A_1734 = arith.constant 3 : i32
      %get3A_1735 = arith.index_cast %get3A_1733 : i32 to index
      %get3A_1736 = arith.index_cast %get3A_1734 : i32 to index
      %get3A_1737 = arith.index_cast %add3A_1317 : i32 to index
      %get3A_1738 = tpu.vector_load %arg10[%get3A_1735, %get3A_1736, %get3A_1737] {strides = array<i32>} : memref<6x8x512xf32, #tpu.memory_space<vmem>>, vector<16xf32>,
      %gt3A_1739 = arith.cmpf ogt, %get3A_1738, %select_n3A_1729 : vector<16xf32>
      %select_n3A_1740 = arith.select %gt3A_1739, %get3A_1738, %select_n3A_1729 : vector<16xi1>, vector<16xf32>
      %broadcast_in_dim3A_1741 = arith.constant 3 : i32
      %broadcast_in_dim3A_1742 = vector.broadcast %broadcast_in_dim3A_1741 : i32 to vector<16xi32>
      %select_n3A_1743 = arith.select %gt3A_1739, %broadcast_in_dim3A_1742, %select_n3A_1732 : vector<16xi1>, vector<16xi32>
      %get3A_1744 = arith.constant 4 : i32
      %get3A_1745 = arith.constant 4 : i32
      %get3A_1746 = arith.index_cast %get3A_1744 : i32 to index
      %get3A_1747 = arith.index_cast %get3A_1745 : i32 to index
      %get3A_1748 = arith.index_cast %add3A_1317 : i32 to index
      %get3A_1749 = tpu.vector_load %arg10[%get3A_1746, %get3A_1747, %get3A_1748] {strides = array<i32>} : memref<6x8x512xf32, #tpu.memory_space<vmem>>, vector<16xf32>,
      %gt3A_1750 = arith.cmpf ogt, %get3A_1749, %select_n3A_1740 : vector<16xf32>
      %select_n3A_1751 = arith.select %gt3A_1750, %get3A_1749, %select_n3A_1740 : vector<16xi1>, vector<16xf32>
      %broadcast_in_dim3A_1752 = arith.constant 4 : i32
      %broadcast_in_dim3A_1753 = vector.broadcast %broadcast_in_dim3A_1752 : i32 to vector<16xi32>
      %select_n3A_1754 = arith.select %gt3A_1750, %broadcast_in_dim3A_1753, %select_n3A_1743 : vector<16xi1>, vector<16xi32>
      %get3A_1755 = arith.constant 4 : i32
      %get3A_1756 = arith.constant 5 : i32
      %get3A_1757 = arith.index_cast %get3A_1755 : i32 to index
      %get3A_1758 = arith.index_cast %get3A_1756 : i32 to index
      %get3A_1759 = arith.index_cast %add3A_1317 : i32 to index
      %get3A_1760 = tpu.vector_load %arg10[%get3A_1757, %get3A_1758, %get3A_1759] {strides = array<i32>} : memref<6x8x512xf32, #tpu.memory_space<vmem>>, vector<16xf32>,
      %gt3A_1761 = arith.cmpf ogt, %get3A_1760, %select_n3A_1751 : vector<16xf32>
      %select_n3A_1762 = arith.select %gt3A_1761, %get3A_1760, %select_n3A_1751 : vector<16xi1>, vector<16xf32>
      %broadcast_in_dim3A_1763 = arith.constant 5 : i32
      %broadcast_in_dim3A_1764 = vector.broadcast %broadcast_in_dim3A_1763 : i32 to vector<16xi32>
      %select_n3A_1765 = arith.select %gt3A_1761, %broadcast_in_dim3A_1764, %select_n3A_1754 : vector<16xi1>, vector<16xi32>
      %get3A_1766 = arith.constant 4 : i32
      %get3A_1767 = arith.constant 6 : i32
      %get3A_1768 = arith.index_cast %get3A_1766 : i32 to index
      %get3A_1769 = arith.index_cast %get3A_1767 : i32 to index
      %get3A_1770 = arith.index_cast %add3A_1317 : i32 to index
      %get3A_1771 = tpu.vector_load %arg10[%get3A_1768, %get3A_1769, %get3A_1770] {strides = array<i32>} : memref<6x8x512xf32, #tpu.memory_space<vmem>>, vector<16xf32>,
      %gt3A_1772 = arith.cmpf ogt, %get3A_1771, %select_n3A_1762 : vector<16xf32>
      %select_n3A_1773 = arith.select %gt3A_1772, %get3A_1771, %select_n3A_1762 : vector<16xi1>, vector<16xf32>
      %broadcast_in_dim3A_1774 = arith.constant 6 : i32
      %broadcast_in_dim3A_1775 = vector.broadcast %broadcast_in_dim3A_1774 : i32 to vector<16xi32>
      %select_n3A_1776 = arith.select %gt3A_1772, %broadcast_in_dim3A_1775, %select_n3A_1765 : vector<16xi1>, vector<16xi32>
      %get3A_1777 = arith.constant 4 : i32
      %get3A_1778 = arith.constant 7 : i32
      %get3A_1779 = arith.index_cast %get3A_1777 : i32 to index
      %get3A_1780 = arith.index_cast %get3A_1778 : i32 to index
      %get3A_1781 = arith.index_cast %add3A_1317 : i32 to index
      %get3A_1782 = tpu.vector_load %arg10[%get3A_1779, %get3A_1780, %get3A_1781] {strides = array<i32>} : memref<6x8x512xf32, #tpu.memory_space<vmem>>, vector<16xf32>,
      %gt3A_1783 = arith.cmpf ogt, %get3A_1782, %select_n3A_1773 : vector<16xf32>
      %select_n3A_1784 = arith.select %gt3A_1783, %get3A_1782, %select_n3A_1773 : vector<16xi1>, vector<16xf32>
      %broadcast_in_dim3A_1785 = arith.constant 7 : i32
      %broadcast_in_dim3A_1786 = vector.broadcast %broadcast_in_dim3A_1785 : i32 to vector<16xi32>
      %select_n3A_1787 = arith.select %gt3A_1783, %broadcast_in_dim3A_1786, %select_n3A_1776 : vector<16xi1>, vector<16xi32>
      %mul3A_1788 = arith.constant 4096 : i32
      %mul3A_1789 = vector.broadcast %mul3A_1788 : i32 to vector<16xi32>
      %mul3A_1790 = arith.muli %select_n3A_1787, %mul3A_1789 : vector<16xi32>
      %add3A_1791 = arith.addi %add3A_1694, %mul3A_1790 : vector<16xi32>
      %mul3A_1792 = arith.constant 16 : i32
      %mul3A_1793 = arith.muli %scan3A_1313, %mul3A_1792 : i32
      %swap3A_1794 = arith.constant 4 : i32
      %swap3A_1795 = arith.constant 3 : i32
      %swap3A_1796 = arith.index_cast %swap3A_1794 : i32 to index
      %swap3A_1797 = arith.index_cast %swap3A_1795 : i32 to index
      %swap3A_1798 = arith.index_cast %mul3A_1793 : i32 to index
      %swap3A_1799 = tpu.vector_load %arg11[%swap3A_1796, %swap3A_1797, %swap3A_1798] {strides = array<i32>} : memref<6x4x128xi32, #tpu.memory_space<vmem>>, vector<16xi32>,
      tpu.vector_store %arg11[%swap3A_1796, %swap3A_1797, %swap3A_1798], %add3A_1791 {strides = array<i32>} : memref<6x4x128xi32, #tpu.memory_space<vmem>>, vector<16xi32>,
      %get3A_1800 = arith.constant 5 : i32
      %get3A_1801 = arith.constant 0 : i32
      %get3A_1802 = arith.index_cast %get3A_1800 : i32 to index
      %get3A_1803 = arith.index_cast %get3A_1801 : i32 to index
      %get3A_1804 = arith.index_cast %add3A_1317 : i32 to index
      %get3A_1805 = tpu.vector_load %arg10[%get3A_1802, %get3A_1803, %get3A_1804] {strides = array<i32>} : memref<6x8x512xf32, #tpu.memory_space<vmem>>, vector<16xf32>,
      %broadcast_in_dim3A_1806 = arith.constant 0 : i32
      %broadcast_in_dim3A_1807 = vector.broadcast %broadcast_in_dim3A_1806 : i32 to vector<16xi32>
      %get3A_1808 = arith.constant 5 : i32
      %get3A_1809 = arith.constant 1 : i32
      %get3A_1810 = arith.index_cast %get3A_1808 : i32 to index
      %get3A_1811 = arith.index_cast %get3A_1809 : i32 to index
      %get3A_1812 = arith.index_cast %add3A_1317 : i32 to index
      %get3A_1813 = tpu.vector_load %arg10[%get3A_1810, %get3A_1811, %get3A_1812] {strides = array<i32>} : memref<6x8x512xf32, #tpu.memory_space<vmem>>, vector<16xf32>,
      %gt3A_1814 = arith.cmpf ogt, %get3A_1813, %get3A_1805 : vector<16xf32>
      %select_n3A_1815 = arith.select %gt3A_1814, %get3A_1813, %get3A_1805 : vector<16xi1>, vector<16xf32>
      %broadcast_in_dim3A_1816 = arith.constant 1 : i32
      %broadcast_in_dim3A_1817 = vector.broadcast %broadcast_in_dim3A_1816 : i32 to vector<16xi32>
      %select_n3A_1818 = arith.select %gt3A_1814, %broadcast_in_dim3A_1817, %broadcast_in_dim3A_1807 : vector<16xi1>, vector<16xi32>
      %get3A_1819 = arith.constant 5 : i32
      %get3A_1820 = arith.constant 2 : i32
      %get3A_1821 = arith.index_cast %get3A_1819 : i32 to index
      %get3A_1822 = arith.index_cast %get3A_1820 : i32 to index
      %get3A_1823 = arith.index_cast %add3A_1317 : i32 to index
      %get3A_1824 = tpu.vector_load %arg10[%get3A_1821, %get3A_1822, %get3A_1823] {strides = array<i32>} : memref<6x8x512xf32, #tpu.memory_space<vmem>>, vector<16xf32>,
      %gt3A_1825 = arith.cmpf ogt, %get3A_1824, %select_n3A_1815 : vector<16xf32>
      %select_n3A_1826 = arith.select %gt3A_1825, %get3A_1824, %select_n3A_1815 : vector<16xi1>, vector<16xf32>
      %broadcast_in_dim3A_1827 = arith.constant 2 : i32
      %broadcast_in_dim3A_1828 = vector.broadcast %broadcast_in_dim3A_1827 : i32 to vector<16xi32>
      %select_n3A_1829 = arith.select %gt3A_1825, %broadcast_in_dim3A_1828, %select_n3A_1818 : vector<16xi1>, vector<16xi32>
      %get3A_1830 = arith.constant 5 : i32
      %get3A_1831 = arith.constant 3 : i32
      %get3A_1832 = arith.index_cast %get3A_1830 : i32 to index
      %get3A_1833 = arith.index_cast %get3A_1831 : i32 to index
      %get3A_1834 = arith.index_cast %add3A_1317 : i32 to index
      %get3A_1835 = tpu.vector_load %arg10[%get3A_1832, %get3A_1833, %get3A_1834] {strides = array<i32>} : memref<6x8x512xf32, #tpu.memory_space<vmem>>, vector<16xf32>,
      %gt3A_1836 = arith.cmpf ogt, %get3A_1835, %select_n3A_1826 : vector<16xf32>
      %select_n3A_1837 = arith.select %gt3A_1836, %get3A_1835, %select_n3A_1826 : vector<16xi1>, vector<16xf32>
      %broadcast_in_dim3A_1838 = arith.constant 3 : i32
      %broadcast_in_dim3A_1839 = vector.broadcast %broadcast_in_dim3A_1838 : i32 to vector<16xi32>
      %select_n3A_1840 = arith.select %gt3A_1836, %broadcast_in_dim3A_1839, %select_n3A_1829 : vector<16xi1>, vector<16xi32>
      %get3A_1841 = arith.constant 5 : i32
      %get3A_1842 = arith.constant 4 : i32
      %get3A_1843 = arith.index_cast %get3A_1841 : i32 to index
      %get3A_1844 = arith.index_cast %get3A_1842 : i32 to index
      %get3A_1845 = arith.index_cast %add3A_1317 : i32 to index
      %get3A_1846 = tpu.vector_load %arg10[%get3A_1843, %get3A_1844, %get3A_1845] {strides = array<i32>} : memref<6x8x512xf32, #tpu.memory_space<vmem>>, vector<16xf32>,
      %gt3A_1847 = arith.cmpf ogt, %get3A_1846, %select_n3A_1837 : vector<16xf32>
      %select_n3A_1848 = arith.select %gt3A_1847, %get3A_1846, %select_n3A_1837 : vector<16xi1>, vector<16xf32>
      %broadcast_in_dim3A_1849 = arith.constant 4 : i32
      %broadcast_in_dim3A_1850 = vector.broadcast %broadcast_in_dim3A_1849 : i32 to vector<16xi32>
      %select_n3A_1851 = arith.select %gt3A_1847, %broadcast_in_dim3A_1850, %select_n3A_1840 : vector<16xi1>, vector<16xi32>
      %get3A_1852 = arith.constant 5 : i32
      %get3A_1853 = arith.constant 5 : i32
      %get3A_1854 = arith.index_cast %get3A_1852 : i32 to index
      %get3A_1855 = arith.index_cast %get3A_1853 : i32 to index
      %get3A_1856 = arith.index_cast %add3A_1317 : i32 to index
      %get3A_1857 = tpu.vector_load %arg10[%get3A_1854, %get3A_1855, %get3A_1856] {strides = array<i32>} : memref<6x8x512xf32, #tpu.memory_space<vmem>>, vector<16xf32>,
      %gt3A_1858 = arith.cmpf ogt, %get3A_1857, %select_n3A_1848 : vector<16xf32>
      %select_n3A_1859 = arith.select %gt3A_1858, %get3A_1857, %select_n3A_1848 : vector<16xi1>, vector<16xf32>
      %broadcast_in_dim3A_1860 = arith.constant 5 : i32
      %broadcast_in_dim3A_1861 = vector.broadcast %broadcast_in_dim3A_1860 : i32 to vector<16xi32>
      %select_n3A_1862 = arith.select %gt3A_1858, %broadcast_in_dim3A_1861, %select_n3A_1851 : vector<16xi1>, vector<16xi32>
      %get3A_1863 = arith.constant 5 : i32
      %get3A_1864 = arith.constant 6 : i32
      %get3A_1865 = arith.index_cast %get3A_1863 : i32 to index
      %get3A_1866 = arith.index_cast %get3A_1864 : i32 to index
      %get3A_1867 = arith.index_cast %add3A_1317 : i32 to index
      %get3A_1868 = tpu.vector_load %arg10[%get3A_1865, %get3A_1866, %get3A_1867] {strides = array<i32>} : memref<6x8x512xf32, #tpu.memory_space<vmem>>, vector<16xf32>,
      %gt3A_1869 = arith.cmpf ogt, %get3A_1868, %select_n3A_1859 : vector<16xf32>
      %select_n3A_1870 = arith.select %gt3A_1869, %get3A_1868, %select_n3A_1859 : vector<16xi1>, vector<16xf32>
      %broadcast_in_dim3A_1871 = arith.constant 6 : i32
      %broadcast_in_dim3A_1872 = vector.broadcast %broadcast_in_dim3A_1871 : i32 to vector<16xi32>
      %select_n3A_1873 = arith.select %gt3A_1869, %broadcast_in_dim3A_1872, %select_n3A_1862 : vector<16xi1>, vector<16xi32>
      %get3A_1874 = arith.constant 5 : i32
      %get3A_1875 = arith.constant 7 : i32
      %get3A_1876 = arith.index_cast %get3A_1874 : i32 to index
      %get3A_1877 = arith.index_cast %get3A_1875 : i32 to index
      %get3A_1878 = arith.index_cast %add3A_1317 : i32 to index
      %get3A_1879 = tpu.vector_load %arg10[%get3A_1876, %get3A_1877, %get3A_1878] {strides = array<i32>} : memref<6x8x512xf32, #tpu.memory_space<vmem>>, vector<16xf32>,
      %gt3A_1880 = arith.cmpf ogt, %get3A_1879, %select_n3A_1870 : vector<16xf32>
      %select_n3A_1881 = arith.select %gt3A_1880, %get3A_1879, %select_n3A_1870 : vector<16xi1>, vector<16xf32>
      %broadcast_in_dim3A_1882 = arith.constant 7 : i32
      %broadcast_in_dim3A_1883 = vector.broadcast %broadcast_in_dim3A_1882 : i32 to vector<16xi32>
      %select_n3A_1884 = arith.select %gt3A_1880, %broadcast_in_dim3A_1883, %select_n3A_1873 : vector<16xi1>, vector<16xi32>
      %mul3A_1885 = arith.constant 32768 : i32
      %mul3A_1886 = vector.broadcast %mul3A_1885 : i32 to vector<16xi32>
      %mul3A_1887 = arith.muli %select_n3A_1884, %mul3A_1886 : vector<16xi32>
      %add3A_1888 = arith.addi %add3A_1791, %mul3A_1887 : vector<16xi32>
      %mul3A_1889 = arith.constant 16 : i32
      %mul3A_1890 = arith.muli %scan3A_1313, %mul3A_1889 : i32
      %swap3A_1891 = arith.constant 5 : i32
      %swap3A_1892 = arith.constant 3 : i32
      %swap3A_1893 = arith.index_cast %swap3A_1891 : i32 to index
      %swap3A_1894 = arith.index_cast %swap3A_1892 : i32 to index
      %swap3A_1895 = arith.index_cast %mul3A_1890 : i32 to index
      %swap3A_1896 = tpu.vector_load %arg11[%swap3A_1893, %swap3A_1894, %swap3A_1895] {strides = array<i32>} : memref<6x4x128xi32, #tpu.memory_space<vmem>>, vector<16xi32>,
      tpu.vector_store %arg11[%swap3A_1893, %swap3A_1894, %swap3A_1895], %add3A_1888 {strides = array<i32>} : memref<6x4x128xi32, #tpu.memory_space<vmem>>, vector<16xi32>,
    }
    %scan3A_990 = arith.constant 8 : i32
    %dma_start3A_991 = arith.constant 0 : i32
    %dma_start3A_992 = arith.constant 3 : i32
    %dma_start3A_993 = arith.constant 0 : i32
    %dma_start3A_994 = arith.constant 0 : i32
    %dma_start3A_995 = arith.constant 0 : i32
    %dma_start3A_996 = tpu.memref_slice %arg12[%dma_start3A_993, %dma_start3A_994, %dma_start3A_995] : memref<6x128x64xf32, #tpu.memory_space<vmem>> -> memref<1x128x64xf32, #tpu.memory_space<vmem>>
    %dma_start3A_997 = tpu.memref_squeeze %dma_start3A_996 : memref<1x128x64xf32, #tpu.memory_space<vmem>> -> memref<128x64xf32, #tpu.memory_space<vmem>>
    %dma_start3A_998 = arith.constant 0 : i32
    %dma_start3A_999 = tpu.memref_slice %arg11[%dma_start3A_991, %dma_start3A_992, %dma_start3A_998] : memref<6x4x128xi32, #tpu.memory_space<vmem>> -> memref<1x1x128xi32, #tpu.memory_space<vmem>>
    %dma_start3A_1000 = tpu.memref_squeeze %dma_start3A_999 : memref<1x1x128xi32, #tpu.memory_space<vmem>> -> memref<128xi32, #tpu.memory_space<vmem>>
    %dma_start3A_1001 = arith.constant 0 : i32
    %dma_start3A_1002 = arith.constant 0 : i32
    %dma_start3A_1003 = tpu.memref_slice %arg3[%dma_start3A_1001, %dma_start3A_1002] : memref<8x64xf32, #tpu.memory_space<hbm>> -> memref<8x64xf32, #tpu.memory_space<hbm>>
    tpu.enqueue_indirect_dma source(%dma_start3A_1003 : memref<8x64xf32, #tpu.memory_space<hbm>>) target(%dma_start3A_997 : memref<128x64xf32, #tpu.memory_space<vmem>>) offsets(%dma_start3A_1000 : memref<128xi32, #tpu.memory_space<vmem>>) semaphore(%arg14 : memref<!tpu.dma_semaphore, #tpu.memory_space<semaphore_mem>>)
    %dma_start3A_1004 = arith.constant 1 : i32
    %dma_start3A_1005 = arith.constant 3 : i32
    %dma_start3A_1006 = arith.constant 1 : i32
    %dma_start3A_1007 = arith.constant 0 : i32
    %dma_start3A_1008 = arith.constant 0 : i32
    %dma_start3A_1009 = tpu.memref_slice %arg12[%dma_start3A_1006, %dma_start3A_1007, %dma_start3A_1008] : memref<6x128x64xf32, #tpu.memory_space<vmem>> -> memref<1x128x64xf32, #tpu.memory_space<vmem>>
    %dma_start3A_1010 = tpu.memref_squeeze %dma_start3A_1009 : memref<1x128x64xf32, #tpu.memory_space<vmem>> -> memref<128x64xf32, #tpu.memory_space<vmem>>
    %dma_start3A_1011 = arith.constant 0 : i32
    %dma_start3A_1012 = tpu.memref_slice %arg11[%dma_start3A_1004, %dma_start3A_1005, %dma_start3A_1011] : memref<6x4x128xi32, #tpu.memory_space<vmem>> -> memref<1x1x128xi32, #tpu.memory_space<vmem>>
    %dma_start3A_1013 = tpu.memref_squeeze %dma_start3A_1012 : memref<1x1x128xi32, #tpu.memory_space<vmem>> -> memref<128xi32, #tpu.memory_space<vmem>>
    %dma_start3A_1014 = arith.constant 0 : i32
    %dma_start3A_1015 = arith.constant 0 : i32
    %dma_start3A_1016 = tpu.memref_slice %arg4[%dma_start3A_1014, %dma_start3A_1015] : memref<64x64xf32, #tpu.memory_space<hbm>> -> memref<64x64xf32, #tpu.memory_space<hbm>>
    tpu.enqueue_indirect_dma source(%dma_start3A_1016 : memref<64x64xf32, #tpu.memory_space<hbm>>) target(%dma_start3A_1010 : memref<128x64xf32, #tpu.memory_space<vmem>>) offsets(%dma_start3A_1013 : memref<128xi32, #tpu.memory_space<vmem>>) semaphore(%arg14 : memref<!tpu.dma_semaphore, #tpu.memory_space<semaphore_mem>>)
    %dma_start3A_1017 = arith.constant 2 : i32
    %dma_start3A_1018 = arith.constant 3 : i32
    %dma_start3A_1019 = arith.constant 2 : i32
    %dma_start3A_1020 = arith.constant 0 : i32
    %dma_start3A_1021 = arith.constant 0 : i32
    %dma_start3A_1022 = tpu.memref_slice %arg12[%dma_start3A_1019, %dma_start3A_1020, %dma_start3A_1021] : memref<6x128x64xf32, #tpu.memory_space<vmem>> -> memref<1x128x64xf32, #tpu.memory_space<vmem>>
    %dma_start3A_1023 = tpu.memref_squeeze %dma_start3A_1022 : memref<1x128x64xf32, #tpu.memory_space<vmem>> -> memref<128x64xf32, #tpu.memory_space<vmem>>
    %dma_start3A_1024 = arith.constant 0 : i32
    %dma_start3A_1025 = tpu.memref_slice %arg11[%dma_start3A_1017, %dma_start3A_1018, %dma_start3A_1024] : memref<6x4x128xi32, #tpu.memory_space<vmem>> -> memref<1x1x128xi32, #tpu.memory_space<vmem>>
    %dma_start3A_1026 = tpu.memref_squeeze %dma_start3A_1025 : memref<1x1x128xi32, #tpu.memory_space<vmem>> -> memref<128xi32, #tpu.memory_space<vmem>>
    %dma_start3A_1027 = arith.constant 0 : i32
    %dma_start3A_1028 = arith.constant 0 : i32
    %dma_start3A_1029 = tpu.memref_slice %arg5[%dma_start3A_1027, %dma_start3A_1028] : memref<512x64xf32, #tpu.memory_space<hbm>> -> memref<512x64xf32, #tpu.memory_space<hbm>>
    tpu.enqueue_indirect_dma source(%dma_start3A_1029 : memref<512x64xf32, #tpu.memory_space<hbm>>) target(%dma_start3A_1023 : memref<128x64xf32, #tpu.memory_space<vmem>>) offsets(%dma_start3A_1026 : memref<128xi32, #tpu.memory_space<vmem>>) semaphore(%arg14 : memref<!tpu.dma_semaphore, #tpu.memory_space<semaphore_mem>>)
    %dma_start3A_1030 = arith.constant 3 : i32
    %dma_start3A_1031 = arith.constant 3 : i32
    %dma_start3A_1032 = arith.constant 3 : i32
    %dma_start3A_1033 = arith.constant 0 : i32
    %dma_start3A_1034 = arith.constant 0 : i32
    %dma_start3A_1035 = tpu.memref_slice %arg12[%dma_start3A_1032, %dma_start3A_1033, %dma_start3A_1034] : memref<6x128x64xf32, #tpu.memory_space<vmem>> -> memref<1x128x64xf32, #tpu.memory_space<vmem>>
    %dma_start3A_1036 = tpu.memref_squeeze %dma_start3A_1035 : memref<1x128x64xf32, #tpu.memory_space<vmem>> -> memref<128x64xf32, #tpu.memory_space<vmem>>
    %dma_start3A_1037 = arith.constant 0 : i32
    %dma_start3A_1038 = tpu.memref_slice %arg11[%dma_start3A_1030, %dma_start3A_1031, %dma_start3A_1037] : memref<6x4x128xi32, #tpu.memory_space<vmem>> -> memref<1x1x128xi32, #tpu.memory_space<vmem>>
    %dma_start3A_1039 = tpu.memref_squeeze %dma_start3A_1038 : memref<1x1x128xi32, #tpu.memory_space<vmem>> -> memref<128xi32, #tpu.memory_space<vmem>>
    %dma_start3A_1040 = arith.constant 0 : i32
    %dma_start3A_1041 = arith.constant 0 : i32
    %dma_start3A_1042 = tpu.memref_slice %arg6[%dma_start3A_1040, %dma_start3A_1041] : memref<4096x64xf32, #tpu.memory_space<hbm>> -> memref<4096x64xf32, #tpu.memory_space<hbm>>
    tpu.enqueue_indirect_dma source(%dma_start3A_1042 : memref<4096x64xf32, #tpu.memory_space<hbm>>) target(%dma_start3A_1036 : memref<128x64xf32, #tpu.memory_space<vmem>>) offsets(%dma_start3A_1039 : memref<128xi32, #tpu.memory_space<vmem>>) semaphore(%arg14 : memref<!tpu.dma_semaphore, #tpu.memory_space<semaphore_mem>>)
    %dma_start3A_1043 = arith.constant 4 : i32
    %dma_start3A_1044 = arith.constant 3 : i32
    %dma_start3A_1045 = arith.constant 4 : i32
    %dma_start3A_1046 = arith.constant 0 : i32
    %dma_start3A_1047 = arith.constant 0 : i32
    %dma_start3A_1048 = tpu.memref_slice %arg12[%dma_start3A_1045, %dma_start3A_1046, %dma_start3A_1047] : memref<6x128x64xf32, #tpu.memory_space<vmem>> -> memref<1x128x64xf32, #tpu.memory_space<vmem>>
    %dma_start3A_1049 = tpu.memref_squeeze %dma_start3A_1048 : memref<1x128x64xf32, #tpu.memory_space<vmem>> -> memref<128x64xf32, #tpu.memory_space<vmem>>
    %dma_start3A_1050 = arith.constant 0 : i32
    %dma_start3A_1051 = tpu.memref_slice %arg11[%dma_start3A_1043, %dma_start3A_1044, %dma_start3A_1050] : memref<6x4x128xi32, #tpu.memory_space<vmem>> -> memref<1x1x128xi32, #tpu.memory_space<vmem>>
    %dma_start3A_1052 = tpu.memref_squeeze %dma_start3A_1051 : memref<1x1x128xi32, #tpu.memory_space<vmem>> -> memref<128xi32, #tpu.memory_space<vmem>>
    %dma_start3A_1053 = arith.constant 0 : i32
    %dma_start3A_1054 = arith.constant 0 : i32
    %dma_start3A_1055 = tpu.memref_slice %arg7[%dma_start3A_1053, %dma_start3A_1054] : memref<32768x64xf32, #tpu.memory_space<hbm>> -> memref<32768x64xf32, #tpu.memory_space<hbm>>
    tpu.enqueue_indirect_dma source(%dma_start3A_1055 : memref<32768x64xf32, #tpu.memory_space<hbm>>) target(%dma_start3A_1049 : memref<128x64xf32, #tpu.memory_space<vmem>>) offsets(%dma_start3A_1052 : memref<128xi32, #tpu.memory_space<vmem>>) semaphore(%arg14 : memref<!tpu.dma_semaphore, #tpu.memory_space<semaphore_mem>>)
    %dma_start3A_1056 = arith.constant 5 : i32
    %dma_start3A_1057 = arith.constant 3 : i32
    %dma_start3A_1058 = arith.constant 5 : i32
    %dma_start3A_1059 = arith.constant 0 : i32
    %dma_start3A_1060 = arith.constant 0 : i32
    %dma_start3A_1061 = tpu.memref_slice %arg12[%dma_start3A_1058, %dma_start3A_1059, %dma_start3A_1060] : memref<6x128x64xf32, #tpu.memory_space<vmem>> -> memref<1x128x64xf32, #tpu.memory_space<vmem>>
    %dma_start3A_1062 = tpu.memref_squeeze %dma_start3A_1061 : memref<1x128x64xf32, #tpu.memory_space<vmem>> -> memref<128x64xf32, #tpu.memory_space<vmem>>
    %dma_start3A_1063 = arith.constant 0 : i32
    %dma_start3A_1064 = tpu.memref_slice %arg11[%dma_start3A_1056, %dma_start3A_1057, %dma_start3A_1063] : memref<6x4x128xi32, #tpu.memory_space<vmem>> -> memref<1x1x128xi32, #tpu.memory_space<vmem>>
    %dma_start3A_1065 = tpu.memref_squeeze %dma_start3A_1064 : memref<1x1x128xi32, #tpu.memory_space<vmem>> -> memref<128xi32, #tpu.memory_space<vmem>>
    %dma_start3A_1066 = arith.constant 0 : i32
    %dma_start3A_1067 = arith.constant 0 : i32
    %dma_start3A_1068 = tpu.memref_slice %arg8[%dma_start3A_1066, %dma_start3A_1067] : memref<262144x64xf32, #tpu.memory_space<hbm>> -> memref<262144x64xf32, #tpu.memory_space<hbm>>
    tpu.enqueue_indirect_dma source(%dma_start3A_1068 : memref<262144x64xf32, #tpu.memory_space<hbm>>) target(%dma_start3A_1062 : memref<128x64xf32, #tpu.memory_space<vmem>>) offsets(%dma_start3A_1065 : memref<128xi32, #tpu.memory_space<vmem>>) semaphore(%arg14 : memref<!tpu.dma_semaphore, #tpu.memory_space<semaphore_mem>>)
    %dma_wait3A_1069 = arith.constant 0 : i32
    %dma_wait3A_1070 = arith.constant 3 : i32
    %dma_wait3A_1071 = arith.constant 0 : i32
    %dma_wait3A_1072 = arith.constant 0 : i32
    %dma_wait3A_1073 = arith.constant 0 : i32
    %dma_wait3A_1074 = tpu.memref_slice %arg12[%dma_wait3A_1071, %dma_wait3A_1072, %dma_wait3A_1073] : memref<6x128x64xf32, #tpu.memory_space<vmem>> -> memref<1x128x64xf32, #tpu.memory_space<vmem>>
    %dma_wait3A_1075 = tpu.memref_squeeze %dma_wait3A_1074 : memref<1x128x64xf32, #tpu.memory_space<vmem>> -> memref<128x64xf32, #tpu.memory_space<vmem>>
    %dma_wait3A_1076 = arith.constant 0 : i32
    %dma_wait3A_1077 = tpu.memref_slice %arg11[%dma_wait3A_1069, %dma_wait3A_1070, %dma_wait3A_1076] : memref<6x4x128xi32, #tpu.memory_space<vmem>> -> memref<1x1x128xi32, #tpu.memory_space<vmem>>
    %dma_wait3A_1078 = tpu.memref_squeeze %dma_wait3A_1077 : memref<1x1x128xi32, #tpu.memory_space<vmem>> -> memref<128xi32, #tpu.memory_space<vmem>>
    %dma_wait3A_1079 = arith.constant 0 : i32
    %dma_wait3A_1080 = arith.constant 0 : i32
    %dma_wait3A_1081 = tpu.memref_slice %arg3[%dma_wait3A_1079, %dma_wait3A_1080] : memref<8x64xf32, #tpu.memory_space<hbm>> -> memref<8x64xf32, #tpu.memory_space<hbm>>
    tpu.wait_indirect_dma semaphore(%arg14 : memref<!tpu.dma_semaphore, #tpu.memory_space<semaphore_mem>>) src(%dma_wait3A_1081 : memref<8x64xf32, #tpu.memory_space<hbm>>) dst(%dma_wait3A_1075 : memref<128x64xf32, #tpu.memory_space<vmem>>)
    %dma_wait3A_1082 = arith.constant 1 : i32
    %dma_wait3A_1083 = arith.constant 3 : i32
    %dma_wait3A_1084 = arith.constant 1 : i32
    %dma_wait3A_1085 = arith.constant 0 : i32
    %dma_wait3A_1086 = arith.constant 0 : i32
    %dma_wait3A_1087 = tpu.memref_slice %arg12[%dma_wait3A_1084, %dma_wait3A_1085, %dma_wait3A_1086] : memref<6x128x64xf32, #tpu.memory_space<vmem>> -> memref<1x128x64xf32, #tpu.memory_space<vmem>>
    %dma_wait3A_1088 = tpu.memref_squeeze %dma_wait3A_1087 : memref<1x128x64xf32, #tpu.memory_space<vmem>> -> memref<128x64xf32, #tpu.memory_space<vmem>>
    %dma_wait3A_1089 = arith.constant 0 : i32
    %dma_wait3A_1090 = tpu.memref_slice %arg11[%dma_wait3A_1082, %dma_wait3A_1083, %dma_wait3A_1089] : memref<6x4x128xi32, #tpu.memory_space<vmem>> -> memref<1x1x128xi32, #tpu.memory_space<vmem>>
    %dma_wait3A_1091 = tpu.memref_squeeze %dma_wait3A_1090 : memref<1x1x128xi32, #tpu.memory_space<vmem>> -> memref<128xi32, #tpu.memory_space<vmem>>
    %dma_wait3A_1092 = arith.constant 0 : i32
    %dma_wait3A_1093 = arith.constant 0 : i32
    %dma_wait3A_1094 = tpu.memref_slice %arg4[%dma_wait3A_1092, %dma_wait3A_1093] : memref<64x64xf32, #tpu.memory_space<hbm>> -> memref<64x64xf32, #tpu.memory_space<hbm>>
    tpu.wait_indirect_dma semaphore(%arg14 : memref<!tpu.dma_semaphore, #tpu.memory_space<semaphore_mem>>) src(%dma_wait3A_1094 : memref<64x64xf32, #tpu.memory_space<hbm>>) dst(%dma_wait3A_1088 : memref<128x64xf32, #tpu.memory_space<vmem>>)
    %dma_wait3A_1095 = arith.constant 2 : i32
    %dma_wait3A_1096 = arith.constant 3 : i32
    %dma_wait3A_1097 = arith.constant 2 : i32
    %dma_wait3A_1098 = arith.constant 0 : i32
    %dma_wait3A_1099 = arith.constant 0 : i32
    %dma_wait3A_1100 = tpu.memref_slice %arg12[%dma_wait3A_1097, %dma_wait3A_1098, %dma_wait3A_1099] : memref<6x128x64xf32, #tpu.memory_space<vmem>> -> memref<1x128x64xf32, #tpu.memory_space<vmem>>
    %dma_wait3A_1101 = tpu.memref_squeeze %dma_wait3A_1100 : memref<1x128x64xf32, #tpu.memory_space<vmem>> -> memref<128x64xf32, #tpu.memory_space<vmem>>
    %dma_wait3A_1102 = arith.constant 0 : i32
    %dma_wait3A_1103 = tpu.memref_slice %arg11[%dma_wait3A_1095, %dma_wait3A_1096, %dma_wait3A_1102] : memref<6x4x128xi32, #tpu.memory_space<vmem>> -> memref<1x1x128xi32, #tpu.memory_space<vmem>>
    %dma_wait3A_1104 = tpu.memref_squeeze %dma_wait3A_1103 : memref<1x1x128xi32, #tpu.memory_space<vmem>> -> memref<128xi32, #tpu.memory_space<vmem>>
    %dma_wait3A_1105 = arith.constant 0 : i32
    %dma_wait3A_1106 = arith.constant 0 : i32
    %dma_wait3A_1107 = tpu.memref_slice %arg5[%dma_wait3A_1105, %dma_wait3A_1106] : memref<512x64xf32, #tpu.memory_space<hbm>> -> memref<512x64xf32, #tpu.memory_space<hbm>>
    tpu.wait_indirect_dma semaphore(%arg14 : memref<!tpu.dma_semaphore, #tpu.memory_space<semaphore_mem>>) src(%dma_wait3A_1107 : memref<512x64xf32, #tpu.memory_space<hbm>>) dst(%dma_wait3A_1101 : memref<128x64xf32, #tpu.memory_space<vmem>>)
    %dma_wait3A_1108 = arith.constant 3 : i32
    %dma_wait3A_1109 = arith.constant 3 : i32
    %dma_wait3A_1110 = arith.constant 3 : i32
    %dma_wait3A_1111 = arith.constant 0 : i32
    %dma_wait3A_1112 = arith.constant 0 : i32
    %dma_wait3A_1113 = tpu.memref_slice %arg12[%dma_wait3A_1110, %dma_wait3A_1111, %dma_wait3A_1112] : memref<6x128x64xf32, #tpu.memory_space<vmem>> -> memref<1x128x64xf32, #tpu.memory_space<vmem>>
    %dma_wait3A_1114 = tpu.memref_squeeze %dma_wait3A_1113 : memref<1x128x64xf32, #tpu.memory_space<vmem>> -> memref<128x64xf32, #tpu.memory_space<vmem>>
    %dma_wait3A_1115 = arith.constant 0 : i32
    %dma_wait3A_1116 = tpu.memref_slice %arg11[%dma_wait3A_1108, %dma_wait3A_1109, %dma_wait3A_1115] : memref<6x4x128xi32, #tpu.memory_space<vmem>> -> memref<1x1x128xi32, #tpu.memory_space<vmem>>
    %dma_wait3A_1117 = tpu.memref_squeeze %dma_wait3A_1116 : memref<1x1x128xi32, #tpu.memory_space<vmem>> -> memref<128xi32, #tpu.memory_space<vmem>>
    %dma_wait3A_1118 = arith.constant 0 : i32
    %dma_wait3A_1119 = arith.constant 0 : i32
    %dma_wait3A_1120 = tpu.memref_slice %arg6[%dma_wait3A_1118, %dma_wait3A_1119] : memref<4096x64xf32, #tpu.memory_space<hbm>> -> memref<4096x64xf32, #tpu.memory_space<hbm>>
    tpu.wait_indirect_dma semaphore(%arg14 : memref<!tpu.dma_semaphore, #tpu.memory_space<semaphore_mem>>) src(%dma_wait3A_1120 : memref<4096x64xf32, #tpu.memory_space<hbm>>) dst(%dma_wait3A_1114 : memref<128x64xf32, #tpu.memory_space<vmem>>)
    %dma_wait3A_1121 = arith.constant 4 : i32
    %dma_wait3A_1122 = arith.constant 3 : i32
    %dma_wait3A_1123 = arith.constant 4 : i32
    %dma_wait3A_1124 = arith.constant 0 : i32
    %dma_wait3A_1125 = arith.constant 0 : i32
    %dma_wait3A_1126 = tpu.memref_slice %arg12[%dma_wait3A_1123, %dma_wait3A_1124, %dma_wait3A_1125] : memref<6x128x64xf32, #tpu.memory_space<vmem>> -> memref<1x128x64xf32, #tpu.memory_space<vmem>>
    %dma_wait3A_1127 = tpu.memref_squeeze %dma_wait3A_1126 : memref<1x128x64xf32, #tpu.memory_space<vmem>> -> memref<128x64xf32, #tpu.memory_space<vmem>>
    %dma_wait3A_1128 = arith.constant 0 : i32
    %dma_wait3A_1129 = tpu.memref_slice %arg11[%dma_wait3A_1121, %dma_wait3A_1122, %dma_wait3A_1128] : memref<6x4x128xi32, #tpu.memory_space<vmem>> -> memref<1x1x128xi32, #tpu.memory_space<vmem>>
    %dma_wait3A_1130 = tpu.memref_squeeze %dma_wait3A_1129 : memref<1x1x128xi32, #tpu.memory_space<vmem>> -> memref<128xi32, #tpu.memory_space<vmem>>
    %dma_wait3A_1131 = arith.constant 0 : i32
    %dma_wait3A_1132 = arith.constant 0 : i32
    %dma_wait3A_1133 = tpu.memref_slice %arg7[%dma_wait3A_1131, %dma_wait3A_1132] : memref<32768x64xf32, #tpu.memory_space<hbm>> -> memref<32768x64xf32, #tpu.memory_space<hbm>>
    tpu.wait_indirect_dma semaphore(%arg14 : memref<!tpu.dma_semaphore, #tpu.memory_space<semaphore_mem>>) src(%dma_wait3A_1133 : memref<32768x64xf32, #tpu.memory_space<hbm>>) dst(%dma_wait3A_1127 : memref<128x64xf32, #tpu.memory_space<vmem>>)
    %dma_wait3A_1134 = arith.constant 5 : i32
    %dma_wait3A_1135 = arith.constant 3 : i32
    %dma_wait3A_1136 = arith.constant 5 : i32
    %dma_wait3A_1137 = arith.constant 0 : i32
    %dma_wait3A_1138 = arith.constant 0 : i32
    %dma_wait3A_1139 = tpu.memref_slice %arg12[%dma_wait3A_1136, %dma_wait3A_1137, %dma_wait3A_1138] : memref<6x128x64xf32, #tpu.memory_space<vmem>> -> memref<1x128x64xf32, #tpu.memory_space<vmem>>
    %dma_wait3A_1140 = tpu.memref_squeeze %dma_wait3A_1139 : memref<1x128x64xf32, #tpu.memory_space<vmem>> -> memref<128x64xf32, #tpu.memory_space<vmem>>
    %dma_wait3A_1141 = arith.constant 0 : i32
    %dma_wait3A_1142 = tpu.memref_slice %arg11[%dma_wait3A_1134, %dma_wait3A_1135, %dma_wait3A_1141] : memref<6x4x128xi32, #tpu.memory_space<vmem>> -> memref<1x1x128xi32, #tpu.memory_space<vmem>>
    %dma_wait3A_1143 = tpu.memref_squeeze %dma_wait3A_1142 : memref<1x1x128xi32, #tpu.memory_space<vmem>> -> memref<128xi32, #tpu.memory_space<vmem>>
    %dma_wait3A_1144 = arith.constant 0 : i32
    %dma_wait3A_1145 = arith.constant 0 : i32
    %dma_wait3A_1146 = tpu.memref_slice %arg8[%dma_wait3A_1144, %dma_wait3A_1145] : memref<262144x64xf32, #tpu.memory_space<hbm>> -> memref<262144x64xf32, #tpu.memory_space<hbm>>
    tpu.wait_indirect_dma semaphore(%arg14 : memref<!tpu.dma_semaphore, #tpu.memory_space<semaphore_mem>>) src(%dma_wait3A_1146 : memref<262144x64xf32, #tpu.memory_space<hbm>>) dst(%dma_wait3A_1140 : memref<128x64xf32, #tpu.memory_space<vmem>>)
    %add3A_1147 = arith.constant 384 : i32
    %add3A_1148 = arith.addi %mul3A_2, %add3A_1147 : i32
    %dma_start3A_1149 = arith.constant 0 : i32
    %dma_start3A_1150 = tpu.memref_slice %arg9[%add3A_1148, %dma_start3A_1149] : memref<16384x448xf32, #tpu.memory_space<hbm>> -> memref<128x64xf32, #tpu.memory_space<hbm>>
    %dma_start3A_1151 = arith.constant 0 : i32
    %dma_start3A_1152 = tpu.memref_slice %arg9[%add3A_1148, %dma_start3A_1151] : memref<16384x448xf32, #tpu.memory_space<hbm>> -> memref<128x64xf32, #tpu.memory_space<hbm>>
    tpu.enqueue_dma source(%arg13 : memref<128x64xf32, #tpu.memory_space<vmem>>) target(%dma_start3A_1152 : memref<128x64xf32, #tpu.memory_space<hbm>>) target_semaphore(%arg15 : memref<!tpu.dma_semaphore, #tpu.memory_space<semaphore_mem>>)
    %dma_start3A_1153 = arith.constant 0 : i32
    %dma_start3A_1154 = arith.constant 0 : i32
    %dma_start3A_1155 = arith.constant 0 : i32
    %dma_start3A_1156 = tpu.memref_slice %arg12[%dma_start3A_1153, %dma_start3A_1154, %dma_start3A_1155] : memref<6x128x64xf32, #tpu.memory_space<vmem>> -> memref<1x128x64xf32, #tpu.memory_space<vmem>>
    %dma_start3A_1157 = tpu.memref_squeeze %dma_start3A_1156 : memref<1x128x64xf32, #tpu.memory_space<vmem>> -> memref<128x64xf32, #tpu.memory_space<vmem>>
    %dma_start3A_1158 = arith.constant 64 : i32
    %dma_start3A_1159 = tpu.memref_slice %arg9[%add3A_1148, %dma_start3A_1158] : memref<16384x448xf32, #tpu.memory_space<hbm>> -> memref<128x64xf32, #tpu.memory_space<hbm>>
    %dma_start3A_1160 = arith.constant 64 : i32
    %dma_start3A_1161 = tpu.memref_slice %arg9[%add3A_1148, %dma_start3A_1160] : memref<16384x448xf32, #tpu.memory_space<hbm>> -> memref<128x64xf32, #tpu.memory_space<hbm>>
    %dma_start3A_1162 = arith.constant 0 : i32
    %dma_start3A_1163 = arith.constant 0 : i32
    %dma_start3A_1164 = tpu.memref_slice %arg12[%dma_start3A_1153, %dma_start3A_1162, %dma_start3A_1163] : memref<6x128x64xf32, #tpu.memory_space<vmem>> -> memref<1x128x64xf32, #tpu.memory_space<vmem>>
    %dma_start3A_1165 = tpu.memref_squeeze %dma_start3A_1164 : memref<1x128x64xf32, #tpu.memory_space<vmem>> -> memref<128x64xf32, #tpu.memory_space<vmem>>
    tpu.enqueue_dma source(%dma_start3A_1165 : memref<128x64xf32, #tpu.memory_space<vmem>>) target(%dma_start3A_1161 : memref<128x64xf32, #tpu.memory_space<hbm>>) target_semaphore(%arg15 : memref<!tpu.dma_semaphore, #tpu.memory_space<semaphore_mem>>)
    %dma_start3A_1166 = arith.constant 1 : i32
    %dma_start3A_1167 = arith.constant 0 : i32
    %dma_start3A_1168 = arith.constant 0 : i32
    %dma_start3A_1169 = tpu.memref_slice %arg12[%dma_start3A_1166, %dma_start3A_1167, %dma_start3A_1168] : memref<6x128x64xf32, #tpu.memory_space<vmem>> -> memref<1x128x64xf32, #tpu.memory_space<vmem>>
    %dma_start3A_1170 = tpu.memref_squeeze %dma_start3A_1169 : memref<1x128x64xf32, #tpu.memory_space<vmem>> -> memref<128x64xf32, #tpu.memory_space<vmem>>
    %dma_start3A_1171 = arith.constant 128 : i32
    %dma_start3A_1172 = tpu.memref_slice %arg9[%add3A_1148, %dma_start3A_1171] : memref<16384x448xf32, #tpu.memory_space<hbm>> -> memref<128x64xf32, #tpu.memory_space<hbm>>
    %dma_start3A_1173 = arith.constant 128 : i32
    %dma_start3A_1174 = tpu.memref_slice %arg9[%add3A_1148, %dma_start3A_1173] : memref<16384x448xf32, #tpu.memory_space<hbm>> -> memref<128x64xf32, #tpu.memory_space<hbm>>
    %dma_start3A_1175 = arith.constant 0 : i32
    %dma_start3A_1176 = arith.constant 0 : i32
    %dma_start3A_1177 = tpu.memref_slice %arg12[%dma_start3A_1166, %dma_start3A_1175, %dma_start3A_1176] : memref<6x128x64xf32, #tpu.memory_space<vmem>> -> memref<1x128x64xf32, #tpu.memory_space<vmem>>
    %dma_start3A_1178 = tpu.memref_squeeze %dma_start3A_1177 : memref<1x128x64xf32, #tpu.memory_space<vmem>> -> memref<128x64xf32, #tpu.memory_space<vmem>>
    tpu.enqueue_dma source(%dma_start3A_1178 : memref<128x64xf32, #tpu.memory_space<vmem>>) target(%dma_start3A_1174 : memref<128x64xf32, #tpu.memory_space<hbm>>) target_semaphore(%arg15 : memref<!tpu.dma_semaphore, #tpu.memory_space<semaphore_mem>>)
    %dma_start3A_1179 = arith.constant 2 : i32
    %dma_start3A_1180 = arith.constant 0 : i32
    %dma_start3A_1181 = arith.constant 0 : i32
    %dma_start3A_1182 = tpu.memref_slice %arg12[%dma_start3A_1179, %dma_start3A_1180, %dma_start3A_1181] : memref<6x128x64xf32, #tpu.memory_space<vmem>> -> memref<1x128x64xf32, #tpu.memory_space<vmem>>
    %dma_start3A_1183 = tpu.memref_squeeze %dma_start3A_1182 : memref<1x128x64xf32, #tpu.memory_space<vmem>> -> memref<128x64xf32, #tpu.memory_space<vmem>>
    %dma_start3A_1184 = arith.constant 192 : i32
    %dma_start3A_1185 = tpu.memref_slice %arg9[%add3A_1148, %dma_start3A_1184] : memref<16384x448xf32, #tpu.memory_space<hbm>> -> memref<128x64xf32, #tpu.memory_space<hbm>>
    %dma_start3A_1186 = arith.constant 192 : i32
    %dma_start3A_1187 = tpu.memref_slice %arg9[%add3A_1148, %dma_start3A_1186] : memref<16384x448xf32, #tpu.memory_space<hbm>> -> memref<128x64xf32, #tpu.memory_space<hbm>>
    %dma_start3A_1188 = arith.constant 0 : i32
    %dma_start3A_1189 = arith.constant 0 : i32
    %dma_start3A_1190 = tpu.memref_slice %arg12[%dma_start3A_1179, %dma_start3A_1188, %dma_start3A_1189] : memref<6x128x64xf32, #tpu.memory_space<vmem>> -> memref<1x128x64xf32, #tpu.memory_space<vmem>>
    %dma_start3A_1191 = tpu.memref_squeeze %dma_start3A_1190 : memref<1x128x64xf32, #tpu.memory_space<vmem>> -> memref<128x64xf32, #tpu.memory_space<vmem>>
    tpu.enqueue_dma source(%dma_start3A_1191 : memref<128x64xf32, #tpu.memory_space<vmem>>) target(%dma_start3A_1187 : memref<128x64xf32, #tpu.memory_space<hbm>>) target_semaphore(%arg15 : memref<!tpu.dma_semaphore, #tpu.memory_space<semaphore_mem>>)
    %dma_start3A_1192 = arith.constant 3 : i32
    %dma_start3A_1193 = arith.constant 0 : i32
    %dma_start3A_1194 = arith.constant 0 : i32
    %dma_start3A_1195 = tpu.memref_slice %arg12[%dma_start3A_1192, %dma_start3A_1193, %dma_start3A_1194] : memref<6x128x64xf32, #tpu.memory_space<vmem>> -> memref<1x128x64xf32, #tpu.memory_space<vmem>>
    %dma_start3A_1196 = tpu.memref_squeeze %dma_start3A_1195 : memref<1x128x64xf32, #tpu.memory_space<vmem>> -> memref<128x64xf32, #tpu.memory_space<vmem>>
    %dma_start3A_1197 = arith.constant 256 : i32
    %dma_start3A_1198 = tpu.memref_slice %arg9[%add3A_1148, %dma_start3A_1197] : memref<16384x448xf32, #tpu.memory_space<hbm>> -> memref<128x64xf32, #tpu.memory_space<hbm>>
    %dma_start3A_1199 = arith.constant 256 : i32
    %dma_start3A_1200 = tpu.memref_slice %arg9[%add3A_1148, %dma_start3A_1199] : memref<16384x448xf32, #tpu.memory_space<hbm>> -> memref<128x64xf32, #tpu.memory_space<hbm>>
    %dma_start3A_1201 = arith.constant 0 : i32
    %dma_start3A_1202 = arith.constant 0 : i32
    %dma_start3A_1203 = tpu.memref_slice %arg12[%dma_start3A_1192, %dma_start3A_1201, %dma_start3A_1202] : memref<6x128x64xf32, #tpu.memory_space<vmem>> -> memref<1x128x64xf32, #tpu.memory_space<vmem>>
    %dma_start3A_1204 = tpu.memref_squeeze %dma_start3A_1203 : memref<1x128x64xf32, #tpu.memory_space<vmem>> -> memref<128x64xf32, #tpu.memory_space<vmem>>
    tpu.enqueue_dma source(%dma_start3A_1204 : memref<128x64xf32, #tpu.memory_space<vmem>>) target(%dma_start3A_1200 : memref<128x64xf32, #tpu.memory_space<hbm>>) target_semaphore(%arg15 : memref<!tpu.dma_semaphore, #tpu.memory_space<semaphore_mem>>)
    %dma_start3A_1205 = arith.constant 4 : i32
    %dma_start3A_1206 = arith.constant 0 : i32
    %dma_start3A_1207 = arith.constant 0 : i32
    %dma_start3A_1208 = tpu.memref_slice %arg12[%dma_start3A_1205, %dma_start3A_1206, %dma_start3A_1207] : memref<6x128x64xf32, #tpu.memory_space<vmem>> -> memref<1x128x64xf32, #tpu.memory_space<vmem>>
    %dma_start3A_1209 = tpu.memref_squeeze %dma_start3A_1208 : memref<1x128x64xf32, #tpu.memory_space<vmem>> -> memref<128x64xf32, #tpu.memory_space<vmem>>
    %dma_start3A_1210 = arith.constant 320 : i32
    %dma_start3A_1211 = tpu.memref_slice %arg9[%add3A_1148, %dma_start3A_1210] : memref<16384x448xf32, #tpu.memory_space<hbm>> -> memref<128x64xf32, #tpu.memory_space<hbm>>
    %dma_start3A_1212 = arith.constant 320 : i32
    %dma_start3A_1213 = tpu.memref_slice %arg9[%add3A_1148, %dma_start3A_1212] : memref<16384x448xf32, #tpu.memory_space<hbm>> -> memref<128x64xf32, #tpu.memory_space<hbm>>
    %dma_start3A_1214 = arith.constant 0 : i32
    %dma_start3A_1215 = arith.constant 0 : i32
    %dma_start3A_1216 = tpu.memref_slice %arg12[%dma_start3A_1205, %dma_start3A_1214, %dma_start3A_1215] : memref<6x128x64xf32, #tpu.memory_space<vmem>> -> memref<1x128x64xf32, #tpu.memory_space<vmem>>
    %dma_start3A_1217 = tpu.memref_squeeze %dma_start3A_1216 : memref<1x128x64xf32, #tpu.memory_space<vmem>> -> memref<128x64xf32, #tpu.memory_space<vmem>>
    tpu.enqueue_dma source(%dma_start3A_1217 : memref<128x64xf32, #tpu.memory_space<vmem>>) target(%dma_start3A_1213 : memref<128x64xf32, #tpu.memory_space<hbm>>) target_semaphore(%arg15 : memref<!tpu.dma_semaphore, #tpu.memory_space<semaphore_mem>>)
    %dma_start3A_1218 = arith.constant 5 : i32
    %dma_start3A_1219 = arith.constant 0 : i32
    %dma_start3A_1220 = arith.constant 0 : i32
    %dma_start3A_1221 = tpu.memref_slice %arg12[%dma_start3A_1218, %dma_start3A_1219, %dma_start3A_1220] : memref<6x128x64xf32, #tpu.memory_space<vmem>> -> memref<1x128x64xf32, #tpu.memory_space<vmem>>
    %dma_start3A_1222 = tpu.memref_squeeze %dma_start3A_1221 : memref<1x128x64xf32, #tpu.memory_space<vmem>> -> memref<128x64xf32, #tpu.memory_space<vmem>>
    %dma_start3A_1223 = arith.constant 384 : i32
    %dma_start3A_1224 = tpu.memref_slice %arg9[%add3A_1148, %dma_start3A_1223] : memref<16384x448xf32, #tpu.memory_space<hbm>> -> memref<128x64xf32, #tpu.memory_space<hbm>>
    %dma_start3A_1225 = arith.constant 384 : i32
    %dma_start3A_1226 = tpu.memref_slice %arg9[%add3A_1148, %dma_start3A_1225] : memref<16384x448xf32, #tpu.memory_space<hbm>> -> memref<128x64xf32, #tpu.memory_space<hbm>>
    %dma_start3A_1227 = arith.constant 0 : i32
    %dma_start3A_1228 = arith.constant 0 : i32
    %dma_start3A_1229 = tpu.memref_slice %arg12[%dma_start3A_1218, %dma_start3A_1227, %dma_start3A_1228] : memref<6x128x64xf32, #tpu.memory_space<vmem>> -> memref<1x128x64xf32, #tpu.memory_space<vmem>>
    %dma_start3A_1230 = tpu.memref_squeeze %dma_start3A_1229 : memref<1x128x64xf32, #tpu.memory_space<vmem>> -> memref<128x64xf32, #tpu.memory_space<vmem>>
    tpu.enqueue_dma source(%dma_start3A_1230 : memref<128x64xf32, #tpu.memory_space<vmem>>) target(%dma_start3A_1226 : memref<128x64xf32, #tpu.memory_space<hbm>>) target_semaphore(%arg15 : memref<!tpu.dma_semaphore, #tpu.memory_space<semaphore_mem>>)
    %dma_wait3A_1231 = arith.constant 0 : i32
    %dma_wait3A_1232 = tpu.memref_slice %arg9[%add3A_1148, %dma_wait3A_1231] : memref<16384x448xf32, #tpu.memory_space<hbm>> -> memref<128x64xf32, #tpu.memory_space<hbm>>
    %dma_wait3A_1233 = arith.constant 0 : i32
    %dma_wait3A_1234 = tpu.memref_slice %arg9[%add3A_1148, %dma_wait3A_1233] : memref<16384x448xf32, #tpu.memory_space<hbm>> -> memref<128x64xf32, #tpu.memory_space<hbm>>
    tpu.wait_dma2 semaphore(%arg15 : memref<!tpu.dma_semaphore, #tpu.memory_space<semaphore_mem>>) src(%arg13 : memref<128x64xf32, #tpu.memory_space<vmem>>) dst(%dma_wait3A_1234 : memref<128x64xf32, #tpu.memory_space<hbm>>)
    %dma_wait3A_1235 = arith.constant 0 : i32
    %dma_wait3A_1236 = arith.constant 0 : i32
    %dma_wait3A_1237 = arith.constant 0 : i32
    %dma_wait3A_1238 = tpu.memref_slice %arg12[%dma_wait3A_1235, %dma_wait3A_1236, %dma_wait3A_1237] : memref<6x128x64xf32, #tpu.memory_space<vmem>> -> memref<1x128x64xf32, #tpu.memory_space<vmem>>
    %dma_wait3A_1239 = tpu.memref_squeeze %dma_wait3A_1238 : memref<1x128x64xf32, #tpu.memory_space<vmem>> -> memref<128x64xf32, #tpu.memory_space<vmem>>
    %dma_wait3A_1240 = arith.constant 64 : i32
    %dma_wait3A_1241 = tpu.memref_slice %arg9[%add3A_1148, %dma_wait3A_1240] : memref<16384x448xf32, #tpu.memory_space<hbm>> -> memref<128x64xf32, #tpu.memory_space<hbm>>
    %dma_wait3A_1242 = arith.constant 64 : i32
    %dma_wait3A_1243 = tpu.memref_slice %arg9[%add3A_1148, %dma_wait3A_1242] : memref<16384x448xf32, #tpu.memory_space<hbm>> -> memref<128x64xf32, #tpu.memory_space<hbm>>
    %dma_wait3A_1244 = arith.constant 0 : i32
    %dma_wait3A_1245 = arith.constant 0 : i32
    %dma_wait3A_1246 = tpu.memref_slice %arg12[%dma_wait3A_1235, %dma_wait3A_1244, %dma_wait3A_1245] : memref<6x128x64xf32, #tpu.memory_space<vmem>> -> memref<1x128x64xf32, #tpu.memory_space<vmem>>
    %dma_wait3A_1247 = tpu.memref_squeeze %dma_wait3A_1246 : memref<1x128x64xf32, #tpu.memory_space<vmem>> -> memref<128x64xf32, #tpu.memory_space<vmem>>
    tpu.wait_dma2 semaphore(%arg15 : memref<!tpu.dma_semaphore, #tpu.memory_space<semaphore_mem>>) src(%dma_wait3A_1247 : memref<128x64xf32, #tpu.memory_space<vmem>>) dst(%dma_wait3A_1243 : memref<128x64xf32, #tpu.memory_space<hbm>>)
    %dma_wait3A_1248 = arith.constant 1 : i32
    %dma_wait3A_1249 = arith.constant 0 : i32
    %dma_wait3A_1250 = arith.constant 0 : i32
    %dma_wait3A_1251 = tpu.memref_slice %arg12[%dma_wait3A_1248, %dma_wait3A_1249, %dma_wait3A_1250] : memref<6x128x64xf32, #tpu.memory_space<vmem>> -> memref<1x128x64xf32, #tpu.memory_space<vmem>>
    %dma_wait3A_1252 = tpu.memref_squeeze %dma_wait3A_1251 : memref<1x128x64xf32, #tpu.memory_space<vmem>> -> memref<128x64xf32, #tpu.memory_space<vmem>>
    %dma_wait3A_1253 = arith.constant 128 : i32
    %dma_wait3A_1254 = tpu.memref_slice %arg9[%add3A_1148, %dma_wait3A_1253] : memref<16384x448xf32, #tpu.memory_space<hbm>> -> memref<128x64xf32, #tpu.memory_space<hbm>>
    %dma_wait3A_1255 = arith.constant 128 : i32
    %dma_wait3A_1256 = tpu.memref_slice %arg9[%add3A_1148, %dma_wait3A_1255] : memref<16384x448xf32, #tpu.memory_space<hbm>> -> memref<128x64xf32, #tpu.memory_space<hbm>>
    %dma_wait3A_1257 = arith.constant 0 : i32
    %dma_wait3A_1258 = arith.constant 0 : i32
    %dma_wait3A_1259 = tpu.memref_slice %arg12[%dma_wait3A_1248, %dma_wait3A_1257, %dma_wait3A_1258] : memref<6x128x64xf32, #tpu.memory_space<vmem>> -> memref<1x128x64xf32, #tpu.memory_space<vmem>>
    %dma_wait3A_1260 = tpu.memref_squeeze %dma_wait3A_1259 : memref<1x128x64xf32, #tpu.memory_space<vmem>> -> memref<128x64xf32, #tpu.memory_space<vmem>>
    tpu.wait_dma2 semaphore(%arg15 : memref<!tpu.dma_semaphore, #tpu.memory_space<semaphore_mem>>) src(%dma_wait3A_1260 : memref<128x64xf32, #tpu.memory_space<vmem>>) dst(%dma_wait3A_1256 : memref<128x64xf32, #tpu.memory_space<hbm>>)
    %dma_wait3A_1261 = arith.constant 2 : i32
    %dma_wait3A_1262 = arith.constant 0 : i32
    %dma_wait3A_1263 = arith.constant 0 : i32
    %dma_wait3A_1264 = tpu.memref_slice %arg12[%dma_wait3A_1261, %dma_wait3A_1262, %dma_wait3A_1263] : memref<6x128x64xf32, #tpu.memory_space<vmem>> -> memref<1x128x64xf32, #tpu.memory_space<vmem>>
    %dma_wait3A_1265 = tpu.memref_squeeze %dma_wait3A_1264 : memref<1x128x64xf32, #tpu.memory_space<vmem>> -> memref<128x64xf32, #tpu.memory_space<vmem>>
    %dma_wait3A_1266 = arith.constant 192 : i32
    %dma_wait3A_1267 = tpu.memref_slice %arg9[%add3A_1148, %dma_wait3A_1266] : memref<16384x448xf32, #tpu.memory_space<hbm>> -> memref<128x64xf32, #tpu.memory_space<hbm>>
    %dma_wait3A_1268 = arith.constant 192 : i32
    %dma_wait3A_1269 = tpu.memref_slice %arg9[%add3A_1148, %dma_wait3A_1268] : memref<16384x448xf32, #tpu.memory_space<hbm>> -> memref<128x64xf32, #tpu.memory_space<hbm>>
    %dma_wait3A_1270 = arith.constant 0 : i32
    %dma_wait3A_1271 = arith.constant 0 : i32
    %dma_wait3A_1272 = tpu.memref_slice %arg12[%dma_wait3A_1261, %dma_wait3A_1270, %dma_wait3A_1271] : memref<6x128x64xf32, #tpu.memory_space<vmem>> -> memref<1x128x64xf32, #tpu.memory_space<vmem>>
    %dma_wait3A_1273 = tpu.memref_squeeze %dma_wait3A_1272 : memref<1x128x64xf32, #tpu.memory_space<vmem>> -> memref<128x64xf32, #tpu.memory_space<vmem>>
    tpu.wait_dma2 semaphore(%arg15 : memref<!tpu.dma_semaphore, #tpu.memory_space<semaphore_mem>>) src(%dma_wait3A_1273 : memref<128x64xf32, #tpu.memory_space<vmem>>) dst(%dma_wait3A_1269 : memref<128x64xf32, #tpu.memory_space<hbm>>)
    %dma_wait3A_1274 = arith.constant 3 : i32
    %dma_wait3A_1275 = arith.constant 0 : i32
    %dma_wait3A_1276 = arith.constant 0 : i32
    %dma_wait3A_1277 = tpu.memref_slice %arg12[%dma_wait3A_1274, %dma_wait3A_1275, %dma_wait3A_1276] : memref<6x128x64xf32, #tpu.memory_space<vmem>> -> memref<1x128x64xf32, #tpu.memory_space<vmem>>
    %dma_wait3A_1278 = tpu.memref_squeeze %dma_wait3A_1277 : memref<1x128x64xf32, #tpu.memory_space<vmem>> -> memref<128x64xf32, #tpu.memory_space<vmem>>
    %dma_wait3A_1279 = arith.constant 256 : i32
    %dma_wait3A_1280 = tpu.memref_slice %arg9[%add3A_1148, %dma_wait3A_1279] : memref<16384x448xf32, #tpu.memory_space<hbm>> -> memref<128x64xf32, #tpu.memory_space<hbm>>
    %dma_wait3A_1281 = arith.constant 256 : i32
    %dma_wait3A_1282 = tpu.memref_slice %arg9[%add3A_1148, %dma_wait3A_1281] : memref<16384x448xf32, #tpu.memory_space<hbm>> -> memref<128x64xf32, #tpu.memory_space<hbm>>
    %dma_wait3A_1283 = arith.constant 0 : i32
    %dma_wait3A_1284 = arith.constant 0 : i32
    %dma_wait3A_1285 = tpu.memref_slice %arg12[%dma_wait3A_1274, %dma_wait3A_1283, %dma_wait3A_1284] : memref<6x128x64xf32, #tpu.memory_space<vmem>> -> memref<1x128x64xf32, #tpu.memory_space<vmem>>
    %dma_wait3A_1286 = tpu.memref_squeeze %dma_wait3A_1285 : memref<1x128x64xf32, #tpu.memory_space<vmem>> -> memref<128x64xf32, #tpu.memory_space<vmem>>
    tpu.wait_dma2 semaphore(%arg15 : memref<!tpu.dma_semaphore, #tpu.memory_space<semaphore_mem>>) src(%dma_wait3A_1286 : memref<128x64xf32, #tpu.memory_space<vmem>>) dst(%dma_wait3A_1282 : memref<128x64xf32, #tpu.memory_space<hbm>>)
    %dma_wait3A_1287 = arith.constant 4 : i32
    %dma_wait3A_1288 = arith.constant 0 : i32
    %dma_wait3A_1289 = arith.constant 0 : i32
    %dma_wait3A_1290 = tpu.memref_slice %arg12[%dma_wait3A_1287, %dma_wait3A_1288, %dma_wait3A_1289] : memref<6x128x64xf32, #tpu.memory_space<vmem>> -> memref<1x128x64xf32, #tpu.memory_space<vmem>>
    %dma_wait3A_1291 = tpu.memref_squeeze %dma_wait3A_1290 : memref<1x128x64xf32, #tpu.memory_space<vmem>> -> memref<128x64xf32, #tpu.memory_space<vmem>>
    %dma_wait3A_1292 = arith.constant 320 : i32
    %dma_wait3A_1293 = tpu.memref_slice %arg9[%add3A_1148, %dma_wait3A_1292] : memref<16384x448xf32, #tpu.memory_space<hbm>> -> memref<128x64xf32, #tpu.memory_space<hbm>>
    %dma_wait3A_1294 = arith.constant 320 : i32
    %dma_wait3A_1295 = tpu.memref_slice %arg9[%add3A_1148, %dma_wait3A_1294] : memref<16384x448xf32, #tpu.memory_space<hbm>> -> memref<128x64xf32, #tpu.memory_space<hbm>>
    %dma_wait3A_1296 = arith.constant 0 : i32
    %dma_wait3A_1297 = arith.constant 0 : i32
    %dma_wait3A_1298 = tpu.memref_slice %arg12[%dma_wait3A_1287, %dma_wait3A_1296, %dma_wait3A_1297] : memref<6x128x64xf32, #tpu.memory_space<vmem>> -> memref<1x128x64xf32, #tpu.memory_space<vmem>>
    %dma_wait3A_1299 = tpu.memref_squeeze %dma_wait3A_1298 : memref<1x128x64xf32, #tpu.memory_space<vmem>> -> memref<128x64xf32, #tpu.memory_space<vmem>>
    tpu.wait_dma2 semaphore(%arg15 : memref<!tpu.dma_semaphore, #tpu.memory_space<semaphore_mem>>) src(%dma_wait3A_1299 : memref<128x64xf32, #tpu.memory_space<vmem>>) dst(%dma_wait3A_1295 : memref<128x64xf32, #tpu.memory_space<hbm>>)
    %dma_wait3A_1300 = arith.constant 5 : i32
    %dma_wait3A_1301 = arith.constant 0 : i32
    %dma_wait3A_1302 = arith.constant 0 : i32
    %dma_wait3A_1303 = tpu.memref_slice %arg12[%dma_wait3A_1300, %dma_wait3A_1301, %dma_wait3A_1302] : memref<6x128x64xf32, #tpu.memory_space<vmem>> -> memref<1x128x64xf32, #tpu.memory_space<vmem>>
    %dma_wait3A_1304 = tpu.memref_squeeze %dma_wait3A_1303 : memref<1x128x64xf32, #tpu.memory_space<vmem>> -> memref<128x64xf32, #tpu.memory_space<vmem>>
    %dma_wait3A_1305 = arith.constant 384 : i32
    %dma_wait3A_1306 = tpu.memref_slice %arg9[%add3A_1148, %dma_wait3A_1305] : memref<16384x448xf32, #tpu.memory_space<hbm>> -> memref<128x64xf32, #tpu.memory_space<hbm>>
    %dma_wait3A_1307 = arith.constant 384 : i32
    %dma_wait3A_1308 = tpu.memref_slice %arg9[%add3A_1148, %dma_wait3A_1307] : memref<16384x448xf32, #tpu.memory_space<hbm>> -> memref<128x64xf32, #tpu.memory_space<hbm>>
    %dma_wait3A_1309 = arith.constant 0 : i32
    %dma_wait3A_1310 = arith.constant 0 : i32
    %dma_wait3A_1311 = tpu.memref_slice %arg12[%dma_wait3A_1300, %dma_wait3A_1309, %dma_wait3A_1310] : memref<6x128x64xf32, #tpu.memory_space<vmem>> -> memref<1x128x64xf32, #tpu.memory_space<vmem>>
    %dma_wait3A_1312 = tpu.memref_squeeze %dma_wait3A_1311 : memref<1x128x64xf32, #tpu.memory_space<vmem>> -> memref<128x64xf32, #tpu.memory_space<vmem>>
    tpu.wait_dma2 semaphore(%arg15 : memref<!tpu.dma_semaphore, #tpu.memory_space<semaphore_mem>>) src(%dma_wait3A_1312 : memref<128x64xf32, #tpu.memory_space<vmem>>) dst(%dma_wait3A_1308 : memref<128x64xf32, #tpu.memory_space<hbm>>)
    return
  }
}

</mosaic_0001>

<sc_bundles>
// kernel: _run.3.cloned.1.call-start
scs
__scs_entry_jumppad:
0x0: {  	(pc) =	sbr.rel $0x88, $3  }
0x1: {  	(tag) =	ssettag $0x0;
	lr =	simm.s32 $0x1  }
0x2: {  	[smem:$0x3F9A] =	sst lr;
	_ =	strace $0xD0000000  }
0x3: {  	_ = 	snop  }
0x4: {  	_ = 	snop  }
0x5: {  	_ = 	snop  }
0x6: {  	_ = 	snop  }
0x7: {  	_ = 	snop  }
__scs_overlays_trampoline_lowered:
0x8: {  	[smem:$0x3FA9] =	sst s0  }
0x9: {  	[smem:$0x3FAA] =	sst s1  }
0xa: {  	[smem:$0x3FAB] =	sst s2  }
0xb: {  	[smem:$0x3FAC] =	sst s3  }
0xc: {  	[smem:$0x3FAD] =	sst s4  }
0xd: {  	[smem:$0x3FAE] =	sst s5  }
0xe: {  	[smem:$0x3FAF] =	sst s6  }
0xf: {  	[smem:$0x3FB0] =	sst s7  }
0x10: {  	[smem:$0x3FB1] =	sst s8  }
0x11: {  	[smem:$0x3FB2] =	sst s9;
	s0 =	simm.s32 @!p0 $0x0  }
0x12: {  	s1 =	sld [smem:$0x3F98];
	s0 =	simm.s32 @p0 $0x1  }
0x13: {  	[smem:$0x3FB3] =	sst s0;
	s0 =	simm.s32 @!p1 $0x0  }
0x14: {  	s2 =	sld [smem:$0x3F97];
	s0 =	simm.s32 @p1 $0x1  }
0x15: {  	[smem:$0x3FB4] =	sst s0;
	s0 =	simm.s32 @!p2 $0x0  }
0x16: {  	s3 =	sld [smem:$0x3FDB];
	s0 =	simm.s32 @p2 $0x1  }
0x17: {  	s4 =	simm.s32 $0x1BF5;
	[smem:$0x3FB6] =	sst s0  }
0x18: {  	s0 =	sld [smem:$0x3F99];
	_ =	swait.ge [sflag:s4], $0x0  }
0x19: {  	s7 =	sld [smem:$0x3F9A]  }
0x1a: {  	s8 =	sadd.s32 $0xFFFFE003, lr  }
0x1b: {  	s9 =	sadd.s32 $0xFFFFFEF7, lr;
	s5 =	simm.s32 $0xFFFFFFFF;
	p2 =	slt.u32 s8, $0xFFFFF086  }
0x1c: {  	p1 =	slt.u32 s9, $0xF7A;
	s5 =	simm.s32 @!p2 $0x0  }
0x1d: {  	s5 =	simm.s32 @p1 $0x1;
	p0 =	seq.s32 s7, s2  }
0x1e: {  	s7 =	smul.u32 @!p0 $0xF7A, s2;
	p2 =	seq.s32 @!p0 s5, $0x0  }
0x1f: {  	s9 =	smul.u32 $0xF7A, s1;
	s8 =	simm.s32 @!p0 $0x1BF5;
	p2 =	por !p2, p0  }
0x20: {  	[sflag:s8] =	ssyncset.s32 @!p0 $0xFFFFF086;
	s6 =	sadd.s32 @!p0 s3, s7;
	s7 =	simm.s32 @!p0 $0x108  }
0x21: {  	s3 =	sadd.s32 s3, s9;
	s6 =	sadd.s32 @!p0 $0x88, s6;
	s7 =	simm.s32 @p2 $0x1082  }
0x22: {  	[simem:s7], [sflag:s8] =	dma.local @!p0 [hbm:s6], $0xF7A  }
0x23: {  	s9 =	sor.u32 $0xD0000000, s2;
	s6 =	simm.s32 $0x108;
	_ =	swait.ge @!p0 [sflag:s8], $0x0  }
0x24: {  	s3 =	sadd.s32 $0x88, s3;
	s6 =	simm.s32 @!p1 $0x1082;
	[sflag:s4] =	ssyncset.s32 $0xFFFFF086  }
0x25: {  	[simem:s6], [sflag:s4] =	dma.local [hbm:s3], $0xF7A  }
0x26: {  	[smem:$0x3F9A] =	sst s1;
	(tag) =	ssettag s2;
	_ =	strace s9  }
0x27: {  	s1 =	sld [smem:$0x3FAA]  }
0x28: {  	s2 =	sld [smem:$0x3FAB]  }
0x29: {  	s4 =	sld [smem:$0x3FAD]  }
0x2a: {  	p0 =	seq.s32 s5, $0x0;
	s5 =	sld [smem:$0x3FAE]  }
0x2b: {  	s6 =	sld [smem:$0x3FAF]  }
0x2c: {  	s7 =	sld [smem:$0x3FB0]  }
0x2d: {  	s3 =	simm.s32 $0x108;
	s8 =	sld [smem:$0x3FB1]  }
0x2e: {  	s3 =	simm.s32 @!p0 $0x1082;
	s9 =	sld [smem:$0x3FB2]  }
0x2f: {  	lr =	sadd.s32 s0, s3;
	s0 =	sld [smem:$0x3FA9]  }
0x30: {  	s3 =	sld [smem:$0x3FAC]  }
0x31: {  	[smem:$0x3FB5] =	sst s10  }
0x32: {  	s10 =	sld [smem:$0x3FB3];
	_ =	sdelay $0x3  }
0x33: {  	p0 =	seq.s32 s10, $0x1;
	s10 =	sld [smem:$0x3FB5];
	_ =	sdelay $0x3  }
0x34: {  	[smem:$0x3FB5] =	sst s10  }
0x35: {  	s10 =	sld [smem:$0x3FB4];
	_ =	sdelay $0x3  }
0x36: {  	p1 =	seq.s32 s10, $0x1;
	s10 =	sld [smem:$0x3FB5];
	_ =	sdelay $0x3  }
0x37: {  	[smem:$0x3FB5] =	sst s10  }
0x38: {  	s10 =	sld [smem:$0x3FB6]  }
0x39: {  	_ = 	snop;
	(pc) =	sbr.ind lr, $3  }
0x3a: {  	_ = 	snop  }
0x3b: {  	_ = 	snop  }
0x3c: {  	p2 =	seq.s32 s10, $0x1;
	s10 =	sld [smem:$0x3FB5]  }
0x3d: {  	_ =	shalt  }
0x3e: {  	_ =	shalt  }
0x3f: {  	_ =	shalt  }
0x40: {  	_ =	shalt  }
0x41: {  	_ =	shalt  }
0x42: {  	_ =	shalt  }
0x43: {  	_ =	shalt  }
0x44: {  	_ =	shalt  }
0x45: {  	_ =	shalt  }
0x46: {  	_ =	shalt  }
0x47: {  	_ =	shalt  }
0x48: {  	_ =	shalt  }
0x49: {  	_ =	shalt  }
0x4a: {  	_ =	shalt  }
0x4b: {  	_ =	shalt  }
0x4c: {  	_ =	shalt  }
0x4d: {  	_ =	shalt  }
0x4e: {  	_ =	shalt  }
0x4f: {  	_ =	shalt  }
0x50: {  	_ =	shalt  }
0x51: {  	_ =	shalt  }
0x52: {  	_ =	shalt  }
0x53: {  	_ =	shalt  }
0x54: {  	_ =	shalt  }
0x55: {  	_ =	shalt  }
0x56: {  	_ =	shalt  }
0x57: {  	_ =	shalt  }
0x58: {  	_ =	shalt  }
0x59: {  	_ =	shalt  }
0x5a: {  	_ =	shalt  }
0x5b: {  	_ =	shalt  }
0x5c: {  	_ =	shalt  }
0x5d: {  	_ =	shalt  }
0x5e: {  	_ =	shalt  }
0x5f: {  	_ =	shalt  }
0x60: {  	_ =	shalt  }
0x61: {  	_ =	shalt  }
0x62: {  	_ =	shalt  }
0x63: {  	_ =	shalt  }
0x64: {  	_ =	shalt  }
0x65: {  	_ =	shalt  }
0x66: {  	_ =	shalt  }
0x67: {  	_ =	shalt  }
0x68: {  	_ =	shalt  }
0x69: {  	_ =	shalt  }
0x6a: {  	_ =	shalt  }
0x6b: {  	_ =	shalt  }
0x6c: {  	_ =	shalt  }
0x6d: {  	_ =	shalt  }
0x6e: {  	_ =	shalt  }
0x6f: {  	_ =	shalt  }
0x70: {  	_ =	shalt  }
0x71: {  	_ =	shalt  }
0x72: {  	_ =	shalt  }
0x73: {  	_ =	shalt  }
0x74: {  	_ =	shalt  }
0x75: {  	_ =	shalt  }
0x76: {  	_ =	shalt  }
0x77: {  	_ =	shalt  }
0x78: {  	_ =	shalt  }
0x79: {  	_ =	shalt  }
0x7a: {  	_ =	shalt  }
0x7b: {  	_ =	shalt  }
0x7c: {  	_ =	shalt  }
0x7d: {  	_ =	shalt  }
0x7e: {  	_ =	shalt  }
0x7f: {  	_ =	shalt  }
0x80: {  	_ =	shalt  }
0x81: {  	_ =	shalt  }
0x82: {  	_ =	shalt  }
0x83: {  	_ =	shalt  }
0x84: {  	_ =	shalt  }
0x85: {  	_ =	shalt  }
0x86: {  	_ =	shalt  }
0x87: {  	_ =	shalt  }
.Lfunc_end0:
.L_simem_size_0:
called_computation_lowered:
.L_overlay_start_0:
0x88: {  	s2 =	sld [smem:$0x3FD9]  }
0x89: {  	s3 =	sld [smem:$0x3FFE];
	_ =	sdelay $0x1  }
0x8a: {  	s1 =	srdreg.scid  }
0x8b: {  	s0 =	sand.u32 $0x1, s1  }
0x8c: {  	s17 =	sshll.u32 s0, $0xA;
	s2 =	sadd.s32 s3, s2  }
0x8d: {  	s2 =	sadd.s32 s2, s17  }
0x8e: {  	[smem:$0x3FC1] =	sst s2  }
0x8f: {  	_ = 	snop  }
0x90: {  	s2 =	sld [smem:$0x3FD0];
	(tm) =	ssettm $0x1  }
0x91: {  	s18 =	sld [smem:$0x3FFB];
	_ =	sdelay $0x3  }
0x92: {  	_ =	strace s18  }
0x93: {  	s3 =	sld [smem:$0x3FFC];
	_ =	sdelay $0x3  }
0x94: {  	_ =	strace s3  }
0x95: {  	s3 =	sld [smem:$0x3FFD];
	_ =	sdelay $0x3  }
0x96: {  	_ =	strace s3  }
0x97: {  	_ =	strace $0x8FFFFFFF  }
0x98: {  	s19 =	sld [smem:$0x3FDB];
	_ =	sdelay $0x1  }
0x99: {  	s4 =	simm.s32 $_scs_section_size  }
0x9a: {  	s5 =	simm.s32 $_size__tile_overlayer_lowered;
	s6 =	simm.s32 $_tile_overlayer_lowered  }
0x9b: {  	s22 =	simm.s32 $0x1BFF;
	s21 =	sshll.u32 s6, $0x1;
	s3 =	sadd.s32 s4, s19  }
0x9c: {  	s7 =	simm.s32 $0x0;
	s20 =	sshll.u32 s5, $0x1;
	s5 =	sadd.s32 s21, s3  }
0x9d: {  	[timem:s7], [sflag:s22] =	dma.local [hbm:s5], s20  }
0x9e: {  	_ =	swait.ge [sflag:s22], s20  }
0x9f: {  	s4 =	ssub.s32 $0x0, s20;
	[sflag:s22] =	ssyncset.done $0x0  }
0xa0: {  	[sflag:s22] =	ssyncadd.s32 s4;
	_ =	sdelay $0x1  }
0xa1: {  	s23 =	simm.s32 $0x1B8B  }
0xa2: {  	_ =	swait.ge [sflag:s23], $0x1  }
0xa3: {  	[sflag:s23] =	ssyncset.done $0x0  }
0xa4: {  	s25 =	simm.s32 $0x1B8E;
	s24 =	sld [smem:$0x3FFE];
	[sflag:s23] =	ssyncadd.s32 $0xFFFFFFFF  }
0xa5: {  	s26 =	simm.s32 $execute0_lowered;
	[smem:$0x3FD2] =	sst s25  }
0xa6: {  	s5 =	sshll.u32 s26, $0x1;
	_ =	strace $0x80000046;
	[dreg:$0x1] =	wrdreg $0xFFFFFFFF  }
0xa7: {  	s28 =	simm.s32 $_size_execute0_lowered;
	s3 =	sadd.s32 s3, s5;
	[dreg:$0x0] =	wrdreg $0x0  }
0xa8: {  	s5 =	sshll.u32 s28, $0x1;
	[dreg:$0x2] =	wrdreg s3  }
0xa9: {  	[dreg:$0x3] =	wrdreg s5  }
0xaa: {  	[dreg:$0x4] =	wrdreg $0xC0  }
0xab: {  	_ =	task [dreg:s7], $0x5FFFF  }
0xac: {  	[dreg:$0x1] =	wrdreg $0xFFFFFFFF  }
0xad: {  	[dreg:$0x0] =	wrdreg $0x60  }
0xae: {  	[dreg:$0x2] =	wrdreg s24  }
0xaf: {  	[dreg:$0x3] =	wrdreg s2  }
0xb0: {  	[dreg:$0x4] =	wrdreg $0x9  }
0xb1: {  	_ =	task.clear_ibuf [dreg:s7], $0x5FFFF;
	_ =	strace $0x90000046  }
0xb2: {  	s29 =	simm.s32 $0x9;
	_ =	strace $0x80000048  }
0xb3: {  	_ =	swait.ge [sflag:s29], $0x1  }
0xb4: {  	[sflag:s29] =	ssyncadd.s32 $0xFFFFFFFF  }
0xb5: {  	_ =	strace $0x90000048  }
0xb6: {  	_ =	sfence  }
0xb7: {  	s30 =	sld [smem:$0x0];
	_ =	sdelay $0x2  }
0xb8: {  	s31 =	sshll.u32 s1, $0xD;
	s1 =	sshrl.u32 s1, $0x2  }
0xb9: {  	s3 =	sand.u32 $0x4000, s31;
	s1 =	sadd.s32 s1, s30  }
0xba: {  	s0 =	sor.u32 s3, s0;
	s1 =	sshll.u32 s1, $0x11  }
0xbb: {  	s0 =	sor.u32 s1, s0  }
0xbc: {  	s0 =	sadd.s32 $0x8F2B, s0  }
0xbd: {  	[sflag:s0] =	ssyncadd.remote.s32 $0x1  }
0xbe: {  	_ =	sfence.sel $0xFFFF  }
0xbf: {  	[dreg:$0x0] =	wrdreg $0xFFFFFFFF;
	(pc) =	sbr.abs _section_cstart, $3  }
0xc0: {  	[dreg:$0x1] =	wrdreg $0xFFFFFFFF  }
0xc1: {  	_ =	task.clear_ibuf [dreg:s7], $0x2FFFF;
	_ =	strace $0x9FFFFFFF  }
0xc2: {  	(tm) =	ssettm $0x7FFFFFFF  }
0xc3: {  	_ =	shalt  }
tec
execute0_lowered:
.L_overlay_start_1:
0x0: {  	(tag) =	ssettag $0x1  }
0x1: {  	s0 =	srdreg.scid  }
0x2: {  	s1 =	rddreg [dreg:$0x0];
	s3 =	stileid.u32;
	s0 =	sand.u32 $0x1, s0  }
0x3: {  	s2 =	rddreg [dreg:$0x1];
	s3 =	sshll.u32 s3, $0xA;
	s4 =	sshll.u32 s0, $0x9  }
0x4: {  	s6 =	simm.s32 $0x0;
	s0 =	ssub.s32 $0x2, s0;
	s5 =	sor.u32 s4, s3  }
0x5: {  	[smem:$0x7FF] =	sst s6;
	s9 =	sshrl.u32 s0, $0x1;
	s8 =	smul.u32 $0x1C0, s5  }
0x6: {  	_ =	strace $0x80000047;
	s3 =	sshrl.u32 s5, $0x3;
	s0 =	ssub.s32 s0, s9  }
0x7: {  	s10 =	sadd.s32 s3, s1;
	s0 =	smax.u32 s0, $0x1;
	s11 =	sshrl.u32 s8, $0x3  }
0x8: {  	s30 =	sadd.s32 $0x41000, s10;
	[dreg:$0x12] =	wrdreg s0;
	s9 =	sadd.s32 s2, s11  }
0x9: {  	[dreg:$0x3] =	wrdreg s30;
	s31 =	sadd.s32 $0x8, s9  }
0xa: {  	s2 =	sadd.s32 $0x10, s9;
	[dreg:$0x4] =	wrdreg s31  }
0xb: {  	s10 =	sadd.s32 $0x18, s9;
	[dreg:$0x5] =	wrdreg s2  }
0xc: {  	s11 =	sadd.s32 $0x20, s9;
	[dreg:$0x6] =	wrdreg s10  }
0xd: {  	s12 =	sadd.s32 $0x28, s9;
	[dreg:$0x7] =	wrdreg s11  }
0xe: {  	s13 =	sadd.s32 $0x30, s9;
	[dreg:$0x8] =	wrdreg s12  }
0xf: {  	s14 =	sadd.s32 $0x1C00, s9;
	[dreg:$0x9] =	wrdreg s13  }
0x10: {  	s15 =	sadd.s32 $0x1C08, s9;
	[dreg:$0xa] =	wrdreg s14  }
0x11: {  	s16 =	sadd.s32 $0x1C10, s9;
	[dreg:$0xb] =	wrdreg s15  }
0x12: {  	s17 =	sadd.s32 $0x1C18, s9;
	[dreg:$0xc] =	wrdreg s16  }
0x13: {  	s18 =	sadd.s32 $0x1C20, s9;
	[dreg:$0xd] =	wrdreg s17  }
0x14: {  	s19 =	sadd.s32 $0x1C28, s9;
	[dreg:$0xe] =	wrdreg s18  }
0x15: {  	s28 =	simm.s32 $0x2;
	s20 =	sadd.s32 $0x1C30, s9;
	[dreg:$0xf] =	wrdreg s19  }
0x16: {  	s29 =	simm.s32 $0x0;
	s21 =	sadd.s32 $0x3800, s9;
	[dreg:$0x10] =	wrdreg s20  }
0x17: {  	s6 =	sadd.s32 $0x5D000, s1;
	s22 =	sadd.s32 $0x3808, s9;
	[dreg:$0x11] =	wrdreg s21  }
0x18: {  	s7 =	sadd.s32 $0x1000, s1;
	s23 =	sadd.s32 $0x3810, s9;
	[dreg:$0x13] =	wrdreg s22  }
0x19: {  	s4 =	sadd.s32 $0x66000, s1;
	s24 =	sadd.s32 $0x3818, s9;
	[dreg:$0x14] =	wrdreg s23  }
0x1a: {  	s5 =	sadd.s32 $0x65000, s1;
	s25 =	sadd.s32 $0x3820, s9;
	[dreg:$0x15] =	wrdreg s24  }
0x1b: {  	s3 =	sadd.s32 $0x66200, s1;
	s26 =	sadd.s32 $0x3828, s9;
	[dreg:$0x16] =	wrdreg s25  }
0x1c: {  	s8 =	sadd.s32 $0x401000, s1;
	s30 =	sadd.s32 $0x3830, s9;
	[dreg:$0x17] =	wrdreg s26  }
0x1d: {  	[dreg:$0x18] =	wrdreg s30;
	s31 =	sadd.s32 $0x5400, s9;
	s2 =	sadd.s32 $0x5408, s9  }
0x1e: {  	s10 =	sadd.s32 $0x5410, s9;
	s11 =	sadd.s32 $0x5418, s9;
	s12 =	sadd.s32 $0x5420, s9  }
0x1f: {  	s13 =	sadd.s32 $0x5428, s9;
	s14 =	sadd.s32 $0x5430, s9;
	s15 =	simm.s32 $0x3  }
0x20: {  	s16 =	simm.s32 $0x80;
	s17 =	simm.s32 $0x6C00;
	s18 =	simm.s32 $0x8C00  }
0x21: {  	s19 =	simm.s32 $0xAC00;
	s20 =	simm.s32 $0xCC00;
	s21 =	simm.s32 $0xEC00  }
0x22: {  	s22 =	simm.s32 $0x10C00;
	s23 =	simm.s32 $0x1;
	s24 =	simm.s32 $0x40  }
0x23: {  	v0 =	vimm.f32 $0.0e+00;
	v1 =	vimm.s32 $0x0;
	s25 =	simm.s32 $0x1C0;
	s26 =	simm.s32 $0x12C00;
	[dreg:$0x19] =	wrdreg s31  }
.LBB2_1:
0x24: {  	s1 =	simm.s32 $0x0  }
0x25: {  	s30 =	rddreg [dreg:$0x3];
	s31 =	simm.s32 $0x200;
	s0 =	simm.s32 $0x4000  }
0x26: {  	[tilespmem:s1], [sflag:$0x3] =	stream.strided.gather [hbm4b:s30+s31], $0x6000, s0, s31, $0x38;
	[tilespmem:$0x14C00] =	vst v63  }
0x27: {  	_ =	swait.ge [sflag:s15], $0x6000  }
0x28: {  	[sflag:s15] =	ssyncset.done $0x0  }
0x29: {  	s30 =	simm.s32 $0x0;
	[sflag:s15] =	ssyncadd.s32 $0xFFFFA000  }
.LBB2_2:
0x2a: {  	p0 =	sne.s32 s30, $0x7F00  }
.Ltmp0:
0x2b: {  	s31 =	sshra.s32 s30, $0x2;
	(pc) =	sbr.rel @p0 .LBB2_2-.Ltmp0, $4  }
0x2c: {  	[tilespmem:s31+$0x12C00] =	vst v0  }
0x2d: {  	[tilespmem:s31+$0x12C10] =	vst v0  }
0x2e: {  	[tilespmem:s31+$0x12C20] =	vst v0  }
0x2f: {  	s30 =	sadd.s32 $0x100, s30;
	[tilespmem:s31+$0x12C30] =	vst v0  }
0x30: {  	s30 =	simm.s32 $0x0  }
0x31: {  	v2 =	vld [tilespmem:s30+$0x5000]  }
0x32: {  	v3 =	vld [tilespmem:s30+$0x5200]  }
0x33: {  	v4 =	vld [tilespmem:s30+$0x4000]  }
0x34: {  	v5 =	vld [tilespmem:s30+$0x4200]  }
0x35: {  	v6 =	vld [tilespmem:s30+$0x3000]  }
0x36: {  	v7 =	vld [tilespmem:s30+$0x3200]  }
0x37: {  	v8 =	vld [tilespmem:s30+$0x2000]  }
0x38: {  	v9 =	vld [tilespmem:s30+$0x2200]  }
0x39: {  	v10 =	vld [tilespmem:s30+$0x0]  }
0x3a: {  	v11 =	vld [tilespmem:s30+$0x200]  }
0x3b: {  	v12 =	vld [tilespmem:s30+$0x1000]  }
0x3c: {  	v13 =	vld [tilespmem:s30+$0x1200]  }
0x3d: {  	v14 =	vld [tilespmem:s30+$0x5400]  }
0x3e: {  	v15 =	vld [tilespmem:s30+$0x4400]  }
0x3f: {  	v16 =	vld [tilespmem:s30+$0x3400];
	vm0 =	vgt.f32 v5, v4;
	vm1 =	vgt.f32 v3, v2  }
0x40: {  	v17 =	vld [tilespmem:s30+$0x2400];
	vm2 =	vgt.f32 v11, v10;
	vm3 =	vgt.f32 v9, v8;
	vm4 =	vgt.f32 v7, v6  }
0x41: {  	v18 =	vld [tilespmem:s30+$0x400];
	vm5 =	vgt.f32 v13, v12;
	v19 =	vsel vm0, $0x1000, v1;
	v20 =	vsel vm1, $0x8000, v1  }
0x42: {  	v22 =	vld [tilespmem:s30+$0x1400];
	v21 =	vsel vm2, $0x1, v1;
	v23 =	vsel vm3, $0x40, v1;
	v24 =	vsel vm4, $0x200, v1  }
0x43: {  	v26 =	vld [tilespmem:s30+$0x3600];
	v25 =	vsel vm5, $0x8, v1;
	v4 =	vsel vm0, v5, v4;
	v2 =	vsel vm1, v3, v2  }
0x44: {  	v27 =	vld [tilespmem:s30+$0x2600];
	v5 =	vsel vm2, v11, v10;
	v8 =	vsel vm3, v9, v8;
	v6 =	vsel vm4, v7, v6  }
0x45: {  	v28 =	vld [tilespmem:s30+$0x600];
	v9 =	vsel vm5, v13, v12;
	vm0 =	vgt.f32 v15, v4;
	vm1 =	vgt.f32 v14, v2  }
0x46: {  	v29 =	vld [tilespmem:s30+$0x1600];
	vm2 =	vgt.f32 v18, v5;
	vm3 =	vgt.f32 v17, v8;
	vm4 =	vgt.f32 v16, v6  }
0x47: {  	v3 =	vld [tilespmem:s30+$0x5600];
	vm5 =	vgt.f32 v22, v9;
	v10 =	vsel vm0, $0x2000, v19;
	v11 =	vsel vm1, $0x10000, v20  }
0x48: {  	v7 =	vld [tilespmem:s30+$0x4600];
	v12 =	vsel vm2, $0x2, v21;
	v13 =	vsel vm3, $0x80, v23;
	v21 =	vsel vm4, $0x400, v24  }
0x49: {  	v23 =	vsel vm5, $0x10, v25;
	v15 =	vsel vm0, v15, v4;
	v14 =	vsel vm1, v14, v2;
	v4 =	vld [tilespmem:s30+$0x5800]  }
0x4a: {  	v62 =	vsel vm2, v18, v5;
	v17 =	vsel vm3, v17, v8;
	v16 =	vsel vm4, v16, v6;
	v6 =	vld [tilespmem:s30+$0x4800]  }
0x4b: {  	v63 =	vsel vm5, v22, v9;
	v2 =	vld [tilespmem:s30+$0x3800];
	vm2 =	vgt.f32 v28, v62;
	vm3 =	vgt.f32 v27, v17  }
0x4c: {  	v8 =	vld [tilespmem:s30+$0x2800];
	vm4 =	vgt.f32 v26, v16;
	vm5 =	vgt.f32 v29, v63;
	v20 =	vsel vm3, $0xC0, v13  }
0x4d: {  	v9 =	vld [tilespmem:s30+$0x800];
	v21 =	vsel vm4, $0x600, v21;
	vm0 =	vgt.f32 v7, v15;
	vm1 =	vgt.f32 v3, v14  }
0x4e: {  	v16 =	vsel vm4, v26, v16;
	v18 =	vsel vm0, $0x3000, v10;
	v19 =	vsel vm1, $0x18000, v11;
	v10 =	vld [tilespmem:s30+$0x1800]  }
0x4f: {  	v5 =	vld [tilespmem:s30+$0x5A00];
	v11 =	vsel vm2, $0x3, v12;
	v12 =	vsel vm5, $0x18, v23;
	v13 =	vsel vm0, v7, v15  }
0x50: {  	v22 =	vsel vm1, v3, v14;
	v14 =	vsel vm2, v28, v62;
	v15 =	vsel vm3, v27, v17;
	v7 =	vld [tilespmem:s30+$0x4A00]  }
0x51: {  	s31 =	simm.s32 $0x40;
	v17 =	vsel vm5, v29, v63;
	v3 =	vld [tilespmem:s30+$0x3A00];
	vm0 =	vgt.f32 v6, v13;
	vm1 =	vgt.f32 v4, v22  }
.LBB2_4:
0x52: {  	p0 =	sne.s32 s31, $0x1C0;
	vm2 =	vgt.f32 v9, v14;
	vm3 =	vgt.f32 v8, v15;
	v23 =	vld [tilespmem:s30+$0x2A00];
	vm4 =	vgt.f32 v2, v16  }
0x53: {  	v18 =	vsel vm0, $0x4000, v18;
	v19 =	vsel vm1, $0x20000, v19;
	v24 =	vld [tilespmem:s30+$0xA00];
	vm5 =	vgt.f32 v10, v17  }
0x54: {  	v4 =	vsel vm1, v4, v22;
	v20 =	vsel vm3, $0x100, v20;
	v21 =	vsel vm4, $0x800, v21;
	v25 =	vld [tilespmem:s30+$0x1A00]  }
0x55: {  	v6 =	vsel vm0, v6, v13;
	v11 =	vsel vm2, $0x4, v11;
	v12 =	vsel vm5, $0x20, v12;
	v13 =	vld [tilespmem:s30+$0x5C00]  }
0x56: {  	v9 =	vsel vm2, v9, v14;
	v8 =	vsel vm3, v8, v15;
	v2 =	vsel vm4, v2, v16;
	v14 =	vld [tilespmem:s30+$0x4C00]  }
0x57: {  	v10 =	vsel vm5, v10, v17;
	vm1 =	vgt.f32 v5, v4;
	vm0 =	vgt.f32 v7, v6;
	v15 =	vld [tilespmem:s30+$0x3C00]  }
0x58: {  	vm4 =	vgt.f32 v3, v2;
	vm3 =	vgt.f32 v23, v8;
	vm2 =	vgt.f32 v24, v9;
	v16 =	vld [tilespmem:s30+$0x2C00]  }
0x59: {  	v19 =	vsel vm1, $0x28000, v19;
	v18 =	vsel vm0, $0x5000, v18;
	v17 =	vld [tilespmem:s30+$0xC00];
	vm5 =	vgt.f32 v25, v10  }
0x5a: {  	v4 =	vsel vm1, v5, v4;
	v21 =	vsel vm4, $0xA00, v21;
	v20 =	vsel vm3, $0x140, v20;
	v22 =	vld [tilespmem:s30+$0x1C00]  }
0x5b: {  	v6 =	vsel vm0, v7, v6;
	v5 =	vsel vm2, $0x5, v11;
	v11 =	vsel vm5, $0x28, v12;
	v7 =	vld [tilespmem:s30+$0x5E00]  }
0x5c: {  	v2 =	vsel vm4, v3, v2;
	v8 =	vsel vm3, v23, v8;
	v9 =	vsel vm2, v24, v9;
	v3 =	vld [tilespmem:s30+$0x4E00]  }
0x5d: {  	v10 =	vsel vm5, v25, v10;
	vm1 =	vgt.f32 v13, v4;
	vm0 =	vgt.f32 v14, v6;
	v12 =	vld [tilespmem:s30+$0xE00]  }
0x5e: {  	vm4 =	vgt.f32 v15, v2;
	vm3 =	vgt.f32 v16, v8;
	vm2 =	vgt.f32 v17, v9;
	v23 =	vld [tilespmem:s30+$0x1E00]  }
0x5f: {  	v19 =	vsel vm1, $0x30000, v19;
	v18 =	vsel vm0, $0x6000, v18;
	vm5 =	vgt.f32 v22, v10;
	v24 =	vld [tilespmem:s30+$0x2E00]  }
0x60: {  	s1 =	sshra.s32 s31, $0x2;
	v4 =	vsel vm1, v13, v4;
	v6 =	vsel vm0, v14, v6;
	v21 =	vsel vm4, $0xC00, v21;
	v25 =	vld [tilespmem:s30+$0x3E00]  }
0x61: {  	v2 =	vsel vm4, v15, v2;
	v14 =	vsel vm3, $0x180, v20;
	v5 =	vsel vm2, $0x6, v5;
	v13 =	vld [tilespmem:s1+$0x5000]  }
0x62: {  	v9 =	vsel vm2, v17, v9;
	v10 =	vsel vm5, v22, v10;
	v11 =	vsel vm5, $0x30, v11;
	v15 =	vld [tilespmem:s1+$0x5200]  }
0x63: {  	v8 =	vsel vm3, v16, v8;
	vm0 =	vgt.f32 v12, v9;
	v17 =	vld [tilespmem:s1+$0x4000];
	vm1 =	vgt.f32 v23, v10  }
0x64: {  	v5 =	vsel vm0, $0x7, v5;
	v9 =	vld [tilespmem:s1+$0x4200];
	v10 =	vsel vm1, $0x38, v11;
	vm0 =	vgt.f32 v24, v8  }
0x65: {  	v8 =	vld [tilespmem:s1+$0x3000];
	[tilespmem:s30+$0x6000] =	vst v5;
	v5 =	vadd.s32 v5, v10;
	v10 =	vsel vm0, $0x1C0, v14;
	vm0 =	vgt.f32 v25, v2  }
0x66: {  	v2 =	vld [tilespmem:s1+$0x3200];
	[tilespmem:s30+$0x6200] =	vst v5;
	v5 =	vadd.s32 v5, v10;
	v10 =	vsel vm0, $0xE00, v21;
	vm0 =	vgt.f32 v3, v6  }
0x67: {  	v3 =	vld [tilespmem:s1+$0x2000];
	[tilespmem:s30+$0x6400] =	vst v5;
	v5 =	vadd.s32 v5, v10;
	v6 =	vsel vm0, $0x7000, v18;
	vm0 =	vgt.f32 v7, v4  }
0x68: {  	v4 =	vld [tilespmem:s1+$0x2200];
	[tilespmem:s30+$0x6600] =	vst v5;
	v5 =	vadd.s32 v5, v6;
	v6 =	vsel vm0, $0x38000, v19  }
0x69: {  	v7 =	vld [tilespmem:s1+$0x0];
	[tilespmem:s30+$0x6800] =	vst v5;
	v5 =	vadd.s32 v5, v6  }
0x6a: {  	v6 =	vld [tilespmem:s1+$0x200];
	[tilespmem:s30+$0x6A00] =	vst v5;
	s30 =	smov.u32 s1  }
0x6b: {  	v5 =	vld [tilespmem:s30+$0x1000]  }
0x6c: {  	v10 =	vld [tilespmem:s30+$0x1200]  }
0x6d: {  	v11 =	vld [tilespmem:s30+$0x5400]  }
0x6e: {  	v12 =	vld [tilespmem:s30+$0x4400]  }
0x6f: {  	vm1 =	vgt.f32 v15, v13;
	vm0 =	vgt.f32 v9, v17;
	v14 =	vld [tilespmem:s30+$0x3400]  }
0x70: {  	vm4 =	vgt.f32 v2, v8;
	vm3 =	vgt.f32 v4, v3;
	vm2 =	vgt.f32 v6, v7;
	v16 =	vld [tilespmem:s30+$0x2400]  }
0x71: {  	v20 =	vsel vm1, $0x8000, v1;
	v19 =	vsel vm0, $0x1000, v1;
	v18 =	vld [tilespmem:s30+$0x400];
	vm5 =	vgt.f32 v10, v5  }
0x72: {  	v24 =	vsel vm4, $0x200, v1;
	v23 =	vsel vm3, $0x40, v1;
	v21 =	vsel vm2, $0x1, v1;
	v22 =	vld [tilespmem:s30+$0x1400]  }
0x73: {  	v13 =	vsel vm1, v15, v13;
	v9 =	vsel vm0, v9, v17;
	v25 =	vsel vm5, $0x8, v1;
	v15 =	vld [tilespmem:s30+$0x5600]  }
0x74: {  	v2 =	vsel vm4, v2, v8;
	v3 =	vsel vm3, v4, v3;
	v6 =	vsel vm2, v6, v7;
	v7 =	vld [tilespmem:s30+$0x4600]  }
0x75: {  	v5 =	vsel vm5, v10, v5;
	vm1 =	vgt.f32 v11, v13;
	vm0 =	vgt.f32 v12, v9;
	v17 =	vld [tilespmem:s30+$0x3600]  }
0x76: {  	vm4 =	vgt.f32 v14, v2;
	vm3 =	vgt.f32 v16, v3;
	vm2 =	vgt.f32 v18, v6;
	v26 =	vld [tilespmem:s30+$0x2600]  }
0x77: {  	v10 =	vsel vm0, $0x2000, v19;
	v19 =	vsel vm1, $0x10000, v20;
	v27 =	vld [tilespmem:s30+$0x600];
	vm5 =	vgt.f32 v22, v5  }
0x78: {  	v20 =	vsel vm2, $0x2, v21;
	v21 =	vsel vm3, $0x80, v23;
	v23 =	vsel vm4, $0x400, v24;
	v28 =	vld [tilespmem:s30+$0x1600]  }
0x79: {  	v29 =	vsel vm1, v11, v13;
	v24 =	vsel vm5, $0x10, v25;
	v25 =	vsel vm0, v12, v9;
	v4 =	vld [tilespmem:s30+$0x5800]  }
0x7a: {  	v3 =	vsel vm3, v16, v3;
	v16 =	vsel vm4, v14, v2;
	v30 =	vsel vm2, v18, v6;
	v6 =	vld [tilespmem:s30+$0x4800]  }
0x7b: {  	v31 =	vsel vm5, v22, v5;
	vm1 =	vgt.f32 v15, v29;
	vm0 =	vgt.f32 v7, v25;
	v2 =	vld [tilespmem:s30+$0x3800]  }
0x7c: {  	vm4 =	vgt.f32 v17, v16;
	vm3 =	vgt.f32 v26, v3;
	vm2 =	vgt.f32 v27, v30;
	v8 =	vld [tilespmem:s30+$0x2800]  }
.Ltmp1:
0x7d: {  	v19 =	vsel vm1, $0x18000, v19;
	v18 =	vsel vm0, $0x3000, v10;
	v9 =	vld [tilespmem:s30+$0x800];
	vm5 =	vgt.f32 v28, v31;
	(pc) =	sbr.rel @p0 .LBB2_4-.Ltmp1, $4  }
0x7e: {  	v11 =	vsel vm2, $0x3, v20;
	v20 =	vsel vm3, $0xC0, v21;
	v21 =	vsel vm4, $0x600, v23;
	v10 =	vld [tilespmem:s30+$0x1800]  }
0x7f: {  	v22 =	vsel vm1, v15, v29;
	v13 =	vsel vm0, v7, v25;
	v12 =	vsel vm5, $0x18, v24;
	v5 =	vld [tilespmem:s30+$0x5A00]  }
0x80: {  	v16 =	vsel vm4, v17, v16;
	v15 =	vsel vm3, v26, v3;
	v14 =	vsel vm2, v27, v30;
	v7 =	vld [tilespmem:s30+$0x4A00]  }
0x81: {  	s31 =	sadd.s32 $0x40, s31;
	v17 =	vsel vm5, v28, v31;
	vm1 =	vgt.f32 v4, v22;
	vm0 =	vgt.f32 v6, v13;
	v3 =	vld [tilespmem:s30+$0x3A00]  }
0x82: {  	vm2 =	vgt.f32 v9, v14;
	vm3 =	vgt.f32 v8, v15;
	v23 =	vld [tilespmem:s30+$0x2A00];
	vm4 =	vgt.f32 v2, v16  }
0x83: {  	v24 =	vld [tilespmem:s30+$0xA00];
	v18 =	vsel vm0, $0x4000, v18;
	v19 =	vsel vm1, $0x20000, v19;
	v4 =	vsel vm1, v4, v22  }
0x84: {  	v25 =	vld [tilespmem:s30+$0x1A00];
	v6 =	vsel vm0, v6, v13;
	vm5 =	vgt.f32 v10, v17;
	v20 =	vsel vm3, $0x100, v20  }
0x85: {  	v13 =	vld [tilespmem:s30+$0x5C00];
	v21 =	vsel vm4, $0x800, v21;
	v11 =	vsel vm2, $0x4, v11;
	v9 =	vsel vm2, v9, v14  }
0x86: {  	v22 =	vld [tilespmem:s30+$0x1C00];
	v8 =	vsel vm3, v8, v15;
	v2 =	vsel vm4, v2, v16;
	v12 =	vsel vm5, $0x20, v12  }
0x87: {  	v14 =	vld [tilespmem:s30+$0x4C00];
	v10 =	vsel vm5, v10, v17;
	vm1 =	vgt.f32 v5, v4;
	vm0 =	vgt.f32 v7, v6  }
0x88: {  	v15 =	vld [tilespmem:s30+$0x3C00];
	v19 =	vsel vm1, $0x28000, v19;
	v4 =	vsel vm1, v5, v4;
	vm4 =	vgt.f32 v3, v2  }
0x89: {  	v16 =	vld [tilespmem:s30+$0x2C00];
	v18 =	vsel vm0, $0x5000, v18;
	v6 =	vsel vm0, v7, v6;
	vm2 =	vgt.f32 v24, v9  }
0x8a: {  	v17 =	vld [tilespmem:s30+$0xC00];
	vm3 =	vgt.f32 v23, v8;
	vm5 =	vgt.f32 v25, v10;
	v21 =	vsel vm4, $0xA00, v21  }
0x8b: {  	v2 =	vsel vm4, v3, v2;
	vm1 =	vgt.f32 v13, v4;
	v20 =	vsel vm3, $0x140, v20  }
0x8c: {  	v5 =	vsel vm2, $0x5, v11;
	v11 =	vsel vm5, $0x28, v12;
	v7 =	vsel vm2, v24, v9  }
0x8d: {  	v3 =	vld [tilespmem:s30+$0xE00];
	v8 =	vsel vm3, v23, v8;
	v9 =	vsel vm5, v25, v10;
	vm0 =	vgt.f32 v14, v6  }
0x8e: {  	v10 =	vld [tilespmem:s30+$0x1E00];
	vm4 =	vgt.f32 v15, v2;
	v19 =	vsel vm1, $0x30000, v19;
	v4 =	vsel vm1, v13, v4  }
0x8f: {  	v12 =	vld [tilespmem:s30+$0x2E00];
	vm2 =	vgt.f32 v17, v7;
	vm3 =	vgt.f32 v16, v8;
	vm5 =	vgt.f32 v22, v9  }
0x90: {  	v23 =	vld [tilespmem:s30+$0x3E00];
	v18 =	vsel vm0, $0x6000, v18;
	v21 =	vsel vm4, $0xC00, v21;
	v6 =	vsel vm0, v14, v6  }
0x91: {  	v13 =	vld [tilespmem:s30+$0x4E00];
	v2 =	vsel vm4, v15, v2;
	v5 =	vsel vm2, $0x6, v5;
	v14 =	vsel vm3, $0x180, v20  }
0x92: {  	v15 =	vld [tilespmem:s30+$0x5E00];
	v7 =	vsel vm2, v17, v7;
	v9 =	vsel vm5, v22, v9;
	v11 =	vsel vm5, $0x30, v11  }
0x93: {  	vm0 =	vgt.f32 v3, v7;
	v3 =	vsel vm3, v16, v8;
	vm1 =	vgt.f32 v10, v9  }
0x94: {  	v5 =	vsel vm0, $0x7, v5;
	vm0 =	vgt.f32 v12, v3;
	v7 =	vsel vm1, $0x38, v11  }
0x95: {  	[tilespmem:s30+$0x6000] =	vst v5;
	v3 =	vadd.s32 v5, v7;
	v5 =	vsel vm0, $0x1C0, v14;
	vm0 =	vgt.f32 v23, v2  }
0x96: {  	[tilespmem:s30+$0x6200] =	vst v3;
	v2 =	vadd.s32 v3, v5;
	v3 =	vsel vm0, $0xE00, v21;
	vm0 =	vgt.f32 v13, v6  }
0x97: {  	[tilespmem:s30+$0x6400] =	vst v2;
	v2 =	vadd.s32 v2, v3;
	v3 =	vsel vm0, $0x7000, v18;
	vm0 =	vgt.f32 v15, v4  }
0x98: {  	[tilespmem:s30+$0x6600] =	vst v2;
	v2 =	vadd.s32 v2, v3;
	v3 =	vsel vm0, $0x38000, v19  }
0x99: {  	[tilespmem:s30+$0x6800] =	vst v2;
	v2 =	vadd.s32 v2, v3  }
0x9a: {  	s0 =	simm.s32 $0x6000;
	[tilespmem:s30+$0x6A00] =	vst v2  }
0x9b: {  	[tilespmem:s17], [sflag:$0x1] =	stream.indirect.gather [hbm4b:s3+s16], $0x40, s0, s16, $0xb8;
	[tilespmem:$0x14C00] =	vst v63  }
0x9c: {  	s1 =	simm.s32 $0x6200  }
0x9d: {  	[tilespmem:s18], [sflag:$0x1] =	stream.indirect.gather [hbm4b:s4+s16], $0x40, s1, s16, $0xb8;
	[tilespmem:$0x14C00] =	vst v63  }
0x9e: {  	s1 =	simm.s32 $0x6400  }
0x9f: {  	[tilespmem:s19], [sflag:$0x1] =	stream.indirect.gather [hbm4b:s5+s16], $0x40, s1, s16, $0xb8;
	[tilespmem:$0x14C00] =	vst v63  }
0xa0: {  	s1 =	simm.s32 $0x6600  }
0xa1: {  	[tilespmem:s20], [sflag:$0x1] =	stream.indirect.gather [hbm4b:s6+s16], $0x40, s1, s16, $0xb8;
	[tilespmem:$0x14C00] =	vst v63  }
0xa2: {  	s1 =	simm.s32 $0x6800  }
0xa3: {  	[tilespmem:s21], [sflag:$0x1] =	stream.indirect.gather [hbm4b:s7+s16], $0x40, s1, s16, $0xb8;
	[tilespmem:$0x14C00] =	vst v63  }
0xa4: {  	s1 =	simm.s32 $0x6A00  }
0xa5: {  	[tilespmem:s22], [sflag:$0x1] =	stream.indirect.gather [hbm4b:s8+s16], $0x40, s1, s16, $0xb8;
	[tilespmem:$0x14C00] =	vst v63  }
0xa6: {  	_ =	swait.ge [sflag:s23], $0x2000  }
0xa7: {  	[sflag:s23] =	ssyncset.done $0x0  }
0xa8: {  	[sflag:s23] =	ssyncadd.s32 $0xFFFFE000  }
0xa9: {  	_ =	swait.ge [sflag:s23], $0x2000  }
0xaa: {  	[sflag:s23] =	ssyncset.done $0x0  }
0xab: {  	[sflag:s23] =	ssyncadd.s32 $0xFFFFE000  }
0xac: {  	_ =	swait.ge [sflag:s23], $0x2000  }
0xad: {  	[sflag:s23] =	ssyncset.done $0x0  }
0xae: {  	[sflag:s23] =	ssyncadd.s32 $0xFFFFE000  }
0xaf: {  	_ =	swait.ge [sflag:s23], $0x2000  }
0xb0: {  	[sflag:s23] =	ssyncset.done $0x0  }
0xb1: {  	[sflag:s23] =	ssyncadd.s32 $0xFFFFE000  }
0xb2: {  	_ =	swait.ge [sflag:s23], $0x2000  }
0xb3: {  	[sflag:s23] =	ssyncset.done $0x0  }
0xb4: {  	[sflag:s23] =	ssyncadd.s32 $0xFFFFE000  }
0xb5: {  	_ =	swait.ge [sflag:s23], $0x2000  }
0xb6: {  	[sflag:s23] =	ssyncset.done $0x0  }
0xb7: {  	[sflag:s23] =	ssyncadd.s32 $0xFFFFE000  }
0xb8: {  	[hbm4b:s9+s24] =	stream.strided.scatter [tilespmem:s26], [sflag:$0x2], $0x2000, s25, s24, $0x38;
	[tilespmem:$0x14C00] =	vst v63  }
0xb9: {  	s1 =	rddreg [dreg:$0x4]  }
0xba: {  	[hbm4b:s1+s24] =	stream.strided.scatter [tilespmem:s17], [sflag:$0x2], $0x2000, s25, s24, $0x38;
	[tilespmem:$0x14C00] =	vst v63  }
0xbb: {  	s0 =	rddreg [dreg:$0x5]  }
0xbc: {  	[hbm4b:s0+s24] =	stream.strided.scatter [tilespmem:s18], [sflag:$0x2], $0x2000, s25, s24, $0x38;
	[tilespmem:$0x14C00] =	vst v63  }
0xbd: {  	s0 =	rddreg [dreg:$0x6]  }
0xbe: {  	[hbm4b:s0+s24] =	stream.strided.scatter [tilespmem:s19], [sflag:$0x2], $0x2000, s25, s24, $0x38;
	[tilespmem:$0x14C00] =	vst v63  }
0xbf: {  	s0 =	rddreg [dreg:$0x7]  }
0xc0: {  	[hbm4b:s0+s24] =	stream.strided.scatter [tilespmem:s20], [sflag:$0x2], $0x2000, s25, s24, $0x38;
	[tilespmem:$0x14C00] =	vst v63  }
0xc1: {  	s0 =	rddreg [dreg:$0x8]  }
0xc2: {  	[hbm4b:s0+s24] =	stream.strided.scatter [tilespmem:s21], [sflag:$0x2], $0x2000, s25, s24, $0x38;
	[tilespmem:$0x14C00] =	vst v63  }
0xc3: {  	s0 =	rddreg [dreg:$0x9]  }
0xc4: {  	[hbm4b:s0+s24] =	stream.strided.scatter [tilespmem:s22], [sflag:$0x2], $0x2000, s25, s24, $0x38;
	[tilespmem:$0x14C00] =	vst v63  }
0xc5: {  	_ =	swait.ge [sflag:s28], $0x2000  }
0xc6: {  	[sflag:s28] =	ssyncset.done $0x0  }
0xc7: {  	[sflag:s28] =	ssyncadd.s32 $0xFFFFE000  }
0xc8: {  	_ =	swait.ge [sflag:s28], $0x2000  }
0xc9: {  	[sflag:s28] =	ssyncset.done $0x0  }
0xca: {  	[sflag:s28] =	ssyncadd.s32 $0xFFFFE000  }
0xcb: {  	_ =	swait.ge [sflag:s28], $0x2000  }
0xcc: {  	[sflag:s28] =	ssyncset.done $0x0  }
0xcd: {  	[sflag:s28] =	ssyncadd.s32 $0xFFFFE000  }
0xce: {  	_ =	swait.ge [sflag:s28], $0x2000  }
0xcf: {  	[sflag:s28] =	ssyncset.done $0x0  }
0xd0: {  	[sflag:s28] =	ssyncadd.s32 $0xFFFFE000  }
0xd1: {  	_ =	swait.ge [sflag:s28], $0x2000  }
0xd2: {  	[sflag:s28] =	ssyncset.done $0x0  }
0xd3: {  	[sflag:s28] =	ssyncadd.s32 $0xFFFFE000  }
0xd4: {  	_ =	swait.ge [sflag:s28], $0x2000  }
0xd5: {  	[sflag:s28] =	ssyncset.done $0x0  }
0xd6: {  	[sflag:s28] =	ssyncadd.s32 $0xFFFFE000  }
0xd7: {  	_ =	swait.ge [sflag:s28], $0x2000  }
0xd8: {  	[sflag:s28] =	ssyncset.done $0x0  }
0xd9: {  	s30 =	simm.s32 $0x0;
	[sflag:s28] =	ssyncadd.s32 $0xFFFFE000  }
0xda: {  	v2 =	vld [tilespmem:s30+$0x5080]  }
0xdb: {  	v3 =	vld [tilespmem:s30+$0x5280]  }
0xdc: {  	v4 =	vld [tilespmem:s30+$0x4080]  }
0xdd: {  	v5 =	vld [tilespmem:s30+$0x4280]  }
0xde: {  	v6 =	vld [tilespmem:s30+$0x3080]  }
0xdf: {  	v7 =	vld [tilespmem:s30+$0x3280]  }
0xe0: {  	v8 =	vld [tilespmem:s30+$0x2080]  }
0xe1: {  	v9 =	vld [tilespmem:s30+$0x2280]  }
0xe2: {  	v10 =	vld [tilespmem:s30+$0x80]  }
0xe3: {  	v11 =	vld [tilespmem:s30+$0x280]  }
0xe4: {  	v12 =	vld [tilespmem:s30+$0x1080]  }
0xe5: {  	v13 =	vld [tilespmem:s30+$0x1280]  }
0xe6: {  	v14 =	vld [tilespmem:s30+$0x5480]  }
0xe7: {  	v15 =	vld [tilespmem:s30+$0x4480]  }
0xe8: {  	v16 =	vld [tilespmem:s30+$0x3480];
	vm0 =	vgt.f32 v5, v4;
	vm1 =	vgt.f32 v3, v2  }
0xe9: {  	v17 =	vld [tilespmem:s30+$0x2480];
	vm2 =	vgt.f32 v11, v10;
	vm3 =	vgt.f32 v9, v8;
	vm14 =	vgt.f32 v7, v6  }
0xea: {  	v18 =	vld [tilespmem:s30+$0x480];
	vm15 =	vgt.f32 v13, v12;
	v19 =	vsel vm0, $0x1000, v1;
	v20 =	vsel vm1, $0x8000, v1  }
0xeb: {  	v22 =	vld [tilespmem:s30+$0x1480];
	v21 =	vsel vm2, $0x1, v1;
	v23 =	vsel vm3, $0x40, v1;
	v60 =	vsel vm14, $0x200, v1  }
0xec: {  	v26 =	vld [tilespmem:s30+$0x3680];
	v61 =	vsel vm15, $0x8, v1;
	v4 =	vsel vm0, v5, v4;
	v2 =	vsel vm1, v3, v2  }
0xed: {  	v27 =	vld [tilespmem:s30+$0x2680];
	v5 =	vsel vm2, v11, v10;
	v8 =	vsel vm3, v9, v8;
	v6 =	vsel vm14, v7, v6  }
0xee: {  	v28 =	vld [tilespmem:s30+$0x680];
	v9 =	vsel vm15, v13, v12;
	vm0 =	vgt.f32 v15, v4;
	vm1 =	vgt.f32 v14, v2  }
0xef: {  	v29 =	vld [tilespmem:s30+$0x1680];
	vm2 =	vgt.f32 v18, v5;
	vm3 =	vgt.f32 v17, v8;
	vm4 =	vgt.f32 v16, v6  }
0xf0: {  	v3 =	vld [tilespmem:s30+$0x5680];
	vm5 =	vgt.f32 v22, v9;
	v10 =	vsel vm0, $0x2000, v19;
	v11 =	vsel vm1, $0x10000, v20  }
0xf1: {  	v7 =	vld [tilespmem:s30+$0x4680];
	v12 =	vsel vm2, $0x2, v21;
	v13 =	vsel vm3, $0x80, v23;
	v21 =	vsel vm4, $0x400, v60  }
0xf2: {  	v23 =	vsel vm5, $0x10, v61;
	v15 =	vsel vm0, v15, v4;
	v14 =	vsel vm1, v14, v2;
	v4 =	vld [tilespmem:s30+$0x5880]  }
0xf3: {  	v62 =	vsel vm2, v18, v5;
	v17 =	vsel vm3, v17, v8;
	v16 =	vsel vm4, v16, v6;
	v6 =	vld [tilespmem:s30+$0x4880]  }
0xf4: {  	v63 =	vsel vm5, v22, v9;
	v2 =	vld [tilespmem:s30+$0x3880];
	vm2 =	vgt.f32 v28, v62;
	vm3 =	vgt.f32 v27, v17  }
0xf5: {  	v8 =	vld [tilespmem:s30+$0x2880];
	vm4 =	vgt.f32 v26, v16;
	vm5 =	vgt.f32 v29, v63;
	v20 =	vsel vm3, $0xC0, v13  }
0xf6: {  	v9 =	vld [tilespmem:s30+$0x880];
	v21 =	vsel vm4, $0x600, v21;
	vm0 =	vgt.f32 v7, v15;
	vm1 =	vgt.f32 v3, v14  }
0xf7: {  	v16 =	vsel vm4, v26, v16;
	v18 =	vsel vm0, $0x3000, v10;
	v19 =	vsel vm1, $0x18000, v11;
	v10 =	vld [tilespmem:s30+$0x1880]  }
0xf8: {  	v5 =	vld [tilespmem:s30+$0x5A80];
	v11 =	vsel vm2, $0x3, v12;
	v12 =	vsel vm5, $0x18, v23;
	v13 =	vsel vm0, v7, v15  }
0xf9: {  	v22 =	vsel vm1, v3, v14;
	v14 =	vsel vm2, v28, v62;
	v15 =	vsel vm3, v27, v17;
	v7 =	vld [tilespmem:s30+$0x4A80]  }
0xfa: {  	s31 =	simm.s32 $0x40;
	v17 =	vsel vm5, v29, v63;
	v3 =	vld [tilespmem:s30+$0x3A80];
	vm0 =	vgt.f32 v6, v13;
	vm1 =	vgt.f32 v4, v22  }
.LBB2_6:
0xfb: {  	p0 =	sne.s32 s31, $0x1C0;
	vm2 =	vgt.f32 v9, v14;
	vm3 =	vgt.f32 v8, v15;
	v23 =	vld [tilespmem:s30+$0x2A80];
	vm4 =	vgt.f32 v2, v16  }
0xfc: {  	v18 =	vsel vm0, $0x4000, v18;
	v19 =	vsel vm1, $0x20000, v19;
	v24 =	vld [tilespmem:s30+$0xA80];
	vm5 =	vgt.f32 v10, v17  }
0xfd: {  	v4 =	vsel vm1, v4, v22;
	v20 =	vsel vm3, $0x100, v20;
	v21 =	vsel vm4, $0x800, v21;
	v25 =	vld [tilespmem:s30+$0x1A80]  }
0xfe: {  	v6 =	vsel vm0, v6, v13;
	v11 =	vsel vm2, $0x4, v11;
	v12 =	vsel vm5, $0x20, v12;
	v13 =	vld [tilespmem:s30+$0x5C80]  }
0xff: {  	v9 =	vsel vm2, v9, v14;
	v8 =	vsel vm3, v8, v15;
	v2 =	vsel vm4, v2, v16;
	v14 =	vld [tilespmem:s30+$0x4C80]  }
0x100: {  	v10 =	vsel vm5, v10, v17;
	vm1 =	vgt.f32 v5, v4;
	vm0 =	vgt.f32 v7, v6;
	v15 =	vld [tilespmem:s30+$0x3C80]  }
0x101: {  	vm4 =	vgt.f32 v3, v2;
	vm3 =	vgt.f32 v23, v8;
	vm2 =	vgt.f32 v24, v9;
	v16 =	vld [tilespmem:s30+$0x2C80]  }
0x102: {  	v19 =	vsel vm1, $0x28000, v19;
	v18 =	vsel vm0, $0x5000, v18;
	v17 =	vld [tilespmem:s30+$0xC80];
	vm5 =	vgt.f32 v25, v10  }
0x103: {  	v4 =	vsel vm1, v5, v4;
	v21 =	vsel vm4, $0xA00, v21;
	v20 =	vsel vm3, $0x140, v20;
	v22 =	vld [tilespmem:s30+$0x1C80]  }
0x104: {  	v6 =	vsel vm0, v7, v6;
	v5 =	vsel vm2, $0x5, v11;
	v11 =	vsel vm5, $0x28, v12;
	v7 =	vld [tilespmem:s30+$0x5E80]  }
0x105: {  	v2 =	vsel vm4, v3, v2;
	v8 =	vsel vm3, v23, v8;
	v9 =	vsel vm2, v24, v9;
	v3 =	vld [tilespmem:s30+$0x4E80]  }
0x106: {  	v10 =	vsel vm5, v25, v10;
	vm1 =	vgt.f32 v13, v4;
	vm0 =	vgt.f32 v14, v6;
	v12 =	vld [tilespmem:s30+$0xE80]  }
0x107: {  	vm4 =	vgt.f32 v15, v2;
	vm3 =	vgt.f32 v16, v8;
	vm2 =	vgt.f32 v17, v9;
	v23 =	vld [tilespmem:s30+$0x1E80]  }
0x108: {  	v19 =	vsel vm1, $0x30000, v19;
	v18 =	vsel vm0, $0x6000, v18;
	vm5 =	vgt.f32 v22, v10;
	v24 =	vld [tilespmem:s30+$0x2E80]  }
0x109: {  	s1 =	sshra.s32 s31, $0x2;
	v4 =	vsel vm1, v13, v4;
	v6 =	vsel vm0, v14, v6;
	v21 =	vsel vm4, $0xC00, v21;
	v25 =	vld [tilespmem:s30+$0x3E80]  }
0x10a: {  	v2 =	vsel vm4, v15, v2;
	v14 =	vsel vm3, $0x180, v20;
	v5 =	vsel vm2, $0x6, v5;
	v13 =	vld [tilespmem:s1+$0x5080]  }
0x10b: {  	v9 =	vsel vm2, v17, v9;
	v10 =	vsel vm5, v22, v10;
	v11 =	vsel vm5, $0x30, v11;
	v15 =	vld [tilespmem:s1+$0x5280]  }
0x10c: {  	v8 =	vsel vm3, v16, v8;
	vm0 =	vgt.f32 v12, v9;
	v17 =	vld [tilespmem:s1+$0x4080];
	vm1 =	vgt.f32 v23, v10  }
0x10d: {  	v5 =	vsel vm0, $0x7, v5;
	v9 =	vld [tilespmem:s1+$0x4280];
	v10 =	vsel vm1, $0x38, v11;
	vm0 =	vgt.f32 v24, v8  }
0x10e: {  	v8 =	vld [tilespmem:s1+$0x3080];
	[tilespmem:s30+$0x6080] =	vst v5;
	v5 =	vadd.s32 v5, v10;
	v10 =	vsel vm0, $0x1C0, v14;
	vm0 =	vgt.f32 v25, v2  }
0x10f: {  	v2 =	vld [tilespmem:s1+$0x3280];
	[tilespmem:s30+$0x6280] =	vst v5;
	v5 =	vadd.s32 v5, v10;
	v10 =	vsel vm0, $0xE00, v21;
	vm0 =	vgt.f32 v3, v6  }
0x110: {  	v3 =	vld [tilespmem:s1+$0x2080];
	[tilespmem:s30+$0x6480] =	vst v5;
	v5 =	vadd.s32 v5, v10;
	v6 =	vsel vm0, $0x7000, v18;
	vm0 =	vgt.f32 v7, v4  }
0x111: {  	v4 =	vld [tilespmem:s1+$0x2280];
	[tilespmem:s30+$0x6680] =	vst v5;
	v5 =	vadd.s32 v5, v6;
	v6 =	vsel vm0, $0x38000, v19  }
0x112: {  	v7 =	vld [tilespmem:s1+$0x80];
	[tilespmem:s30+$0x6880] =	vst v5;
	v5 =	vadd.s32 v5, v6  }
0x113: {  	v6 =	vld [tilespmem:s1+$0x280];
	[tilespmem:s30+$0x6A80] =	vst v5;
	s30 =	smov.u32 s1  }
0x114: {  	v5 =	vld [tilespmem:s30+$0x1080]  }
0x115: {  	v10 =	vld [tilespmem:s30+$0x1280]  }
0x116: {  	v11 =	vld [tilespmem:s30+$0x5480]  }
0x117: {  	v12 =	vld [tilespmem:s30+$0x4480]  }
0x118: {  	vm1 =	vgt.f32 v15, v13;
	vm0 =	vgt.f32 v9, v17;
	v14 =	vld [tilespmem:s30+$0x3480]  }
0x119: {  	vm4 =	vgt.f32 v2, v8;
	vm3 =	vgt.f32 v4, v3;
	vm2 =	vgt.f32 v6, v7;
	v16 =	vld [tilespmem:s30+$0x2480]  }
0x11a: {  	v20 =	vsel vm1, $0x8000, v1;
	v19 =	vsel vm0, $0x1000, v1;
	v18 =	vld [tilespmem:s30+$0x480];
	vm5 =	vgt.f32 v10, v5  }
0x11b: {  	v24 =	vsel vm4, $0x200, v1;
	v23 =	vsel vm3, $0x40, v1;
	v21 =	vsel vm2, $0x1, v1;
	v22 =	vld [tilespmem:s30+$0x1480]  }
0x11c: {  	v13 =	vsel vm1, v15, v13;
	v9 =	vsel vm0, v9, v17;
	v25 =	vsel vm5, $0x8, v1;
	v15 =	vld [tilespmem:s30+$0x5680]  }
0x11d: {  	v2 =	vsel vm4, v2, v8;
	v3 =	vsel vm3, v4, v3;
	v6 =	vsel vm2, v6, v7;
	v7 =	vld [tilespmem:s30+$0x4680]  }
0x11e: {  	v5 =	vsel vm5, v10, v5;
	vm1 =	vgt.f32 v11, v13;
	vm0 =	vgt.f32 v12, v9;
	v17 =	vld [tilespmem:s30+$0x3680]  }
0x11f: {  	vm4 =	vgt.f32 v14, v2;
	vm3 =	vgt.f32 v16, v3;
	vm2 =	vgt.f32 v18, v6;
	v26 =	vld [tilespmem:s30+$0x2680]  }
0x120: {  	v10 =	vsel vm0, $0x2000, v19;
	v19 =	vsel vm1, $0x10000, v20;
	v27 =	vld [tilespmem:s30+$0x680];
	vm5 =	vgt.f32 v22, v5  }
0x121: {  	v20 =	vsel vm2, $0x2, v21;
	v21 =	vsel vm3, $0x80, v23;
	v23 =	vsel vm4, $0x400, v24;
	v28 =	vld [tilespmem:s30+$0x1680]  }
0x122: {  	v29 =	vsel vm1, v11, v13;
	v24 =	vsel vm5, $0x10, v25;
	v25 =	vsel vm0, v12, v9;
	v4 =	vld [tilespmem:s30+$0x5880]  }
0x123: {  	v3 =	vsel vm3, v16, v3;
	v16 =	vsel vm4, v14, v2;
	v30 =	vsel vm2, v18, v6;
	v6 =	vld [tilespmem:s30+$0x4880]  }
0x124: {  	v31 =	vsel vm5, v22, v5;
	vm1 =	vgt.f32 v15, v29;
	vm0 =	vgt.f32 v7, v25;
	v2 =	vld [tilespmem:s30+$0x3880]  }
0x125: {  	vm4 =	vgt.f32 v17, v16;
	vm3 =	vgt.f32 v26, v3;
	vm2 =	vgt.f32 v27, v30;
	v8 =	vld [tilespmem:s30+$0x2880]  }
.Ltmp2:
0x126: {  	v19 =	vsel vm1, $0x18000, v19;
	v18 =	vsel vm0, $0x3000, v10;
	v9 =	vld [tilespmem:s30+$0x880];
	vm5 =	vgt.f32 v28, v31;
	(pc) =	sbr.rel @p0 .LBB2_6-.Ltmp2, $4  }
0x127: {  	v11 =	vsel vm2, $0x3, v20;
	v20 =	vsel vm3, $0xC0, v21;
	v21 =	vsel vm4, $0x600, v23;
	v10 =	vld [tilespmem:s30+$0x1880]  }
0x128: {  	v22 =	vsel vm1, v15, v29;
	v13 =	vsel vm0, v7, v25;
	v12 =	vsel vm5, $0x18, v24;
	v5 =	vld [tilespmem:s30+$0x5A80]  }
0x129: {  	v16 =	vsel vm4, v17, v16;
	v15 =	vsel vm3, v26, v3;
	v14 =	vsel vm2, v27, v30;
	v7 =	vld [tilespmem:s30+$0x4A80]  }
0x12a: {  	s31 =	sadd.s32 $0x40, s31;
	v17 =	vsel vm5, v28, v31;
	vm1 =	vgt.f32 v4, v22;
	vm0 =	vgt.f32 v6, v13;
	v3 =	vld [tilespmem:s30+$0x3A80]  }
0x12b: {  	vm2 =	vgt.f32 v9, v14;
	vm3 =	vgt.f32 v8, v15;
	v23 =	vld [tilespmem:s30+$0x2A80];
	vm4 =	vgt.f32 v2, v16  }
0x12c: {  	v24 =	vld [tilespmem:s30+$0xA80];
	v18 =	vsel vm0, $0x4000, v18;
	v19 =	vsel vm1, $0x20000, v19;
	v4 =	vsel vm1, v4, v22  }
0x12d: {  	v25 =	vld [tilespmem:s30+$0x1A80];
	v6 =	vsel vm0, v6, v13;
	vm5 =	vgt.f32 v10, v17;
	v20 =	vsel vm3, $0x100, v20  }
0x12e: {  	v13 =	vld [tilespmem:s30+$0x5C80];
	v21 =	vsel vm4, $0x800, v21;
	v11 =	vsel vm2, $0x4, v11;
	v9 =	vsel vm2, v9, v14  }
0x12f: {  	v22 =	vld [tilespmem:s30+$0x1C80];
	v8 =	vsel vm3, v8, v15;
	v2 =	vsel vm4, v2, v16;
	v12 =	vsel vm5, $0x20, v12  }
0x130: {  	v14 =	vld [tilespmem:s30+$0x4C80];
	v10 =	vsel vm5, v10, v17;
	vm1 =	vgt.f32 v5, v4;
	vm0 =	vgt.f32 v7, v6  }
0x131: {  	v15 =	vld [tilespmem:s30+$0x3C80];
	v19 =	vsel vm1, $0x28000, v19;
	v4 =	vsel vm1, v5, v4;
	vm4 =	vgt.f32 v3, v2  }
0x132: {  	v16 =	vld [tilespmem:s30+$0x2C80];
	v18 =	vsel vm0, $0x5000, v18;
	v6 =	vsel vm0, v7, v6;
	vm2 =	vgt.f32 v24, v9  }
0x133: {  	v17 =	vld [tilespmem:s30+$0xC80];
	vm3 =	vgt.f32 v23, v8;
	vm5 =	vgt.f32 v25, v10;
	v21 =	vsel vm4, $0xA00, v21  }
0x134: {  	v2 =	vsel vm4, v3, v2;
	vm1 =	vgt.f32 v13, v4;
	v20 =	vsel vm3, $0x140, v20  }
0x135: {  	v5 =	vsel vm2, $0x5, v11;
	v11 =	vsel vm5, $0x28, v12;
	v7 =	vsel vm2, v24, v9  }
0x136: {  	v3 =	vld [tilespmem:s30+$0xE80];
	v8 =	vsel vm3, v23, v8;
	v9 =	vsel vm5, v25, v10;
	vm0 =	vgt.f32 v14, v6  }
0x137: {  	v10 =	vld [tilespmem:s30+$0x1E80];
	vm4 =	vgt.f32 v15, v2;
	v19 =	vsel vm1, $0x30000, v19;
	v4 =	vsel vm1, v13, v4  }
0x138: {  	v12 =	vld [tilespmem:s30+$0x2E80];
	vm2 =	vgt.f32 v17, v7;
	vm3 =	vgt.f32 v16, v8;
	vm5 =	vgt.f32 v22, v9  }
0x139: {  	v23 =	vld [tilespmem:s30+$0x3E80];
	v18 =	vsel vm0, $0x6000, v18;
	v21 =	vsel vm4, $0xC00, v21;
	v6 =	vsel vm0, v14, v6  }
0x13a: {  	v13 =	vld [tilespmem:s30+$0x4E80];
	v2 =	vsel vm4, v15, v2;
	v5 =	vsel vm2, $0x6, v5;
	v14 =	vsel vm3, $0x180, v20  }
0x13b: {  	v15 =	vld [tilespmem:s30+$0x5E80];
	v7 =	vsel vm2, v17, v7;
	v9 =	vsel vm5, v22, v9;
	v11 =	vsel vm5, $0x30, v11  }
0x13c: {  	vm0 =	vgt.f32 v3, v7;
	v3 =	vsel vm3, v16, v8;
	vm1 =	vgt.f32 v10, v9  }
0x13d: {  	v5 =	vsel vm0, $0x7, v5;
	vm0 =	vgt.f32 v12, v3;
	v7 =	vsel vm1, $0x38, v11  }
0x13e: {  	[tilespmem:s30+$0x6080] =	vst v5;
	v3 =	vadd.s32 v5, v7;
	v5 =	vsel vm0, $0x1C0, v14;
	vm0 =	vgt.f32 v23, v2  }
0x13f: {  	[tilespmem:s30+$0x6280] =	vst v3;
	v2 =	vadd.s32 v3, v5;
	v3 =	vsel vm0, $0xE00, v21;
	vm0 =	vgt.f32 v13, v6  }
0x140: {  	[tilespmem:s30+$0x6480] =	vst v2;
	v2 =	vadd.s32 v2, v3;
	v3 =	vsel vm0, $0x7000, v18;
	vm0 =	vgt.f32 v15, v4  }
0x141: {  	[tilespmem:s30+$0x6680] =	vst v2;
	v2 =	vadd.s32 v2, v3;
	v3 =	vsel vm0, $0x38000, v19  }
0x142: {  	[tilespmem:s30+$0x6880] =	vst v2;
	v2 =	vadd.s32 v2, v3  }
0x143: {  	s0 =	simm.s32 $0x6080;
	[tilespmem:s30+$0x6A80] =	vst v2  }
0x144: {  	[tilespmem:s17], [sflag:$0x1] =	stream.indirect.gather [hbm4b:s3+s16], $0x40, s0, s16, $0xb8;
	[tilespmem:$0x14C00] =	vst v63  }
0x145: {  	s1 =	simm.s32 $0x6280  }
0x146: {  	[tilespmem:s18], [sflag:$0x1] =	stream.indirect.gather [hbm4b:s4+s16], $0x40, s1, s16, $0xb8;
	[tilespmem:$0x14C00] =	vst v63  }
0x147: {  	s1 =	simm.s32 $0x6480  }
0x148: {  	[tilespmem:s19], [sflag:$0x1] =	stream.indirect.gather [hbm4b:s5+s16], $0x40, s1, s16, $0xb8;
	[tilespmem:$0x14C00] =	vst v63  }
0x149: {  	s1 =	simm.s32 $0x6680  }
0x14a: {  	[tilespmem:s20], [sflag:$0x1] =	stream.indirect.gather [hbm4b:s6+s16], $0x40, s1, s16, $0xb8;
	[tilespmem:$0x14C00] =	vst v63  }
0x14b: {  	s1 =	simm.s32 $0x6880  }
0x14c: {  	[tilespmem:s21], [sflag:$0x1] =	stream.indirect.gather [hbm4b:s7+s16], $0x40, s1, s16, $0xb8;
	[tilespmem:$0x14C00] =	vst v63  }
0x14d: {  	s1 =	simm.s32 $0x6A80  }
0x14e: {  	[tilespmem:s22], [sflag:$0x1] =	stream.indirect.gather [hbm4b:s8+s16], $0x40, s1, s16, $0xb8;
	[tilespmem:$0x14C00] =	vst v63  }
0x14f: {  	_ =	swait.ge [sflag:s23], $0x2000  }
0x150: {  	[sflag:s23] =	ssyncset.done $0x0  }
0x151: {  	[sflag:s23] =	ssyncadd.s32 $0xFFFFE000  }
0x152: {  	_ =	swait.ge [sflag:s23], $0x2000  }
0x153: {  	[sflag:s23] =	ssyncset.done $0x0  }
0x154: {  	[sflag:s23] =	ssyncadd.s32 $0xFFFFE000  }
0x155: {  	_ =	swait.ge [sflag:s23], $0x2000  }
0x156: {  	[sflag:s23] =	ssyncset.done $0x0  }
0x157: {  	[sflag:s23] =	ssyncadd.s32 $0xFFFFE000  }
0x158: {  	_ =	swait.ge [sflag:s23], $0x2000  }
0x159: {  	[sflag:s23] =	ssyncset.done $0x0  }
0x15a: {  	[sflag:s23] =	ssyncadd.s32 $0xFFFFE000  }
0x15b: {  	_ =	swait.ge [sflag:s23], $0x2000  }
0x15c: {  	[sflag:s23] =	ssyncset.done $0x0  }
0x15d: {  	[sflag:s23] =	ssyncadd.s32 $0xFFFFE000  }
0x15e: {  	_ =	swait.ge [sflag:s23], $0x2000  }
0x15f: {  	[sflag:s23] =	ssyncset.done $0x0  }
0x160: {  	s1 =	rddreg [dreg:$0xa];
	[sflag:s23] =	ssyncadd.s32 $0xFFFFE000  }
0x161: {  	[hbm4b:s1+s24] =	stream.strided.scatter [tilespmem:s26], [sflag:$0x2], $0x2000, s25, s24, $0x38;
	[tilespmem:$0x14C00] =	vst v63  }
0x162: {  	s0 =	rddreg [dreg:$0xb]  }
0x163: {  	[hbm4b:s0+s24] =	stream.strided.scatter [tilespmem:s17], [sflag:$0x2], $0x2000, s25, s24, $0x38;
	[tilespmem:$0x14C00] =	vst v63  }
0x164: {  	s0 =	rddreg [dreg:$0xc]  }
0x165: {  	[hbm4b:s0+s24] =	stream.strided.scatter [tilespmem:s18], [sflag:$0x2], $0x2000, s25, s24, $0x38;
	[tilespmem:$0x14C00] =	vst v63  }
0x166: {  	s0 =	rddreg [dreg:$0xd]  }
0x167: {  	[hbm4b:s0+s24] =	stream.strided.scatter [tilespmem:s19], [sflag:$0x2], $0x2000, s25, s24, $0x38;
	[tilespmem:$0x14C00] =	vst v63  }
0x168: {  	s0 =	rddreg [dreg:$0xe]  }
0x169: {  	[hbm4b:s0+s24] =	stream.strided.scatter [tilespmem:s20], [sflag:$0x2], $0x2000, s25, s24, $0x38;
	[tilespmem:$0x14C00] =	vst v63  }
0x16a: {  	s0 =	rddreg [dreg:$0xf]  }
0x16b: {  	[hbm4b:s0+s24] =	stream.strided.scatter [tilespmem:s21], [sflag:$0x2], $0x2000, s25, s24, $0x38;
	[tilespmem:$0x14C00] =	vst v63  }
0x16c: {  	s0 =	rddreg [dreg:$0x10]  }
0x16d: {  	[hbm4b:s0+s24] =	stream.strided.scatter [tilespmem:s22], [sflag:$0x2], $0x2000, s25, s24, $0x38;
	[tilespmem:$0x14C00] =	vst v63  }
0x16e: {  	_ =	swait.ge [sflag:s28], $0x2000  }
0x16f: {  	[sflag:s28] =	ssyncset.done $0x0  }
0x170: {  	[sflag:s28] =	ssyncadd.s32 $0xFFFFE000  }
0x171: {  	_ =	swait.ge [sflag:s28], $0x2000  }
0x172: {  	[sflag:s28] =	ssyncset.done $0x0  }
0x173: {  	[sflag:s28] =	ssyncadd.s32 $0xFFFFE000  }
0x174: {  	_ =	swait.ge [sflag:s28], $0x2000  }
0x175: {  	[sflag:s28] =	ssyncset.done $0x0  }
0x176: {  	[sflag:s28] =	ssyncadd.s32 $0xFFFFE000  }
0x177: {  	_ =	swait.ge [sflag:s28], $0x2000  }
0x178: {  	[sflag:s28] =	ssyncset.done $0x0  }
0x179: {  	[sflag:s28] =	ssyncadd.s32 $0xFFFFE000  }
0x17a: {  	_ =	swait.ge [sflag:s28], $0x2000  }
0x17b: {  	[sflag:s28] =	ssyncset.done $0x0  }
0x17c: {  	[sflag:s28] =	ssyncadd.s32 $0xFFFFE000  }
0x17d: {  	_ =	swait.ge [sflag:s28], $0x2000  }
0x17e: {  	[sflag:s28] =	ssyncset.done $0x0  }
0x17f: {  	[sflag:s28] =	ssyncadd.s32 $0xFFFFE000  }
0x180: {  	_ =	swait.ge [sflag:s28], $0x2000  }
0x181: {  	[sflag:s28] =	ssyncset.done $0x0  }
0x182: {  	s30 =	simm.s32 $0x0;
	[sflag:s28] =	ssyncadd.s32 $0xFFFFE000  }
0x183: {  	v2 =	vld [tilespmem:s30+$0x5100]  }
0x184: {  	v3 =	vld [tilespmem:s30+$0x5300]  }
0x185: {  	v4 =	vld [tilespmem:s30+$0x4100]  }
0x186: {  	v5 =	vld [tilespmem:s30+$0x4300]  }
0x187: {  	v6 =	vld [tilespmem:s30+$0x3100]  }
0x188: {  	v7 =	vld [tilespmem:s30+$0x3300]  }
0x189: {  	v8 =	vld [tilespmem:s30+$0x2100]  }
0x18a: {  	v9 =	vld [tilespmem:s30+$0x2300]  }
0x18b: {  	v10 =	vld [tilespmem:s30+$0x100]  }
0x18c: {  	v11 =	vld [tilespmem:s30+$0x300]  }
0x18d: {  	v12 =	vld [tilespmem:s30+$0x1100]  }
0x18e: {  	v13 =	vld [tilespmem:s30+$0x1300]  }
0x18f: {  	v14 =	vld [tilespmem:s30+$0x5500]  }
0x190: {  	v15 =	vld [tilespmem:s30+$0x4500]  }
0x191: {  	v16 =	vld [tilespmem:s30+$0x3500];
	vm0 =	vgt.f32 v5, v4;
	vm1 =	vgt.f32 v3, v2  }
0x192: {  	v17 =	vld [tilespmem:s30+$0x2500];
	vm2 =	vgt.f32 v11, v10;
	vm3 =	vgt.f32 v9, v8;
	vm14 =	vgt.f32 v7, v6  }
0x193: {  	v18 =	vld [tilespmem:s30+$0x500];
	vm15 =	vgt.f32 v13, v12;
	v19 =	vsel vm0, $0x1000, v1;
	v20 =	vsel vm1, $0x8000, v1  }
0x194: {  	v22 =	vld [tilespmem:s30+$0x1500];
	v21 =	vsel vm2, $0x1, v1;
	v23 =	vsel vm3, $0x40, v1;
	v60 =	vsel vm14, $0x200, v1  }
0x195: {  	v26 =	vld [tilespmem:s30+$0x3700];
	v61 =	vsel vm15, $0x8, v1;
	v4 =	vsel vm0, v5, v4;
	v2 =	vsel vm1, v3, v2  }
0x196: {  	v27 =	vld [tilespmem:s30+$0x2700];
	v5 =	vsel vm2, v11, v10;
	v8 =	vsel vm3, v9, v8;
	v6 =	vsel vm14, v7, v6  }
0x197: {  	v28 =	vld [tilespmem:s30+$0x700];
	v9 =	vsel vm15, v13, v12;
	vm0 =	vgt.f32 v15, v4;
	vm1 =	vgt.f32 v14, v2  }
0x198: {  	v29 =	vld [tilespmem:s30+$0x1700];
	vm2 =	vgt.f32 v18, v5;
	vm3 =	vgt.f32 v17, v8;
	vm4 =	vgt.f32 v16, v6  }
0x199: {  	v3 =	vld [tilespmem:s30+$0x5700];
	vm5 =	vgt.f32 v22, v9;
	v10 =	vsel vm0, $0x2000, v19;
	v11 =	vsel vm1, $0x10000, v20  }
0x19a: {  	v7 =	vld [tilespmem:s30+$0x4700];
	v12 =	vsel vm2, $0x2, v21;
	v13 =	vsel vm3, $0x80, v23;
	v21 =	vsel vm4, $0x400, v60  }
0x19b: {  	v23 =	vsel vm5, $0x10, v61;
	v15 =	vsel vm0, v15, v4;
	v14 =	vsel vm1, v14, v2;
	v4 =	vld [tilespmem:s30+$0x5900]  }
0x19c: {  	v62 =	vsel vm2, v18, v5;
	v17 =	vsel vm3, v17, v8;
	v16 =	vsel vm4, v16, v6;
	v6 =	vld [tilespmem:s30+$0x4900]  }
0x19d: {  	v63 =	vsel vm5, v22, v9;
	v2 =	vld [tilespmem:s30+$0x3900];
	vm2 =	vgt.f32 v28, v62;
	vm3 =	vgt.f32 v27, v17  }
0x19e: {  	v8 =	vld [tilespmem:s30+$0x2900];
	vm4 =	vgt.f32 v26, v16;
	vm5 =	vgt.f32 v29, v63;
	v20 =	vsel vm3, $0xC0, v13  }
0x19f: {  	v9 =	vld [tilespmem:s30+$0x900];
	v21 =	vsel vm4, $0x600, v21;
	vm0 =	vgt.f32 v7, v15;
	vm1 =	vgt.f32 v3, v14  }
0x1a0: {  	v16 =	vsel vm4, v26, v16;
	v18 =	vsel vm0, $0x3000, v10;
	v19 =	vsel vm1, $0x18000, v11;
	v10 =	vld [tilespmem:s30+$0x1900]  }
0x1a1: {  	v5 =	vld [tilespmem:s30+$0x5B00];
	v11 =	vsel vm2, $0x3, v12;
	v12 =	vsel vm5, $0x18, v23;
	v13 =	vsel vm0, v7, v15  }
0x1a2: {  	v22 =	vsel vm1, v3, v14;
	v14 =	vsel vm2, v28, v62;
	v15 =	vsel vm3, v27, v17;
	v7 =	vld [tilespmem:s30+$0x4B00]  }
0x1a3: {  	s31 =	simm.s32 $0x40;
	v17 =	vsel vm5, v29, v63;
	v3 =	vld [tilespmem:s30+$0x3B00];
	vm0 =	vgt.f32 v6, v13;
	vm1 =	vgt.f32 v4, v22  }
.LBB2_8:
0x1a4: {  	p0 =	sne.s32 s31, $0x1C0;
	vm2 =	vgt.f32 v9, v14;
	vm3 =	vgt.f32 v8, v15;
	v23 =	vld [tilespmem:s30+$0x2B00];
	vm4 =	vgt.f32 v2, v16  }
0x1a5: {  	v18 =	vsel vm0, $0x4000, v18;
	v19 =	vsel vm1, $0x20000, v19;
	v24 =	vld [tilespmem:s30+$0xB00];
	vm5 =	vgt.f32 v10, v17  }
0x1a6: {  	v4 =	vsel vm1, v4, v22;
	v20 =	vsel vm3, $0x100, v20;
	v21 =	vsel vm4, $0x800, v21;
	v25 =	vld [tilespmem:s30+$0x1B00]  }
0x1a7: {  	v6 =	vsel vm0, v6, v13;
	v11 =	vsel vm2, $0x4, v11;
	v12 =	vsel vm5, $0x20, v12;
	v13 =	vld [tilespmem:s30+$0x5D00]  }
0x1a8: {  	v9 =	vsel vm2, v9, v14;
	v8 =	vsel vm3, v8, v15;
	v2 =	vsel vm4, v2, v16;
	v14 =	vld [tilespmem:s30+$0x4D00]  }
0x1a9: {  	v10 =	vsel vm5, v10, v17;
	vm1 =	vgt.f32 v5, v4;
	vm0 =	vgt.f32 v7, v6;
	v15 =	vld [tilespmem:s30+$0x3D00]  }
0x1aa: {  	vm4 =	vgt.f32 v3, v2;
	vm3 =	vgt.f32 v23, v8;
	vm2 =	vgt.f32 v24, v9;
	v16 =	vld [tilespmem:s30+$0x2D00]  }
0x1ab: {  	v19 =	vsel vm1, $0x28000, v19;
	v18 =	vsel vm0, $0x5000, v18;
	v17 =	vld [tilespmem:s30+$0xD00];
	vm5 =	vgt.f32 v25, v10  }
0x1ac: {  	v4 =	vsel vm1, v5, v4;
	v21 =	vsel vm4, $0xA00, v21;
	v20 =	vsel vm3, $0x140, v20;
	v22 =	vld [tilespmem:s30+$0x1D00]  }
0x1ad: {  	v6 =	vsel vm0, v7, v6;
	v5 =	vsel vm2, $0x5, v11;
	v11 =	vsel vm5, $0x28, v12;
	v7 =	vld [tilespmem:s30+$0x5F00]  }
0x1ae: {  	v2 =	vsel vm4, v3, v2;
	v8 =	vsel vm3, v23, v8;
	v9 =	vsel vm2, v24, v9;
	v3 =	vld [tilespmem:s30+$0x4F00]  }
0x1af: {  	v10 =	vsel vm5, v25, v10;
	vm1 =	vgt.f32 v13, v4;
	vm0 =	vgt.f32 v14, v6;
	v12 =	vld [tilespmem:s30+$0xF00]  }
0x1b0: {  	vm4 =	vgt.f32 v15, v2;
	vm3 =	vgt.f32 v16, v8;
	vm2 =	vgt.f32 v17, v9;
	v23 =	vld [tilespmem:s30+$0x1F00]  }
0x1b1: {  	v19 =	vsel vm1, $0x30000, v19;
	v18 =	vsel vm0, $0x6000, v18;
	vm5 =	vgt.f32 v22, v10;
	v24 =	vld [tilespmem:s30+$0x2F00]  }
0x1b2: {  	s1 =	sshra.s32 s31, $0x2;
	v4 =	vsel vm1, v13, v4;
	v6 =	vsel vm0, v14, v6;
	v21 =	vsel vm4, $0xC00, v21;
	v25 =	vld [tilespmem:s30+$0x3F00]  }
0x1b3: {  	v2 =	vsel vm4, v15, v2;
	v14 =	vsel vm3, $0x180, v20;
	v5 =	vsel vm2, $0x6, v5;
	v13 =	vld [tilespmem:s1+$0x5100]  }
0x1b4: {  	v9 =	vsel vm2, v17, v9;
	v10 =	vsel vm5, v22, v10;
	v11 =	vsel vm5, $0x30, v11;
	v15 =	vld [tilespmem:s1+$0x5300]  }
0x1b5: {  	v8 =	vsel vm3, v16, v8;
	vm0 =	vgt.f32 v12, v9;
	v17 =	vld [tilespmem:s1+$0x4100];
	vm1 =	vgt.f32 v23, v10  }
0x1b6: {  	v5 =	vsel vm0, $0x7, v5;
	v9 =	vld [tilespmem:s1+$0x4300];
	v10 =	vsel vm1, $0x38, v11;
	vm0 =	vgt.f32 v24, v8  }
0x1b7: {  	v8 =	vld [tilespmem:s1+$0x3100];
	[tilespmem:s30+$0x6100] =	vst v5;
	v5 =	vadd.s32 v5, v10;
	v10 =	vsel vm0, $0x1C0, v14;
	vm0 =	vgt.f32 v25, v2  }
0x1b8: {  	v2 =	vld [tilespmem:s1+$0x3300];
	[tilespmem:s30+$0x6300] =	vst v5;
	v5 =	vadd.s32 v5, v10;
	v10 =	vsel vm0, $0xE00, v21;
	vm0 =	vgt.f32 v3, v6  }
0x1b9: {  	v3 =	vld [tilespmem:s1+$0x2100];
	[tilespmem:s30+$0x6500] =	vst v5;
	v5 =	vadd.s32 v5, v10;
	v6 =	vsel vm0, $0x7000, v18;
	vm0 =	vgt.f32 v7, v4  }
0x1ba: {  	v4 =	vld [tilespmem:s1+$0x2300];
	[tilespmem:s30+$0x6700] =	vst v5;
	v5 =	vadd.s32 v5, v6;
	v6 =	vsel vm0, $0x38000, v19  }
0x1bb: {  	v7 =	vld [tilespmem:s1+$0x100];
	[tilespmem:s30+$0x6900] =	vst v5;
	v5 =	vadd.s32 v5, v6  }
0x1bc: {  	v6 =	vld [tilespmem:s1+$0x300];
	[tilespmem:s30+$0x6B00] =	vst v5;
	s30 =	smov.u32 s1  }
0x1bd: {  	v5 =	vld [tilespmem:s30+$0x1100]  }
0x1be: {  	v10 =	vld [tilespmem:s30+$0x1300]  }
0x1bf: {  	v11 =	vld [tilespmem:s30+$0x5500]  }
0x1c0: {  	v12 =	vld [tilespmem:s30+$0x4500]  }
0x1c1: {  	vm1 =	vgt.f32 v15, v13;
	vm0 =	vgt.f32 v9, v17;
	v14 =	vld [tilespmem:s30+$0x3500]  }
0x1c2: {  	vm4 =	vgt.f32 v2, v8;
	vm3 =	vgt.f32 v4, v3;
	vm2 =	vgt.f32 v6, v7;
	v16 =	vld [tilespmem:s30+$0x2500]  }
0x1c3: {  	v20 =	vsel vm1, $0x8000, v1;
	v19 =	vsel vm0, $0x1000, v1;
	v18 =	vld [tilespmem:s30+$0x500];
	vm5 =	vgt.f32 v10, v5  }
0x1c4: {  	v24 =	vsel vm4, $0x200, v1;
	v23 =	vsel vm3, $0x40, v1;
	v21 =	vsel vm2, $0x1, v1;
	v22 =	vld [tilespmem:s30+$0x1500]  }
0x1c5: {  	v13 =	vsel vm1, v15, v13;
	v9 =	vsel vm0, v9, v17;
	v25 =	vsel vm5, $0x8, v1;
	v15 =	vld [tilespmem:s30+$0x5700]  }
0x1c6: {  	v2 =	vsel vm4, v2, v8;
	v3 =	vsel vm3, v4, v3;
	v6 =	vsel vm2, v6, v7;
	v7 =	vld [tilespmem:s30+$0x4700]  }
0x1c7: {  	v5 =	vsel vm5, v10, v5;
	vm1 =	vgt.f32 v11, v13;
	vm0 =	vgt.f32 v12, v9;
	v17 =	vld [tilespmem:s30+$0x3700]  }
0x1c8: {  	vm4 =	vgt.f32 v14, v2;
	vm3 =	vgt.f32 v16, v3;
	vm2 =	vgt.f32 v18, v6;
	v26 =	vld [tilespmem:s30+$0x2700]  }
0x1c9: {  	v10 =	vsel vm0, $0x2000, v19;
	v19 =	vsel vm1, $0x10000, v20;
	v27 =	vld [tilespmem:s30+$0x700];
	vm5 =	vgt.f32 v22, v5  }
0x1ca: {  	v20 =	vsel vm2, $0x2, v21;
	v21 =	vsel vm3, $0x80, v23;
	v23 =	vsel vm4, $0x400, v24;
	v28 =	vld [tilespmem:s30+$0x1700]  }
0x1cb: {  	v29 =	vsel vm1, v11, v13;
	v24 =	vsel vm5, $0x10, v25;
	v25 =	vsel vm0, v12, v9;
	v4 =	vld [tilespmem:s30+$0x5900]  }
0x1cc: {  	v3 =	vsel vm3, v16, v3;
	v16 =	vsel vm4, v14, v2;
	v30 =	vsel vm2, v18, v6;
	v6 =	vld [tilespmem:s30+$0x4900]  }
0x1cd: {  	v31 =	vsel vm5, v22, v5;
	vm1 =	vgt.f32 v15, v29;
	vm0 =	vgt.f32 v7, v25;
	v2 =	vld [tilespmem:s30+$0x3900]  }
0x1ce: {  	vm4 =	vgt.f32 v17, v16;
	vm3 =	vgt.f32 v26, v3;
	vm2 =	vgt.f32 v27, v30;
	v8 =	vld [tilespmem:s30+$0x2900]  }
.Ltmp3:
0x1cf: {  	v19 =	vsel vm1, $0x18000, v19;
	v18 =	vsel vm0, $0x3000, v10;
	v9 =	vld [tilespmem:s30+$0x900];
	vm5 =	vgt.f32 v28, v31;
	(pc) =	sbr.rel @p0 .LBB2_8-.Ltmp3, $4  }
0x1d0: {  	v11 =	vsel vm2, $0x3, v20;
	v20 =	vsel vm3, $0xC0, v21;
	v21 =	vsel vm4, $0x600, v23;
	v10 =	vld [tilespmem:s30+$0x1900]  }
0x1d1: {  	v22 =	vsel vm1, v15, v29;
	v13 =	vsel vm0, v7, v25;
	v12 =	vsel vm5, $0x18, v24;
	v5 =	vld [tilespmem:s30+$0x5B00]  }
0x1d2: {  	v16 =	vsel vm4, v17, v16;
	v15 =	vsel vm3, v26, v3;
	v14 =	vsel vm2, v27, v30;
	v7 =	vld [tilespmem:s30+$0x4B00]  }
0x1d3: {  	s31 =	sadd.s32 $0x40, s31;
	v17 =	vsel vm5, v28, v31;
	vm1 =	vgt.f32 v4, v22;
	vm0 =	vgt.f32 v6, v13;
	v3 =	vld [tilespmem:s30+$0x3B00]  }
0x1d4: {  	vm2 =	vgt.f32 v9, v14;
	vm3 =	vgt.f32 v8, v15;
	v23 =	vld [tilespmem:s30+$0x2B00];
	vm4 =	vgt.f32 v2, v16  }
0x1d5: {  	v24 =	vld [tilespmem:s30+$0xB00];
	v18 =	vsel vm0, $0x4000, v18;
	v19 =	vsel vm1, $0x20000, v19;
	v4 =	vsel vm1, v4, v22  }
0x1d6: {  	v25 =	vld [tilespmem:s30+$0x1B00];
	v6 =	vsel vm0, v6, v13;
	vm5 =	vgt.f32 v10, v17;
	v20 =	vsel vm3, $0x100, v20  }
0x1d7: {  	v13 =	vld [tilespmem:s30+$0x5D00];
	v21 =	vsel vm4, $0x800, v21;
	v11 =	vsel vm2, $0x4, v11;
	v9 =	vsel vm2, v9, v14  }
0x1d8: {  	v22 =	vld [tilespmem:s30+$0x1D00];
	v8 =	vsel vm3, v8, v15;
	v2 =	vsel vm4, v2, v16;
	v12 =	vsel vm5, $0x20, v12  }
0x1d9: {  	v14 =	vld [tilespmem:s30+$0x4D00];
	v10 =	vsel vm5, v10, v17;
	vm1 =	vgt.f32 v5, v4;
	vm0 =	vgt.f32 v7, v6  }
0x1da: {  	v15 =	vld [tilespmem:s30+$0x3D00];
	v19 =	vsel vm1, $0x28000, v19;
	v4 =	vsel vm1, v5, v4;
	vm4 =	vgt.f32 v3, v2  }
0x1db: {  	v16 =	vld [tilespmem:s30+$0x2D00];
	v18 =	vsel vm0, $0x5000, v18;
	v6 =	vsel vm0, v7, v6;
	vm2 =	vgt.f32 v24, v9  }
0x1dc: {  	v17 =	vld [tilespmem:s30+$0xD00];
	vm3 =	vgt.f32 v23, v8;
	vm5 =	vgt.f32 v25, v10;
	v21 =	vsel vm4, $0xA00, v21  }
0x1dd: {  	v2 =	vsel vm4, v3, v2;
	vm1 =	vgt.f32 v13, v4;
	v20 =	vsel vm3, $0x140, v20  }
0x1de: {  	v5 =	vsel vm2, $0x5, v11;
	v11 =	vsel vm5, $0x28, v12;
	v7 =	vsel vm2, v24, v9  }
0x1df: {  	v3 =	vld [tilespmem:s30+$0xF00];
	v8 =	vsel vm3, v23, v8;
	v9 =	vsel vm5, v25, v10;
	vm0 =	vgt.f32 v14, v6  }
0x1e0: {  	v10 =	vld [tilespmem:s30+$0x1F00];
	vm4 =	vgt.f32 v15, v2;
	v19 =	vsel vm1, $0x30000, v19;
	v4 =	vsel vm1, v13, v4  }
0x1e1: {  	v12 =	vld [tilespmem:s30+$0x2F00];
	vm2 =	vgt.f32 v17, v7;
	vm3 =	vgt.f32 v16, v8;
	vm5 =	vgt.f32 v22, v9  }
0x1e2: {  	v23 =	vld [tilespmem:s30+$0x3F00];
	v18 =	vsel vm0, $0x6000, v18;
	v21 =	vsel vm4, $0xC00, v21;
	v6 =	vsel vm0, v14, v6  }
0x1e3: {  	v13 =	vld [tilespmem:s30+$0x4F00];
	v2 =	vsel vm4, v15, v2;
	v5 =	vsel vm2, $0x6, v5;
	v14 =	vsel vm3, $0x180, v20  }
0x1e4: {  	v15 =	vld [tilespmem:s30+$0x5F00];
	v7 =	vsel vm2, v17, v7;
	v9 =	vsel vm5, v22, v9;
	v11 =	vsel vm5, $0x30, v11  }
0x1e5: {  	vm0 =	vgt.f32 v3, v7;
	v3 =	vsel vm3, v16, v8;
	vm1 =	vgt.f32 v10, v9  }
0x1e6: {  	v5 =	vsel vm0, $0x7, v5;
	vm0 =	vgt.f32 v12, v3;
	v7 =	vsel vm1, $0x38, v11  }
0x1e7: {  	[tilespmem:s30+$0x6100] =	vst v5;
	v3 =	vadd.s32 v5, v7;
	v5 =	vsel vm0, $0x1C0, v14;
	vm0 =	vgt.f32 v23, v2  }
0x1e8: {  	[tilespmem:s30+$0x6300] =	vst v3;
	v2 =	vadd.s32 v3, v5;
	v3 =	vsel vm0, $0xE00, v21;
	vm0 =	vgt.f32 v13, v6  }
0x1e9: {  	[tilespmem:s30+$0x6500] =	vst v2;
	v2 =	vadd.s32 v2, v3;
	v3 =	vsel vm0, $0x7000, v18;
	vm0 =	vgt.f32 v15, v4  }
0x1ea: {  	[tilespmem:s30+$0x6700] =	vst v2;
	v2 =	vadd.s32 v2, v3;
	v3 =	vsel vm0, $0x38000, v19  }
0x1eb: {  	[tilespmem:s30+$0x6900] =	vst v2;
	v2 =	vadd.s32 v2, v3  }
0x1ec: {  	s0 =	simm.s32 $0x6100;
	[tilespmem:s30+$0x6B00] =	vst v2  }
0x1ed: {  	[tilespmem:s17], [sflag:$0x1] =	stream.indirect.gather [hbm4b:s3+s16], $0x40, s0, s16, $0xb8;
	[tilespmem:$0x14C00] =	vst v63  }
0x1ee: {  	s1 =	simm.s32 $0x6300  }
0x1ef: {  	[tilespmem:s18], [sflag:$0x1] =	stream.indirect.gather [hbm4b:s4+s16], $0x40, s1, s16, $0xb8;
	[tilespmem:$0x14C00] =	vst v63  }
0x1f0: {  	s1 =	simm.s32 $0x6500  }
0x1f1: {  	[tilespmem:s19], [sflag:$0x1] =	stream.indirect.gather [hbm4b:s5+s16], $0x40, s1, s16, $0xb8;
	[tilespmem:$0x14C00] =	vst v63  }
0x1f2: {  	s1 =	simm.s32 $0x6700  }
0x1f3: {  	[tilespmem:s20], [sflag:$0x1] =	stream.indirect.gather [hbm4b:s6+s16], $0x40, s1, s16, $0xb8;
	[tilespmem:$0x14C00] =	vst v63  }
0x1f4: {  	s1 =	simm.s32 $0x6900  }
0x1f5: {  	[tilespmem:s21], [sflag:$0x1] =	stream.indirect.gather [hbm4b:s7+s16], $0x40, s1, s16, $0xb8;
	[tilespmem:$0x14C00] =	vst v63  }
0x1f6: {  	s1 =	simm.s32 $0x6B00  }
0x1f7: {  	[tilespmem:s22], [sflag:$0x1] =	stream.indirect.gather [hbm4b:s8+s16], $0x40, s1, s16, $0xb8;
	[tilespmem:$0x14C00] =	vst v63  }
0x1f8: {  	_ =	swait.ge [sflag:s23], $0x2000  }
0x1f9: {  	[sflag:s23] =	ssyncset.done $0x0  }
0x1fa: {  	[sflag:s23] =	ssyncadd.s32 $0xFFFFE000  }
0x1fb: {  	_ =	swait.ge [sflag:s23], $0x2000  }
0x1fc: {  	[sflag:s23] =	ssyncset.done $0x0  }
0x1fd: {  	[sflag:s23] =	ssyncadd.s32 $0xFFFFE000  }
0x1fe: {  	_ =	swait.ge [sflag:s23], $0x2000  }
0x1ff: {  	[sflag:s23] =	ssyncset.done $0x0  }
0x200: {  	[sflag:s23] =	ssyncadd.s32 $0xFFFFE000  }
0x201: {  	_ =	swait.ge [sflag:s23], $0x2000  }
0x202: {  	[sflag:s23] =	ssyncset.done $0x0  }
0x203: {  	[sflag:s23] =	ssyncadd.s32 $0xFFFFE000  }
0x204: {  	_ =	swait.ge [sflag:s23], $0x2000  }
0x205: {  	[sflag:s23] =	ssyncset.done $0x0  }
0x206: {  	[sflag:s23] =	ssyncadd.s32 $0xFFFFE000  }
0x207: {  	_ =	swait.ge [sflag:s23], $0x2000  }
0x208: {  	[sflag:s23] =	ssyncset.done $0x0  }
0x209: {  	s1 =	rddreg [dreg:$0x11];
	[sflag:s23] =	ssyncadd.s32 $0xFFFFE000  }
0x20a: {  	[hbm4b:s1+s24] =	stream.strided.scatter [tilespmem:s26], [sflag:$0x2], $0x2000, s25, s24, $0x38;
	[tilespmem:$0x14C00] =	vst v63  }
0x20b: {  	s0 =	rddreg [dreg:$0x13]  }
0x20c: {  	[hbm4b:s0+s24] =	stream.strided.scatter [tilespmem:s17], [sflag:$0x2], $0x2000, s25, s24, $0x38;
	[tilespmem:$0x14C00] =	vst v63  }
0x20d: {  	s0 =	rddreg [dreg:$0x14]  }
0x20e: {  	[hbm4b:s0+s24] =	stream.strided.scatter [tilespmem:s18], [sflag:$0x2], $0x2000, s25, s24, $0x38;
	[tilespmem:$0x14C00] =	vst v63  }
0x20f: {  	s0 =	rddreg [dreg:$0x15]  }
0x210: {  	[hbm4b:s0+s24] =	stream.strided.scatter [tilespmem:s19], [sflag:$0x2], $0x2000, s25, s24, $0x38;
	[tilespmem:$0x14C00] =	vst v63  }
0x211: {  	s0 =	rddreg [dreg:$0x16]  }
0x212: {  	[hbm4b:s0+s24] =	stream.strided.scatter [tilespmem:s20], [sflag:$0x2], $0x2000, s25, s24, $0x38;
	[tilespmem:$0x14C00] =	vst v63  }
0x213: {  	s0 =	rddreg [dreg:$0x17]  }
0x214: {  	[hbm4b:s0+s24] =	stream.strided.scatter [tilespmem:s21], [sflag:$0x2], $0x2000, s25, s24, $0x38;
	[tilespmem:$0x14C00] =	vst v63  }
0x215: {  	s0 =	rddreg [dreg:$0x18]  }
0x216: {  	[hbm4b:s0+s24] =	stream.strided.scatter [tilespmem:s22], [sflag:$0x2], $0x2000, s25, s24, $0x38;
	[tilespmem:$0x14C00] =	vst v63  }
0x217: {  	_ =	swait.ge [sflag:s28], $0x2000  }
0x218: {  	[sflag:s28] =	ssyncset.done $0x0  }
0x219: {  	[sflag:s28] =	ssyncadd.s32 $0xFFFFE000  }
0x21a: {  	_ =	swait.ge [sflag:s28], $0x2000  }
0x21b: {  	[sflag:s28] =	ssyncset.done $0x0  }
0x21c: {  	[sflag:s28] =	ssyncadd.s32 $0xFFFFE000  }
0x21d: {  	_ =	swait.ge [sflag:s28], $0x2000  }
0x21e: {  	[sflag:s28] =	ssyncset.done $0x0  }
0x21f: {  	[sflag:s28] =	ssyncadd.s32 $0xFFFFE000  }
0x220: {  	_ =	swait.ge [sflag:s28], $0x2000  }
0x221: {  	[sflag:s28] =	ssyncset.done $0x0  }
0x222: {  	[sflag:s28] =	ssyncadd.s32 $0xFFFFE000  }
0x223: {  	_ =	swait.ge [sflag:s28], $0x2000  }
0x224: {  	[sflag:s28] =	ssyncset.done $0x0  }
0x225: {  	[sflag:s28] =	ssyncadd.s32 $0xFFFFE000  }
0x226: {  	_ =	swait.ge [sflag:s28], $0x2000  }
0x227: {  	[sflag:s28] =	ssyncset.done $0x0  }
0x228: {  	[sflag:s28] =	ssyncadd.s32 $0xFFFFE000  }
0x229: {  	_ =	swait.ge [sflag:s28], $0x2000  }
0x22a: {  	[sflag:s28] =	ssyncset.done $0x0  }
0x22b: {  	s30 =	simm.s32 $0x0;
	[sflag:s28] =	ssyncadd.s32 $0xFFFFE000  }
0x22c: {  	v2 =	vld [tilespmem:s30+$0x5180]  }
0x22d: {  	v3 =	vld [tilespmem:s30+$0x5380]  }
0x22e: {  	v4 =	vld [tilespmem:s30+$0x4180]  }
0x22f: {  	v5 =	vld [tilespmem:s30+$0x4380]  }
0x230: {  	v6 =	vld [tilespmem:s30+$0x3180]  }
0x231: {  	v7 =	vld [tilespmem:s30+$0x3380]  }
0x232: {  	v8 =	vld [tilespmem:s30+$0x2180]  }
0x233: {  	v9 =	vld [tilespmem:s30+$0x2380]  }
0x234: {  	v10 =	vld [tilespmem:s30+$0x180]  }
0x235: {  	v11 =	vld [tilespmem:s30+$0x380]  }
0x236: {  	v12 =	vld [tilespmem:s30+$0x1180]  }
0x237: {  	v13 =	vld [tilespmem:s30+$0x1380]  }
0x238: {  	v14 =	vld [tilespmem:s30+$0x5580]  }
0x239: {  	v15 =	vld [tilespmem:s30+$0x4580]  }
0x23a: {  	v16 =	vld [tilespmem:s30+$0x3580];
	vm0 =	vgt.f32 v5, v4;
	vm1 =	vgt.f32 v3, v2  }
0x23b: {  	v17 =	vld [tilespmem:s30+$0x2580];
	vm2 =	vgt.f32 v11, v10;
	vm3 =	vgt.f32 v9, v8;
	vm14 =	vgt.f32 v7, v6  }
0x23c: {  	v18 =	vld [tilespmem:s30+$0x580];
	vm15 =	vgt.f32 v13, v12;
	v19 =	vsel vm0, $0x1000, v1;
	v20 =	vsel vm1, $0x8000, v1  }
0x23d: {  	v22 =	vld [tilespmem:s30+$0x1580];
	v21 =	vsel vm2, $0x1, v1;
	v23 =	vsel vm3, $0x40, v1;
	v60 =	vsel vm14, $0x200, v1  }
0x23e: {  	v26 =	vld [tilespmem:s30+$0x3780];
	v61 =	vsel vm15, $0x8, v1;
	v4 =	vsel vm0, v5, v4;
	v2 =	vsel vm1, v3, v2  }
0x23f: {  	v27 =	vld [tilespmem:s30+$0x2780];
	v5 =	vsel vm2, v11, v10;
	v8 =	vsel vm3, v9, v8;
	v6 =	vsel vm14, v7, v6  }
0x240: {  	v28 =	vld [tilespmem:s30+$0x780];
	v9 =	vsel vm15, v13, v12;
	vm0 =	vgt.f32 v15, v4;
	vm1 =	vgt.f32 v14, v2  }
0x241: {  	v29 =	vld [tilespmem:s30+$0x1780];
	vm2 =	vgt.f32 v18, v5;
	vm3 =	vgt.f32 v17, v8;
	vm4 =	vgt.f32 v16, v6  }
0x242: {  	v3 =	vld [tilespmem:s30+$0x5780];
	vm5 =	vgt.f32 v22, v9;
	v10 =	vsel vm0, $0x2000, v19;
	v11 =	vsel vm1, $0x10000, v20  }
0x243: {  	v7 =	vld [tilespmem:s30+$0x4780];
	v12 =	vsel vm2, $0x2, v21;
	v13 =	vsel vm3, $0x80, v23;
	v21 =	vsel vm4, $0x400, v60  }
0x244: {  	v23 =	vsel vm5, $0x10, v61;
	v15 =	vsel vm0, v15, v4;
	v14 =	vsel vm1, v14, v2;
	v4 =	vld [tilespmem:s30+$0x5980]  }
0x245: {  	v62 =	vsel vm2, v18, v5;
	v17 =	vsel vm3, v17, v8;
	v16 =	vsel vm4, v16, v6;
	v6 =	vld [tilespmem:s30+$0x4980]  }
0x246: {  	v63 =	vsel vm5, v22, v9;
	v2 =	vld [tilespmem:s30+$0x3980];
	vm2 =	vgt.f32 v28, v62;
	vm3 =	vgt.f32 v27, v17  }
0x247: {  	v8 =	vld [tilespmem:s30+$0x2980];
	vm4 =	vgt.f32 v26, v16;
	vm5 =	vgt.f32 v29, v63;
	v20 =	vsel vm3, $0xC0, v13  }
0x248: {  	v9 =	vld [tilespmem:s30+$0x980];
	v21 =	vsel vm4, $0x600, v21;
	vm0 =	vgt.f32 v7, v15;
	vm1 =	vgt.f32 v3, v14  }
0x249: {  	v16 =	vsel vm4, v26, v16;
	v18 =	vsel vm0, $0x3000, v10;
	v19 =	vsel vm1, $0x18000, v11;
	v10 =	vld [tilespmem:s30+$0x1980]  }
0x24a: {  	v5 =	vld [tilespmem:s30+$0x5B80];
	v11 =	vsel vm2, $0x3, v12;
	v12 =	vsel vm5, $0x18, v23;
	v13 =	vsel vm0, v7, v15  }
0x24b: {  	v22 =	vsel vm1, v3, v14;
	v14 =	vsel vm2, v28, v62;
	v15 =	vsel vm3, v27, v17;
	v7 =	vld [tilespmem:s30+$0x4B80]  }
0x24c: {  	s31 =	simm.s32 $0x40;
	v17 =	vsel vm5, v29, v63;
	v3 =	vld [tilespmem:s30+$0x3B80];
	vm0 =	vgt.f32 v6, v13;
	vm1 =	vgt.f32 v4, v22  }
.LBB2_10:
0x24d: {  	p0 =	sne.s32 s31, $0x1C0;
	vm2 =	vgt.f32 v9, v14;
	vm3 =	vgt.f32 v8, v15;
	v23 =	vld [tilespmem:s30+$0x2B80];
	vm4 =	vgt.f32 v2, v16  }
0x24e: {  	v18 =	vsel vm0, $0x4000, v18;
	v19 =	vsel vm1, $0x20000, v19;
	v24 =	vld [tilespmem:s30+$0xB80];
	vm5 =	vgt.f32 v10, v17  }
0x24f: {  	v4 =	vsel vm1, v4, v22;
	v20 =	vsel vm3, $0x100, v20;
	v21 =	vsel vm4, $0x800, v21;
	v25 =	vld [tilespmem:s30+$0x1B80]  }
0x250: {  	v6 =	vsel vm0, v6, v13;
	v11 =	vsel vm2, $0x4, v11;
	v12 =	vsel vm5, $0x20, v12;
	v13 =	vld [tilespmem:s30+$0x5D80]  }
0x251: {  	v9 =	vsel vm2, v9, v14;
	v8 =	vsel vm3, v8, v15;
	v2 =	vsel vm4, v2, v16;
	v14 =	vld [tilespmem:s30+$0x4D80]  }
0x252: {  	v10 =	vsel vm5, v10, v17;
	vm1 =	vgt.f32 v5, v4;
	vm0 =	vgt.f32 v7, v6;
	v15 =	vld [tilespmem:s30+$0x3D80]  }
0x253: {  	vm4 =	vgt.f32 v3, v2;
	vm3 =	vgt.f32 v23, v8;
	vm2 =	vgt.f32 v24, v9;
	v16 =	vld [tilespmem:s30+$0x2D80]  }
0x254: {  	v19 =	vsel vm1, $0x28000, v19;
	v18 =	vsel vm0, $0x5000, v18;
	v17 =	vld [tilespmem:s30+$0xD80];
	vm5 =	vgt.f32 v25, v10  }
0x255: {  	v4 =	vsel vm1, v5, v4;
	v21 =	vsel vm4, $0xA00, v21;
	v20 =	vsel vm3, $0x140, v20;
	v22 =	vld [tilespmem:s30+$0x1D80]  }
0x256: {  	v6 =	vsel vm0, v7, v6;
	v5 =	vsel vm2, $0x5, v11;
	v11 =	vsel vm5, $0x28, v12;
	v7 =	vld [tilespmem:s30+$0x5F80]  }
0x257: {  	v2 =	vsel vm4, v3, v2;
	v8 =	vsel vm3, v23, v8;
	v9 =	vsel vm2, v24, v9;
	v3 =	vld [tilespmem:s30+$0x4F80]  }
0x258: {  	v10 =	vsel vm5, v25, v10;
	vm1 =	vgt.f32 v13, v4;
	vm0 =	vgt.f32 v14, v6;
	v12 =	vld [tilespmem:s30+$0xF80]  }
0x259: {  	vm4 =	vgt.f32 v15, v2;
	vm3 =	vgt.f32 v16, v8;
	vm2 =	vgt.f32 v17, v9;
	v23 =	vld [tilespmem:s30+$0x1F80]  }
0x25a: {  	v19 =	vsel vm1, $0x30000, v19;
	v18 =	vsel vm0, $0x6000, v18;
	vm5 =	vgt.f32 v22, v10;
	v24 =	vld [tilespmem:s30+$0x2F80]  }
0x25b: {  	s1 =	sshra.s32 s31, $0x2;
	v4 =	vsel vm1, v13, v4;
	v6 =	vsel vm0, v14, v6;
	v21 =	vsel vm4, $0xC00, v21;
	v25 =	vld [tilespmem:s30+$0x3F80]  }
0x25c: {  	v2 =	vsel vm4, v15, v2;
	v14 =	vsel vm3, $0x180, v20;
	v5 =	vsel vm2, $0x6, v5;
	v13 =	vld [tilespmem:s1+$0x5180]  }
0x25d: {  	v9 =	vsel vm2, v17, v9;
	v10 =	vsel vm5, v22, v10;
	v11 =	vsel vm5, $0x30, v11;
	v15 =	vld [tilespmem:s1+$0x5380]  }
0x25e: {  	v8 =	vsel vm3, v16, v8;
	vm0 =	vgt.f32 v12, v9;
	v17 =	vld [tilespmem:s1+$0x4180];
	vm1 =	vgt.f32 v23, v10  }
0x25f: {  	v5 =	vsel vm0, $0x7, v5;
	v9 =	vld [tilespmem:s1+$0x4380];
	v10 =	vsel vm1, $0x38, v11;
	vm0 =	vgt.f32 v24, v8  }
0x260: {  	v8 =	vld [tilespmem:s1+$0x3180];
	[tilespmem:s30+$0x6180] =	vst v5;
	v5 =	vadd.s32 v5, v10;
	v10 =	vsel vm0, $0x1C0, v14;
	vm0 =	vgt.f32 v25, v2  }
0x261: {  	v2 =	vld [tilespmem:s1+$0x3380];
	[tilespmem:s30+$0x6380] =	vst v5;
	v5 =	vadd.s32 v5, v10;
	v10 =	vsel vm0, $0xE00, v21;
	vm0 =	vgt.f32 v3, v6  }
0x262: {  	v3 =	vld [tilespmem:s1+$0x2180];
	[tilespmem:s30+$0x6580] =	vst v5;
	v5 =	vadd.s32 v5, v10;
	v6 =	vsel vm0, $0x7000, v18;
	vm0 =	vgt.f32 v7, v4  }
0x263: {  	v4 =	vld [tilespmem:s1+$0x2380];
	[tilespmem:s30+$0x6780] =	vst v5;
	v5 =	vadd.s32 v5, v6;
	v6 =	vsel vm0, $0x38000, v19  }
0x264: {  	v7 =	vld [tilespmem:s1+$0x180];
	[tilespmem:s30+$0x6980] =	vst v5;
	v5 =	vadd.s32 v5, v6  }
0x265: {  	v6 =	vld [tilespmem:s1+$0x380];
	[tilespmem:s30+$0x6B80] =	vst v5;
	s30 =	smov.u32 s1  }
0x266: {  	v5 =	vld [tilespmem:s30+$0x1180]  }
0x267: {  	v10 =	vld [tilespmem:s30+$0x1380]  }
0x268: {  	v11 =	vld [tilespmem:s30+$0x5580]  }
0x269: {  	v12 =	vld [tilespmem:s30+$0x4580]  }
0x26a: {  	vm1 =	vgt.f32 v15, v13;
	vm0 =	vgt.f32 v9, v17;
	v14 =	vld [tilespmem:s30+$0x3580]  }
0x26b: {  	vm4 =	vgt.f32 v2, v8;
	vm3 =	vgt.f32 v4, v3;
	vm2 =	vgt.f32 v6, v7;
	v16 =	vld [tilespmem:s30+$0x2580]  }
0x26c: {  	v20 =	vsel vm1, $0x8000, v1;
	v19 =	vsel vm0, $0x1000, v1;
	v18 =	vld [tilespmem:s30+$0x580];
	vm5 =	vgt.f32 v10, v5  }
0x26d: {  	v24 =	vsel vm4, $0x200, v1;
	v23 =	vsel vm3, $0x40, v1;
	v21 =	vsel vm2, $0x1, v1;
	v22 =	vld [tilespmem:s30+$0x1580]  }
0x26e: {  	v13 =	vsel vm1, v15, v13;
	v9 =	vsel vm0, v9, v17;
	v25 =	vsel vm5, $0x8, v1;
	v15 =	vld [tilespmem:s30+$0x5780]  }
0x26f: {  	v2 =	vsel vm4, v2, v8;
	v3 =	vsel vm3, v4, v3;
	v6 =	vsel vm2, v6, v7;
	v7 =	vld [tilespmem:s30+$0x4780]  }
0x270: {  	v5 =	vsel vm5, v10, v5;
	vm1 =	vgt.f32 v11, v13;
	vm0 =	vgt.f32 v12, v9;
	v17 =	vld [tilespmem:s30+$0x3780]  }
0x271: {  	vm4 =	vgt.f32 v14, v2;
	vm3 =	vgt.f32 v16, v3;
	vm2 =	vgt.f32 v18, v6;
	v26 =	vld [tilespmem:s30+$0x2780]  }
0x272: {  	v10 =	vsel vm0, $0x2000, v19;
	v19 =	vsel vm1, $0x10000, v20;
	v27 =	vld [tilespmem:s30+$0x780];
	vm5 =	vgt.f32 v22, v5  }
0x273: {  	v20 =	vsel vm2, $0x2, v21;
	v21 =	vsel vm3, $0x80, v23;
	v23 =	vsel vm4, $0x400, v24;
	v28 =	vld [tilespmem:s30+$0x1780]  }
0x274: {  	v29 =	vsel vm1, v11, v13;
	v24 =	vsel vm5, $0x10, v25;
	v25 =	vsel vm0, v12, v9;
	v4 =	vld [tilespmem:s30+$0x5980]  }
0x275: {  	v3 =	vsel vm3, v16, v3;
	v16 =	vsel vm4, v14, v2;
	v30 =	vsel vm2, v18, v6;
	v6 =	vld [tilespmem:s30+$0x4980]  }
0x276: {  	v31 =	vsel vm5, v22, v5;
	vm1 =	vgt.f32 v15, v29;
	vm0 =	vgt.f32 v7, v25;
	v2 =	vld [tilespmem:s30+$0x3980]  }
0x277: {  	vm4 =	vgt.f32 v17, v16;
	vm3 =	vgt.f32 v26, v3;
	vm2 =	vgt.f32 v27, v30;
	v8 =	vld [tilespmem:s30+$0x2980]  }
.Ltmp4:
0x278: {  	v19 =	vsel vm1, $0x18000, v19;
	v18 =	vsel vm0, $0x3000, v10;
	v9 =	vld [tilespmem:s30+$0x980];
	vm5 =	vgt.f32 v28, v31;
	(pc) =	sbr.rel @p0 .LBB2_10-.Ltmp4, $4  }
0x279: {  	v11 =	vsel vm2, $0x3, v20;
	v20 =	vsel vm3, $0xC0, v21;
	v21 =	vsel vm4, $0x600, v23;
	v10 =	vld [tilespmem:s30+$0x1980]  }
0x27a: {  	v22 =	vsel vm1, v15, v29;
	v13 =	vsel vm0, v7, v25;
	v12 =	vsel vm5, $0x18, v24;
	v5 =	vld [tilespmem:s30+$0x5B80]  }
0x27b: {  	v16 =	vsel vm4, v17, v16;
	v15 =	vsel vm3, v26, v3;
	v14 =	vsel vm2, v27, v30;
	v7 =	vld [tilespmem:s30+$0x4B80]  }
0x27c: {  	s31 =	sadd.s32 $0x40, s31;
	v17 =	vsel vm5, v28, v31;
	vm1 =	vgt.f32 v4, v22;
	vm0 =	vgt.f32 v6, v13;
	v3 =	vld [tilespmem:s30+$0x3B80]  }
0x27d: {  	vm2 =	vgt.f32 v9, v14;
	vm3 =	vgt.f32 v8, v15;
	v23 =	vld [tilespmem:s30+$0x2B80];
	vm4 =	vgt.f32 v2, v16  }
0x27e: {  	v24 =	vld [tilespmem:s30+$0xB80];
	v18 =	vsel vm0, $0x4000, v18;
	v19 =	vsel vm1, $0x20000, v19;
	v4 =	vsel vm1, v4, v22  }
0x27f: {  	v25 =	vld [tilespmem:s30+$0x1B80];
	v6 =	vsel vm0, v6, v13;
	vm5 =	vgt.f32 v10, v17;
	v20 =	vsel vm3, $0x100, v20  }
0x280: {  	v46 =	vld [tilespmem:s30+$0x5D80];
	v21 =	vsel vm4, $0x800, v21;
	v11 =	vsel vm2, $0x4, v11;
	v9 =	vsel vm2, v9, v14  }
0x281: {  	v47 =	vld [tilespmem:s30+$0x4D80];
	v8 =	vsel vm3, v8, v15;
	v2 =	vsel vm4, v2, v16;
	v12 =	vsel vm5, $0x20, v12  }
0x282: {  	v10 =	vsel vm5, v10, v17;
	vm1 =	vgt.f32 v5, v4;
	vm0 =	vgt.f32 v7, v6  }
0x283: {  	v48 =	vld [tilespmem:s30+$0x3D80];
	v19 =	vsel vm1, $0x28000, v19;
	v4 =	vsel vm1, v5, v4;
	vm4 =	vgt.f32 v3, v2  }
0x284: {  	v49 =	vld [tilespmem:s30+$0x2D80];
	v18 =	vsel vm0, $0x5000, v18;
	v6 =	vsel vm0, v7, v6;
	vm2 =	vgt.f32 v24, v9  }
0x285: {  	v50 =	vld [tilespmem:s30+$0xD80];
	vm3 =	vgt.f32 v23, v8;
	vm5 =	vgt.f32 v25, v10;
	v21 =	vsel vm4, $0xA00, v21  }
0x286: {  	v51 =	vld [tilespmem:s30+$0x1D80];
	v2 =	vsel vm4, v3, v2;
	vm0 =	vgt.f32 v47, v6;
	vm1 =	vgt.f32 v46, v4  }
0x287: {  	v20 =	vsel vm3, $0x140, v20;
	v52 =	vsel vm2, $0x5, v11;
	v53 =	vsel vm5, $0x28, v12  }
0x288: {  	v56 =	vld [tilespmem:s30+$0x1F80];
	v54 =	vsel vm2, v24, v9;
	v8 =	vsel vm3, v23, v8;
	v55 =	vsel vm5, v25, v10  }
0x289: {  	v3 =	vld [tilespmem:s30+$0xF80];
	vm4 =	vgt.f32 v48, v2;
	v18 =	vsel vm0, $0x6000, v18;
	v19 =	vsel vm1, $0x30000, v19  }
0x28a: {  	v57 =	vld [tilespmem:s30+$0x2F80];
	v6 =	vsel vm0, v47, v6;
	v4 =	vsel vm1, v46, v4;
	vm2 =	vgt.f32 v50, v54  }
0x28b: {  	v58 =	vld [tilespmem:s30+$0x3F80];
	vm3 =	vgt.f32 v49, v8;
	vm5 =	vgt.f32 v51, v55;
	v21 =	vsel vm4, $0xC00, v21  }
0x28c: {  	v59 =	vld [tilespmem:s30+$0x4F80];
	v2 =	vsel vm4, v48, v2;
	v5 =	vsel vm2, $0x6, v52;
	v60 =	vsel vm3, $0x180, v20  }
0x28d: {  	v61 =	vld [tilespmem:s30+$0x5F80];
	v7 =	vsel vm2, v50, v54;
	v9 =	vsel vm5, v51, v55;
	v11 =	vsel vm5, $0x30, v53  }
0x28e: {  	vm11 =	vgt.f32 v56, v9;
	vm10 =	vgt.f32 v3, v7;
	v3 =	vsel vm3, v49, v8  }
0x28f: {  	v62 =	vsel vm11, $0x38, v11;
	v5 =	vsel vm10, $0x7, v5;
	vm12 =	vgt.f32 v57, v3  }
0x290: {  	vm13 =	vgt.f32 v58, v2;
	[tilespmem:s30+$0x6180] =	vst v5;
	v3 =	vadd.s32 v5, v62;
	v63 =	vsel vm12, $0x1C0, v60  }
0x291: {  	vm14 =	vgt.f32 v59, v6;
	[tilespmem:s30+$0x6380] =	vst v3;
	v2 =	vadd.s32 v3, v63;
	v3 =	vsel vm13, $0xE00, v21  }
0x292: {  	vm15 =	vgt.f32 v61, v4;
	[tilespmem:s30+$0x6580] =	vst v2;
	v2 =	vadd.s32 v2, v3;
	v3 =	vsel vm14, $0x7000, v18  }
0x293: {  	[tilespmem:s30+$0x6780] =	vst v2;
	v2 =	vadd.s32 v2, v3;
	v3 =	vsel vm15, $0x38000, v19  }
0x294: {  	[tilespmem:s30+$0x6980] =	vst v2;
	v2 =	vadd.s32 v2, v3  }
0x295: {  	s0 =	simm.s32 $0x6180;
	[tilespmem:s30+$0x6B80] =	vst v2  }
0x296: {  	[tilespmem:s17], [sflag:$0x1] =	stream.indirect.gather [hbm4b:s3+s16], $0x40, s0, s16, $0xb8;
	[tilespmem:$0x14C00] =	vst v63  }
0x297: {  	s1 =	simm.s32 $0x6380  }
0x298: {  	[tilespmem:s18], [sflag:$0x1] =	stream.indirect.gather [hbm4b:s4+s16], $0x40, s1, s16, $0xb8;
	[tilespmem:$0x14C00] =	vst v63  }
0x299: {  	s30 =	simm.s32 $0x6580  }
0x29a: {  	[tilespmem:s19], [sflag:$0x1] =	stream.indirect.gather [hbm4b:s5+s16], $0x40, s30, s16, $0xb8;
	[tilespmem:$0x14C00] =	vst v63  }
0x29b: {  	s31 =	simm.s32 $0x6780  }
0x29c: {  	[tilespmem:s20], [sflag:$0x1] =	stream.indirect.gather [hbm4b:s6+s16], $0x40, s31, s16, $0xb8;
	[tilespmem:$0x14C00] =	vst v63  }
0x29d: {  	s1 =	simm.s32 $0x6980  }
0x29e: {  	[tilespmem:s21], [sflag:$0x1] =	stream.indirect.gather [hbm4b:s7+s16], $0x40, s1, s16, $0xb8;
	[tilespmem:$0x14C00] =	vst v63  }
0x29f: {  	s30 =	simm.s32 $0x6B80  }
0x2a0: {  	[tilespmem:s22], [sflag:$0x1] =	stream.indirect.gather [hbm4b:s8+s16], $0x40, s30, s16, $0xb8;
	[tilespmem:$0x14C00] =	vst v63  }
0x2a1: {  	_ =	swait.ge [sflag:s23], $0x2000  }
0x2a2: {  	[sflag:s23] =	ssyncset.done $0x0  }
0x2a3: {  	[sflag:s23] =	ssyncadd.s32 $0xFFFFE000  }
0x2a4: {  	_ =	swait.ge [sflag:s23], $0x2000  }
0x2a5: {  	[sflag:s23] =	ssyncset.done $0x0  }
0x2a6: {  	[sflag:s23] =	ssyncadd.s32 $0xFFFFE000  }
0x2a7: {  	_ =	swait.ge [sflag:s23], $0x2000  }
0x2a8: {  	[sflag:s23] =	ssyncset.done $0x0  }
0x2a9: {  	[sflag:s23] =	ssyncadd.s32 $0xFFFFE000  }
0x2aa: {  	_ =	swait.ge [sflag:s23], $0x2000  }
0x2ab: {  	[sflag:s23] =	ssyncset.done $0x0  }
0x2ac: {  	[sflag:s23] =	ssyncadd.s32 $0xFFFFE000  }
0x2ad: {  	_ =	swait.ge [sflag:s23], $0x2000  }
0x2ae: {  	[sflag:s23] =	ssyncset.done $0x0  }
0x2af: {  	[sflag:s23] =	ssyncadd.s32 $0xFFFFE000  }
0x2b0: {  	_ =	swait.ge [sflag:s23], $0x2000  }
0x2b1: {  	[sflag:s23] =	ssyncset.done $0x0  }
0x2b2: {  	s31 =	rddreg [dreg:$0x19];
	[sflag:s23] =	ssyncadd.s32 $0xFFFFE000  }
0x2b3: {  	[hbm4b:s31+s24] =	stream.strided.scatter [tilespmem:s26], [sflag:$0x2], $0x2000, s25, s24, $0x38;
	[tilespmem:$0x14C00] =	vst v63  }
0x2b4: {  	_ = 	snop  }
0x2b5: {  	[hbm4b:s2+s24] =	stream.strided.scatter [tilespmem:s17], [sflag:$0x2], $0x2000, s25, s24, $0x38;
	[tilespmem:$0x14C00] =	vst v63  }
0x2b6: {  	_ = 	snop  }
0x2b7: {  	[hbm4b:s10+s24] =	stream.strided.scatter [tilespmem:s18], [sflag:$0x2], $0x2000, s25, s24, $0x38;
	[tilespmem:$0x14C00] =	vst v63  }
0x2b8: {  	_ = 	snop  }
0x2b9: {  	[hbm4b:s11+s24] =	stream.strided.scatter [tilespmem:s19], [sflag:$0x2], $0x2000, s25, s24, $0x38;
	[tilespmem:$0x14C00] =	vst v63  }
0x2ba: {  	_ = 	snop  }
0x2bb: {  	[hbm4b:s12+s24] =	stream.strided.scatter [tilespmem:s20], [sflag:$0x2], $0x2000, s25, s24, $0x38;
	[tilespmem:$0x14C00] =	vst v63  }
0x2bc: {  	_ = 	snop  }
0x2bd: {  	[hbm4b:s13+s24] =	stream.strided.scatter [tilespmem:s21], [sflag:$0x2], $0x2000, s25, s24, $0x38;
	[tilespmem:$0x14C00] =	vst v63  }
0x2be: {  	_ = 	snop  }
0x2bf: {  	[hbm4b:s14+s24] =	stream.strided.scatter [tilespmem:s22], [sflag:$0x2], $0x2000, s25, s24, $0x38;
	[tilespmem:$0x14C00] =	vst v63  }
0x2c0: {  	_ =	swait.ge [sflag:s28], $0x2000  }
0x2c1: {  	[sflag:s28] =	ssyncset.done $0x0  }
0x2c2: {  	[sflag:s28] =	ssyncadd.s32 $0xFFFFE000  }
0x2c3: {  	_ =	swait.ge [sflag:s28], $0x2000  }
0x2c4: {  	[sflag:s28] =	ssyncset.done $0x0  }
0x2c5: {  	[sflag:s28] =	ssyncadd.s32 $0xFFFFE000  }
0x2c6: {  	_ =	swait.ge [sflag:s28], $0x2000  }
0x2c7: {  	[sflag:s28] =	ssyncset.done $0x0  }
0x2c8: {  	[sflag:s28] =	ssyncadd.s32 $0xFFFFE000  }
0x2c9: {  	_ =	swait.ge [sflag:s28], $0x2000  }
0x2ca: {  	[sflag:s28] =	ssyncset.done $0x0  }
0x2cb: {  	[sflag:s28] =	ssyncadd.s32 $0xFFFFE000  }
0x2cc: {  	_ =	swait.ge [sflag:s28], $0x2000  }
0x2cd: {  	[sflag:s28] =	ssyncset.done $0x0  }
0x2ce: {  	[sflag:s28] =	ssyncadd.s32 $0xFFFFE000  }
0x2cf: {  	_ =	swait.ge [sflag:s28], $0x2000  }
0x2d0: {  	[sflag:s28] =	ssyncset.done $0x0  }
0x2d1: {  	[sflag:s28] =	ssyncadd.s32 $0xFFFFE000  }
0x2d2: {  	_ =	swait.ge [sflag:s28], $0x2000  }
0x2d3: {  	s29 =	sadd.s32 $0x1, s29;
	s1 =	rddreg [dreg:$0x12]  }
0x2d4: {  	p0 =	sne.s32 s29, s1  }
.Ltmp5:
0x2d5: {  	_ = 	snop;
	(pc) =	sbr.rel @p0 .LBB2_1-.Ltmp5, $3  }
0x2d6: {  	_ =	sdelay $0x1  }
0x2d7: {  	[sflag:s28] =	ssyncset.done $0x0  }
0x2d8: {  	[sflag:s28] =	ssyncadd.s32 $0xFFFFE000  }
0x2d9: {  	_ =	sfence.sel $0x180000  }
0x2da: {  	[bflag:$0x0] =	sbarrier.arrive $0xFFFF  }
0x2db: {  	_ =	strace $0x90000047  }
0x2dc: {  	s0 =	stileid.u32;
	[bflag:$0x2] =	sbarrier.arrive $0xFFFF  }
0x2dd: {  	p0 =	sne.s32 s0, $0x0;
	s0 =	rddreg [dreg:$0x2]  }
0x2de: {  	s0 =	sadd.s32 @!p0 $0x100000, s0  }
0x2df: {  	[sflag:s0] =	ssyncadd.tile.s32 @!p0 $0x1;
	_ =	shalt  }
.Lfunc_end2:
_tile_overlayer_lowered:
.L_overlay_start_2:
0x2e0: {  	(tag) =	ssettag $0x2  }
0x2e1: {  	s0 =	rddreg [dreg:$0x0];
	s2 =	stileid.u32  }
0x2e2: {  	s1 =	rddreg [dreg:$0x1];
	p0 =	sne.s32 s2, $0x0  }
0x2e3: {  	s3 =	rddreg [dreg:$0x2];
	[bflag:$0x3] =	sbarrier.arrive $0xFFFF;
	s2 =	simm.s32 @!p0 $0x1C03  }
0x2e4: {  	[timem:s3], [sflag:s2] =	dma.local @!p0 [hbm:s0], s1  }
0x2e5: {  	s0 =	simm.s32 @!p0 $0x3  }
0x2e6: {  	_ =	swait.ge @!p0 [sflag:s0], s1  }
0x2e7: {  	s1 =	ssub.s32 @!p0 $0x0, s1;
	[sflag:s0] =	ssyncset.done @!p0 $0x0  }
0x2e8: {  	[sflag:s0] =	ssyncadd.s32 @!p0 s1  }
0x2e9: {  	[bflag:$0x3] =	sbarrier.arrive $0xFFFF  }
0x2ea: {  	_ =	shalt  }

</sc_bundles>
